<compile_context>
chip_gen: v7x
topology: tpu7x:2x2x1
jax: 0.10.2.dev20260603
libtpu: 0.0.44.dev20260713+nightly
codegen_flags: <defaults>
</compile_context>

<pallas_src>
import functools

import jax
import jax.numpy as jnp
from jax import lax
from jax.experimental import pallas as pl
from jax.experimental.pallas import tpu as pltpu
from jax.experimental.pallas import tpu_sc as plsc

LOG_EPS = 1e-8
NE = 320000
DIM = 128
LANES = 16
NWORK = 32
CH = 128
NCH_SIGN = NE // CH
NCH_ALL = 2 * NCH_SIGN
W32 = DIM // 2
OROW = CH * LANES // DIM
TROW = 2 * NE * LANES // DIM


def _sc_partials(z, pos_edge_index, neg_edge_index):
  mesh = plsc.VectorSubcoreMesh(core_axis_name="c", subcore_axis_name="s")

  @functools.partial(
      pl.kernel,
      out_type=jax.ShapeDtypeStruct((TROW, DIM), jnp.float32),
      compiler_params=pltpu.CompilerParams(use_tc_tiling_on_sc=False),
      mesh=mesh,
      scratch_types=[
          pltpu.VMEM((CH,), jnp.int32),
          pltpu.VMEM((CH,), jnp.int32),
          pltpu.VMEM((CH,), jnp.int32),
          pltpu.VMEM((CH,), jnp.int32),
          pltpu.VMEM((CH, W32), jnp.uint32),
          pltpu.VMEM((CH, W32), jnp.uint32),
          pltpu.VMEM((CH, W32), jnp.uint32),
          pltpu.VMEM((CH, W32), jnp.uint32),
          pltpu.VMEM((OROW, DIM), jnp.float32),
          pltpu.VMEM((OROW, DIM), jnp.float32),
          pltpu.SemaphoreType.DMA,
          pltpu.SemaphoreType.DMA,
          pltpu.SemaphoreType.DMA,
          pltpu.SemaphoreType.DMA,
          pltpu.SemaphoreType.DMA,
          pltpu.SemaphoreType.DMA,
      ],
  )
  def k(z_hbm, pos_hbm, neg_hbm, out_hbm, si0, di0, si1, di1, sr0, dr0, sr1,
        dr1, ov0, ov1, is0, is1, gs0, gs1, os0, os1):
    wid = lax.axis_index("s") * 2 + lax.axis_index("c")
    nch = NCH_ALL // NWORK + jnp.where(wid < NCH_ALL % NWORK, 1, 0)
    sidx = (si0, si1)
    didx = (di0, di1)
    srows = (sr0, sr1)
    drows = (dr0, dr1)
    outv = (ov0, ov1)
    isem = (is0, is1)
    gsem = (gs0, gs1)
    osem = (os0, os1)

    def issue_idx(i, b):
      c = wid + i * NWORK

      @pl.when(c < NCH_SIGN)
      def _():
        off = pl.multiple_of(c * CH, CH)
        pltpu.async_copy(pos_hbm.at[0, pl.ds(off, CH)], sidx[b], isem[b])
        pltpu.async_copy(pos_hbm.at[1, pl.ds(off, CH)], didx[b], isem[b])

      @pl.when(c >= NCH_SIGN)
      def _():
        off = pl.multiple_of((c - NCH_SIGN) * CH, CH)
        pltpu.async_copy(neg_hbm.at[0, pl.ds(off, CH)], sidx[b], isem[b])
        pltpu.async_copy(neg_hbm.at[1, pl.ds(off, CH)], didx[b], isem[b])

    def wait_idx(b):
      pltpu.make_async_copy(pos_hbm.at[0, pl.ds(0, CH)], sidx[b],
                            isem[b]).wait()
      pltpu.make_async_copy(pos_hbm.at[1, pl.ds(0, CH)], didx[b],
                            isem[b]).wait()

    def issue_gather(b):
      pltpu.async_copy(z_hbm.at[sidx[b]], srows[b], gsem[b])
      pltpu.async_copy(z_hbm.at[didx[b]], drows[b], gsem[b])

    def wait_gather(b):
      pltpu.make_async_copy(z_hbm.at[sidx[b]], srows[b], gsem[b]).wait()
      pltpu.make_async_copy(z_hbm.at[didx[b]], drows[b], gsem[b]).wait()

    def issue_out(i, b):
      c = wid + i * NWORK
      rb = pl.multiple_of(c * OROW, OROW)
      pltpu.async_copy(outv[b], out_hbm.at[pl.ds(rb, OROW)], osem[b])

    def wait_out(b):
      pltpu.make_async_copy(outv[b], out_hbm.at[pl.ds(0, OROW)],
                            osem[b]).wait()

    def compute(b):
      sr, dr, ov = srows[b], drows[b], outv[b]

      def rbody(r, carry):
        for q in range(DIM // LANES):
          e = r * 8 + q
          acc = None
          for j in range(W32 // LANES):
            sv = sr[e, j * LANES:(j + 1) * LANES]
            dv = dr[e, j * LANES:(j + 1) * LANES]
            s0 = lax.bitcast_convert_type(sv << 16, jnp.float32)
            s1 = lax.bitcast_convert_type(sv, jnp.float32)
            d0 = lax.bitcast_convert_type(dv << 16, jnp.float32)
            d1 = lax.bitcast_convert_type(dv, jnp.float32)
            term = s0 * d0 + s1 * d1
            acc = term if acc is None else acc + term
          ov[r, q * LANES:(q + 1) * LANES] = acc
        return carry

      lax.fori_loop(0, OROW, rbody, 0, unroll=2)

    issue_idx(0, 0)
    issue_idx(1, 1)
    wait_idx(0)
    issue_gather(0)

    def step(i, b):
      @pl.when(i < nch)
      def _():
        wait_gather(b)

        @pl.when(i + 1 < nch)
        def _():
          wait_idx(1 - b)
          issue_gather(1 - b)

        @pl.when(i + 2 < nch)
        def _():
          issue_idx(i + 2, b)

        @pl.when(i >= 2)
        def _():
          wait_out(b)

        compute(b)
        issue_out(i, b)

    def jbody(j, carry):
      step(2 * j, 0)
      step(2 * j + 1, 1)
      return carry

    lax.fori_loop(0, (NCH_ALL // NWORK + 1 + 1) // 2, jbody, 0)
    wait_out(0)
    wait_out(1)

  return k(z, pos_edge_index, neg_edge_index)


def _loss_body(p_ref, o_ref, *, npos_blocks):
  i = pl.program_id(0)
  x = p_ref[...]
  r = lax.broadcasted_iota(jnp.int32, (DIM, DIM // LANES), 0)
  c = lax.broadcasted_iota(jnp.int32, (DIM, DIM // LANES), 1)
  fold = jnp.where(r // LANES == c, 1.0, 0.0).astype(jnp.float32)
  v = jnp.dot(x, fold, preferred_element_type=jnp.float32)
  s = jax.nn.sigmoid(v)
  arg = jnp.where(i < npos_blocks, s, 1.0 - s) + LOG_EPS
  t = -jnp.log(arg)

  @pl.when(i == 0)
  def _():
    o_ref[...] = jnp.zeros((1, 1), jnp.float32)

  o_ref[...] += jnp.full((1, 1), jnp.sum(t) * (1.0 / NE), jnp.float32)


def _tc_loss(partials):
  rows = 4000
  grid = TROW // rows
  body = functools.partial(_loss_body, npos_blocks=grid // 2)
  out = pl.pallas_call(
      body,
      out_shape=jax.ShapeDtypeStruct((1, 1), jnp.float32),
      grid=(grid,),
      in_specs=[pl.BlockSpec((rows, DIM), lambda i: (i, 0))],
      out_specs=pl.BlockSpec((1, 1), lambda i: (0, 0)),
  )(partials)
  return out[0, 0]


def _pack_body(z_ref, o_ref):
  t = lax.bitcast_convert_type(z_ref[...], jnp.uint32)
  bf = (t + jnp.uint32(0x7FFF) + ((t >> 16) & jnp.uint32(1))) >> 16
  bff = bf.astype(jnp.float32)
  r = lax.broadcasted_iota(jnp.int32, (DIM, W32), 0)
  c = lax.broadcasted_iota(jnp.int32, (DIM, W32), 1)
  ev_m = (r == 2 * c).astype(jnp.float32)
  od_m = (r == 2 * c + 1).astype(jnp.float32)
  ev = jnp.dot(bff, ev_m, preferred_element_type=jnp.float32,
               precision=lax.Precision.HIGHEST).astype(jnp.uint32)
  od = jnp.dot(bff, od_m, preferred_element_type=jnp.float32,
               precision=lax.Precision.HIGHEST).astype(jnp.uint32)
  o_ref[...] = ev | (od << 16)


def _pack_z(z):
  return pl.pallas_call(
      _pack_body,
      out_shape=jax.ShapeDtypeStruct((z.shape[0], W32), jnp.uint32),
  )(z)


def kernel(z, pos_edge_index, neg_edge_index):
  partials = _sc_partials(_pack_z(z), pos_edge_index, neg_edge_index)
  return _tc_loss(partials)

# --- scband reference (transcript-rebuilt; emitter-appended) ---
"""Pipeline reference for scband-recon-loss-62010737819707 (READ-ONLY COPY).

The authoritative reference and input builder live on the scoring server;
editing this copy changes nothing except your own understanding.
"""

import jax, jax.numpy as jnp
import numpy as np

EPS = 1e-08

def setup_inputs(seed: int = 0) -> dict:
    key = jax.random.key(seed)
    k1, k2, k3 = jax.random.split(key, 3)
    z = jax.random.normal(k1, (10000, 128), dtype=jnp.float32)
    pos_edge_index = jax.random.randint(k2, (2, 320000), 0, 10000, dtype=jnp.int64 if jax.config.jax_enable_x64 else jnp.int32).astype(jnp.int32)
    neg_edge_index = jax.random.randint(k3, (2, 320000), 0, 10000, dtype=jnp.int64 if jax.config.jax_enable_x64 else jnp.int32).astype(jnp.int32)
    return {"z": z, "pos_edge_index": pos_edge_index, "neg_edge_index": neg_edge_index}

def _decoder(z, edge_index):
    src = jnp.take(z, edge_index[0], axis=0)
    dst = jnp.take(z, edge_index[1], axis=0)
    value = (src * dst).sum(axis=1)
    return jax.nn.sigmoid(value)

def reference(z, pos_edge_index, neg_edge_index):
    pos_loss = -jnp.log(_decoder(z, pos_edge_index) + EPS).mean()
    neg_loss = -jnp.log(1.0 - _decoder(z, neg_edge_index) + EPS).mean()
    return pos_loss + neg_loss

if __name__ == "__main__":
    import jax
    _d = setup_inputs()
    print(jax.jit(kernel)(*tuple(_d.values())))

</pallas_src>

<mosaic_0001>
#map = affine_map<(d0, d1) -> (0, 0)>
module attributes {stable_mosaic.version = 14 : i64} {
  func.func @k(%arg0: i32, %arg1: i32, %arg2: memref<10000x64xi32, #tpu.memory_space<hbm>>, %arg3: memref<2x320000xi32, #tpu.memory_space<hbm>>, %arg4: memref<2x320000xi32, #tpu.memory_space<hbm>>, %arg5: memref<80000x128xf32, #tpu.memory_space<hbm>>, %arg6: memref<128xi32, #tpu.memory_space<vmem>>, %arg7: memref<128xi32, #tpu.memory_space<vmem>>, %arg8: memref<128xi32, #tpu.memory_space<vmem>>, %arg9: memref<128xi32, #tpu.memory_space<vmem>>, %arg10: memref<128x64xi32, #tpu.memory_space<vmem>>, %arg11: memref<128x64xi32, #tpu.memory_space<vmem>>, %arg12: memref<128x64xi32, #tpu.memory_space<vmem>>, %arg13: memref<128x64xi32, #tpu.memory_space<vmem>>, %arg14: memref<16x128xf32, #tpu.memory_space<vmem>>, %arg15: memref<16x128xf32, #tpu.memory_space<vmem>>, %arg16: memref<!tpu.dma_semaphore, #tpu.memory_space<semaphore_mem>>, %arg17: memref<!tpu.dma_semaphore, #tpu.memory_space<semaphore_mem>>, %arg18: memref<!tpu.dma_semaphore, #tpu.memory_space<semaphore_mem>>, %arg19: memref<!tpu.dma_semaphore, #tpu.memory_space<semaphore_mem>>, %arg20: memref<!tpu.dma_semaphore, #tpu.memory_space<semaphore_mem>>, %arg21: memref<!tpu.dma_semaphore, #tpu.memory_space<semaphore_mem>>) attributes {dimension_semantics = [#tpu.dimension_semantics<core_parallel>, #tpu.dimension_semantics<subcore_parallel>], iteration_bounds = array<i64: 2, 16>, scalar_prefetch = 0 : i64, scratch_operands = 16 : i64, tpu.core_type = #tpu.core_type<sc_vector_subcore>, window_params = [{transform_indices = #map}, {transform_indices = #map}, {transform_indices = #map}, {transform_indices = #map}]} {
    %mul3A = arith.constant 2 : i32
    %mul3A_0 = arith.muli %arg1, %mul3A : i32
    %add3A = arith.addi %mul3A_0, %arg0 : i32
    %lt3A = arith.constant 8 : i32
    %lt3A_1 = arith.cmpi slt, %add3A, %lt3A : i32
    %jit3A = arith.constant 1 : i32
    %jit3A_2 = arith.constant 0 : i32
    %select_n3A = arith.select %lt3A_1, %jit3A, %jit3A_2 : i32
    %add3A_3 = arith.constant 156 : i32
    %add3A_4 = arith.addi %add3A_3, %select_n3A : i32
    %add3A_5 = arith.constant 0 : i32
    %add3A_6 = arith.addi %add3A, %add3A_5 : i32
    %lt3A_7 = arith.constant 2500 : i32
    %lt3A_8 = arith.cmpi slt, %add3A_6, %lt3A_7 : i32
    %convert_element_type3A = arith.extui %lt3A_8 : i1 to i32
    %cond3A = arith.constant 0 : i32
    %cond3A_9 = arith.cmpi ne, %convert_element_type3A, %cond3A : i32
    scf.if %cond3A_9 {
      %mul3A_61 = arith.constant 128 : i32
      %mul3A_62 = arith.muli %add3A_6, %mul3A_61 : i32
      %multiple_of3A = tpu.assume_multiple %mul3A_62, 128 : i32
      %dma_start3A_63 = arith.constant 0 : i32
      %dma_start3A_64 = tpu.memref_slice %arg3[%dma_start3A_63, %multiple_of3A] : memref<2x320000xi32, #tpu.memory_space<hbm>> -> memref<1x128xi32, #tpu.memory_space<hbm>>
      %dma_start3A_65 = tpu.memref_squeeze %dma_start3A_64 : memref<1x128xi32, #tpu.memory_space<hbm>> -> memref<128xi32, #tpu.memory_space<hbm>>
      %dma_start3A_66 = tpu.memref_slice %arg3[%dma_start3A_63, %multiple_of3A] : memref<2x320000xi32, #tpu.memory_space<hbm>> -> memref<1x128xi32, #tpu.memory_space<hbm>>
      %dma_start3A_67 = tpu.memref_squeeze %dma_start3A_66 : memref<1x128xi32, #tpu.memory_space<hbm>> -> memref<128xi32, #tpu.memory_space<hbm>>
      tpu.enqueue_dma source(%dma_start3A_67 : memref<128xi32, #tpu.memory_space<hbm>>) target(%arg6 : memref<128xi32, #tpu.memory_space<vmem>>) target_semaphore(%arg16 : memref<!tpu.dma_semaphore, #tpu.memory_space<semaphore_mem>>)
      %dma_start3A_68 = arith.constant 1 : i32
      %dma_start3A_69 = tpu.memref_slice %arg3[%dma_start3A_68, %multiple_of3A] : memref<2x320000xi32, #tpu.memory_space<hbm>> -> memref<1x128xi32, #tpu.memory_space<hbm>>
      %dma_start3A_70 = tpu.memref_squeeze %dma_start3A_69 : memref<1x128xi32, #tpu.memory_space<hbm>> -> memref<128xi32, #tpu.memory_space<hbm>>
      %dma_start3A_71 = tpu.memref_slice %arg3[%dma_start3A_68, %multiple_of3A] : memref<2x320000xi32, #tpu.memory_space<hbm>> -> memref<1x128xi32, #tpu.memory_space<hbm>>
      %dma_start3A_72 = tpu.memref_squeeze %dma_start3A_71 : memref<1x128xi32, #tpu.memory_space<hbm>> -> memref<128xi32, #tpu.memory_space<hbm>>
      tpu.enqueue_dma source(%dma_start3A_72 : memref<128xi32, #tpu.memory_space<hbm>>) target(%arg7 : memref<128xi32, #tpu.memory_space<vmem>>) target_semaphore(%arg16 : memref<!tpu.dma_semaphore, #tpu.memory_space<semaphore_mem>>)
    } else {
    }
    %ge3A = arith.constant 2500 : i32
    %ge3A_10 = arith.cmpi sge, %add3A_6, %ge3A : i32
    %convert_element_type3A_11 = arith.extui %ge3A_10 : i1 to i32
    %cond3A_12 = arith.constant 0 : i32
    %cond3A_13 = arith.cmpi ne, %convert_element_type3A_11, %cond3A_12 : i32
    scf.if %cond3A_13 {
      %sub3A = arith.constant 2500 : i32
      %sub3A_61 = arith.subi %add3A_6, %sub3A : i32
      %mul3A_62 = arith.constant 128 : i32
      %mul3A_63 = arith.muli %sub3A_61, %mul3A_62 : i32
      %multiple_of3A = tpu.assume_multiple %mul3A_63, 128 : i32
      %dma_start3A_64 = arith.constant 0 : i32
      %dma_start3A_65 = tpu.memref_slice %arg4[%dma_start3A_64, %multiple_of3A] : memref<2x320000xi32, #tpu.memory_space<hbm>> -> memref<1x128xi32, #tpu.memory_space<hbm>>
      %dma_start3A_66 = tpu.memref_squeeze %dma_start3A_65 : memref<1x128xi32, #tpu.memory_space<hbm>> -> memref<128xi32, #tpu.memory_space<hbm>>
      %dma_start3A_67 = tpu.memref_slice %arg4[%dma_start3A_64, %multiple_of3A] : memref<2x320000xi32, #tpu.memory_space<hbm>> -> memref<1x128xi32, #tpu.memory_space<hbm>>
      %dma_start3A_68 = tpu.memref_squeeze %dma_start3A_67 : memref<1x128xi32, #tpu.memory_space<hbm>> -> memref<128xi32, #tpu.memory_space<hbm>>
      tpu.enqueue_dma source(%dma_start3A_68 : memref<128xi32, #tpu.memory_space<hbm>>) target(%arg6 : memref<128xi32, #tpu.memory_space<vmem>>) target_semaphore(%arg16 : memref<!tpu.dma_semaphore, #tpu.memory_space<semaphore_mem>>)
      %dma_start3A_69 = arith.constant 1 : i32
      %dma_start3A_70 = tpu.memref_slice %arg4[%dma_start3A_69, %multiple_of3A] : memref<2x320000xi32, #tpu.memory_space<hbm>> -> memref<1x128xi32, #tpu.memory_space<hbm>>
      %dma_start3A_71 = tpu.memref_squeeze %dma_start3A_70 : memref<1x128xi32, #tpu.memory_space<hbm>> -> memref<128xi32, #tpu.memory_space<hbm>>
      %dma_start3A_72 = tpu.memref_slice %arg4[%dma_start3A_69, %multiple_of3A] : memref<2x320000xi32, #tpu.memory_space<hbm>> -> memref<1x128xi32, #tpu.memory_space<hbm>>
      %dma_start3A_73 = tpu.memref_squeeze %dma_start3A_72 : memref<1x128xi32, #tpu.memory_space<hbm>> -> memref<128xi32, #tpu.memory_space<hbm>>
      tpu.enqueue_dma source(%dma_start3A_73 : memref<128xi32, #tpu.memory_space<hbm>>) target(%arg7 : memref<128xi32, #tpu.memory_space<vmem>>) target_semaphore(%arg16 : memref<!tpu.dma_semaphore, #tpu.memory_space<semaphore_mem>>)
    } else {
    }
    %add3A_14 = arith.constant 32 : i32
    %add3A_15 = arith.addi %add3A, %add3A_14 : i32
    %lt3A_16 = arith.constant 2500 : i32
    %lt3A_17 = arith.cmpi slt, %add3A_15, %lt3A_16 : i32
    %convert_element_type3A_18 = arith.extui %lt3A_17 : i1 to i32
    %cond3A_19 = arith.constant 0 : i32
    %cond3A_20 = arith.cmpi ne, %convert_element_type3A_18, %cond3A_19 : i32
    scf.if %cond3A_20 {
      %mul3A_61 = arith.constant 128 : i32
      %mul3A_62 = arith.muli %add3A_15, %mul3A_61 : i32
      %multiple_of3A = tpu.assume_multiple %mul3A_62, 128 : i32
      %dma_start3A_63 = arith.constant 0 : i32
      %dma_start3A_64 = tpu.memref_slice %arg3[%dma_start3A_63, %multiple_of3A] : memref<2x320000xi32, #tpu.memory_space<hbm>> -> memref<1x128xi32, #tpu.memory_space<hbm>>
      %dma_start3A_65 = tpu.memref_squeeze %dma_start3A_64 : memref<1x128xi32, #tpu.memory_space<hbm>> -> memref<128xi32, #tpu.memory_space<hbm>>
      %dma_start3A_66 = tpu.memref_slice %arg3[%dma_start3A_63, %multiple_of3A] : memref<2x320000xi32, #tpu.memory_space<hbm>> -> memref<1x128xi32, #tpu.memory_space<hbm>>
      %dma_start3A_67 = tpu.memref_squeeze %dma_start3A_66 : memref<1x128xi32, #tpu.memory_space<hbm>> -> memref<128xi32, #tpu.memory_space<hbm>>
      tpu.enqueue_dma source(%dma_start3A_67 : memref<128xi32, #tpu.memory_space<hbm>>) target(%arg8 : memref<128xi32, #tpu.memory_space<vmem>>) target_semaphore(%arg17 : memref<!tpu.dma_semaphore, #tpu.memory_space<semaphore_mem>>)
      %dma_start3A_68 = arith.constant 1 : i32
      %dma_start3A_69 = tpu.memref_slice %arg3[%dma_start3A_68, %multiple_of3A] : memref<2x320000xi32, #tpu.memory_space<hbm>> -> memref<1x128xi32, #tpu.memory_space<hbm>>
      %dma_start3A_70 = tpu.memref_squeeze %dma_start3A_69 : memref<1x128xi32, #tpu.memory_space<hbm>> -> memref<128xi32, #tpu.memory_space<hbm>>
      %dma_start3A_71 = tpu.memref_slice %arg3[%dma_start3A_68, %multiple_of3A] : memref<2x320000xi32, #tpu.memory_space<hbm>> -> memref<1x128xi32, #tpu.memory_space<hbm>>
      %dma_start3A_72 = tpu.memref_squeeze %dma_start3A_71 : memref<1x128xi32, #tpu.memory_space<hbm>> -> memref<128xi32, #tpu.memory_space<hbm>>
      tpu.enqueue_dma source(%dma_start3A_72 : memref<128xi32, #tpu.memory_space<hbm>>) target(%arg9 : memref<128xi32, #tpu.memory_space<vmem>>) target_semaphore(%arg17 : memref<!tpu.dma_semaphore, #tpu.memory_space<semaphore_mem>>)
    } else {
    }
    %ge3A_21 = arith.constant 2500 : i32
    %ge3A_22 = arith.cmpi sge, %add3A_15, %ge3A_21 : i32
    %convert_element_type3A_23 = arith.extui %ge3A_22 : i1 to i32
    %cond3A_24 = arith.constant 0 : i32
    %cond3A_25 = arith.cmpi ne, %convert_element_type3A_23, %cond3A_24 : i32
    scf.if %cond3A_25 {
      %sub3A = arith.constant 2500 : i32
      %sub3A_61 = arith.subi %add3A_15, %sub3A : i32
      %mul3A_62 = arith.constant 128 : i32
      %mul3A_63 = arith.muli %sub3A_61, %mul3A_62 : i32
      %multiple_of3A = tpu.assume_multiple %mul3A_63, 128 : i32
      %dma_start3A_64 = arith.constant 0 : i32
      %dma_start3A_65 = tpu.memref_slice %arg4[%dma_start3A_64, %multiple_of3A] : memref<2x320000xi32, #tpu.memory_space<hbm>> -> memref<1x128xi32, #tpu.memory_space<hbm>>
      %dma_start3A_66 = tpu.memref_squeeze %dma_start3A_65 : memref<1x128xi32, #tpu.memory_space<hbm>> -> memref<128xi32, #tpu.memory_space<hbm>>
      %dma_start3A_67 = tpu.memref_slice %arg4[%dma_start3A_64, %multiple_of3A] : memref<2x320000xi32, #tpu.memory_space<hbm>> -> memref<1x128xi32, #tpu.memory_space<hbm>>
      %dma_start3A_68 = tpu.memref_squeeze %dma_start3A_67 : memref<1x128xi32, #tpu.memory_space<hbm>> -> memref<128xi32, #tpu.memory_space<hbm>>
      tpu.enqueue_dma source(%dma_start3A_68 : memref<128xi32, #tpu.memory_space<hbm>>) target(%arg8 : memref<128xi32, #tpu.memory_space<vmem>>) target_semaphore(%arg17 : memref<!tpu.dma_semaphore, #tpu.memory_space<semaphore_mem>>)
      %dma_start3A_69 = arith.constant 1 : i32
      %dma_start3A_70 = tpu.memref_slice %arg4[%dma_start3A_69, %multiple_of3A] : memref<2x320000xi32, #tpu.memory_space<hbm>> -> memref<1x128xi32, #tpu.memory_space<hbm>>
      %dma_start3A_71 = tpu.memref_squeeze %dma_start3A_70 : memref<1x128xi32, #tpu.memory_space<hbm>> -> memref<128xi32, #tpu.memory_space<hbm>>
      %dma_start3A_72 = tpu.memref_slice %arg4[%dma_start3A_69, %multiple_of3A] : memref<2x320000xi32, #tpu.memory_space<hbm>> -> memref<1x128xi32, #tpu.memory_space<hbm>>
      %dma_start3A_73 = tpu.memref_squeeze %dma_start3A_72 : memref<1x128xi32, #tpu.memory_space<hbm>> -> memref<128xi32, #tpu.memory_space<hbm>>
      tpu.enqueue_dma source(%dma_start3A_73 : memref<128xi32, #tpu.memory_space<hbm>>) target(%arg9 : memref<128xi32, #tpu.memory_space<vmem>>) target_semaphore(%arg17 : memref<!tpu.dma_semaphore, #tpu.memory_space<semaphore_mem>>)
    } else {
    }
    %dma_wait3A = arith.constant 0 : i32
    %dma_wait3A_26 = arith.constant 0 : i32
    %dma_wait3A_27 = tpu.memref_slice %arg3[%dma_wait3A, %dma_wait3A_26] : memref<2x320000xi32, #tpu.memory_space<hbm>> -> memref<1x128xi32, #tpu.memory_space<hbm>>
    %dma_wait3A_28 = tpu.memref_squeeze %dma_wait3A_27 : memref<1x128xi32, #tpu.memory_space<hbm>> -> memref<128xi32, #tpu.memory_space<hbm>>
    %dma_wait3A_29 = arith.constant 0 : i32
    %dma_wait3A_30 = tpu.memref_slice %arg3[%dma_wait3A, %dma_wait3A_29] : memref<2x320000xi32, #tpu.memory_space<hbm>> -> memref<1x128xi32, #tpu.memory_space<hbm>>
    %dma_wait3A_31 = tpu.memref_squeeze %dma_wait3A_30 : memref<1x128xi32, #tpu.memory_space<hbm>> -> memref<128xi32, #tpu.memory_space<hbm>>
    tpu.wait_dma2 semaphore(%arg16 : memref<!tpu.dma_semaphore, #tpu.memory_space<semaphore_mem>>) src(%dma_wait3A_31 : memref<128xi32, #tpu.memory_space<hbm>>) dst(%arg6 : memref<128xi32, #tpu.memory_space<vmem>>)
    %dma_wait3A_32 = arith.constant 1 : i32
    %dma_wait3A_33 = arith.constant 0 : i32
    %dma_wait3A_34 = tpu.memref_slice %arg3[%dma_wait3A_32, %dma_wait3A_33] : memref<2x320000xi32, #tpu.memory_space<hbm>> -> memref<1x128xi32, #tpu.memory_space<hbm>>
    %dma_wait3A_35 = tpu.memref_squeeze %dma_wait3A_34 : memref<1x128xi32, #tpu.memory_space<hbm>> -> memref<128xi32, #tpu.memory_space<hbm>>
    %dma_wait3A_36 = arith.constant 0 : i32
    %dma_wait3A_37 = tpu.memref_slice %arg3[%dma_wait3A_32, %dma_wait3A_36] : memref<2x320000xi32, #tpu.memory_space<hbm>> -> memref<1x128xi32, #tpu.memory_space<hbm>>
    %dma_wait3A_38 = tpu.memref_squeeze %dma_wait3A_37 : memref<1x128xi32, #tpu.memory_space<hbm>> -> memref<128xi32, #tpu.memory_space<hbm>>
    tpu.wait_dma2 semaphore(%arg16 : memref<!tpu.dma_semaphore, #tpu.memory_space<semaphore_mem>>) src(%dma_wait3A_38 : memref<128xi32, #tpu.memory_space<hbm>>) dst(%arg7 : memref<128xi32, #tpu.memory_space<vmem>>)
    %dma_start3A = arith.constant 0 : i32
    %dma_start3A_39 = arith.constant 0 : i32
    %dma_start3A_40 = tpu.memref_slice %arg2[%dma_start3A, %dma_start3A_39] : memref<10000x64xi32, #tpu.memory_space<hbm>> -> memref<10000x64xi32, #tpu.memory_space<hbm>>
    tpu.enqueue_indirect_dma source(%dma_start3A_40 : memref<10000x64xi32, #tpu.memory_space<hbm>>) target(%arg10 : memref<128x64xi32, #tpu.memory_space<vmem>>) offsets(%arg6 : memref<128xi32, #tpu.memory_space<vmem>>) semaphore(%arg18 : memref<!tpu.dma_semaphore, #tpu.memory_space<semaphore_mem>>)
    %dma_start3A_41 = arith.constant 0 : i32
    %dma_start3A_42 = arith.constant 0 : i32
    %dma_start3A_43 = tpu.memref_slice %arg2[%dma_start3A_41, %dma_start3A_42] : memref<10000x64xi32, #tpu.memory_space<hbm>> -> memref<10000x64xi32, #tpu.memory_space<hbm>>
    tpu.enqueue_indirect_dma source(%dma_start3A_43 : memref<10000x64xi32, #tpu.memory_space<hbm>>) target(%arg11 : memref<128x64xi32, #tpu.memory_space<vmem>>) offsets(%arg7 : memref<128xi32, #tpu.memory_space<vmem>>) semaphore(%arg18 : memref<!tpu.dma_semaphore, #tpu.memory_space<semaphore_mem>>)
    %scan3A = arith.constant 0 : i32
    %scan3A_44 = arith.constant 0 : i32
    %scan3A_45 = arith.constant 79 : i32
    %scan3A_46 = arith.addi %scan3A_44, %scan3A_45 : i32
    %scan3A_47 = arith.constant 1 : i32
    scf.for %scan3A_61 = %scan3A_44 to %scan3A_46 step %scan3A_47  : i32 {
      %mul3A_62 = arith.constant 2 : i32
      %mul3A_63 = arith.muli %mul3A_62, %scan3A_61 : i32
      %lt3A_64 = arith.cmpi slt, %mul3A_63, %add3A_4 : i32
      %convert_element_type3A_65 = arith.extui %lt3A_64 : i1 to i32
      %cond3A_66 = arith.constant 0 : i32
      %cond3A_67 = arith.cmpi ne, %convert_element_type3A_65, %cond3A_66 : i32
      scf.if %cond3A_67 {
        %dma_wait3A_76 = arith.constant 0 : i32
        %dma_wait3A_77 = arith.constant 0 : i32
        %dma_wait3A_78 = tpu.memref_slice %arg2[%dma_wait3A_76, %dma_wait3A_77] : memref<10000x64xi32, #tpu.memory_space<hbm>> -> memref<10000x64xi32, #tpu.memory_space<hbm>>
        tpu.wait_indirect_dma semaphore(%arg18 : memref<!tpu.dma_semaphore, #tpu.memory_space<semaphore_mem>>) src(%dma_wait3A_78 : memref<10000x64xi32, #tpu.memory_space<hbm>>) dst(%arg10 : memref<128x64xi32, #tpu.memory_space<vmem>>)
        %dma_wait3A_79 = arith.constant 0 : i32
        %dma_wait3A_80 = arith.constant 0 : i32
        %dma_wait3A_81 = tpu.memref_slice %arg2[%dma_wait3A_79, %dma_wait3A_80] : memref<10000x64xi32, #tpu.memory_space<hbm>> -> memref<10000x64xi32, #tpu.memory_space<hbm>>
        tpu.wait_indirect_dma semaphore(%arg18 : memref<!tpu.dma_semaphore, #tpu.memory_space<semaphore_mem>>) src(%dma_wait3A_81 : memref<10000x64xi32, #tpu.memory_space<hbm>>) dst(%arg11 : memref<128x64xi32, #tpu.memory_space<vmem>>)
        %add3A_82 = arith.constant 1 : i32
        %add3A_83 = arith.addi %mul3A_63, %add3A_82 : i32
        %lt3A_84 = arith.cmpi slt, %add3A_83, %add3A_4 : i32
        %convert_element_type3A_85 = arith.extui %lt3A_84 : i1 to i32
        %cond3A_86 = arith.constant 0 : i32
        %cond3A_87 = arith.cmpi ne, %convert_element_type3A_85, %cond3A_86 : i32
        scf.if %cond3A_87 {
          %dma_wait3A_114 = arith.constant 0 : i32
          %dma_wait3A_115 = arith.constant 0 : i32
          %dma_wait3A_116 = tpu.memref_slice %arg3[%dma_wait3A_114, %dma_wait3A_115] : memref<2x320000xi32, #tpu.memory_space<hbm>> -> memref<1x128xi32, #tpu.memory_space<hbm>>
          %dma_wait3A_117 = tpu.memref_squeeze %dma_wait3A_116 : memref<1x128xi32, #tpu.memory_space<hbm>> -> memref<128xi32, #tpu.memory_space<hbm>>
          %dma_wait3A_118 = arith.constant 0 : i32
          %dma_wait3A_119 = tpu.memref_slice %arg3[%dma_wait3A_114, %dma_wait3A_118] : memref<2x320000xi32, #tpu.memory_space<hbm>> -> memref<1x128xi32, #tpu.memory_space<hbm>>
          %dma_wait3A_120 = tpu.memref_squeeze %dma_wait3A_119 : memref<1x128xi32, #tpu.memory_space<hbm>> -> memref<128xi32, #tpu.memory_space<hbm>>
          tpu.wait_dma2 semaphore(%arg17 : memref<!tpu.dma_semaphore, #tpu.memory_space<semaphore_mem>>) src(%dma_wait3A_120 : memref<128xi32, #tpu.memory_space<hbm>>) dst(%arg8 : memref<128xi32, #tpu.memory_space<vmem>>)
          %dma_wait3A_121 = arith.constant 1 : i32
          %dma_wait3A_122 = arith.constant 0 : i32
          %dma_wait3A_123 = tpu.memref_slice %arg3[%dma_wait3A_121, %dma_wait3A_122] : memref<2x320000xi32, #tpu.memory_space<hbm>> -> memref<1x128xi32, #tpu.memory_space<hbm>>
          %dma_wait3A_124 = tpu.memref_squeeze %dma_wait3A_123 : memref<1x128xi32, #tpu.memory_space<hbm>> -> memref<128xi32, #tpu.memory_space<hbm>>
          %dma_wait3A_125 = arith.constant 0 : i32
          %dma_wait3A_126 = tpu.memref_slice %arg3[%dma_wait3A_121, %dma_wait3A_125] : memref<2x320000xi32, #tpu.memory_space<hbm>> -> memref<1x128xi32, #tpu.memory_space<hbm>>
          %dma_wait3A_127 = tpu.memref_squeeze %dma_wait3A_126 : memref<1x128xi32, #tpu.memory_space<hbm>> -> memref<128xi32, #tpu.memory_space<hbm>>
          tpu.wait_dma2 semaphore(%arg17 : memref<!tpu.dma_semaphore, #tpu.memory_space<semaphore_mem>>) src(%dma_wait3A_127 : memref<128xi32, #tpu.memory_space<hbm>>) dst(%arg9 : memref<128xi32, #tpu.memory_space<vmem>>)
          %dma_start3A_128 = arith.constant 0 : i32
          %dma_start3A_129 = arith.constant 0 : i32
          %dma_start3A_130 = tpu.memref_slice %arg2[%dma_start3A_128, %dma_start3A_129] : memref<10000x64xi32, #tpu.memory_space<hbm>> -> memref<10000x64xi32, #tpu.memory_space<hbm>>
          tpu.enqueue_indirect_dma source(%dma_start3A_130 : memref<10000x64xi32, #tpu.memory_space<hbm>>) target(%arg12 : memref<128x64xi32, #tpu.memory_space<vmem>>) offsets(%arg8 : memref<128xi32, #tpu.memory_space<vmem>>) semaphore(%arg19 : memref<!tpu.dma_semaphore, #tpu.memory_space<semaphore_mem>>)
          %dma_start3A_131 = arith.constant 0 : i32
          %dma_start3A_132 = arith.constant 0 : i32
          %dma_start3A_133 = tpu.memref_slice %arg2[%dma_start3A_131, %dma_start3A_132] : memref<10000x64xi32, #tpu.memory_space<hbm>> -> memref<10000x64xi32, #tpu.memory_space<hbm>>
          tpu.enqueue_indirect_dma source(%dma_start3A_133 : memref<10000x64xi32, #tpu.memory_space<hbm>>) target(%arg13 : memref<128x64xi32, #tpu.memory_space<vmem>>) offsets(%arg9 : memref<128xi32, #tpu.memory_space<vmem>>) semaphore(%arg19 : memref<!tpu.dma_semaphore, #tpu.memory_space<semaphore_mem>>)
        } else {
        }
        %add3A_88 = arith.constant 2 : i32
        %add3A_89 = arith.addi %mul3A_63, %add3A_88 : i32
        %lt3A_90 = arith.cmpi slt, %add3A_89, %add3A_4 : i32
        %convert_element_type3A_91 = arith.extui %lt3A_90 : i1 to i32
        %cond3A_92 = arith.constant 0 : i32
        %cond3A_93 = arith.cmpi ne, %convert_element_type3A_91, %cond3A_92 : i32
        scf.if %cond3A_93 {
          %add3A_114 = arith.constant 2 : i32
          %add3A_115 = arith.addi %mul3A_63, %add3A_114 : i32
          %mul3A_116 = arith.constant 32 : i32
          %mul3A_117 = arith.muli %add3A_115, %mul3A_116 : i32
          %add3A_118 = arith.addi %add3A, %mul3A_117 : i32
          %lt3A_119 = arith.constant 2500 : i32
          %lt3A_120 = arith.cmpi slt, %add3A_118, %lt3A_119 : i32
          %convert_element_type3A_121 = arith.extui %lt3A_120 : i1 to i32
          %cond3A_122 = arith.constant 0 : i32
          %cond3A_123 = arith.cmpi ne, %convert_element_type3A_121, %cond3A_122 : i32
          scf.if %cond3A_123 {
            %mul3A_129 = arith.constant 128 : i32
            %mul3A_130 = arith.muli %add3A_118, %mul3A_129 : i32
            %multiple_of3A_131 = tpu.assume_multiple %mul3A_130, 128 : i32
            %dma_start3A_132 = arith.constant 0 : i32
            %dma_start3A_133 = tpu.memref_slice %arg3[%dma_start3A_132, %multiple_of3A_131] : memref<2x320000xi32, #tpu.memory_space<hbm>> -> memref<1x128xi32, #tpu.memory_space<hbm>>
            %dma_start3A_134 = tpu.memref_squeeze %dma_start3A_133 : memref<1x128xi32, #tpu.memory_space<hbm>> -> memref<128xi32, #tpu.memory_space<hbm>>
            %dma_start3A_135 = tpu.memref_slice %arg3[%dma_start3A_132, %multiple_of3A_131] : memref<2x320000xi32, #tpu.memory_space<hbm>> -> memref<1x128xi32, #tpu.memory_space<hbm>>
            %dma_start3A_136 = tpu.memref_squeeze %dma_start3A_135 : memref<1x128xi32, #tpu.memory_space<hbm>> -> memref<128xi32, #tpu.memory_space<hbm>>
            tpu.enqueue_dma source(%dma_start3A_136 : memref<128xi32, #tpu.memory_space<hbm>>) target(%arg6 : memref<128xi32, #tpu.memory_space<vmem>>) target_semaphore(%arg16 : memref<!tpu.dma_semaphore, #tpu.memory_space<semaphore_mem>>)
            %dma_start3A_137 = arith.constant 1 : i32
            %dma_start3A_138 = tpu.memref_slice %arg3[%dma_start3A_137, %multiple_of3A_131] : memref<2x320000xi32, #tpu.memory_space<hbm>> -> memref<1x128xi32, #tpu.memory_space<hbm>>
            %dma_start3A_139 = tpu.memref_squeeze %dma_start3A_138 : memref<1x128xi32, #tpu.memory_space<hbm>> -> memref<128xi32, #tpu.memory_space<hbm>>
            %dma_start3A_140 = tpu.memref_slice %arg3[%dma_start3A_137, %multiple_of3A_131] : memref<2x320000xi32, #tpu.memory_space<hbm>> -> memref<1x128xi32, #tpu.memory_space<hbm>>
            %dma_start3A_141 = tpu.memref_squeeze %dma_start3A_140 : memref<1x128xi32, #tpu.memory_space<hbm>> -> memref<128xi32, #tpu.memory_space<hbm>>
            tpu.enqueue_dma source(%dma_start3A_141 : memref<128xi32, #tpu.memory_space<hbm>>) target(%arg7 : memref<128xi32, #tpu.memory_space<vmem>>) target_semaphore(%arg16 : memref<!tpu.dma_semaphore, #tpu.memory_space<semaphore_mem>>)
          } else {
          }
          %ge3A_124 = arith.constant 2500 : i32
          %ge3A_125 = arith.cmpi sge, %add3A_118, %ge3A_124 : i32
          %convert_element_type3A_126 = arith.extui %ge3A_125 : i1 to i32
          %cond3A_127 = arith.constant 0 : i32
          %cond3A_128 = arith.cmpi ne, %convert_element_type3A_126, %cond3A_127 : i32
          scf.if %cond3A_128 {
            %sub3A = arith.constant 2500 : i32
            %sub3A_129 = arith.subi %add3A_118, %sub3A : i32
            %mul3A_130 = arith.constant 128 : i32
            %mul3A_131 = arith.muli %sub3A_129, %mul3A_130 : i32
            %multiple_of3A_132 = tpu.assume_multiple %mul3A_131, 128 : i32
            %dma_start3A_133 = arith.constant 0 : i32
            %dma_start3A_134 = tpu.memref_slice %arg4[%dma_start3A_133, %multiple_of3A_132] : memref<2x320000xi32, #tpu.memory_space<hbm>> -> memref<1x128xi32, #tpu.memory_space<hbm>>
            %dma_start3A_135 = tpu.memref_squeeze %dma_start3A_134 : memref<1x128xi32, #tpu.memory_space<hbm>> -> memref<128xi32, #tpu.memory_space<hbm>>
            %dma_start3A_136 = tpu.memref_slice %arg4[%dma_start3A_133, %multiple_of3A_132] : memref<2x320000xi32, #tpu.memory_space<hbm>> -> memref<1x128xi32, #tpu.memory_space<hbm>>
            %dma_start3A_137 = tpu.memref_squeeze %dma_start3A_136 : memref<1x128xi32, #tpu.memory_space<hbm>> -> memref<128xi32, #tpu.memory_space<hbm>>
            tpu.enqueue_dma source(%dma_start3A_137 : memref<128xi32, #tpu.memory_space<hbm>>) target(%arg6 : memref<128xi32, #tpu.memory_space<vmem>>) target_semaphore(%arg16 : memref<!tpu.dma_semaphore, #tpu.memory_space<semaphore_mem>>)
            %dma_start3A_138 = arith.constant 1 : i32
            %dma_start3A_139 = tpu.memref_slice %arg4[%dma_start3A_138, %multiple_of3A_132] : memref<2x320000xi32, #tpu.memory_space<hbm>> -> memref<1x128xi32, #tpu.memory_space<hbm>>
            %dma_start3A_140 = tpu.memref_squeeze %dma_start3A_139 : memref<1x128xi32, #tpu.memory_space<hbm>> -> memref<128xi32, #tpu.memory_space<hbm>>
            %dma_start3A_141 = tpu.memref_slice %arg4[%dma_start3A_138, %multiple_of3A_132] : memref<2x320000xi32, #tpu.memory_space<hbm>> -> memref<1x128xi32, #tpu.memory_space<hbm>>
            %dma_start3A_142 = tpu.memref_squeeze %dma_start3A_141 : memref<1x128xi32, #tpu.memory_space<hbm>> -> memref<128xi32, #tpu.memory_space<hbm>>
            tpu.enqueue_dma source(%dma_start3A_142 : memref<128xi32, #tpu.memory_space<hbm>>) target(%arg7 : memref<128xi32, #tpu.memory_space<vmem>>) target_semaphore(%arg16 : memref<!tpu.dma_semaphore, #tpu.memory_space<semaphore_mem>>)
          } else {
          }
        } else {
        }
        %ge3A_94 = arith.constant 2 : i32
        %ge3A_95 = arith.cmpi sge, %mul3A_63, %ge3A_94 : i32
        %convert_element_type3A_96 = arith.extui %ge3A_95 : i1 to i32
        %cond3A_97 = arith.constant 0 : i32
        %cond3A_98 = arith.cmpi ne, %convert_element_type3A_96, %cond3A_97 : i32
        scf.if %cond3A_98 {
          %dma_wait3A_114 = arith.constant 0 : i32
          %dma_wait3A_115 = arith.constant 0 : i32
          %dma_wait3A_116 = tpu.memref_slice %arg5[%dma_wait3A_114, %dma_wait3A_115] : memref<80000x128xf32, #tpu.memory_space<hbm>> -> memref<16x128xf32, #tpu.memory_space<hbm>>
          %dma_wait3A_117 = arith.constant 0 : i32
          %dma_wait3A_118 = arith.constant 0 : i32
          %dma_wait3A_119 = tpu.memref_slice %arg5[%dma_wait3A_117, %dma_wait3A_118] : memref<80000x128xf32, #tpu.memory_space<hbm>> -> memref<16x128xf32, #tpu.memory_space<hbm>>
          tpu.wait_dma2 semaphore(%arg20 : memref<!tpu.dma_semaphore, #tpu.memory_space<semaphore_mem>>) src(%arg14 : memref<16x128xf32, #tpu.memory_space<vmem>>) dst(%dma_wait3A_119 : memref<16x128xf32, #tpu.memory_space<hbm>>)
        } else {
        }
        %scan3A_99 = arith.constant 0 : i32
        %scan3A_100 = arith.constant 0 : i32
        %scan3A_101 = arith.constant 16 : i32
        %scan3A_102 = arith.addi %scan3A_100, %scan3A_101 : i32
        %scan3A_103 = arith.constant 2 : i32
        scf.for %scan3A_114 = %scan3A_100 to %scan3A_102 step %scan3A_103  : i32 {
          %mul3A_115 = arith.constant 8 : i32
          %mul3A_116 = arith.muli %scan3A_114, %mul3A_115 : i32
          %add3A_117 = arith.constant 0 : i32
          %add3A_118 = arith.addi %mul3A_116, %add3A_117 : i32
          %get3A = arith.index_cast %add3A_118 : i32 to index
          %get3A_119 = arith.constant 0 : index
          %get3A_120 = tpu.vector_load %arg10[%get3A, %get3A_119] {strides = array<i32>} : memref<128x64xi32, #tpu.memory_space<vmem>>, vector<1x16xi32>,
          %get3A_121 = vector.shape_cast %get3A_120 : vector<1x16xi32> to vector<16xi32>
          %get3A_122 = arith.index_cast %add3A_118 : i32 to index
          %get3A_123 = arith.constant 0 : index
          %get3A_124 = tpu.vector_load %arg11[%get3A_122, %get3A_123] {strides = array<i32>} : memref<128x64xi32, #tpu.memory_space<vmem>>, vector<1x16xi32>,
          %get3A_125 = vector.shape_cast %get3A_124 : vector<1x16xi32> to vector<16xi32>
          %shift_left3A = arith.constant 16 : i32
          %shift_left3A_126 = vector.broadcast %shift_left3A : i32 to vector<16xi32>
          %shift_left3A_127 = arith.shli %get3A_121, %shift_left3A_126 : vector<16xi32>
          %bitcast_convert_type3A = tpu.bitcast %shift_left3A_127 : vector<16xi32> -> vector<16xf32>
          %bitcast_convert_type3A_128 = tpu.bitcast %get3A_121 : vector<16xi32> -> vector<16xf32>
          %shift_left3A_129 = arith.constant 16 : i32
          %shift_left3A_130 = vector.broadcast %shift_left3A_129 : i32 to vector<16xi32>
          %shift_left3A_131 = arith.shli %get3A_125, %shift_left3A_130 : vector<16xi32>
          %bitcast_convert_type3A_132 = tpu.bitcast %shift_left3A_131 : vector<16xi32> -> vector<16xf32>
          %bitcast_convert_type3A_133 = tpu.bitcast %get3A_125 : vector<16xi32> -> vector<16xf32>
          %mul3A_134 = arith.mulf %bitcast_convert_type3A, %bitcast_convert_type3A_132 : vector<16xf32>
          %mul3A_135 = arith.mulf %bitcast_convert_type3A_128, %bitcast_convert_type3A_133 : vector<16xf32>
          %add3A_136 = arith.addf %mul3A_134, %mul3A_135 : vector<16xf32>
          %get3A_137 = arith.index_cast %add3A_118 : i32 to index
          %get3A_138 = arith.constant 16 : index
          %get3A_139 = tpu.vector_load %arg10[%get3A_137, %get3A_138] {strides = array<i32>} : memref<128x64xi32, #tpu.memory_space<vmem>>, vector<1x16xi32>,
          %get3A_140 = vector.shape_cast %get3A_139 : vector<1x16xi32> to vector<16xi32>
          %get3A_141 = arith.index_cast %add3A_118 : i32 to index
          %get3A_142 = arith.constant 16 : index
          %get3A_143 = tpu.vector_load %arg11[%get3A_141, %get3A_142] {strides = array<i32>} : memref<128x64xi32, #tpu.memory_space<vmem>>, vector<1x16xi32>,
          %get3A_144 = vector.shape_cast %get3A_143 : vector<1x16xi32> to vector<16xi32>
          %shift_left3A_145 = arith.constant 16 : i32
          %shift_left3A_146 = vector.broadcast %shift_left3A_145 : i32 to vector<16xi32>
          %shift_left3A_147 = arith.shli %get3A_140, %shift_left3A_146 : vector<16xi32>
          %bitcast_convert_type3A_148 = tpu.bitcast %shift_left3A_147 : vector<16xi32> -> vector<16xf32>
          %bitcast_convert_type3A_149 = tpu.bitcast %get3A_140 : vector<16xi32> -> vector<16xf32>
          %shift_left3A_150 = arith.constant 16 : i32
          %shift_left3A_151 = vector.broadcast %shift_left3A_150 : i32 to vector<16xi32>
          %shift_left3A_152 = arith.shli %get3A_144, %shift_left3A_151 : vector<16xi32>
          %bitcast_convert_type3A_153 = tpu.bitcast %shift_left3A_152 : vector<16xi32> -> vector<16xf32>
          %bitcast_convert_type3A_154 = tpu.bitcast %get3A_144 : vector<16xi32> -> vector<16xf32>
          %mul3A_155 = arith.mulf %bitcast_convert_type3A_148, %bitcast_convert_type3A_153 : vector<16xf32>
          %mul3A_156 = arith.mulf %bitcast_convert_type3A_149, %bitcast_convert_type3A_154 : vector<16xf32>
          %add3A_157 = arith.addf %mul3A_155, %mul3A_156 : vector<16xf32>
          %add3A_158 = arith.addf %add3A_136, %add3A_157 : vector<16xf32>
          %get3A_159 = arith.index_cast %add3A_118 : i32 to index
          %get3A_160 = arith.constant 32 : index
          %get3A_161 = tpu.vector_load %arg10[%get3A_159, %get3A_160] {strides = array<i32>} : memref<128x64xi32, #tpu.memory_space<vmem>>, vector<1x16xi32>,
          %get3A_162 = vector.shape_cast %get3A_161 : vector<1x16xi32> to vector<16xi32>
          %get3A_163 = arith.index_cast %add3A_118 : i32 to index
          %get3A_164 = arith.constant 32 : index
          %get3A_165 = tpu.vector_load %arg11[%get3A_163, %get3A_164] {strides = array<i32>} : memref<128x64xi32, #tpu.memory_space<vmem>>, vector<1x16xi32>,
          %get3A_166 = vector.shape_cast %get3A_165 : vector<1x16xi32> to vector<16xi32>
          %shift_left3A_167 = arith.constant 16 : i32
          %shift_left3A_168 = vector.broadcast %shift_left3A_167 : i32 to vector<16xi32>
          %shift_left3A_169 = arith.shli %get3A_162, %shift_left3A_168 : vector<16xi32>
          %bitcast_convert_type3A_170 = tpu.bitcast %shift_left3A_169 : vector<16xi32> -> vector<16xf32>
          %bitcast_convert_type3A_171 = tpu.bitcast %get3A_162 : vector<16xi32> -> vector<16xf32>
          %shift_left3A_172 = arith.constant 16 : i32
          %shift_left3A_173 = vector.broadcast %shift_left3A_172 : i32 to vector<16xi32>
          %shift_left3A_174 = arith.shli %get3A_166, %shift_left3A_173 : vector<16xi32>
          %bitcast_convert_type3A_175 = tpu.bitcast %shift_left3A_174 : vector<16xi32> -> vector<16xf32>
          %bitcast_convert_type3A_176 = tpu.bitcast %get3A_166 : vector<16xi32> -> vector<16xf32>
          %mul3A_177 = arith.mulf %bitcast_convert_type3A_170, %bitcast_convert_type3A_175 : vector<16xf32>
          %mul3A_178 = arith.mulf %bitcast_convert_type3A_171, %bitcast_convert_type3A_176 : vector<16xf32>
          %add3A_179 = arith.addf %mul3A_177, %mul3A_178 : vector<16xf32>
          %add3A_180 = arith.addf %add3A_158, %add3A_179 : vector<16xf32>
          %get3A_181 = arith.index_cast %add3A_118 : i32 to index
          %get3A_182 = arith.constant 48 : index
          %get3A_183 = tpu.vector_load %arg10[%get3A_181, %get3A_182] {strides = array<i32>} : memref<128x64xi32, #tpu.memory_space<vmem>>, vector<1x16xi32>,
          %get3A_184 = vector.shape_cast %get3A_183 : vector<1x16xi32> to vector<16xi32>
          %get3A_185 = arith.index_cast %add3A_118 : i32 to index
          %get3A_186 = arith.constant 48 : index
          %get3A_187 = tpu.vector_load %arg11[%get3A_185, %get3A_186] {strides = array<i32>} : memref<128x64xi32, #tpu.memory_space<vmem>>, vector<1x16xi32>,
          %get3A_188 = vector.shape_cast %get3A_187 : vector<1x16xi32> to vector<16xi32>
          %shift_left3A_189 = arith.constant 16 : i32
          %shift_left3A_190 = vector.broadcast %shift_left3A_189 : i32 to vector<16xi32>
          %shift_left3A_191 = arith.shli %get3A_184, %shift_left3A_190 : vector<16xi32>
          %bitcast_convert_type3A_192 = tpu.bitcast %shift_left3A_191 : vector<16xi32> -> vector<16xf32>
          %bitcast_convert_type3A_193 = tpu.bitcast %get3A_184 : vector<16xi32> -> vector<16xf32>
          %shift_left3A_194 = arith.constant 16 : i32
          %shift_left3A_195 = vector.broadcast %shift_left3A_194 : i32 to vector<16xi32>
          %shift_left3A_196 = arith.shli %get3A_188, %shift_left3A_195 : vector<16xi32>
          %bitcast_convert_type3A_197 = tpu.bitcast %shift_left3A_196 : vector<16xi32> -> vector<16xf32>
          %bitcast_convert_type3A_198 = tpu.bitcast %get3A_188 : vector<16xi32> -> vector<16xf32>
          %mul3A_199 = arith.mulf %bitcast_convert_type3A_192, %bitcast_convert_type3A_197 : vector<16xf32>
          %mul3A_200 = arith.mulf %bitcast_convert_type3A_193, %bitcast_convert_type3A_198 : vector<16xf32>
          %add3A_201 = arith.addf %mul3A_199, %mul3A_200 : vector<16xf32>
          %add3A_202 = arith.addf %add3A_180, %add3A_201 : vector<16xf32>
          %swap3A = arith.index_cast %scan3A_114 : i32 to index
          %swap3A_203 = arith.constant 0 : index
          %swap3A_204 = tpu.vector_load %arg14[%swap3A, %swap3A_203] {strides = array<i32>} : memref<16x128xf32, #tpu.memory_space<vmem>>, vector<1x16xf32>,
          %swap3A_205 = vector.shape_cast %swap3A_204 : vector<1x16xf32> to vector<16xf32>
          %swap3A_206 = vector.shape_cast %add3A_202 : vector<16xf32> to vector<1x16xf32>
          tpu.vector_store %arg14[%swap3A, %swap3A_203], %swap3A_206 {strides = array<i32>} : memref<16x128xf32, #tpu.memory_space<vmem>>, vector<1x16xf32>,
          %mul3A_207 = arith.constant 8 : i32
          %mul3A_208 = arith.muli %scan3A_114, %mul3A_207 : i32
          %add3A_209 = arith.constant 1 : i32
          %add3A_210 = arith.addi %mul3A_208, %add3A_209 : i32
          %get3A_211 = arith.index_cast %add3A_210 : i32 to index
          %get3A_212 = arith.constant 0 : index
          %get3A_213 = tpu.vector_load %arg10[%get3A_211, %get3A_212] {strides = array<i32>} : memref<128x64xi32, #tpu.memory_space<vmem>>, vector<1x16xi32>,
          %get3A_214 = vector.shape_cast %get3A_213 : vector<1x16xi32> to vector<16xi32>
          %get3A_215 = arith.index_cast %add3A_210 : i32 to index
          %get3A_216 = arith.constant 0 : index
          %get3A_217 = tpu.vector_load %arg11[%get3A_215, %get3A_216] {strides = array<i32>} : memref<128x64xi32, #tpu.memory_space<vmem>>, vector<1x16xi32>,
          %get3A_218 = vector.shape_cast %get3A_217 : vector<1x16xi32> to vector<16xi32>
          %shift_left3A_219 = arith.constant 16 : i32
          %shift_left3A_220 = vector.broadcast %shift_left3A_219 : i32 to vector<16xi32>
          %shift_left3A_221 = arith.shli %get3A_214, %shift_left3A_220 : vector<16xi32>
          %bitcast_convert_type3A_222 = tpu.bitcast %shift_left3A_221 : vector<16xi32> -> vector<16xf32>
          %bitcast_convert_type3A_223 = tpu.bitcast %get3A_214 : vector<16xi32> -> vector<16xf32>
          %shift_left3A_224 = arith.constant 16 : i32
          %shift_left3A_225 = vector.broadcast %shift_left3A_224 : i32 to vector<16xi32>
          %shift_left3A_226 = arith.shli %get3A_218, %shift_left3A_225 : vector<16xi32>
          %bitcast_convert_type3A_227 = tpu.bitcast %shift_left3A_226 : vector<16xi32> -> vector<16xf32>
          %bitcast_convert_type3A_228 = tpu.bitcast %get3A_218 : vector<16xi32> -> vector<16xf32>
          %mul3A_229 = arith.mulf %bitcast_convert_type3A_222, %bitcast_convert_type3A_227 : vector<16xf32>
          %mul3A_230 = arith.mulf %bitcast_convert_type3A_223, %bitcast_convert_type3A_228 : vector<16xf32>
          %add3A_231 = arith.addf %mul3A_229, %mul3A_230 : vector<16xf32>
          %get3A_232 = arith.index_cast %add3A_210 : i32 to index
          %get3A_233 = arith.constant 16 : index
          %get3A_234 = tpu.vector_load %arg10[%get3A_232, %get3A_233] {strides = array<i32>} : memref<128x64xi32, #tpu.memory_space<vmem>>, vector<1x16xi32>,
          %get3A_235 = vector.shape_cast %get3A_234 : vector<1x16xi32> to vector<16xi32>
          %get3A_236 = arith.index_cast %add3A_210 : i32 to index
          %get3A_237 = arith.constant 16 : index
          %get3A_238 = tpu.vector_load %arg11[%get3A_236, %get3A_237] {strides = array<i32>} : memref<128x64xi32, #tpu.memory_space<vmem>>, vector<1x16xi32>,
          %get3A_239 = vector.shape_cast %get3A_238 : vector<1x16xi32> to vector<16xi32>
          %shift_left3A_240 = arith.constant 16 : i32
          %shift_left3A_241 = vector.broadcast %shift_left3A_240 : i32 to vector<16xi32>
          %shift_left3A_242 = arith.shli %get3A_235, %shift_left3A_241 : vector<16xi32>
          %bitcast_convert_type3A_243 = tpu.bitcast %shift_left3A_242 : vector<16xi32> -> vector<16xf32>
          %bitcast_convert_type3A_244 = tpu.bitcast %get3A_235 : vector<16xi32> -> vector<16xf32>
          %shift_left3A_245 = arith.constant 16 : i32
          %shift_left3A_246 = vector.broadcast %shift_left3A_245 : i32 to vector<16xi32>
          %shift_left3A_247 = arith.shli %get3A_239, %shift_left3A_246 : vector<16xi32>
          %bitcast_convert_type3A_248 = tpu.bitcast %shift_left3A_247 : vector<16xi32> -> vector<16xf32>
          %bitcast_convert_type3A_249 = tpu.bitcast %get3A_239 : vector<16xi32> -> vector<16xf32>
          %mul3A_250 = arith.mulf %bitcast_convert_type3A_243, %bitcast_convert_type3A_248 : vector<16xf32>
          %mul3A_251 = arith.mulf %bitcast_convert_type3A_244, %bitcast_convert_type3A_249 : vector<16xf32>
          %add3A_252 = arith.addf %mul3A_250, %mul3A_251 : vector<16xf32>
          %add3A_253 = arith.addf %add3A_231, %add3A_252 : vector<16xf32>
          %get3A_254 = arith.index_cast %add3A_210 : i32 to index
          %get3A_255 = arith.constant 32 : index
          %get3A_256 = tpu.vector_load %arg10[%get3A_254, %get3A_255] {strides = array<i32>} : memref<128x64xi32, #tpu.memory_space<vmem>>, vector<1x16xi32>,
          %get3A_257 = vector.shape_cast %get3A_256 : vector<1x16xi32> to vector<16xi32>
          %get3A_258 = arith.index_cast %add3A_210 : i32 to index
          %get3A_259 = arith.constant 32 : index
          %get3A_260 = tpu.vector_load %arg11[%get3A_258, %get3A_259] {strides = array<i32>} : memref<128x64xi32, #tpu.memory_space<vmem>>, vector<1x16xi32>,
          %get3A_261 = vector.shape_cast %get3A_260 : vector<1x16xi32> to vector<16xi32>
          %shift_left3A_262 = arith.constant 16 : i32
          %shift_left3A_263 = vector.broadcast %shift_left3A_262 : i32 to vector<16xi32>
          %shift_left3A_264 = arith.shli %get3A_257, %shift_left3A_263 : vector<16xi32>
          %bitcast_convert_type3A_265 = tpu.bitcast %shift_left3A_264 : vector<16xi32> -> vector<16xf32>
          %bitcast_convert_type3A_266 = tpu.bitcast %get3A_257 : vector<16xi32> -> vector<16xf32>
          %shift_left3A_267 = arith.constant 16 : i32
          %shift_left3A_268 = vector.broadcast %shift_left3A_267 : i32 to vector<16xi32>
          %shift_left3A_269 = arith.shli %get3A_261, %shift_left3A_268 : vector<16xi32>
          %bitcast_convert_type3A_270 = tpu.bitcast %shift_left3A_269 : vector<16xi32> -> vector<16xf32>
          %bitcast_convert_type3A_271 = tpu.bitcast %get3A_261 : vector<16xi32> -> vector<16xf32>
          %mul3A_272 = arith.mulf %bitcast_convert_type3A_265, %bitcast_convert_type3A_270 : vector<16xf32>
          %mul3A_273 = arith.mulf %bitcast_convert_type3A_266, %bitcast_convert_type3A_271 : vector<16xf32>
          %add3A_274 = arith.addf %mul3A_272, %mul3A_273 : vector<16xf32>
          %add3A_275 = arith.addf %add3A_253, %add3A_274 : vector<16xf32>
          %get3A_276 = arith.index_cast %add3A_210 : i32 to index
          %get3A_277 = arith.constant 48 : index
          %get3A_278 = tpu.vector_load %arg10[%get3A_276, %get3A_277] {strides = array<i32>} : memref<128x64xi32, #tpu.memory_space<vmem>>, vector<1x16xi32>,
          %get3A_279 = vector.shape_cast %get3A_278 : vector<1x16xi32> to vector<16xi32>
          %get3A_280 = arith.index_cast %add3A_210 : i32 to index
          %get3A_281 = arith.constant 48 : index
          %get3A_282 = tpu.vector_load %arg11[%get3A_280, %get3A_281] {strides = array<i32>} : memref<128x64xi32, #tpu.memory_space<vmem>>, vector<1x16xi32>,
          %get3A_283 = vector.shape_cast %get3A_282 : vector<1x16xi32> to vector<16xi32>
          %shift_left3A_284 = arith.constant 16 : i32
          %shift_left3A_285 = vector.broadcast %shift_left3A_284 : i32 to vector<16xi32>
          %shift_left3A_286 = arith.shli %get3A_279, %shift_left3A_285 : vector<16xi32>
          %bitcast_convert_type3A_287 = tpu.bitcast %shift_left3A_286 : vector<16xi32> -> vector<16xf32>
          %bitcast_convert_type3A_288 = tpu.bitcast %get3A_279 : vector<16xi32> -> vector<16xf32>
          %shift_left3A_289 = arith.constant 16 : i32
          %shift_left3A_290 = vector.broadcast %shift_left3A_289 : i32 to vector<16xi32>
          %shift_left3A_291 = arith.shli %get3A_283, %shift_left3A_290 : vector<16xi32>
          %bitcast_convert_type3A_292 = tpu.bitcast %shift_left3A_291 : vector<16xi32> -> vector<16xf32>
          %bitcast_convert_type3A_293 = tpu.bitcast %get3A_283 : vector<16xi32> -> vector<16xf32>
          %mul3A_294 = arith.mulf %bitcast_convert_type3A_287, %bitcast_convert_type3A_292 : vector<16xf32>
          %mul3A_295 = arith.mulf %bitcast_convert_type3A_288, %bitcast_convert_type3A_293 : vector<16xf32>
          %add3A_296 = arith.addf %mul3A_294, %mul3A_295 : vector<16xf32>
          %add3A_297 = arith.addf %add3A_275, %add3A_296 : vector<16xf32>
          %swap3A_298 = arith.index_cast %scan3A_114 : i32 to index
          %swap3A_299 = arith.constant 16 : index
          %swap3A_300 = tpu.vector_load %arg14[%swap3A_298, %swap3A_299] {strides = array<i32>} : memref<16x128xf32, #tpu.memory_space<vmem>>, vector<1x16xf32>,
          %swap3A_301 = vector.shape_cast %swap3A_300 : vector<1x16xf32> to vector<16xf32>
          %swap3A_302 = vector.shape_cast %add3A_297 : vector<16xf32> to vector<1x16xf32>
          tpu.vector_store %arg14[%swap3A_298, %swap3A_299], %swap3A_302 {strides = array<i32>} : memref<16x128xf32, #tpu.memory_space<vmem>>, vector<1x16xf32>,
          %mul3A_303 = arith.constant 8 : i32
          %mul3A_304 = arith.muli %scan3A_114, %mul3A_303 : i32
          %add3A_305 = arith.constant 2 : i32
          %add3A_306 = arith.addi %mul3A_304, %add3A_305 : i32
          %get3A_307 = arith.index_cast %add3A_306 : i32 to index
          %get3A_308 = arith.constant 0 : index
          %get3A_309 = tpu.vector_load %arg10[%get3A_307, %get3A_308] {strides = array<i32>} : memref<128x64xi32, #tpu.memory_space<vmem>>, vector<1x16xi32>,
          %get3A_310 = vector.shape_cast %get3A_309 : vector<1x16xi32> to vector<16xi32>
          %get3A_311 = arith.index_cast %add3A_306 : i32 to index
          %get3A_312 = arith.constant 0 : index
          %get3A_313 = tpu.vector_load %arg11[%get3A_311, %get3A_312] {strides = array<i32>} : memref<128x64xi32, #tpu.memory_space<vmem>>, vector<1x16xi32>,
          %get3A_314 = vector.shape_cast %get3A_313 : vector<1x16xi32> to vector<16xi32>
          %shift_left3A_315 = arith.constant 16 : i32
          %shift_left3A_316 = vector.broadcast %shift_left3A_315 : i32 to vector<16xi32>
          %shift_left3A_317 = arith.shli %get3A_310, %shift_left3A_316 : vector<16xi32>
          %bitcast_convert_type3A_318 = tpu.bitcast %shift_left3A_317 : vector<16xi32> -> vector<16xf32>
          %bitcast_convert_type3A_319 = tpu.bitcast %get3A_310 : vector<16xi32> -> vector<16xf32>
          %shift_left3A_320 = arith.constant 16 : i32
          %shift_left3A_321 = vector.broadcast %shift_left3A_320 : i32 to vector<16xi32>
          %shift_left3A_322 = arith.shli %get3A_314, %shift_left3A_321 : vector<16xi32>
          %bitcast_convert_type3A_323 = tpu.bitcast %shift_left3A_322 : vector<16xi32> -> vector<16xf32>
          %bitcast_convert_type3A_324 = tpu.bitcast %get3A_314 : vector<16xi32> -> vector<16xf32>
          %mul3A_325 = arith.mulf %bitcast_convert_type3A_318, %bitcast_convert_type3A_323 : vector<16xf32>
          %mul3A_326 = arith.mulf %bitcast_convert_type3A_319, %bitcast_convert_type3A_324 : vector<16xf32>
          %add3A_327 = arith.addf %mul3A_325, %mul3A_326 : vector<16xf32>
          %get3A_328 = arith.index_cast %add3A_306 : i32 to index
          %get3A_329 = arith.constant 16 : index
          %get3A_330 = tpu.vector_load %arg10[%get3A_328, %get3A_329] {strides = array<i32>} : memref<128x64xi32, #tpu.memory_space<vmem>>, vector<1x16xi32>,
          %get3A_331 = vector.shape_cast %get3A_330 : vector<1x16xi32> to vector<16xi32>
          %get3A_332 = arith.index_cast %add3A_306 : i32 to index
          %get3A_333 = arith.constant 16 : index
          %get3A_334 = tpu.vector_load %arg11[%get3A_332, %get3A_333] {strides = array<i32>} : memref<128x64xi32, #tpu.memory_space<vmem>>, vector<1x16xi32>,
          %get3A_335 = vector.shape_cast %get3A_334 : vector<1x16xi32> to vector<16xi32>
          %shift_left3A_336 = arith.constant 16 : i32
          %shift_left3A_337 = vector.broadcast %shift_left3A_336 : i32 to vector<16xi32>
          %shift_left3A_338 = arith.shli %get3A_331, %shift_left3A_337 : vector<16xi32>
          %bitcast_convert_type3A_339 = tpu.bitcast %shift_left3A_338 : vector<16xi32> -> vector<16xf32>
          %bitcast_convert_type3A_340 = tpu.bitcast %get3A_331 : vector<16xi32> -> vector<16xf32>
          %shift_left3A_341 = arith.constant 16 : i32
          %shift_left3A_342 = vector.broadcast %shift_left3A_341 : i32 to vector<16xi32>
          %shift_left3A_343 = arith.shli %get3A_335, %shift_left3A_342 : vector<16xi32>
          %bitcast_convert_type3A_344 = tpu.bitcast %shift_left3A_343 : vector<16xi32> -> vector<16xf32>
          %bitcast_convert_type3A_345 = tpu.bitcast %get3A_335 : vector<16xi32> -> vector<16xf32>
          %mul3A_346 = arith.mulf %bitcast_convert_type3A_339, %bitcast_convert_type3A_344 : vector<16xf32>
          %mul3A_347 = arith.mulf %bitcast_convert_type3A_340, %bitcast_convert_type3A_345 : vector<16xf32>
          %add3A_348 = arith.addf %mul3A_346, %mul3A_347 : vector<16xf32>
          %add3A_349 = arith.addf %add3A_327, %add3A_348 : vector<16xf32>
          %get3A_350 = arith.index_cast %add3A_306 : i32 to index
          %get3A_351 = arith.constant 32 : index
          %get3A_352 = tpu.vector_load %arg10[%get3A_350, %get3A_351] {strides = array<i32>} : memref<128x64xi32, #tpu.memory_space<vmem>>, vector<1x16xi32>,
          %get3A_353 = vector.shape_cast %get3A_352 : vector<1x16xi32> to vector<16xi32>
          %get3A_354 = arith.index_cast %add3A_306 : i32 to index
          %get3A_355 = arith.constant 32 : index
          %get3A_356 = tpu.vector_load %arg11[%get3A_354, %get3A_355] {strides = array<i32>} : memref<128x64xi32, #tpu.memory_space<vmem>>, vector<1x16xi32>,
          %get3A_357 = vector.shape_cast %get3A_356 : vector<1x16xi32> to vector<16xi32>
          %shift_left3A_358 = arith.constant 16 : i32
          %shift_left3A_359 = vector.broadcast %shift_left3A_358 : i32 to vector<16xi32>
          %shift_left3A_360 = arith.shli %get3A_353, %shift_left3A_359 : vector<16xi32>
          %bitcast_convert_type3A_361 = tpu.bitcast %shift_left3A_360 : vector<16xi32> -> vector<16xf32>
          %bitcast_convert_type3A_362 = tpu.bitcast %get3A_353 : vector<16xi32> -> vector<16xf32>
          %shift_left3A_363 = arith.constant 16 : i32
          %shift_left3A_364 = vector.broadcast %shift_left3A_363 : i32 to vector<16xi32>
          %shift_left3A_365 = arith.shli %get3A_357, %shift_left3A_364 : vector<16xi32>
          %bitcast_convert_type3A_366 = tpu.bitcast %shift_left3A_365 : vector<16xi32> -> vector<16xf32>
          %bitcast_convert_type3A_367 = tpu.bitcast %get3A_357 : vector<16xi32> -> vector<16xf32>
          %mul3A_368 = arith.mulf %bitcast_convert_type3A_361, %bitcast_convert_type3A_366 : vector<16xf32>
          %mul3A_369 = arith.mulf %bitcast_convert_type3A_362, %bitcast_convert_type3A_367 : vector<16xf32>
          %add3A_370 = arith.addf %mul3A_368, %mul3A_369 : vector<16xf32>
          %add3A_371 = arith.addf %add3A_349, %add3A_370 : vector<16xf32>
          %get3A_372 = arith.index_cast %add3A_306 : i32 to index
          %get3A_373 = arith.constant 48 : index
          %get3A_374 = tpu.vector_load %arg10[%get3A_372, %get3A_373] {strides = array<i32>} : memref<128x64xi32, #tpu.memory_space<vmem>>, vector<1x16xi32>,
          %get3A_375 = vector.shape_cast %get3A_374 : vector<1x16xi32> to vector<16xi32>
          %get3A_376 = arith.index_cast %add3A_306 : i32 to index
          %get3A_377 = arith.constant 48 : index
          %get3A_378 = tpu.vector_load %arg11[%get3A_376, %get3A_377] {strides = array<i32>} : memref<128x64xi32, #tpu.memory_space<vmem>>, vector<1x16xi32>,
          %get3A_379 = vector.shape_cast %get3A_378 : vector<1x16xi32> to vector<16xi32>
          %shift_left3A_380 = arith.constant 16 : i32
          %shift_left3A_381 = vector.broadcast %shift_left3A_380 : i32 to vector<16xi32>
          %shift_left3A_382 = arith.shli %get3A_375, %shift_left3A_381 : vector<16xi32>
          %bitcast_convert_type3A_383 = tpu.bitcast %shift_left3A_382 : vector<16xi32> -> vector<16xf32>
          %bitcast_convert_type3A_384 = tpu.bitcast %get3A_375 : vector<16xi32> -> vector<16xf32>
          %shift_left3A_385 = arith.constant 16 : i32
          %shift_left3A_386 = vector.broadcast %shift_left3A_385 : i32 to vector<16xi32>
          %shift_left3A_387 = arith.shli %get3A_379, %shift_left3A_386 : vector<16xi32>
          %bitcast_convert_type3A_388 = tpu.bitcast %shift_left3A_387 : vector<16xi32> -> vector<16xf32>
          %bitcast_convert_type3A_389 = tpu.bitcast %get3A_379 : vector<16xi32> -> vector<16xf32>
          %mul3A_390 = arith.mulf %bitcast_convert_type3A_383, %bitcast_convert_type3A_388 : vector<16xf32>
          %mul3A_391 = arith.mulf %bitcast_convert_type3A_384, %bitcast_convert_type3A_389 : vector<16xf32>
          %add3A_392 = arith.addf %mul3A_390, %mul3A_391 : vector<16xf32>
          %add3A_393 = arith.addf %add3A_371, %add3A_392 : vector<16xf32>
          %swap3A_394 = arith.index_cast %scan3A_114 : i32 to index
          %swap3A_395 = arith.constant 32 : index
          %swap3A_396 = tpu.vector_load %arg14[%swap3A_394, %swap3A_395] {strides = array<i32>} : memref<16x128xf32, #tpu.memory_space<vmem>>, vector<1x16xf32>,
          %swap3A_397 = vector.shape_cast %swap3A_396 : vector<1x16xf32> to vector<16xf32>
          %swap3A_398 = vector.shape_cast %add3A_393 : vector<16xf32> to vector<1x16xf32>
          tpu.vector_store %arg14[%swap3A_394, %swap3A_395], %swap3A_398 {strides = array<i32>} : memref<16x128xf32, #tpu.memory_space<vmem>>, vector<1x16xf32>,
          %mul3A_399 = arith.constant 8 : i32
          %mul3A_400 = arith.muli %scan3A_114, %mul3A_399 : i32
          %add3A_401 = arith.constant 3 : i32
          %add3A_402 = arith.addi %mul3A_400, %add3A_401 : i32
          %get3A_403 = arith.index_cast %add3A_402 : i32 to index
          %get3A_404 = arith.constant 0 : index
          %get3A_405 = tpu.vector_load %arg10[%get3A_403, %get3A_404] {strides = array<i32>} : memref<128x64xi32, #tpu.memory_space<vmem>>, vector<1x16xi32>,
          %get3A_406 = vector.shape_cast %get3A_405 : vector<1x16xi32> to vector<16xi32>
          %get3A_407 = arith.index_cast %add3A_402 : i32 to index
          %get3A_408 = arith.constant 0 : index
          %get3A_409 = tpu.vector_load %arg11[%get3A_407, %get3A_408] {strides = array<i32>} : memref<128x64xi32, #tpu.memory_space<vmem>>, vector<1x16xi32>,
          %get3A_410 = vector.shape_cast %get3A_409 : vector<1x16xi32> to vector<16xi32>
          %shift_left3A_411 = arith.constant 16 : i32
          %shift_left3A_412 = vector.broadcast %shift_left3A_411 : i32 to vector<16xi32>
          %shift_left3A_413 = arith.shli %get3A_406, %shift_left3A_412 : vector<16xi32>
          %bitcast_convert_type3A_414 = tpu.bitcast %shift_left3A_413 : vector<16xi32> -> vector<16xf32>
          %bitcast_convert_type3A_415 = tpu.bitcast %get3A_406 : vector<16xi32> -> vector<16xf32>
          %shift_left3A_416 = arith.constant 16 : i32
          %shift_left3A_417 = vector.broadcast %shift_left3A_416 : i32 to vector<16xi32>
          %shift_left3A_418 = arith.shli %get3A_410, %shift_left3A_417 : vector<16xi32>
          %bitcast_convert_type3A_419 = tpu.bitcast %shift_left3A_418 : vector<16xi32> -> vector<16xf32>
          %bitcast_convert_type3A_420 = tpu.bitcast %get3A_410 : vector<16xi32> -> vector<16xf32>
          %mul3A_421 = arith.mulf %bitcast_convert_type3A_414, %bitcast_convert_type3A_419 : vector<16xf32>
          %mul3A_422 = arith.mulf %bitcast_convert_type3A_415, %bitcast_convert_type3A_420 : vector<16xf32>
          %add3A_423 = arith.addf %mul3A_421, %mul3A_422 : vector<16xf32>
          %get3A_424 = arith.index_cast %add3A_402 : i32 to index
          %get3A_425 = arith.constant 16 : index
          %get3A_426 = tpu.vector_load %arg10[%get3A_424, %get3A_425] {strides = array<i32>} : memref<128x64xi32, #tpu.memory_space<vmem>>, vector<1x16xi32>,
          %get3A_427 = vector.shape_cast %get3A_426 : vector<1x16xi32> to vector<16xi32>
          %get3A_428 = arith.index_cast %add3A_402 : i32 to index
          %get3A_429 = arith.constant 16 : index
          %get3A_430 = tpu.vector_load %arg11[%get3A_428, %get3A_429] {strides = array<i32>} : memref<128x64xi32, #tpu.memory_space<vmem>>, vector<1x16xi32>,
          %get3A_431 = vector.shape_cast %get3A_430 : vector<1x16xi32> to vector<16xi32>
          %shift_left3A_432 = arith.constant 16 : i32
          %shift_left3A_433 = vector.broadcast %shift_left3A_432 : i32 to vector<16xi32>
          %shift_left3A_434 = arith.shli %get3A_427, %shift_left3A_433 : vector<16xi32>
          %bitcast_convert_type3A_435 = tpu.bitcast %shift_left3A_434 : vector<16xi32> -> vector<16xf32>
          %bitcast_convert_type3A_436 = tpu.bitcast %get3A_427 : vector<16xi32> -> vector<16xf32>
          %shift_left3A_437 = arith.constant 16 : i32
          %shift_left3A_438 = vector.broadcast %shift_left3A_437 : i32 to vector<16xi32>
          %shift_left3A_439 = arith.shli %get3A_431, %shift_left3A_438 : vector<16xi32>
          %bitcast_convert_type3A_440 = tpu.bitcast %shift_left3A_439 : vector<16xi32> -> vector<16xf32>
          %bitcast_convert_type3A_441 = tpu.bitcast %get3A_431 : vector<16xi32> -> vector<16xf32>
          %mul3A_442 = arith.mulf %bitcast_convert_type3A_435, %bitcast_convert_type3A_440 : vector<16xf32>
          %mul3A_443 = arith.mulf %bitcast_convert_type3A_436, %bitcast_convert_type3A_441 : vector<16xf32>
          %add3A_444 = arith.addf %mul3A_442, %mul3A_443 : vector<16xf32>
          %add3A_445 = arith.addf %add3A_423, %add3A_444 : vector<16xf32>
          %get3A_446 = arith.index_cast %add3A_402 : i32 to index
          %get3A_447 = arith.constant 32 : index
          %get3A_448 = tpu.vector_load %arg10[%get3A_446, %get3A_447] {strides = array<i32>} : memref<128x64xi32, #tpu.memory_space<vmem>>, vector<1x16xi32>,
          %get3A_449 = vector.shape_cast %get3A_448 : vector<1x16xi32> to vector<16xi32>
          %get3A_450 = arith.index_cast %add3A_402 : i32 to index
          %get3A_451 = arith.constant 32 : index
          %get3A_452 = tpu.vector_load %arg11[%get3A_450, %get3A_451] {strides = array<i32>} : memref<128x64xi32, #tpu.memory_space<vmem>>, vector<1x16xi32>,
          %get3A_453 = vector.shape_cast %get3A_452 : vector<1x16xi32> to vector<16xi32>
          %shift_left3A_454 = arith.constant 16 : i32
          %shift_left3A_455 = vector.broadcast %shift_left3A_454 : i32 to vector<16xi32>
          %shift_left3A_456 = arith.shli %get3A_449, %shift_left3A_455 : vector<16xi32>
          %bitcast_convert_type3A_457 = tpu.bitcast %shift_left3A_456 : vector<16xi32> -> vector<16xf32>
          %bitcast_convert_type3A_458 = tpu.bitcast %get3A_449 : vector<16xi32> -> vector<16xf32>
          %shift_left3A_459 = arith.constant 16 : i32
          %shift_left3A_460 = vector.broadcast %shift_left3A_459 : i32 to vector<16xi32>
          %shift_left3A_461 = arith.shli %get3A_453, %shift_left3A_460 : vector<16xi32>
          %bitcast_convert_type3A_462 = tpu.bitcast %shift_left3A_461 : vector<16xi32> -> vector<16xf32>
          %bitcast_convert_type3A_463 = tpu.bitcast %get3A_453 : vector<16xi32> -> vector<16xf32>
          %mul3A_464 = arith.mulf %bitcast_convert_type3A_457, %bitcast_convert_type3A_462 : vector<16xf32>
          %mul3A_465 = arith.mulf %bitcast_convert_type3A_458, %bitcast_convert_type3A_463 : vector<16xf32>
          %add3A_466 = arith.addf %mul3A_464, %mul3A_465 : vector<16xf32>
          %add3A_467 = arith.addf %add3A_445, %add3A_466 : vector<16xf32>
          %get3A_468 = arith.index_cast %add3A_402 : i32 to index
          %get3A_469 = arith.constant 48 : index
          %get3A_470 = tpu.vector_load %arg10[%get3A_468, %get3A_469] {strides = array<i32>} : memref<128x64xi32, #tpu.memory_space<vmem>>, vector<1x16xi32>,
          %get3A_471 = vector.shape_cast %get3A_470 : vector<1x16xi32> to vector<16xi32>
          %get3A_472 = arith.index_cast %add3A_402 : i32 to index
          %get3A_473 = arith.constant 48 : index
          %get3A_474 = tpu.vector_load %arg11[%get3A_472, %get3A_473] {strides = array<i32>} : memref<128x64xi32, #tpu.memory_space<vmem>>, vector<1x16xi32>,
          %get3A_475 = vector.shape_cast %get3A_474 : vector<1x16xi32> to vector<16xi32>
          %shift_left3A_476 = arith.constant 16 : i32
          %shift_left3A_477 = vector.broadcast %shift_left3A_476 : i32 to vector<16xi32>
          %shift_left3A_478 = arith.shli %get3A_471, %shift_left3A_477 : vector<16xi32>
          %bitcast_convert_type3A_479 = tpu.bitcast %shift_left3A_478 : vector<16xi32> -> vector<16xf32>
          %bitcast_convert_type3A_480 = tpu.bitcast %get3A_471 : vector<16xi32> -> vector<16xf32>
          %shift_left3A_481 = arith.constant 16 : i32
          %shift_left3A_482 = vector.broadcast %shift_left3A_481 : i32 to vector<16xi32>
          %shift_left3A_483 = arith.shli %get3A_475, %shift_left3A_482 : vector<16xi32>
          %bitcast_convert_type3A_484 = tpu.bitcast %shift_left3A_483 : vector<16xi32> -> vector<16xf32>
          %bitcast_convert_type3A_485 = tpu.bitcast %get3A_475 : vector<16xi32> -> vector<16xf32>
          %mul3A_486 = arith.mulf %bitcast_convert_type3A_479, %bitcast_convert_type3A_484 : vector<16xf32>
          %mul3A_487 = arith.mulf %bitcast_convert_type3A_480, %bitcast_convert_type3A_485 : vector<16xf32>
          %add3A_488 = arith.addf %mul3A_486, %mul3A_487 : vector<16xf32>
          %add3A_489 = arith.addf %add3A_467, %add3A_488 : vector<16xf32>
          %swap3A_490 = arith.index_cast %scan3A_114 : i32 to index
          %swap3A_491 = arith.constant 48 : index
          %swap3A_492 = tpu.vector_load %arg14[%swap3A_490, %swap3A_491] {strides = array<i32>} : memref<16x128xf32, #tpu.memory_space<vmem>>, vector<1x16xf32>,
          %swap3A_493 = vector.shape_cast %swap3A_492 : vector<1x16xf32> to vector<16xf32>
          %swap3A_494 = vector.shape_cast %add3A_489 : vector<16xf32> to vector<1x16xf32>
          tpu.vector_store %arg14[%swap3A_490, %swap3A_491], %swap3A_494 {strides = array<i32>} : memref<16x128xf32, #tpu.memory_space<vmem>>, vector<1x16xf32>,
          %mul3A_495 = arith.constant 8 : i32
          %mul3A_496 = arith.muli %scan3A_114, %mul3A_495 : i32
          %add3A_497 = arith.constant 4 : i32
          %add3A_498 = arith.addi %mul3A_496, %add3A_497 : i32
          %get3A_499 = arith.index_cast %add3A_498 : i32 to index
          %get3A_500 = arith.constant 0 : index
          %get3A_501 = tpu.vector_load %arg10[%get3A_499, %get3A_500] {strides = array<i32>} : memref<128x64xi32, #tpu.memory_space<vmem>>, vector<1x16xi32>,
          %get3A_502 = vector.shape_cast %get3A_501 : vector<1x16xi32> to vector<16xi32>
          %get3A_503 = arith.index_cast %add3A_498 : i32 to index
          %get3A_504 = arith.constant 0 : index
          %get3A_505 = tpu.vector_load %arg11[%get3A_503, %get3A_504] {strides = array<i32>} : memref<128x64xi32, #tpu.memory_space<vmem>>, vector<1x16xi32>,
          %get3A_506 = vector.shape_cast %get3A_505 : vector<1x16xi32> to vector<16xi32>
          %shift_left3A_507 = arith.constant 16 : i32
          %shift_left3A_508 = vector.broadcast %shift_left3A_507 : i32 to vector<16xi32>
          %shift_left3A_509 = arith.shli %get3A_502, %shift_left3A_508 : vector<16xi32>
          %bitcast_convert_type3A_510 = tpu.bitcast %shift_left3A_509 : vector<16xi32> -> vector<16xf32>
          %bitcast_convert_type3A_511 = tpu.bitcast %get3A_502 : vector<16xi32> -> vector<16xf32>
          %shift_left3A_512 = arith.constant 16 : i32
          %shift_left3A_513 = vector.broadcast %shift_left3A_512 : i32 to vector<16xi32>
          %shift_left3A_514 = arith.shli %get3A_506, %shift_left3A_513 : vector<16xi32>
          %bitcast_convert_type3A_515 = tpu.bitcast %shift_left3A_514 : vector<16xi32> -> vector<16xf32>
          %bitcast_convert_type3A_516 = tpu.bitcast %get3A_506 : vector<16xi32> -> vector<16xf32>
          %mul3A_517 = arith.mulf %bitcast_convert_type3A_510, %bitcast_convert_type3A_515 : vector<16xf32>
          %mul3A_518 = arith.mulf %bitcast_convert_type3A_511, %bitcast_convert_type3A_516 : vector<16xf32>
          %add3A_519 = arith.addf %mul3A_517, %mul3A_518 : vector<16xf32>
          %get3A_520 = arith.index_cast %add3A_498 : i32 to index
          %get3A_521 = arith.constant 16 : index
          %get3A_522 = tpu.vector_load %arg10[%get3A_520, %get3A_521] {strides = array<i32>} : memref<128x64xi32, #tpu.memory_space<vmem>>, vector<1x16xi32>,
          %get3A_523 = vector.shape_cast %get3A_522 : vector<1x16xi32> to vector<16xi32>
          %get3A_524 = arith.index_cast %add3A_498 : i32 to index
          %get3A_525 = arith.constant 16 : index
          %get3A_526 = tpu.vector_load %arg11[%get3A_524, %get3A_525] {strides = array<i32>} : memref<128x64xi32, #tpu.memory_space<vmem>>, vector<1x16xi32>,
          %get3A_527 = vector.shape_cast %get3A_526 : vector<1x16xi32> to vector<16xi32>
          %shift_left3A_528 = arith.constant 16 : i32
          %shift_left3A_529 = vector.broadcast %shift_left3A_528 : i32 to vector<16xi32>
          %shift_left3A_530 = arith.shli %get3A_523, %shift_left3A_529 : vector<16xi32>
          %bitcast_convert_type3A_531 = tpu.bitcast %shift_left3A_530 : vector<16xi32> -> vector<16xf32>
          %bitcast_convert_type3A_532 = tpu.bitcast %get3A_523 : vector<16xi32> -> vector<16xf32>
          %shift_left3A_533 = arith.constant 16 : i32
          %shift_left3A_534 = vector.broadcast %shift_left3A_533 : i32 to vector<16xi32>
          %shift_left3A_535 = arith.shli %get3A_527, %shift_left3A_534 : vector<16xi32>
          %bitcast_convert_type3A_536 = tpu.bitcast %shift_left3A_535 : vector<16xi32> -> vector<16xf32>
          %bitcast_convert_type3A_537 = tpu.bitcast %get3A_527 : vector<16xi32> -> vector<16xf32>
          %mul3A_538 = arith.mulf %bitcast_convert_type3A_531, %bitcast_convert_type3A_536 : vector<16xf32>
          %mul3A_539 = arith.mulf %bitcast_convert_type3A_532, %bitcast_convert_type3A_537 : vector<16xf32>
          %add3A_540 = arith.addf %mul3A_538, %mul3A_539 : vector<16xf32>
          %add3A_541 = arith.addf %add3A_519, %add3A_540 : vector<16xf32>
          %get3A_542 = arith.index_cast %add3A_498 : i32 to index
          %get3A_543 = arith.constant 32 : index
          %get3A_544 = tpu.vector_load %arg10[%get3A_542, %get3A_543] {strides = array<i32>} : memref<128x64xi32, #tpu.memory_space<vmem>>, vector<1x16xi32>,
          %get3A_545 = vector.shape_cast %get3A_544 : vector<1x16xi32> to vector<16xi32>
          %get3A_546 = arith.index_cast %add3A_498 : i32 to index
          %get3A_547 = arith.constant 32 : index
          %get3A_548 = tpu.vector_load %arg11[%get3A_546, %get3A_547] {strides = array<i32>} : memref<128x64xi32, #tpu.memory_space<vmem>>, vector<1x16xi32>,
          %get3A_549 = vector.shape_cast %get3A_548 : vector<1x16xi32> to vector<16xi32>
          %shift_left3A_550 = arith.constant 16 : i32
          %shift_left3A_551 = vector.broadcast %shift_left3A_550 : i32 to vector<16xi32>
          %shift_left3A_552 = arith.shli %get3A_545, %shift_left3A_551 : vector<16xi32>
          %bitcast_convert_type3A_553 = tpu.bitcast %shift_left3A_552 : vector<16xi32> -> vector<16xf32>
          %bitcast_convert_type3A_554 = tpu.bitcast %get3A_545 : vector<16xi32> -> vector<16xf32>
          %shift_left3A_555 = arith.constant 16 : i32
          %shift_left3A_556 = vector.broadcast %shift_left3A_555 : i32 to vector<16xi32>
          %shift_left3A_557 = arith.shli %get3A_549, %shift_left3A_556 : vector<16xi32>
          %bitcast_convert_type3A_558 = tpu.bitcast %shift_left3A_557 : vector<16xi32> -> vector<16xf32>
          %bitcast_convert_type3A_559 = tpu.bitcast %get3A_549 : vector<16xi32> -> vector<16xf32>
          %mul3A_560 = arith.mulf %bitcast_convert_type3A_553, %bitcast_convert_type3A_558 : vector<16xf32>
          %mul3A_561 = arith.mulf %bitcast_convert_type3A_554, %bitcast_convert_type3A_559 : vector<16xf32>
          %add3A_562 = arith.addf %mul3A_560, %mul3A_561 : vector<16xf32>
          %add3A_563 = arith.addf %add3A_541, %add3A_562 : vector<16xf32>
          %get3A_564 = arith.index_cast %add3A_498 : i32 to index
          %get3A_565 = arith.constant 48 : index
          %get3A_566 = tpu.vector_load %arg10[%get3A_564, %get3A_565] {strides = array<i32>} : memref<128x64xi32, #tpu.memory_space<vmem>>, vector<1x16xi32>,
          %get3A_567 = vector.shape_cast %get3A_566 : vector<1x16xi32> to vector<16xi32>
          %get3A_568 = arith.index_cast %add3A_498 : i32 to index
          %get3A_569 = arith.constant 48 : index
          %get3A_570 = tpu.vector_load %arg11[%get3A_568, %get3A_569] {strides = array<i32>} : memref<128x64xi32, #tpu.memory_space<vmem>>, vector<1x16xi32>,
          %get3A_571 = vector.shape_cast %get3A_570 : vector<1x16xi32> to vector<16xi32>
          %shift_left3A_572 = arith.constant 16 : i32
          %shift_left3A_573 = vector.broadcast %shift_left3A_572 : i32 to vector<16xi32>
          %shift_left3A_574 = arith.shli %get3A_567, %shift_left3A_573 : vector<16xi32>
          %bitcast_convert_type3A_575 = tpu.bitcast %shift_left3A_574 : vector<16xi32> -> vector<16xf32>
          %bitcast_convert_type3A_576 = tpu.bitcast %get3A_567 : vector<16xi32> -> vector<16xf32>
          %shift_left3A_577 = arith.constant 16 : i32
          %shift_left3A_578 = vector.broadcast %shift_left3A_577 : i32 to vector<16xi32>
          %shift_left3A_579 = arith.shli %get3A_571, %shift_left3A_578 : vector<16xi32>
          %bitcast_convert_type3A_580 = tpu.bitcast %shift_left3A_579 : vector<16xi32> -> vector<16xf32>
          %bitcast_convert_type3A_581 = tpu.bitcast %get3A_571 : vector<16xi32> -> vector<16xf32>
          %mul3A_582 = arith.mulf %bitcast_convert_type3A_575, %bitcast_convert_type3A_580 : vector<16xf32>
          %mul3A_583 = arith.mulf %bitcast_convert_type3A_576, %bitcast_convert_type3A_581 : vector<16xf32>
          %add3A_584 = arith.addf %mul3A_582, %mul3A_583 : vector<16xf32>
          %add3A_585 = arith.addf %add3A_563, %add3A_584 : vector<16xf32>
          %swap3A_586 = arith.index_cast %scan3A_114 : i32 to index
          %swap3A_587 = arith.constant 64 : index
          %swap3A_588 = tpu.vector_load %arg14[%swap3A_586, %swap3A_587] {strides = array<i32>} : memref<16x128xf32, #tpu.memory_space<vmem>>, vector<1x16xf32>,
          %swap3A_589 = vector.shape_cast %swap3A_588 : vector<1x16xf32> to vector<16xf32>
          %swap3A_590 = vector.shape_cast %add3A_585 : vector<16xf32> to vector<1x16xf32>
          tpu.vector_store %arg14[%swap3A_586, %swap3A_587], %swap3A_590 {strides = array<i32>} : memref<16x128xf32, #tpu.memory_space<vmem>>, vector<1x16xf32>,
          %mul3A_591 = arith.constant 8 : i32
          %mul3A_592 = arith.muli %scan3A_114, %mul3A_591 : i32
          %add3A_593 = arith.constant 5 : i32
          %add3A_594 = arith.addi %mul3A_592, %add3A_593 : i32
          %get3A_595 = arith.index_cast %add3A_594 : i32 to index
          %get3A_596 = arith.constant 0 : index
          %get3A_597 = tpu.vector_load %arg10[%get3A_595, %get3A_596] {strides = array<i32>} : memref<128x64xi32, #tpu.memory_space<vmem>>, vector<1x16xi32>,
          %get3A_598 = vector.shape_cast %get3A_597 : vector<1x16xi32> to vector<16xi32>
          %get3A_599 = arith.index_cast %add3A_594 : i32 to index
          %get3A_600 = arith.constant 0 : index
          %get3A_601 = tpu.vector_load %arg11[%get3A_599, %get3A_600] {strides = array<i32>} : memref<128x64xi32, #tpu.memory_space<vmem>>, vector<1x16xi32>,
          %get3A_602 = vector.shape_cast %get3A_601 : vector<1x16xi32> to vector<16xi32>
          %shift_left3A_603 = arith.constant 16 : i32
          %shift_left3A_604 = vector.broadcast %shift_left3A_603 : i32 to vector<16xi32>
          %shift_left3A_605 = arith.shli %get3A_598, %shift_left3A_604 : vector<16xi32>
          %bitcast_convert_type3A_606 = tpu.bitcast %shift_left3A_605 : vector<16xi32> -> vector<16xf32>
          %bitcast_convert_type3A_607 = tpu.bitcast %get3A_598 : vector<16xi32> -> vector<16xf32>
          %shift_left3A_608 = arith.constant 16 : i32
          %shift_left3A_609 = vector.broadcast %shift_left3A_608 : i32 to vector<16xi32>
          %shift_left3A_610 = arith.shli %get3A_602, %shift_left3A_609 : vector<16xi32>
          %bitcast_convert_type3A_611 = tpu.bitcast %shift_left3A_610 : vector<16xi32> -> vector<16xf32>
          %bitcast_convert_type3A_612 = tpu.bitcast %get3A_602 : vector<16xi32> -> vector<16xf32>
          %mul3A_613 = arith.mulf %bitcast_convert_type3A_606, %bitcast_convert_type3A_611 : vector<16xf32>
          %mul3A_614 = arith.mulf %bitcast_convert_type3A_607, %bitcast_convert_type3A_612 : vector<16xf32>
          %add3A_615 = arith.addf %mul3A_613, %mul3A_614 : vector<16xf32>
          %get3A_616 = arith.index_cast %add3A_594 : i32 to index
          %get3A_617 = arith.constant 16 : index
          %get3A_618 = tpu.vector_load %arg10[%get3A_616, %get3A_617] {strides = array<i32>} : memref<128x64xi32, #tpu.memory_space<vmem>>, vector<1x16xi32>,
          %get3A_619 = vector.shape_cast %get3A_618 : vector<1x16xi32> to vector<16xi32>
          %get3A_620 = arith.index_cast %add3A_594 : i32 to index
          %get3A_621 = arith.constant 16 : index
          %get3A_622 = tpu.vector_load %arg11[%get3A_620, %get3A_621] {strides = array<i32>} : memref<128x64xi32, #tpu.memory_space<vmem>>, vector<1x16xi32>,
          %get3A_623 = vector.shape_cast %get3A_622 : vector<1x16xi32> to vector<16xi32>
          %shift_left3A_624 = arith.constant 16 : i32
          %shift_left3A_625 = vector.broadcast %shift_left3A_624 : i32 to vector<16xi32>
          %shift_left3A_626 = arith.shli %get3A_619, %shift_left3A_625 : vector<16xi32>
          %bitcast_convert_type3A_627 = tpu.bitcast %shift_left3A_626 : vector<16xi32> -> vector<16xf32>
          %bitcast_convert_type3A_628 = tpu.bitcast %get3A_619 : vector<16xi32> -> vector<16xf32>
          %shift_left3A_629 = arith.constant 16 : i32
          %shift_left3A_630 = vector.broadcast %shift_left3A_629 : i32 to vector<16xi32>
          %shift_left3A_631 = arith.shli %get3A_623, %shift_left3A_630 : vector<16xi32>
          %bitcast_convert_type3A_632 = tpu.bitcast %shift_left3A_631 : vector<16xi32> -> vector<16xf32>
          %bitcast_convert_type3A_633 = tpu.bitcast %get3A_623 : vector<16xi32> -> vector<16xf32>
          %mul3A_634 = arith.mulf %bitcast_convert_type3A_627, %bitcast_convert_type3A_632 : vector<16xf32>
          %mul3A_635 = arith.mulf %bitcast_convert_type3A_628, %bitcast_convert_type3A_633 : vector<16xf32>
          %add3A_636 = arith.addf %mul3A_634, %mul3A_635 : vector<16xf32>
          %add3A_637 = arith.addf %add3A_615, %add3A_636 : vector<16xf32>
          %get3A_638 = arith.index_cast %add3A_594 : i32 to index
          %get3A_639 = arith.constant 32 : index
          %get3A_640 = tpu.vector_load %arg10[%get3A_638, %get3A_639] {strides = array<i32>} : memref<128x64xi32, #tpu.memory_space<vmem>>, vector<1x16xi32>,
          %get3A_641 = vector.shape_cast %get3A_640 : vector<1x16xi32> to vector<16xi32>
          %get3A_642 = arith.index_cast %add3A_594 : i32 to index
          %get3A_643 = arith.constant 32 : index
          %get3A_644 = tpu.vector_load %arg11[%get3A_642, %get3A_643] {strides = array<i32>} : memref<128x64xi32, #tpu.memory_space<vmem>>, vector<1x16xi32>,
          %get3A_645 = vector.shape_cast %get3A_644 : vector<1x16xi32> to vector<16xi32>
          %shift_left3A_646 = arith.constant 16 : i32
          %shift_left3A_647 = vector.broadcast %shift_left3A_646 : i32 to vector<16xi32>
          %shift_left3A_648 = arith.shli %get3A_641, %shift_left3A_647 : vector<16xi32>
          %bitcast_convert_type3A_649 = tpu.bitcast %shift_left3A_648 : vector<16xi32> -> vector<16xf32>
          %bitcast_convert_type3A_650 = tpu.bitcast %get3A_641 : vector<16xi32> -> vector<16xf32>
          %shift_left3A_651 = arith.constant 16 : i32
          %shift_left3A_652 = vector.broadcast %shift_left3A_651 : i32 to vector<16xi32>
          %shift_left3A_653 = arith.shli %get3A_645, %shift_left3A_652 : vector<16xi32>
          %bitcast_convert_type3A_654 = tpu.bitcast %shift_left3A_653 : vector<16xi32> -> vector<16xf32>
          %bitcast_convert_type3A_655 = tpu.bitcast %get3A_645 : vector<16xi32> -> vector<16xf32>
          %mul3A_656 = arith.mulf %bitcast_convert_type3A_649, %bitcast_convert_type3A_654 : vector<16xf32>
          %mul3A_657 = arith.mulf %bitcast_convert_type3A_650, %bitcast_convert_type3A_655 : vector<16xf32>
          %add3A_658 = arith.addf %mul3A_656, %mul3A_657 : vector<16xf32>
          %add3A_659 = arith.addf %add3A_637, %add3A_658 : vector<16xf32>
          %get3A_660 = arith.index_cast %add3A_594 : i32 to index
          %get3A_661 = arith.constant 48 : index
          %get3A_662 = tpu.vector_load %arg10[%get3A_660, %get3A_661] {strides = array<i32>} : memref<128x64xi32, #tpu.memory_space<vmem>>, vector<1x16xi32>,
          %get3A_663 = vector.shape_cast %get3A_662 : vector<1x16xi32> to vector<16xi32>
          %get3A_664 = arith.index_cast %add3A_594 : i32 to index
          %get3A_665 = arith.constant 48 : index
          %get3A_666 = tpu.vector_load %arg11[%get3A_664, %get3A_665] {strides = array<i32>} : memref<128x64xi32, #tpu.memory_space<vmem>>, vector<1x16xi32>,
          %get3A_667 = vector.shape_cast %get3A_666 : vector<1x16xi32> to vector<16xi32>
          %shift_left3A_668 = arith.constant 16 : i32
          %shift_left3A_669 = vector.broadcast %shift_left3A_668 : i32 to vector<16xi32>
          %shift_left3A_670 = arith.shli %get3A_663, %shift_left3A_669 : vector<16xi32>
          %bitcast_convert_type3A_671 = tpu.bitcast %shift_left3A_670 : vector<16xi32> -> vector<16xf32>
          %bitcast_convert_type3A_672 = tpu.bitcast %get3A_663 : vector<16xi32> -> vector<16xf32>
          %shift_left3A_673 = arith.constant 16 : i32
          %shift_left3A_674 = vector.broadcast %shift_left3A_673 : i32 to vector<16xi32>
          %shift_left3A_675 = arith.shli %get3A_667, %shift_left3A_674 : vector<16xi32>
          %bitcast_convert_type3A_676 = tpu.bitcast %shift_left3A_675 : vector<16xi32> -> vector<16xf32>
          %bitcast_convert_type3A_677 = tpu.bitcast %get3A_667 : vector<16xi32> -> vector<16xf32>
          %mul3A_678 = arith.mulf %bitcast_convert_type3A_671, %bitcast_convert_type3A_676 : vector<16xf32>
          %mul3A_679 = arith.mulf %bitcast_convert_type3A_672, %bitcast_convert_type3A_677 : vector<16xf32>
          %add3A_680 = arith.addf %mul3A_678, %mul3A_679 : vector<16xf32>
          %add3A_681 = arith.addf %add3A_659, %add3A_680 : vector<16xf32>
          %swap3A_682 = arith.index_cast %scan3A_114 : i32 to index
          %swap3A_683 = arith.constant 80 : index
          %swap3A_684 = tpu.vector_load %arg14[%swap3A_682, %swap3A_683] {strides = array<i32>} : memref<16x128xf32, #tpu.memory_space<vmem>>, vector<1x16xf32>,
          %swap3A_685 = vector.shape_cast %swap3A_684 : vector<1x16xf32> to vector<16xf32>
          %swap3A_686 = vector.shape_cast %add3A_681 : vector<16xf32> to vector<1x16xf32>
          tpu.vector_store %arg14[%swap3A_682, %swap3A_683], %swap3A_686 {strides = array<i32>} : memref<16x128xf32, #tpu.memory_space<vmem>>, vector<1x16xf32>,
          %mul3A_687 = arith.constant 8 : i32
          %mul3A_688 = arith.muli %scan3A_114, %mul3A_687 : i32
          %add3A_689 = arith.constant 6 : i32
          %add3A_690 = arith.addi %mul3A_688, %add3A_689 : i32
          %get3A_691 = arith.index_cast %add3A_690 : i32 to index
          %get3A_692 = arith.constant 0 : index
          %get3A_693 = tpu.vector_load %arg10[%get3A_691, %get3A_692] {strides = array<i32>} : memref<128x64xi32, #tpu.memory_space<vmem>>, vector<1x16xi32>,
          %get3A_694 = vector.shape_cast %get3A_693 : vector<1x16xi32> to vector<16xi32>
          %get3A_695 = arith.index_cast %add3A_690 : i32 to index
          %get3A_696 = arith.constant 0 : index
          %get3A_697 = tpu.vector_load %arg11[%get3A_695, %get3A_696] {strides = array<i32>} : memref<128x64xi32, #tpu.memory_space<vmem>>, vector<1x16xi32>,
          %get3A_698 = vector.shape_cast %get3A_697 : vector<1x16xi32> to vector<16xi32>
          %shift_left3A_699 = arith.constant 16 : i32
          %shift_left3A_700 = vector.broadcast %shift_left3A_699 : i32 to vector<16xi32>
          %shift_left3A_701 = arith.shli %get3A_694, %shift_left3A_700 : vector<16xi32>
          %bitcast_convert_type3A_702 = tpu.bitcast %shift_left3A_701 : vector<16xi32> -> vector<16xf32>
          %bitcast_convert_type3A_703 = tpu.bitcast %get3A_694 : vector<16xi32> -> vector<16xf32>
          %shift_left3A_704 = arith.constant 16 : i32
          %shift_left3A_705 = vector.broadcast %shift_left3A_704 : i32 to vector<16xi32>
          %shift_left3A_706 = arith.shli %get3A_698, %shift_left3A_705 : vector<16xi32>
          %bitcast_convert_type3A_707 = tpu.bitcast %shift_left3A_706 : vector<16xi32> -> vector<16xf32>
          %bitcast_convert_type3A_708 = tpu.bitcast %get3A_698 : vector<16xi32> -> vector<16xf32>
          %mul3A_709 = arith.mulf %bitcast_convert_type3A_702, %bitcast_convert_type3A_707 : vector<16xf32>
          %mul3A_710 = arith.mulf %bitcast_convert_type3A_703, %bitcast_convert_type3A_708 : vector<16xf32>
          %add3A_711 = arith.addf %mul3A_709, %mul3A_710 : vector<16xf32>
          %get3A_712 = arith.index_cast %add3A_690 : i32 to index
          %get3A_713 = arith.constant 16 : index
          %get3A_714 = tpu.vector_load %arg10[%get3A_712, %get3A_713] {strides = array<i32>} : memref<128x64xi32, #tpu.memory_space<vmem>>, vector<1x16xi32>,
          %get3A_715 = vector.shape_cast %get3A_714 : vector<1x16xi32> to vector<16xi32>
          %get3A_716 = arith.index_cast %add3A_690 : i32 to index
          %get3A_717 = arith.constant 16 : index
          %get3A_718 = tpu.vector_load %arg11[%get3A_716, %get3A_717] {strides = array<i32>} : memref<128x64xi32, #tpu.memory_space<vmem>>, vector<1x16xi32>,
          %get3A_719 = vector.shape_cast %get3A_718 : vector<1x16xi32> to vector<16xi32>
          %shift_left3A_720 = arith.constant 16 : i32
          %shift_left3A_721 = vector.broadcast %shift_left3A_720 : i32 to vector<16xi32>
          %shift_left3A_722 = arith.shli %get3A_715, %shift_left3A_721 : vector<16xi32>
          %bitcast_convert_type3A_723 = tpu.bitcast %shift_left3A_722 : vector<16xi32> -> vector<16xf32>
          %bitcast_convert_type3A_724 = tpu.bitcast %get3A_715 : vector<16xi32> -> vector<16xf32>
          %shift_left3A_725 = arith.constant 16 : i32
          %shift_left3A_726 = vector.broadcast %shift_left3A_725 : i32 to vector<16xi32>
          %shift_left3A_727 = arith.shli %get3A_719, %shift_left3A_726 : vector<16xi32>
          %bitcast_convert_type3A_728 = tpu.bitcast %shift_left3A_727 : vector<16xi32> -> vector<16xf32>
          %bitcast_convert_type3A_729 = tpu.bitcast %get3A_719 : vector<16xi32> -> vector<16xf32>
          %mul3A_730 = arith.mulf %bitcast_convert_type3A_723, %bitcast_convert_type3A_728 : vector<16xf32>
          %mul3A_731 = arith.mulf %bitcast_convert_type3A_724, %bitcast_convert_type3A_729 : vector<16xf32>
          %add3A_732 = arith.addf %mul3A_730, %mul3A_731 : vector<16xf32>
          %add3A_733 = arith.addf %add3A_711, %add3A_732 : vector<16xf32>
          %get3A_734 = arith.index_cast %add3A_690 : i32 to index
          %get3A_735 = arith.constant 32 : index
          %get3A_736 = tpu.vector_load %arg10[%get3A_734, %get3A_735] {strides = array<i32>} : memref<128x64xi32, #tpu.memory_space<vmem>>, vector<1x16xi32>,
          %get3A_737 = vector.shape_cast %get3A_736 : vector<1x16xi32> to vector<16xi32>
          %get3A_738 = arith.index_cast %add3A_690 : i32 to index
          %get3A_739 = arith.constant 32 : index
          %get3A_740 = tpu.vector_load %arg11[%get3A_738, %get3A_739] {strides = array<i32>} : memref<128x64xi32, #tpu.memory_space<vmem>>, vector<1x16xi32>,
          %get3A_741 = vector.shape_cast %get3A_740 : vector<1x16xi32> to vector<16xi32>
          %shift_left3A_742 = arith.constant 16 : i32
          %shift_left3A_743 = vector.broadcast %shift_left3A_742 : i32 to vector<16xi32>
          %shift_left3A_744 = arith.shli %get3A_737, %shift_left3A_743 : vector<16xi32>
          %bitcast_convert_type3A_745 = tpu.bitcast %shift_left3A_744 : vector<16xi32> -> vector<16xf32>
          %bitcast_convert_type3A_746 = tpu.bitcast %get3A_737 : vector<16xi32> -> vector<16xf32>
          %shift_left3A_747 = arith.constant 16 : i32
          %shift_left3A_748 = vector.broadcast %shift_left3A_747 : i32 to vector<16xi32>
          %shift_left3A_749 = arith.shli %get3A_741, %shift_left3A_748 : vector<16xi32>
          %bitcast_convert_type3A_750 = tpu.bitcast %shift_left3A_749 : vector<16xi32> -> vector<16xf32>
          %bitcast_convert_type3A_751 = tpu.bitcast %get3A_741 : vector<16xi32> -> vector<16xf32>
          %mul3A_752 = arith.mulf %bitcast_convert_type3A_745, %bitcast_convert_type3A_750 : vector<16xf32>
          %mul3A_753 = arith.mulf %bitcast_convert_type3A_746, %bitcast_convert_type3A_751 : vector<16xf32>
          %add3A_754 = arith.addf %mul3A_752, %mul3A_753 : vector<16xf32>
          %add3A_755 = arith.addf %add3A_733, %add3A_754 : vector<16xf32>
          %get3A_756 = arith.index_cast %add3A_690 : i32 to index
          %get3A_757 = arith.constant 48 : index
          %get3A_758 = tpu.vector_load %arg10[%get3A_756, %get3A_757] {strides = array<i32>} : memref<128x64xi32, #tpu.memory_space<vmem>>, vector<1x16xi32>,
          %get3A_759 = vector.shape_cast %get3A_758 : vector<1x16xi32> to vector<16xi32>
          %get3A_760 = arith.index_cast %add3A_690 : i32 to index
          %get3A_761 = arith.constant 48 : index
          %get3A_762 = tpu.vector_load %arg11[%get3A_760, %get3A_761] {strides = array<i32>} : memref<128x64xi32, #tpu.memory_space<vmem>>, vector<1x16xi32>,
          %get3A_763 = vector.shape_cast %get3A_762 : vector<1x16xi32> to vector<16xi32>
          %shift_left3A_764 = arith.constant 16 : i32
          %shift_left3A_765 = vector.broadcast %shift_left3A_764 : i32 to vector<16xi32>
          %shift_left3A_766 = arith.shli %get3A_759, %shift_left3A_765 : vector<16xi32>
          %bitcast_convert_type3A_767 = tpu.bitcast %shift_left3A_766 : vector<16xi32> -> vector<16xf32>
          %bitcast_convert_type3A_768 = tpu.bitcast %get3A_759 : vector<16xi32> -> vector<16xf32>
          %shift_left3A_769 = arith.constant 16 : i32
          %shift_left3A_770 = vector.broadcast %shift_left3A_769 : i32 to vector<16xi32>
          %shift_left3A_771 = arith.shli %get3A_763, %shift_left3A_770 : vector<16xi32>
          %bitcast_convert_type3A_772 = tpu.bitcast %shift_left3A_771 : vector<16xi32> -> vector<16xf32>
          %bitcast_convert_type3A_773 = tpu.bitcast %get3A_763 : vector<16xi32> -> vector<16xf32>
          %mul3A_774 = arith.mulf %bitcast_convert_type3A_767, %bitcast_convert_type3A_772 : vector<16xf32>
          %mul3A_775 = arith.mulf %bitcast_convert_type3A_768, %bitcast_convert_type3A_773 : vector<16xf32>
          %add3A_776 = arith.addf %mul3A_774, %mul3A_775 : vector<16xf32>
          %add3A_777 = arith.addf %add3A_755, %add3A_776 : vector<16xf32>
          %swap3A_778 = arith.index_cast %scan3A_114 : i32 to index
          %swap3A_779 = arith.constant 96 : index
          %swap3A_780 = tpu.vector_load %arg14[%swap3A_778, %swap3A_779] {strides = array<i32>} : memref<16x128xf32, #tpu.memory_space<vmem>>, vector<1x16xf32>,
          %swap3A_781 = vector.shape_cast %swap3A_780 : vector<1x16xf32> to vector<16xf32>
          %swap3A_782 = vector.shape_cast %add3A_777 : vector<16xf32> to vector<1x16xf32>
          tpu.vector_store %arg14[%swap3A_778, %swap3A_779], %swap3A_782 {strides = array<i32>} : memref<16x128xf32, #tpu.memory_space<vmem>>, vector<1x16xf32>,
          %mul3A_783 = arith.constant 8 : i32
          %mul3A_784 = arith.muli %scan3A_114, %mul3A_783 : i32
          %add3A_785 = arith.constant 7 : i32
          %add3A_786 = arith.addi %mul3A_784, %add3A_785 : i32
          %get3A_787 = arith.index_cast %add3A_786 : i32 to index
          %get3A_788 = arith.constant 0 : index
          %get3A_789 = tpu.vector_load %arg10[%get3A_787, %get3A_788] {strides = array<i32>} : memref<128x64xi32, #tpu.memory_space<vmem>>, vector<1x16xi32>,
          %get3A_790 = vector.shape_cast %get3A_789 : vector<1x16xi32> to vector<16xi32>
          %get3A_791 = arith.index_cast %add3A_786 : i32 to index
          %get3A_792 = arith.constant 0 : index
          %get3A_793 = tpu.vector_load %arg11[%get3A_791, %get3A_792] {strides = array<i32>} : memref<128x64xi32, #tpu.memory_space<vmem>>, vector<1x16xi32>,
          %get3A_794 = vector.shape_cast %get3A_793 : vector<1x16xi32> to vector<16xi32>
          %shift_left3A_795 = arith.constant 16 : i32
          %shift_left3A_796 = vector.broadcast %shift_left3A_795 : i32 to vector<16xi32>
          %shift_left3A_797 = arith.shli %get3A_790, %shift_left3A_796 : vector<16xi32>
          %bitcast_convert_type3A_798 = tpu.bitcast %shift_left3A_797 : vector<16xi32> -> vector<16xf32>
          %bitcast_convert_type3A_799 = tpu.bitcast %get3A_790 : vector<16xi32> -> vector<16xf32>
          %shift_left3A_800 = arith.constant 16 : i32
          %shift_left3A_801 = vector.broadcast %shift_left3A_800 : i32 to vector<16xi32>
          %shift_left3A_802 = arith.shli %get3A_794, %shift_left3A_801 : vector<16xi32>
          %bitcast_convert_type3A_803 = tpu.bitcast %shift_left3A_802 : vector<16xi32> -> vector<16xf32>
          %bitcast_convert_type3A_804 = tpu.bitcast %get3A_794 : vector<16xi32> -> vector<16xf32>
          %mul3A_805 = arith.mulf %bitcast_convert_type3A_798, %bitcast_convert_type3A_803 : vector<16xf32>
          %mul3A_806 = arith.mulf %bitcast_convert_type3A_799, %bitcast_convert_type3A_804 : vector<16xf32>
          %add3A_807 = arith.addf %mul3A_805, %mul3A_806 : vector<16xf32>
          %get3A_808 = arith.index_cast %add3A_786 : i32 to index
          %get3A_809 = arith.constant 16 : index
          %get3A_810 = tpu.vector_load %arg10[%get3A_808, %get3A_809] {strides = array<i32>} : memref<128x64xi32, #tpu.memory_space<vmem>>, vector<1x16xi32>,
          %get3A_811 = vector.shape_cast %get3A_810 : vector<1x16xi32> to vector<16xi32>
          %get3A_812 = arith.index_cast %add3A_786 : i32 to index
          %get3A_813 = arith.constant 16 : index
          %get3A_814 = tpu.vector_load %arg11[%get3A_812, %get3A_813] {strides = array<i32>} : memref<128x64xi32, #tpu.memory_space<vmem>>, vector<1x16xi32>,
          %get3A_815 = vector.shape_cast %get3A_814 : vector<1x16xi32> to vector<16xi32>
          %shift_left3A_816 = arith.constant 16 : i32
          %shift_left3A_817 = vector.broadcast %shift_left3A_816 : i32 to vector<16xi32>
          %shift_left3A_818 = arith.shli %get3A_811, %shift_left3A_817 : vector<16xi32>
          %bitcast_convert_type3A_819 = tpu.bitcast %shift_left3A_818 : vector<16xi32> -> vector<16xf32>
          %bitcast_convert_type3A_820 = tpu.bitcast %get3A_811 : vector<16xi32> -> vector<16xf32>
          %shift_left3A_821 = arith.constant 16 : i32
          %shift_left3A_822 = vector.broadcast %shift_left3A_821 : i32 to vector<16xi32>
          %shift_left3A_823 = arith.shli %get3A_815, %shift_left3A_822 : vector<16xi32>
          %bitcast_convert_type3A_824 = tpu.bitcast %shift_left3A_823 : vector<16xi32> -> vector<16xf32>
          %bitcast_convert_type3A_825 = tpu.bitcast %get3A_815 : vector<16xi32> -> vector<16xf32>
          %mul3A_826 = arith.mulf %bitcast_convert_type3A_819, %bitcast_convert_type3A_824 : vector<16xf32>
          %mul3A_827 = arith.mulf %bitcast_convert_type3A_820, %bitcast_convert_type3A_825 : vector<16xf32>
          %add3A_828 = arith.addf %mul3A_826, %mul3A_827 : vector<16xf32>
          %add3A_829 = arith.addf %add3A_807, %add3A_828 : vector<16xf32>
          %get3A_830 = arith.index_cast %add3A_786 : i32 to index
          %get3A_831 = arith.constant 32 : index
          %get3A_832 = tpu.vector_load %arg10[%get3A_830, %get3A_831] {strides = array<i32>} : memref<128x64xi32, #tpu.memory_space<vmem>>, vector<1x16xi32>,
          %get3A_833 = vector.shape_cast %get3A_832 : vector<1x16xi32> to vector<16xi32>
          %get3A_834 = arith.index_cast %add3A_786 : i32 to index
          %get3A_835 = arith.constant 32 : index
          %get3A_836 = tpu.vector_load %arg11[%get3A_834, %get3A_835] {strides = array<i32>} : memref<128x64xi32, #tpu.memory_space<vmem>>, vector<1x16xi32>,
          %get3A_837 = vector.shape_cast %get3A_836 : vector<1x16xi32> to vector<16xi32>
          %shift_left3A_838 = arith.constant 16 : i32
          %shift_left3A_839 = vector.broadcast %shift_left3A_838 : i32 to vector<16xi32>
          %shift_left3A_840 = arith.shli %get3A_833, %shift_left3A_839 : vector<16xi32>
          %bitcast_convert_type3A_841 = tpu.bitcast %shift_left3A_840 : vector<16xi32> -> vector<16xf32>
          %bitcast_convert_type3A_842 = tpu.bitcast %get3A_833 : vector<16xi32> -> vector<16xf32>
          %shift_left3A_843 = arith.constant 16 : i32
          %shift_left3A_844 = vector.broadcast %shift_left3A_843 : i32 to vector<16xi32>
          %shift_left3A_845 = arith.shli %get3A_837, %shift_left3A_844 : vector<16xi32>
          %bitcast_convert_type3A_846 = tpu.bitcast %shift_left3A_845 : vector<16xi32> -> vector<16xf32>
          %bitcast_convert_type3A_847 = tpu.bitcast %get3A_837 : vector<16xi32> -> vector<16xf32>
          %mul3A_848 = arith.mulf %bitcast_convert_type3A_841, %bitcast_convert_type3A_846 : vector<16xf32>
          %mul3A_849 = arith.mulf %bitcast_convert_type3A_842, %bitcast_convert_type3A_847 : vector<16xf32>
          %add3A_850 = arith.addf %mul3A_848, %mul3A_849 : vector<16xf32>
          %add3A_851 = arith.addf %add3A_829, %add3A_850 : vector<16xf32>
          %get3A_852 = arith.index_cast %add3A_786 : i32 to index
          %get3A_853 = arith.constant 48 : index
          %get3A_854 = tpu.vector_load %arg10[%get3A_852, %get3A_853] {strides = array<i32>} : memref<128x64xi32, #tpu.memory_space<vmem>>, vector<1x16xi32>,
          %get3A_855 = vector.shape_cast %get3A_854 : vector<1x16xi32> to vector<16xi32>
          %get3A_856 = arith.index_cast %add3A_786 : i32 to index
          %get3A_857 = arith.constant 48 : index
          %get3A_858 = tpu.vector_load %arg11[%get3A_856, %get3A_857] {strides = array<i32>} : memref<128x64xi32, #tpu.memory_space<vmem>>, vector<1x16xi32>,
          %get3A_859 = vector.shape_cast %get3A_858 : vector<1x16xi32> to vector<16xi32>
          %shift_left3A_860 = arith.constant 16 : i32
          %shift_left3A_861 = vector.broadcast %shift_left3A_860 : i32 to vector<16xi32>
          %shift_left3A_862 = arith.shli %get3A_855, %shift_left3A_861 : vector<16xi32>
          %bitcast_convert_type3A_863 = tpu.bitcast %shift_left3A_862 : vector<16xi32> -> vector<16xf32>
          %bitcast_convert_type3A_864 = tpu.bitcast %get3A_855 : vector<16xi32> -> vector<16xf32>
          %shift_left3A_865 = arith.constant 16 : i32
          %shift_left3A_866 = vector.broadcast %shift_left3A_865 : i32 to vector<16xi32>
          %shift_left3A_867 = arith.shli %get3A_859, %shift_left3A_866 : vector<16xi32>
          %bitcast_convert_type3A_868 = tpu.bitcast %shift_left3A_867 : vector<16xi32> -> vector<16xf32>
          %bitcast_convert_type3A_869 = tpu.bitcast %get3A_859 : vector<16xi32> -> vector<16xf32>
          %mul3A_870 = arith.mulf %bitcast_convert_type3A_863, %bitcast_convert_type3A_868 : vector<16xf32>
          %mul3A_871 = arith.mulf %bitcast_convert_type3A_864, %bitcast_convert_type3A_869 : vector<16xf32>
          %add3A_872 = arith.addf %mul3A_870, %mul3A_871 : vector<16xf32>
          %add3A_873 = arith.addf %add3A_851, %add3A_872 : vector<16xf32>
          %swap3A_874 = arith.index_cast %scan3A_114 : i32 to index
          %swap3A_875 = arith.constant 112 : index
          %swap3A_876 = tpu.vector_load %arg14[%swap3A_874, %swap3A_875] {strides = array<i32>} : memref<16x128xf32, #tpu.memory_space<vmem>>, vector<1x16xf32>,
          %swap3A_877 = vector.shape_cast %swap3A_876 : vector<1x16xf32> to vector<16xf32>
          %swap3A_878 = vector.shape_cast %add3A_873 : vector<16xf32> to vector<1x16xf32>
          tpu.vector_store %arg14[%swap3A_874, %swap3A_875], %swap3A_878 {strides = array<i32>} : memref<16x128xf32, #tpu.memory_space<vmem>>, vector<1x16xf32>,
          %scan3A_879 = arith.constant 1 : i32
          %scan3A_880 = arith.addi %scan3A_114, %scan3A_879 : i32
          %mul3A_881 = arith.constant 8 : i32
          %mul3A_882 = arith.muli %scan3A_880, %mul3A_881 : i32
          %add3A_883 = arith.constant 0 : i32
          %add3A_884 = arith.addi %mul3A_882, %add3A_883 : i32
          %get3A_885 = arith.index_cast %add3A_884 : i32 to index
          %get3A_886 = arith.constant 0 : index
          %get3A_887 = tpu.vector_load %arg10[%get3A_885, %get3A_886] {strides = array<i32>} : memref<128x64xi32, #tpu.memory_space<vmem>>, vector<1x16xi32>,
          %get3A_888 = vector.shape_cast %get3A_887 : vector<1x16xi32> to vector<16xi32>
          %get3A_889 = arith.index_cast %add3A_884 : i32 to index
          %get3A_890 = arith.constant 0 : index
          %get3A_891 = tpu.vector_load %arg11[%get3A_889, %get3A_890] {strides = array<i32>} : memref<128x64xi32, #tpu.memory_space<vmem>>, vector<1x16xi32>,
          %get3A_892 = vector.shape_cast %get3A_891 : vector<1x16xi32> to vector<16xi32>
          %shift_left3A_893 = arith.constant 16 : i32
          %shift_left3A_894 = vector.broadcast %shift_left3A_893 : i32 to vector<16xi32>
          %shift_left3A_895 = arith.shli %get3A_888, %shift_left3A_894 : vector<16xi32>
          %bitcast_convert_type3A_896 = tpu.bitcast %shift_left3A_895 : vector<16xi32> -> vector<16xf32>
          %bitcast_convert_type3A_897 = tpu.bitcast %get3A_888 : vector<16xi32> -> vector<16xf32>
          %shift_left3A_898 = arith.constant 16 : i32
          %shift_left3A_899 = vector.broadcast %shift_left3A_898 : i32 to vector<16xi32>
          %shift_left3A_900 = arith.shli %get3A_892, %shift_left3A_899 : vector<16xi32>
          %bitcast_convert_type3A_901 = tpu.bitcast %shift_left3A_900 : vector<16xi32> -> vector<16xf32>
          %bitcast_convert_type3A_902 = tpu.bitcast %get3A_892 : vector<16xi32> -> vector<16xf32>
          %mul3A_903 = arith.mulf %bitcast_convert_type3A_896, %bitcast_convert_type3A_901 : vector<16xf32>
          %mul3A_904 = arith.mulf %bitcast_convert_type3A_897, %bitcast_convert_type3A_902 : vector<16xf32>
          %add3A_905 = arith.addf %mul3A_903, %mul3A_904 : vector<16xf32>
          %get3A_906 = arith.index_cast %add3A_884 : i32 to index
          %get3A_907 = arith.constant 16 : index
          %get3A_908 = tpu.vector_load %arg10[%get3A_906, %get3A_907] {strides = array<i32>} : memref<128x64xi32, #tpu.memory_space<vmem>>, vector<1x16xi32>,
          %get3A_909 = vector.shape_cast %get3A_908 : vector<1x16xi32> to vector<16xi32>
          %get3A_910 = arith.index_cast %add3A_884 : i32 to index
          %get3A_911 = arith.constant 16 : index
          %get3A_912 = tpu.vector_load %arg11[%get3A_910, %get3A_911] {strides = array<i32>} : memref<128x64xi32, #tpu.memory_space<vmem>>, vector<1x16xi32>,
          %get3A_913 = vector.shape_cast %get3A_912 : vector<1x16xi32> to vector<16xi32>
          %shift_left3A_914 = arith.constant 16 : i32
          %shift_left3A_915 = vector.broadcast %shift_left3A_914 : i32 to vector<16xi32>
          %shift_left3A_916 = arith.shli %get3A_909, %shift_left3A_915 : vector<16xi32>
          %bitcast_convert_type3A_917 = tpu.bitcast %shift_left3A_916 : vector<16xi32> -> vector<16xf32>
          %bitcast_convert_type3A_918 = tpu.bitcast %get3A_909 : vector<16xi32> -> vector<16xf32>
          %shift_left3A_919 = arith.constant 16 : i32
          %shift_left3A_920 = vector.broadcast %shift_left3A_919 : i32 to vector<16xi32>
          %shift_left3A_921 = arith.shli %get3A_913, %shift_left3A_920 : vector<16xi32>
          %bitcast_convert_type3A_922 = tpu.bitcast %shift_left3A_921 : vector<16xi32> -> vector<16xf32>
          %bitcast_convert_type3A_923 = tpu.bitcast %get3A_913 : vector<16xi32> -> vector<16xf32>
          %mul3A_924 = arith.mulf %bitcast_convert_type3A_917, %bitcast_convert_type3A_922 : vector<16xf32>
          %mul3A_925 = arith.mulf %bitcast_convert_type3A_918, %bitcast_convert_type3A_923 : vector<16xf32>
          %add3A_926 = arith.addf %mul3A_924, %mul3A_925 : vector<16xf32>
          %add3A_927 = arith.addf %add3A_905, %add3A_926 : vector<16xf32>
          %get3A_928 = arith.index_cast %add3A_884 : i32 to index
          %get3A_929 = arith.constant 32 : index
          %get3A_930 = tpu.vector_load %arg10[%get3A_928, %get3A_929] {strides = array<i32>} : memref<128x64xi32, #tpu.memory_space<vmem>>, vector<1x16xi32>,
          %get3A_931 = vector.shape_cast %get3A_930 : vector<1x16xi32> to vector<16xi32>
          %get3A_932 = arith.index_cast %add3A_884 : i32 to index
          %get3A_933 = arith.constant 32 : index
          %get3A_934 = tpu.vector_load %arg11[%get3A_932, %get3A_933] {strides = array<i32>} : memref<128x64xi32, #tpu.memory_space<vmem>>, vector<1x16xi32>,
          %get3A_935 = vector.shape_cast %get3A_934 : vector<1x16xi32> to vector<16xi32>
          %shift_left3A_936 = arith.constant 16 : i32
          %shift_left3A_937 = vector.broadcast %shift_left3A_936 : i32 to vector<16xi32>
          %shift_left3A_938 = arith.shli %get3A_931, %shift_left3A_937 : vector<16xi32>
          %bitcast_convert_type3A_939 = tpu.bitcast %shift_left3A_938 : vector<16xi32> -> vector<16xf32>
          %bitcast_convert_type3A_940 = tpu.bitcast %get3A_931 : vector<16xi32> -> vector<16xf32>
          %shift_left3A_941 = arith.constant 16 : i32
          %shift_left3A_942 = vector.broadcast %shift_left3A_941 : i32 to vector<16xi32>
          %shift_left3A_943 = arith.shli %get3A_935, %shift_left3A_942 : vector<16xi32>
          %bitcast_convert_type3A_944 = tpu.bitcast %shift_left3A_943 : vector<16xi32> -> vector<16xf32>
          %bitcast_convert_type3A_945 = tpu.bitcast %get3A_935 : vector<16xi32> -> vector<16xf32>
          %mul3A_946 = arith.mulf %bitcast_convert_type3A_939, %bitcast_convert_type3A_944 : vector<16xf32>
          %mul3A_947 = arith.mulf %bitcast_convert_type3A_940, %bitcast_convert_type3A_945 : vector<16xf32>
          %add3A_948 = arith.addf %mul3A_946, %mul3A_947 : vector<16xf32>
          %add3A_949 = arith.addf %add3A_927, %add3A_948 : vector<16xf32>
          %get3A_950 = arith.index_cast %add3A_884 : i32 to index
          %get3A_951 = arith.constant 48 : index
          %get3A_952 = tpu.vector_load %arg10[%get3A_950, %get3A_951] {strides = array<i32>} : memref<128x64xi32, #tpu.memory_space<vmem>>, vector<1x16xi32>,
          %get3A_953 = vector.shape_cast %get3A_952 : vector<1x16xi32> to vector<16xi32>
          %get3A_954 = arith.index_cast %add3A_884 : i32 to index
          %get3A_955 = arith.constant 48 : index
          %get3A_956 = tpu.vector_load %arg11[%get3A_954, %get3A_955] {strides = array<i32>} : memref<128x64xi32, #tpu.memory_space<vmem>>, vector<1x16xi32>,
          %get3A_957 = vector.shape_cast %get3A_956 : vector<1x16xi32> to vector<16xi32>
          %shift_left3A_958 = arith.constant 16 : i32
          %shift_left3A_959 = vector.broadcast %shift_left3A_958 : i32 to vector<16xi32>
          %shift_left3A_960 = arith.shli %get3A_953, %shift_left3A_959 : vector<16xi32>
          %bitcast_convert_type3A_961 = tpu.bitcast %shift_left3A_960 : vector<16xi32> -> vector<16xf32>
          %bitcast_convert_type3A_962 = tpu.bitcast %get3A_953 : vector<16xi32> -> vector<16xf32>
          %shift_left3A_963 = arith.constant 16 : i32
          %shift_left3A_964 = vector.broadcast %shift_left3A_963 : i32 to vector<16xi32>
          %shift_left3A_965 = arith.shli %get3A_957, %shift_left3A_964 : vector<16xi32>
          %bitcast_convert_type3A_966 = tpu.bitcast %shift_left3A_965 : vector<16xi32> -> vector<16xf32>
          %bitcast_convert_type3A_967 = tpu.bitcast %get3A_957 : vector<16xi32> -> vector<16xf32>
          %mul3A_968 = arith.mulf %bitcast_convert_type3A_961, %bitcast_convert_type3A_966 : vector<16xf32>
          %mul3A_969 = arith.mulf %bitcast_convert_type3A_962, %bitcast_convert_type3A_967 : vector<16xf32>
          %add3A_970 = arith.addf %mul3A_968, %mul3A_969 : vector<16xf32>
          %add3A_971 = arith.addf %add3A_949, %add3A_970 : vector<16xf32>
          %swap3A_972 = arith.index_cast %scan3A_880 : i32 to index
          %swap3A_973 = arith.constant 0 : index
          %swap3A_974 = tpu.vector_load %arg14[%swap3A_972, %swap3A_973] {strides = array<i32>} : memref<16x128xf32, #tpu.memory_space<vmem>>, vector<1x16xf32>,
          %swap3A_975 = vector.shape_cast %swap3A_974 : vector<1x16xf32> to vector<16xf32>
          %swap3A_976 = vector.shape_cast %add3A_971 : vector<16xf32> to vector<1x16xf32>
          tpu.vector_store %arg14[%swap3A_972, %swap3A_973], %swap3A_976 {strides = array<i32>} : memref<16x128xf32, #tpu.memory_space<vmem>>, vector<1x16xf32>,
          %mul3A_977 = arith.constant 8 : i32
          %mul3A_978 = arith.muli %scan3A_880, %mul3A_977 : i32
          %add3A_979 = arith.constant 1 : i32
          %add3A_980 = arith.addi %mul3A_978, %add3A_979 : i32
          %get3A_981 = arith.index_cast %add3A_980 : i32 to index
          %get3A_982 = arith.constant 0 : index
          %get3A_983 = tpu.vector_load %arg10[%get3A_981, %get3A_982] {strides = array<i32>} : memref<128x64xi32, #tpu.memory_space<vmem>>, vector<1x16xi32>,
          %get3A_984 = vector.shape_cast %get3A_983 : vector<1x16xi32> to vector<16xi32>
          %get3A_985 = arith.index_cast %add3A_980 : i32 to index
          %get3A_986 = arith.constant 0 : index
          %get3A_987 = tpu.vector_load %arg11[%get3A_985, %get3A_986] {strides = array<i32>} : memref<128x64xi32, #tpu.memory_space<vmem>>, vector<1x16xi32>,
          %get3A_988 = vector.shape_cast %get3A_987 : vector<1x16xi32> to vector<16xi32>
          %shift_left3A_989 = arith.constant 16 : i32
          %shift_left3A_990 = vector.broadcast %shift_left3A_989 : i32 to vector<16xi32>
          %shift_left3A_991 = arith.shli %get3A_984, %shift_left3A_990 : vector<16xi32>
          %bitcast_convert_type3A_992 = tpu.bitcast %shift_left3A_991 : vector<16xi32> -> vector<16xf32>
          %bitcast_convert_type3A_993 = tpu.bitcast %get3A_984 : vector<16xi32> -> vector<16xf32>
          %shift_left3A_994 = arith.constant 16 : i32
          %shift_left3A_995 = vector.broadcast %shift_left3A_994 : i32 to vector<16xi32>
          %shift_left3A_996 = arith.shli %get3A_988, %shift_left3A_995 : vector<16xi32>
          %bitcast_convert_type3A_997 = tpu.bitcast %shift_left3A_996 : vector<16xi32> -> vector<16xf32>
          %bitcast_convert_type3A_998 = tpu.bitcast %get3A_988 : vector<16xi32> -> vector<16xf32>
          %mul3A_999 = arith.mulf %bitcast_convert_type3A_992, %bitcast_convert_type3A_997 : vector<16xf32>
          %mul3A_1000 = arith.mulf %bitcast_convert_type3A_993, %bitcast_convert_type3A_998 : vector<16xf32>
          %add3A_1001 = arith.addf %mul3A_999, %mul3A_1000 : vector<16xf32>
          %get3A_1002 = arith.index_cast %add3A_980 : i32 to index
          %get3A_1003 = arith.constant 16 : index
          %get3A_1004 = tpu.vector_load %arg10[%get3A_1002, %get3A_1003] {strides = array<i32>} : memref<128x64xi32, #tpu.memory_space<vmem>>, vector<1x16xi32>,
          %get3A_1005 = vector.shape_cast %get3A_1004 : vector<1x16xi32> to vector<16xi32>
          %get3A_1006 = arith.index_cast %add3A_980 : i32 to index
          %get3A_1007 = arith.constant 16 : index
          %get3A_1008 = tpu.vector_load %arg11[%get3A_1006, %get3A_1007] {strides = array<i32>} : memref<128x64xi32, #tpu.memory_space<vmem>>, vector<1x16xi32>,
          %get3A_1009 = vector.shape_cast %get3A_1008 : vector<1x16xi32> to vector<16xi32>
          %shift_left3A_1010 = arith.constant 16 : i32
          %shift_left3A_1011 = vector.broadcast %shift_left3A_1010 : i32 to vector<16xi32>
          %shift_left3A_1012 = arith.shli %get3A_1005, %shift_left3A_1011 : vector<16xi32>
          %bitcast_convert_type3A_1013 = tpu.bitcast %shift_left3A_1012 : vector<16xi32> -> vector<16xf32>
          %bitcast_convert_type3A_1014 = tpu.bitcast %get3A_1005 : vector<16xi32> -> vector<16xf32>
          %shift_left3A_1015 = arith.constant 16 : i32
          %shift_left3A_1016 = vector.broadcast %shift_left3A_1015 : i32 to vector<16xi32>
          %shift_left3A_1017 = arith.shli %get3A_1009, %shift_left3A_1016 : vector<16xi32>
          %bitcast_convert_type3A_1018 = tpu.bitcast %shift_left3A_1017 : vector<16xi32> -> vector<16xf32>
          %bitcast_convert_type3A_1019 = tpu.bitcast %get3A_1009 : vector<16xi32> -> vector<16xf32>
          %mul3A_1020 = arith.mulf %bitcast_convert_type3A_1013, %bitcast_convert_type3A_1018 : vector<16xf32>
          %mul3A_1021 = arith.mulf %bitcast_convert_type3A_1014, %bitcast_convert_type3A_1019 : vector<16xf32>
          %add3A_1022 = arith.addf %mul3A_1020, %mul3A_1021 : vector<16xf32>
          %add3A_1023 = arith.addf %add3A_1001, %add3A_1022 : vector<16xf32>
          %get3A_1024 = arith.index_cast %add3A_980 : i32 to index
          %get3A_1025 = arith.constant 32 : index
          %get3A_1026 = tpu.vector_load %arg10[%get3A_1024, %get3A_1025] {strides = array<i32>} : memref<128x64xi32, #tpu.memory_space<vmem>>, vector<1x16xi32>,
          %get3A_1027 = vector.shape_cast %get3A_1026 : vector<1x16xi32> to vector<16xi32>
          %get3A_1028 = arith.index_cast %add3A_980 : i32 to index
          %get3A_1029 = arith.constant 32 : index
          %get3A_1030 = tpu.vector_load %arg11[%get3A_1028, %get3A_1029] {strides = array<i32>} : memref<128x64xi32, #tpu.memory_space<vmem>>, vector<1x16xi32>,
          %get3A_1031 = vector.shape_cast %get3A_1030 : vector<1x16xi32> to vector<16xi32>
          %shift_left3A_1032 = arith.constant 16 : i32
          %shift_left3A_1033 = vector.broadcast %shift_left3A_1032 : i32 to vector<16xi32>
          %shift_left3A_1034 = arith.shli %get3A_1027, %shift_left3A_1033 : vector<16xi32>
          %bitcast_convert_type3A_1035 = tpu.bitcast %shift_left3A_1034 : vector<16xi32> -> vector<16xf32>
          %bitcast_convert_type3A_1036 = tpu.bitcast %get3A_1027 : vector<16xi32> -> vector<16xf32>
          %shift_left3A_1037 = arith.constant 16 : i32
          %shift_left3A_1038 = vector.broadcast %shift_left3A_1037 : i32 to vector<16xi32>
          %shift_left3A_1039 = arith.shli %get3A_1031, %shift_left3A_1038 : vector<16xi32>
          %bitcast_convert_type3A_1040 = tpu.bitcast %shift_left3A_1039 : vector<16xi32> -> vector<16xf32>
          %bitcast_convert_type3A_1041 = tpu.bitcast %get3A_1031 : vector<16xi32> -> vector<16xf32>
          %mul3A_1042 = arith.mulf %bitcast_convert_type3A_1035, %bitcast_convert_type3A_1040 : vector<16xf32>
          %mul3A_1043 = arith.mulf %bitcast_convert_type3A_1036, %bitcast_convert_type3A_1041 : vector<16xf32>
          %add3A_1044 = arith.addf %mul3A_1042, %mul3A_1043 : vector<16xf32>
          %add3A_1045 = arith.addf %add3A_1023, %add3A_1044 : vector<16xf32>
          %get3A_1046 = arith.index_cast %add3A_980 : i32 to index
          %get3A_1047 = arith.constant 48 : index
          %get3A_1048 = tpu.vector_load %arg10[%get3A_1046, %get3A_1047] {strides = array<i32>} : memref<128x64xi32, #tpu.memory_space<vmem>>, vector<1x16xi32>,
          %get3A_1049 = vector.shape_cast %get3A_1048 : vector<1x16xi32> to vector<16xi32>
          %get3A_1050 = arith.index_cast %add3A_980 : i32 to index
          %get3A_1051 = arith.constant 48 : index
          %get3A_1052 = tpu.vector_load %arg11[%get3A_1050, %get3A_1051] {strides = array<i32>} : memref<128x64xi32, #tpu.memory_space<vmem>>, vector<1x16xi32>,
          %get3A_1053 = vector.shape_cast %get3A_1052 : vector<1x16xi32> to vector<16xi32>
          %shift_left3A_1054 = arith.constant 16 : i32
          %shift_left3A_1055 = vector.broadcast %shift_left3A_1054 : i32 to vector<16xi32>
          %shift_left3A_1056 = arith.shli %get3A_1049, %shift_left3A_1055 : vector<16xi32>
          %bitcast_convert_type3A_1057 = tpu.bitcast %shift_left3A_1056 : vector<16xi32> -> vector<16xf32>
          %bitcast_convert_type3A_1058 = tpu.bitcast %get3A_1049 : vector<16xi32> -> vector<16xf32>
          %shift_left3A_1059 = arith.constant 16 : i32
          %shift_left3A_1060 = vector.broadcast %shift_left3A_1059 : i32 to vector<16xi32>
          %shift_left3A_1061 = arith.shli %get3A_1053, %shift_left3A_1060 : vector<16xi32>
          %bitcast_convert_type3A_1062 = tpu.bitcast %shift_left3A_1061 : vector<16xi32> -> vector<16xf32>
          %bitcast_convert_type3A_1063 = tpu.bitcast %get3A_1053 : vector<16xi32> -> vector<16xf32>
          %mul3A_1064 = arith.mulf %bitcast_convert_type3A_1057, %bitcast_convert_type3A_1062 : vector<16xf32>
          %mul3A_1065 = arith.mulf %bitcast_convert_type3A_1058, %bitcast_convert_type3A_1063 : vector<16xf32>
          %add3A_1066 = arith.addf %mul3A_1064, %mul3A_1065 : vector<16xf32>
          %add3A_1067 = arith.addf %add3A_1045, %add3A_1066 : vector<16xf32>
          %swap3A_1068 = arith.index_cast %scan3A_880 : i32 to index
          %swap3A_1069 = arith.constant 16 : index
          %swap3A_1070 = tpu.vector_load %arg14[%swap3A_1068, %swap3A_1069] {strides = array<i32>} : memref<16x128xf32, #tpu.memory_space<vmem>>, vector<1x16xf32>,
          %swap3A_1071 = vector.shape_cast %swap3A_1070 : vector<1x16xf32> to vector<16xf32>
          %swap3A_1072 = vector.shape_cast %add3A_1067 : vector<16xf32> to vector<1x16xf32>
          tpu.vector_store %arg14[%swap3A_1068, %swap3A_1069], %swap3A_1072 {strides = array<i32>} : memref<16x128xf32, #tpu.memory_space<vmem>>, vector<1x16xf32>,
          %mul3A_1073 = arith.constant 8 : i32
          %mul3A_1074 = arith.muli %scan3A_880, %mul3A_1073 : i32
          %add3A_1075 = arith.constant 2 : i32
          %add3A_1076 = arith.addi %mul3A_1074, %add3A_1075 : i32
          %get3A_1077 = arith.index_cast %add3A_1076 : i32 to index
          %get3A_1078 = arith.constant 0 : index
          %get3A_1079 = tpu.vector_load %arg10[%get3A_1077, %get3A_1078] {strides = array<i32>} : memref<128x64xi32, #tpu.memory_space<vmem>>, vector<1x16xi32>,
          %get3A_1080 = vector.shape_cast %get3A_1079 : vector<1x16xi32> to vector<16xi32>
          %get3A_1081 = arith.index_cast %add3A_1076 : i32 to index
          %get3A_1082 = arith.constant 0 : index
          %get3A_1083 = tpu.vector_load %arg11[%get3A_1081, %get3A_1082] {strides = array<i32>} : memref<128x64xi32, #tpu.memory_space<vmem>>, vector<1x16xi32>,
          %get3A_1084 = vector.shape_cast %get3A_1083 : vector<1x16xi32> to vector<16xi32>
          %shift_left3A_1085 = arith.constant 16 : i32
          %shift_left3A_1086 = vector.broadcast %shift_left3A_1085 : i32 to vector<16xi32>
          %shift_left3A_1087 = arith.shli %get3A_1080, %shift_left3A_1086 : vector<16xi32>
          %bitcast_convert_type3A_1088 = tpu.bitcast %shift_left3A_1087 : vector<16xi32> -> vector<16xf32>
          %bitcast_convert_type3A_1089 = tpu.bitcast %get3A_1080 : vector<16xi32> -> vector<16xf32>
          %shift_left3A_1090 = arith.constant 16 : i32
          %shift_left3A_1091 = vector.broadcast %shift_left3A_1090 : i32 to vector<16xi32>
          %shift_left3A_1092 = arith.shli %get3A_1084, %shift_left3A_1091 : vector<16xi32>
          %bitcast_convert_type3A_1093 = tpu.bitcast %shift_left3A_1092 : vector<16xi32> -> vector<16xf32>
          %bitcast_convert_type3A_1094 = tpu.bitcast %get3A_1084 : vector<16xi32> -> vector<16xf32>
          %mul3A_1095 = arith.mulf %bitcast_convert_type3A_1088, %bitcast_convert_type3A_1093 : vector<16xf32>
          %mul3A_1096 = arith.mulf %bitcast_convert_type3A_1089, %bitcast_convert_type3A_1094 : vector<16xf32>
          %add3A_1097 = arith.addf %mul3A_1095, %mul3A_1096 : vector<16xf32>
          %get3A_1098 = arith.index_cast %add3A_1076 : i32 to index
          %get3A_1099 = arith.constant 16 : index
          %get3A_1100 = tpu.vector_load %arg10[%get3A_1098, %get3A_1099] {strides = array<i32>} : memref<128x64xi32, #tpu.memory_space<vmem>>, vector<1x16xi32>,
          %get3A_1101 = vector.shape_cast %get3A_1100 : vector<1x16xi32> to vector<16xi32>
          %get3A_1102 = arith.index_cast %add3A_1076 : i32 to index
          %get3A_1103 = arith.constant 16 : index
          %get3A_1104 = tpu.vector_load %arg11[%get3A_1102, %get3A_1103] {strides = array<i32>} : memref<128x64xi32, #tpu.memory_space<vmem>>, vector<1x16xi32>,
          %get3A_1105 = vector.shape_cast %get3A_1104 : vector<1x16xi32> to vector<16xi32>
          %shift_left3A_1106 = arith.constant 16 : i32
          %shift_left3A_1107 = vector.broadcast %shift_left3A_1106 : i32 to vector<16xi32>
          %shift_left3A_1108 = arith.shli %get3A_1101, %shift_left3A_1107 : vector<16xi32>
          %bitcast_convert_type3A_1109 = tpu.bitcast %shift_left3A_1108 : vector<16xi32> -> vector<16xf32>
          %bitcast_convert_type3A_1110 = tpu.bitcast %get3A_1101 : vector<16xi32> -> vector<16xf32>
          %shift_left3A_1111 = arith.constant 16 : i32
          %shift_left3A_1112 = vector.broadcast %shift_left3A_1111 : i32 to vector<16xi32>
          %shift_left3A_1113 = arith.shli %get3A_1105, %shift_left3A_1112 : vector<16xi32>
          %bitcast_convert_type3A_1114 = tpu.bitcast %shift_left3A_1113 : vector<16xi32> -> vector<16xf32>
          %bitcast_convert_type3A_1115 = tpu.bitcast %get3A_1105 : vector<16xi32> -> vector<16xf32>
          %mul3A_1116 = arith.mulf %bitcast_convert_type3A_1109, %bitcast_convert_type3A_1114 : vector<16xf32>
          %mul3A_1117 = arith.mulf %bitcast_convert_type3A_1110, %bitcast_convert_type3A_1115 : vector<16xf32>
          %add3A_1118 = arith.addf %mul3A_1116, %mul3A_1117 : vector<16xf32>
          %add3A_1119 = arith.addf %add3A_1097, %add3A_1118 : vector<16xf32>
          %get3A_1120 = arith.index_cast %add3A_1076 : i32 to index
          %get3A_1121 = arith.constant 32 : index
          %get3A_1122 = tpu.vector_load %arg10[%get3A_1120, %get3A_1121] {strides = array<i32>} : memref<128x64xi32, #tpu.memory_space<vmem>>, vector<1x16xi32>,
          %get3A_1123 = vector.shape_cast %get3A_1122 : vector<1x16xi32> to vector<16xi32>
          %get3A_1124 = arith.index_cast %add3A_1076 : i32 to index
          %get3A_1125 = arith.constant 32 : index
          %get3A_1126 = tpu.vector_load %arg11[%get3A_1124, %get3A_1125] {strides = array<i32>} : memref<128x64xi32, #tpu.memory_space<vmem>>, vector<1x16xi32>,
          %get3A_1127 = vector.shape_cast %get3A_1126 : vector<1x16xi32> to vector<16xi32>
          %shift_left3A_1128 = arith.constant 16 : i32
          %shift_left3A_1129 = vector.broadcast %shift_left3A_1128 : i32 to vector<16xi32>
          %shift_left3A_1130 = arith.shli %get3A_1123, %shift_left3A_1129 : vector<16xi32>
          %bitcast_convert_type3A_1131 = tpu.bitcast %shift_left3A_1130 : vector<16xi32> -> vector<16xf32>
          %bitcast_convert_type3A_1132 = tpu.bitcast %get3A_1123 : vector<16xi32> -> vector<16xf32>
          %shift_left3A_1133 = arith.constant 16 : i32
          %shift_left3A_1134 = vector.broadcast %shift_left3A_1133 : i32 to vector<16xi32>
          %shift_left3A_1135 = arith.shli %get3A_1127, %shift_left3A_1134 : vector<16xi32>
          %bitcast_convert_type3A_1136 = tpu.bitcast %shift_left3A_1135 : vector<16xi32> -> vector<16xf32>
          %bitcast_convert_type3A_1137 = tpu.bitcast %get3A_1127 : vector<16xi32> -> vector<16xf32>
          %mul3A_1138 = arith.mulf %bitcast_convert_type3A_1131, %bitcast_convert_type3A_1136 : vector<16xf32>
          %mul3A_1139 = arith.mulf %bitcast_convert_type3A_1132, %bitcast_convert_type3A_1137 : vector<16xf32>
          %add3A_1140 = arith.addf %mul3A_1138, %mul3A_1139 : vector<16xf32>
          %add3A_1141 = arith.addf %add3A_1119, %add3A_1140 : vector<16xf32>
          %get3A_1142 = arith.index_cast %add3A_1076 : i32 to index
          %get3A_1143 = arith.constant 48 : index
          %get3A_1144 = tpu.vector_load %arg10[%get3A_1142, %get3A_1143] {strides = array<i32>} : memref<128x64xi32, #tpu.memory_space<vmem>>, vector<1x16xi32>,
          %get3A_1145 = vector.shape_cast %get3A_1144 : vector<1x16xi32> to vector<16xi32>
          %get3A_1146 = arith.index_cast %add3A_1076 : i32 to index
          %get3A_1147 = arith.constant 48 : index
          %get3A_1148 = tpu.vector_load %arg11[%get3A_1146, %get3A_1147] {strides = array<i32>} : memref<128x64xi32, #tpu.memory_space<vmem>>, vector<1x16xi32>,
          %get3A_1149 = vector.shape_cast %get3A_1148 : vector<1x16xi32> to vector<16xi32>
          %shift_left3A_1150 = arith.constant 16 : i32
          %shift_left3A_1151 = vector.broadcast %shift_left3A_1150 : i32 to vector<16xi32>
          %shift_left3A_1152 = arith.shli %get3A_1145, %shift_left3A_1151 : vector<16xi32>
          %bitcast_convert_type3A_1153 = tpu.bitcast %shift_left3A_1152 : vector<16xi32> -> vector<16xf32>
          %bitcast_convert_type3A_1154 = tpu.bitcast %get3A_1145 : vector<16xi32> -> vector<16xf32>
          %shift_left3A_1155 = arith.constant 16 : i32
          %shift_left3A_1156 = vector.broadcast %shift_left3A_1155 : i32 to vector<16xi32>
          %shift_left3A_1157 = arith.shli %get3A_1149, %shift_left3A_1156 : vector<16xi32>
          %bitcast_convert_type3A_1158 = tpu.bitcast %shift_left3A_1157 : vector<16xi32> -> vector<16xf32>
          %bitcast_convert_type3A_1159 = tpu.bitcast %get3A_1149 : vector<16xi32> -> vector<16xf32>
          %mul3A_1160 = arith.mulf %bitcast_convert_type3A_1153, %bitcast_convert_type3A_1158 : vector<16xf32>
          %mul3A_1161 = arith.mulf %bitcast_convert_type3A_1154, %bitcast_convert_type3A_1159 : vector<16xf32>
          %add3A_1162 = arith.addf %mul3A_1160, %mul3A_1161 : vector<16xf32>
          %add3A_1163 = arith.addf %add3A_1141, %add3A_1162 : vector<16xf32>
          %swap3A_1164 = arith.index_cast %scan3A_880 : i32 to index
          %swap3A_1165 = arith.constant 32 : index
          %swap3A_1166 = tpu.vector_load %arg14[%swap3A_1164, %swap3A_1165] {strides = array<i32>} : memref<16x128xf32, #tpu.memory_space<vmem>>, vector<1x16xf32>,
          %swap3A_1167 = vector.shape_cast %swap3A_1166 : vector<1x16xf32> to vector<16xf32>
          %swap3A_1168 = vector.shape_cast %add3A_1163 : vector<16xf32> to vector<1x16xf32>
          tpu.vector_store %arg14[%swap3A_1164, %swap3A_1165], %swap3A_1168 {strides = array<i32>} : memref<16x128xf32, #tpu.memory_space<vmem>>, vector<1x16xf32>,
          %mul3A_1169 = arith.constant 8 : i32
          %mul3A_1170 = arith.muli %scan3A_880, %mul3A_1169 : i32
          %add3A_1171 = arith.constant 3 : i32
          %add3A_1172 = arith.addi %mul3A_1170, %add3A_1171 : i32
          %get3A_1173 = arith.index_cast %add3A_1172 : i32 to index
          %get3A_1174 = arith.constant 0 : index
          %get3A_1175 = tpu.vector_load %arg10[%get3A_1173, %get3A_1174] {strides = array<i32>} : memref<128x64xi32, #tpu.memory_space<vmem>>, vector<1x16xi32>,
          %get3A_1176 = vector.shape_cast %get3A_1175 : vector<1x16xi32> to vector<16xi32>
          %get3A_1177 = arith.index_cast %add3A_1172 : i32 to index
          %get3A_1178 = arith.constant 0 : index
          %get3A_1179 = tpu.vector_load %arg11[%get3A_1177, %get3A_1178] {strides = array<i32>} : memref<128x64xi32, #tpu.memory_space<vmem>>, vector<1x16xi32>,
          %get3A_1180 = vector.shape_cast %get3A_1179 : vector<1x16xi32> to vector<16xi32>
          %shift_left3A_1181 = arith.constant 16 : i32
          %shift_left3A_1182 = vector.broadcast %shift_left3A_1181 : i32 to vector<16xi32>
          %shift_left3A_1183 = arith.shli %get3A_1176, %shift_left3A_1182 : vector<16xi32>
          %bitcast_convert_type3A_1184 = tpu.bitcast %shift_left3A_1183 : vector<16xi32> -> vector<16xf32>
          %bitcast_convert_type3A_1185 = tpu.bitcast %get3A_1176 : vector<16xi32> -> vector<16xf32>
          %shift_left3A_1186 = arith.constant 16 : i32
          %shift_left3A_1187 = vector.broadcast %shift_left3A_1186 : i32 to vector<16xi32>
          %shift_left3A_1188 = arith.shli %get3A_1180, %shift_left3A_1187 : vector<16xi32>
          %bitcast_convert_type3A_1189 = tpu.bitcast %shift_left3A_1188 : vector<16xi32> -> vector<16xf32>
          %bitcast_convert_type3A_1190 = tpu.bitcast %get3A_1180 : vector<16xi32> -> vector<16xf32>
          %mul3A_1191 = arith.mulf %bitcast_convert_type3A_1184, %bitcast_convert_type3A_1189 : vector<16xf32>
          %mul3A_1192 = arith.mulf %bitcast_convert_type3A_1185, %bitcast_convert_type3A_1190 : vector<16xf32>
          %add3A_1193 = arith.addf %mul3A_1191, %mul3A_1192 : vector<16xf32>
          %get3A_1194 = arith.index_cast %add3A_1172 : i32 to index
          %get3A_1195 = arith.constant 16 : index
          %get3A_1196 = tpu.vector_load %arg10[%get3A_1194, %get3A_1195] {strides = array<i32>} : memref<128x64xi32, #tpu.memory_space<vmem>>, vector<1x16xi32>,
          %get3A_1197 = vector.shape_cast %get3A_1196 : vector<1x16xi32> to vector<16xi32>
          %get3A_1198 = arith.index_cast %add3A_1172 : i32 to index
          %get3A_1199 = arith.constant 16 : index
          %get3A_1200 = tpu.vector_load %arg11[%get3A_1198, %get3A_1199] {strides = array<i32>} : memref<128x64xi32, #tpu.memory_space<vmem>>, vector<1x16xi32>,
          %get3A_1201 = vector.shape_cast %get3A_1200 : vector<1x16xi32> to vector<16xi32>
          %shift_left3A_1202 = arith.constant 16 : i32
          %shift_left3A_1203 = vector.broadcast %shift_left3A_1202 : i32 to vector<16xi32>
          %shift_left3A_1204 = arith.shli %get3A_1197, %shift_left3A_1203 : vector<16xi32>
          %bitcast_convert_type3A_1205 = tpu.bitcast %shift_left3A_1204 : vector<16xi32> -> vector<16xf32>
          %bitcast_convert_type3A_1206 = tpu.bitcast %get3A_1197 : vector<16xi32> -> vector<16xf32>
          %shift_left3A_1207 = arith.constant 16 : i32
          %shift_left3A_1208 = vector.broadcast %shift_left3A_1207 : i32 to vector<16xi32>
          %shift_left3A_1209 = arith.shli %get3A_1201, %shift_left3A_1208 : vector<16xi32>
          %bitcast_convert_type3A_1210 = tpu.bitcast %shift_left3A_1209 : vector<16xi32> -> vector<16xf32>
          %bitcast_convert_type3A_1211 = tpu.bitcast %get3A_1201 : vector<16xi32> -> vector<16xf32>
          %mul3A_1212 = arith.mulf %bitcast_convert_type3A_1205, %bitcast_convert_type3A_1210 : vector<16xf32>
          %mul3A_1213 = arith.mulf %bitcast_convert_type3A_1206, %bitcast_convert_type3A_1211 : vector<16xf32>
          %add3A_1214 = arith.addf %mul3A_1212, %mul3A_1213 : vector<16xf32>
          %add3A_1215 = arith.addf %add3A_1193, %add3A_1214 : vector<16xf32>
          %get3A_1216 = arith.index_cast %add3A_1172 : i32 to index
          %get3A_1217 = arith.constant 32 : index
          %get3A_1218 = tpu.vector_load %arg10[%get3A_1216, %get3A_1217] {strides = array<i32>} : memref<128x64xi32, #tpu.memory_space<vmem>>, vector<1x16xi32>,
          %get3A_1219 = vector.shape_cast %get3A_1218 : vector<1x16xi32> to vector<16xi32>
          %get3A_1220 = arith.index_cast %add3A_1172 : i32 to index
          %get3A_1221 = arith.constant 32 : index
          %get3A_1222 = tpu.vector_load %arg11[%get3A_1220, %get3A_1221] {strides = array<i32>} : memref<128x64xi32, #tpu.memory_space<vmem>>, vector<1x16xi32>,
          %get3A_1223 = vector.shape_cast %get3A_1222 : vector<1x16xi32> to vector<16xi32>
          %shift_left3A_1224 = arith.constant 16 : i32
          %shift_left3A_1225 = vector.broadcast %shift_left3A_1224 : i32 to vector<16xi32>
          %shift_left3A_1226 = arith.shli %get3A_1219, %shift_left3A_1225 : vector<16xi32>
          %bitcast_convert_type3A_1227 = tpu.bitcast %shift_left3A_1226 : vector<16xi32> -> vector<16xf32>
          %bitcast_convert_type3A_1228 = tpu.bitcast %get3A_1219 : vector<16xi32> -> vector<16xf32>
          %shift_left3A_1229 = arith.constant 16 : i32
          %shift_left3A_1230 = vector.broadcast %shift_left3A_1229 : i32 to vector<16xi32>
          %shift_left3A_1231 = arith.shli %get3A_1223, %shift_left3A_1230 : vector<16xi32>
          %bitcast_convert_type3A_1232 = tpu.bitcast %shift_left3A_1231 : vector<16xi32> -> vector<16xf32>
          %bitcast_convert_type3A_1233 = tpu.bitcast %get3A_1223 : vector<16xi32> -> vector<16xf32>
          %mul3A_1234 = arith.mulf %bitcast_convert_type3A_1227, %bitcast_convert_type3A_1232 : vector<16xf32>
          %mul3A_1235 = arith.mulf %bitcast_convert_type3A_1228, %bitcast_convert_type3A_1233 : vector<16xf32>
          %add3A_1236 = arith.addf %mul3A_1234, %mul3A_1235 : vector<16xf32>
          %add3A_1237 = arith.addf %add3A_1215, %add3A_1236 : vector<16xf32>
          %get3A_1238 = arith.index_cast %add3A_1172 : i32 to index
          %get3A_1239 = arith.constant 48 : index
          %get3A_1240 = tpu.vector_load %arg10[%get3A_1238, %get3A_1239] {strides = array<i32>} : memref<128x64xi32, #tpu.memory_space<vmem>>, vector<1x16xi32>,
          %get3A_1241 = vector.shape_cast %get3A_1240 : vector<1x16xi32> to vector<16xi32>
          %get3A_1242 = arith.index_cast %add3A_1172 : i32 to index
          %get3A_1243 = arith.constant 48 : index
          %get3A_1244 = tpu.vector_load %arg11[%get3A_1242, %get3A_1243] {strides = array<i32>} : memref<128x64xi32, #tpu.memory_space<vmem>>, vector<1x16xi32>,
          %get3A_1245 = vector.shape_cast %get3A_1244 : vector<1x16xi32> to vector<16xi32>
          %shift_left3A_1246 = arith.constant 16 : i32
          %shift_left3A_1247 = vector.broadcast %shift_left3A_1246 : i32 to vector<16xi32>
          %shift_left3A_1248 = arith.shli %get3A_1241, %shift_left3A_1247 : vector<16xi32>
          %bitcast_convert_type3A_1249 = tpu.bitcast %shift_left3A_1248 : vector<16xi32> -> vector<16xf32>
          %bitcast_convert_type3A_1250 = tpu.bitcast %get3A_1241 : vector<16xi32> -> vector<16xf32>
          %shift_left3A_1251 = arith.constant 16 : i32
          %shift_left3A_1252 = vector.broadcast %shift_left3A_1251 : i32 to vector<16xi32>
          %shift_left3A_1253 = arith.shli %get3A_1245, %shift_left3A_1252 : vector<16xi32>
          %bitcast_convert_type3A_1254 = tpu.bitcast %shift_left3A_1253 : vector<16xi32> -> vector<16xf32>
          %bitcast_convert_type3A_1255 = tpu.bitcast %get3A_1245 : vector<16xi32> -> vector<16xf32>
          %mul3A_1256 = arith.mulf %bitcast_convert_type3A_1249, %bitcast_convert_type3A_1254 : vector<16xf32>
          %mul3A_1257 = arith.mulf %bitcast_convert_type3A_1250, %bitcast_convert_type3A_1255 : vector<16xf32>
          %add3A_1258 = arith.addf %mul3A_1256, %mul3A_1257 : vector<16xf32>
          %add3A_1259 = arith.addf %add3A_1237, %add3A_1258 : vector<16xf32>
          %swap3A_1260 = arith.index_cast %scan3A_880 : i32 to index
          %swap3A_1261 = arith.constant 48 : index
          %swap3A_1262 = tpu.vector_load %arg14[%swap3A_1260, %swap3A_1261] {strides = array<i32>} : memref<16x128xf32, #tpu.memory_space<vmem>>, vector<1x16xf32>,
          %swap3A_1263 = vector.shape_cast %swap3A_1262 : vector<1x16xf32> to vector<16xf32>
          %swap3A_1264 = vector.shape_cast %add3A_1259 : vector<16xf32> to vector<1x16xf32>
          tpu.vector_store %arg14[%swap3A_1260, %swap3A_1261], %swap3A_1264 {strides = array<i32>} : memref<16x128xf32, #tpu.memory_space<vmem>>, vector<1x16xf32>,
          %mul3A_1265 = arith.constant 8 : i32
          %mul3A_1266 = arith.muli %scan3A_880, %mul3A_1265 : i32
          %add3A_1267 = arith.constant 4 : i32
          %add3A_1268 = arith.addi %mul3A_1266, %add3A_1267 : i32
          %get3A_1269 = arith.index_cast %add3A_1268 : i32 to index
          %get3A_1270 = arith.constant 0 : index
          %get3A_1271 = tpu.vector_load %arg10[%get3A_1269, %get3A_1270] {strides = array<i32>} : memref<128x64xi32, #tpu.memory_space<vmem>>, vector<1x16xi32>,
          %get3A_1272 = vector.shape_cast %get3A_1271 : vector<1x16xi32> to vector<16xi32>
          %get3A_1273 = arith.index_cast %add3A_1268 : i32 to index
          %get3A_1274 = arith.constant 0 : index
          %get3A_1275 = tpu.vector_load %arg11[%get3A_1273, %get3A_1274] {strides = array<i32>} : memref<128x64xi32, #tpu.memory_space<vmem>>, vector<1x16xi32>,
          %get3A_1276 = vector.shape_cast %get3A_1275 : vector<1x16xi32> to vector<16xi32>
          %shift_left3A_1277 = arith.constant 16 : i32
          %shift_left3A_1278 = vector.broadcast %shift_left3A_1277 : i32 to vector<16xi32>
          %shift_left3A_1279 = arith.shli %get3A_1272, %shift_left3A_1278 : vector<16xi32>
          %bitcast_convert_type3A_1280 = tpu.bitcast %shift_left3A_1279 : vector<16xi32> -> vector<16xf32>
          %bitcast_convert_type3A_1281 = tpu.bitcast %get3A_1272 : vector<16xi32> -> vector<16xf32>
          %shift_left3A_1282 = arith.constant 16 : i32
          %shift_left3A_1283 = vector.broadcast %shift_left3A_1282 : i32 to vector<16xi32>
          %shift_left3A_1284 = arith.shli %get3A_1276, %shift_left3A_1283 : vector<16xi32>
          %bitcast_convert_type3A_1285 = tpu.bitcast %shift_left3A_1284 : vector<16xi32> -> vector<16xf32>
          %bitcast_convert_type3A_1286 = tpu.bitcast %get3A_1276 : vector<16xi32> -> vector<16xf32>
          %mul3A_1287 = arith.mulf %bitcast_convert_type3A_1280, %bitcast_convert_type3A_1285 : vector<16xf32>
          %mul3A_1288 = arith.mulf %bitcast_convert_type3A_1281, %bitcast_convert_type3A_1286 : vector<16xf32>
          %add3A_1289 = arith.addf %mul3A_1287, %mul3A_1288 : vector<16xf32>
          %get3A_1290 = arith.index_cast %add3A_1268 : i32 to index
          %get3A_1291 = arith.constant 16 : index
          %get3A_1292 = tpu.vector_load %arg10[%get3A_1290, %get3A_1291] {strides = array<i32>} : memref<128x64xi32, #tpu.memory_space<vmem>>, vector<1x16xi32>,
          %get3A_1293 = vector.shape_cast %get3A_1292 : vector<1x16xi32> to vector<16xi32>
          %get3A_1294 = arith.index_cast %add3A_1268 : i32 to index
          %get3A_1295 = arith.constant 16 : index
          %get3A_1296 = tpu.vector_load %arg11[%get3A_1294, %get3A_1295] {strides = array<i32>} : memref<128x64xi32, #tpu.memory_space<vmem>>, vector<1x16xi32>,
          %get3A_1297 = vector.shape_cast %get3A_1296 : vector<1x16xi32> to vector<16xi32>
          %shift_left3A_1298 = arith.constant 16 : i32
          %shift_left3A_1299 = vector.broadcast %shift_left3A_1298 : i32 to vector<16xi32>
          %shift_left3A_1300 = arith.shli %get3A_1293, %shift_left3A_1299 : vector<16xi32>
          %bitcast_convert_type3A_1301 = tpu.bitcast %shift_left3A_1300 : vector<16xi32> -> vector<16xf32>
          %bitcast_convert_type3A_1302 = tpu.bitcast %get3A_1293 : vector<16xi32> -> vector<16xf32>
          %shift_left3A_1303 = arith.constant 16 : i32
          %shift_left3A_1304 = vector.broadcast %shift_left3A_1303 : i32 to vector<16xi32>
          %shift_left3A_1305 = arith.shli %get3A_1297, %shift_left3A_1304 : vector<16xi32>
          %bitcast_convert_type3A_1306 = tpu.bitcast %shift_left3A_1305 : vector<16xi32> -> vector<16xf32>
          %bitcast_convert_type3A_1307 = tpu.bitcast %get3A_1297 : vector<16xi32> -> vector<16xf32>
          %mul3A_1308 = arith.mulf %bitcast_convert_type3A_1301, %bitcast_convert_type3A_1306 : vector<16xf32>
          %mul3A_1309 = arith.mulf %bitcast_convert_type3A_1302, %bitcast_convert_type3A_1307 : vector<16xf32>
          %add3A_1310 = arith.addf %mul3A_1308, %mul3A_1309 : vector<16xf32>
          %add3A_1311 = arith.addf %add3A_1289, %add3A_1310 : vector<16xf32>
          %get3A_1312 = arith.index_cast %add3A_1268 : i32 to index
          %get3A_1313 = arith.constant 32 : index
          %get3A_1314 = tpu.vector_load %arg10[%get3A_1312, %get3A_1313] {strides = array<i32>} : memref<128x64xi32, #tpu.memory_space<vmem>>, vector<1x16xi32>,
          %get3A_1315 = vector.shape_cast %get3A_1314 : vector<1x16xi32> to vector<16xi32>
          %get3A_1316 = arith.index_cast %add3A_1268 : i32 to index
          %get3A_1317 = arith.constant 32 : index
          %get3A_1318 = tpu.vector_load %arg11[%get3A_1316, %get3A_1317] {strides = array<i32>} : memref<128x64xi32, #tpu.memory_space<vmem>>, vector<1x16xi32>,
          %get3A_1319 = vector.shape_cast %get3A_1318 : vector<1x16xi32> to vector<16xi32>
          %shift_left3A_1320 = arith.constant 16 : i32
          %shift_left3A_1321 = vector.broadcast %shift_left3A_1320 : i32 to vector<16xi32>
          %shift_left3A_1322 = arith.shli %get3A_1315, %shift_left3A_1321 : vector<16xi32>
          %bitcast_convert_type3A_1323 = tpu.bitcast %shift_left3A_1322 : vector<16xi32> -> vector<16xf32>
          %bitcast_convert_type3A_1324 = tpu.bitcast %get3A_1315 : vector<16xi32> -> vector<16xf32>
          %shift_left3A_1325 = arith.constant 16 : i32
          %shift_left3A_1326 = vector.broadcast %shift_left3A_1325 : i32 to vector<16xi32>
          %shift_left3A_1327 = arith.shli %get3A_1319, %shift_left3A_1326 : vector<16xi32>
          %bitcast_convert_type3A_1328 = tpu.bitcast %shift_left3A_1327 : vector<16xi32> -> vector<16xf32>
          %bitcast_convert_type3A_1329 = tpu.bitcast %get3A_1319 : vector<16xi32> -> vector<16xf32>
          %mul3A_1330 = arith.mulf %bitcast_convert_type3A_1323, %bitcast_convert_type3A_1328 : vector<16xf32>
          %mul3A_1331 = arith.mulf %bitcast_convert_type3A_1324, %bitcast_convert_type3A_1329 : vector<16xf32>
          %add3A_1332 = arith.addf %mul3A_1330, %mul3A_1331 : vector<16xf32>
          %add3A_1333 = arith.addf %add3A_1311, %add3A_1332 : vector<16xf32>
          %get3A_1334 = arith.index_cast %add3A_1268 : i32 to index
          %get3A_1335 = arith.constant 48 : index
          %get3A_1336 = tpu.vector_load %arg10[%get3A_1334, %get3A_1335] {strides = array<i32>} : memref<128x64xi32, #tpu.memory_space<vmem>>, vector<1x16xi32>,
          %get3A_1337 = vector.shape_cast %get3A_1336 : vector<1x16xi32> to vector<16xi32>
          %get3A_1338 = arith.index_cast %add3A_1268 : i32 to index
          %get3A_1339 = arith.constant 48 : index
          %get3A_1340 = tpu.vector_load %arg11[%get3A_1338, %get3A_1339] {strides = array<i32>} : memref<128x64xi32, #tpu.memory_space<vmem>>, vector<1x16xi32>,
          %get3A_1341 = vector.shape_cast %get3A_1340 : vector<1x16xi32> to vector<16xi32>
          %shift_left3A_1342 = arith.constant 16 : i32
          %shift_left3A_1343 = vector.broadcast %shift_left3A_1342 : i32 to vector<16xi32>
          %shift_left3A_1344 = arith.shli %get3A_1337, %shift_left3A_1343 : vector<16xi32>
          %bitcast_convert_type3A_1345 = tpu.bitcast %shift_left3A_1344 : vector<16xi32> -> vector<16xf32>
          %bitcast_convert_type3A_1346 = tpu.bitcast %get3A_1337 : vector<16xi32> -> vector<16xf32>
          %shift_left3A_1347 = arith.constant 16 : i32
          %shift_left3A_1348 = vector.broadcast %shift_left3A_1347 : i32 to vector<16xi32>
          %shift_left3A_1349 = arith.shli %get3A_1341, %shift_left3A_1348 : vector<16xi32>
          %bitcast_convert_type3A_1350 = tpu.bitcast %shift_left3A_1349 : vector<16xi32> -> vector<16xf32>
          %bitcast_convert_type3A_1351 = tpu.bitcast %get3A_1341 : vector<16xi32> -> vector<16xf32>
          %mul3A_1352 = arith.mulf %bitcast_convert_type3A_1345, %bitcast_convert_type3A_1350 : vector<16xf32>
          %mul3A_1353 = arith.mulf %bitcast_convert_type3A_1346, %bitcast_convert_type3A_1351 : vector<16xf32>
          %add3A_1354 = arith.addf %mul3A_1352, %mul3A_1353 : vector<16xf32>
          %add3A_1355 = arith.addf %add3A_1333, %add3A_1354 : vector<16xf32>
          %swap3A_1356 = arith.index_cast %scan3A_880 : i32 to index
          %swap3A_1357 = arith.constant 64 : index
          %swap3A_1358 = tpu.vector_load %arg14[%swap3A_1356, %swap3A_1357] {strides = array<i32>} : memref<16x128xf32, #tpu.memory_space<vmem>>, vector<1x16xf32>,
          %swap3A_1359 = vector.shape_cast %swap3A_1358 : vector<1x16xf32> to vector<16xf32>
          %swap3A_1360 = vector.shape_cast %add3A_1355 : vector<16xf32> to vector<1x16xf32>
          tpu.vector_store %arg14[%swap3A_1356, %swap3A_1357], %swap3A_1360 {strides = array<i32>} : memref<16x128xf32, #tpu.memory_space<vmem>>, vector<1x16xf32>,
          %mul3A_1361 = arith.constant 8 : i32
          %mul3A_1362 = arith.muli %scan3A_880, %mul3A_1361 : i32
          %add3A_1363 = arith.constant 5 : i32
          %add3A_1364 = arith.addi %mul3A_1362, %add3A_1363 : i32
          %get3A_1365 = arith.index_cast %add3A_1364 : i32 to index
          %get3A_1366 = arith.constant 0 : index
          %get3A_1367 = tpu.vector_load %arg10[%get3A_1365, %get3A_1366] {strides = array<i32>} : memref<128x64xi32, #tpu.memory_space<vmem>>, vector<1x16xi32>,
          %get3A_1368 = vector.shape_cast %get3A_1367 : vector<1x16xi32> to vector<16xi32>
          %get3A_1369 = arith.index_cast %add3A_1364 : i32 to index
          %get3A_1370 = arith.constant 0 : index
          %get3A_1371 = tpu.vector_load %arg11[%get3A_1369, %get3A_1370] {strides = array<i32>} : memref<128x64xi32, #tpu.memory_space<vmem>>, vector<1x16xi32>,
          %get3A_1372 = vector.shape_cast %get3A_1371 : vector<1x16xi32> to vector<16xi32>
          %shift_left3A_1373 = arith.constant 16 : i32
          %shift_left3A_1374 = vector.broadcast %shift_left3A_1373 : i32 to vector<16xi32>
          %shift_left3A_1375 = arith.shli %get3A_1368, %shift_left3A_1374 : vector<16xi32>
          %bitcast_convert_type3A_1376 = tpu.bitcast %shift_left3A_1375 : vector<16xi32> -> vector<16xf32>
          %bitcast_convert_type3A_1377 = tpu.bitcast %get3A_1368 : vector<16xi32> -> vector<16xf32>
          %shift_left3A_1378 = arith.constant 16 : i32
          %shift_left3A_1379 = vector.broadcast %shift_left3A_1378 : i32 to vector<16xi32>
          %shift_left3A_1380 = arith.shli %get3A_1372, %shift_left3A_1379 : vector<16xi32>
          %bitcast_convert_type3A_1381 = tpu.bitcast %shift_left3A_1380 : vector<16xi32> -> vector<16xf32>
          %bitcast_convert_type3A_1382 = tpu.bitcast %get3A_1372 : vector<16xi32> -> vector<16xf32>
          %mul3A_1383 = arith.mulf %bitcast_convert_type3A_1376, %bitcast_convert_type3A_1381 : vector<16xf32>
          %mul3A_1384 = arith.mulf %bitcast_convert_type3A_1377, %bitcast_convert_type3A_1382 : vector<16xf32>
          %add3A_1385 = arith.addf %mul3A_1383, %mul3A_1384 : vector<16xf32>
          %get3A_1386 = arith.index_cast %add3A_1364 : i32 to index
          %get3A_1387 = arith.constant 16 : index
          %get3A_1388 = tpu.vector_load %arg10[%get3A_1386, %get3A_1387] {strides = array<i32>} : memref<128x64xi32, #tpu.memory_space<vmem>>, vector<1x16xi32>,
          %get3A_1389 = vector.shape_cast %get3A_1388 : vector<1x16xi32> to vector<16xi32>
          %get3A_1390 = arith.index_cast %add3A_1364 : i32 to index
          %get3A_1391 = arith.constant 16 : index
          %get3A_1392 = tpu.vector_load %arg11[%get3A_1390, %get3A_1391] {strides = array<i32>} : memref<128x64xi32, #tpu.memory_space<vmem>>, vector<1x16xi32>,
          %get3A_1393 = vector.shape_cast %get3A_1392 : vector<1x16xi32> to vector<16xi32>
          %shift_left3A_1394 = arith.constant 16 : i32
          %shift_left3A_1395 = vector.broadcast %shift_left3A_1394 : i32 to vector<16xi32>
          %shift_left3A_1396 = arith.shli %get3A_1389, %shift_left3A_1395 : vector<16xi32>
          %bitcast_convert_type3A_1397 = tpu.bitcast %shift_left3A_1396 : vector<16xi32> -> vector<16xf32>
          %bitcast_convert_type3A_1398 = tpu.bitcast %get3A_1389 : vector<16xi32> -> vector<16xf32>
          %shift_left3A_1399 = arith.constant 16 : i32
          %shift_left3A_1400 = vector.broadcast %shift_left3A_1399 : i32 to vector<16xi32>
          %shift_left3A_1401 = arith.shli %get3A_1393, %shift_left3A_1400 : vector<16xi32>
          %bitcast_convert_type3A_1402 = tpu.bitcast %shift_left3A_1401 : vector<16xi32> -> vector<16xf32>
          %bitcast_convert_type3A_1403 = tpu.bitcast %get3A_1393 : vector<16xi32> -> vector<16xf32>
          %mul3A_1404 = arith.mulf %bitcast_convert_type3A_1397, %bitcast_convert_type3A_1402 : vector<16xf32>
          %mul3A_1405 = arith.mulf %bitcast_convert_type3A_1398, %bitcast_convert_type3A_1403 : vector<16xf32>
          %add3A_1406 = arith.addf %mul3A_1404, %mul3A_1405 : vector<16xf32>
          %add3A_1407 = arith.addf %add3A_1385, %add3A_1406 : vector<16xf32>
          %get3A_1408 = arith.index_cast %add3A_1364 : i32 to index
          %get3A_1409 = arith.constant 32 : index
          %get3A_1410 = tpu.vector_load %arg10[%get3A_1408, %get3A_1409] {strides = array<i32>} : memref<128x64xi32, #tpu.memory_space<vmem>>, vector<1x16xi32>,
          %get3A_1411 = vector.shape_cast %get3A_1410 : vector<1x16xi32> to vector<16xi32>
          %get3A_1412 = arith.index_cast %add3A_1364 : i32 to index
          %get3A_1413 = arith.constant 32 : index
          %get3A_1414 = tpu.vector_load %arg11[%get3A_1412, %get3A_1413] {strides = array<i32>} : memref<128x64xi32, #tpu.memory_space<vmem>>, vector<1x16xi32>,
          %get3A_1415 = vector.shape_cast %get3A_1414 : vector<1x16xi32> to vector<16xi32>
          %shift_left3A_1416 = arith.constant 16 : i32
          %shift_left3A_1417 = vector.broadcast %shift_left3A_1416 : i32 to vector<16xi32>
          %shift_left3A_1418 = arith.shli %get3A_1411, %shift_left3A_1417 : vector<16xi32>
          %bitcast_convert_type3A_1419 = tpu.bitcast %shift_left3A_1418 : vector<16xi32> -> vector<16xf32>
          %bitcast_convert_type3A_1420 = tpu.bitcast %get3A_1411 : vector<16xi32> -> vector<16xf32>
          %shift_left3A_1421 = arith.constant 16 : i32
          %shift_left3A_1422 = vector.broadcast %shift_left3A_1421 : i32 to vector<16xi32>
          %shift_left3A_1423 = arith.shli %get3A_1415, %shift_left3A_1422 : vector<16xi32>
          %bitcast_convert_type3A_1424 = tpu.bitcast %shift_left3A_1423 : vector<16xi32> -> vector<16xf32>
          %bitcast_convert_type3A_1425 = tpu.bitcast %get3A_1415 : vector<16xi32> -> vector<16xf32>
          %mul3A_1426 = arith.mulf %bitcast_convert_type3A_1419, %bitcast_convert_type3A_1424 : vector<16xf32>
          %mul3A_1427 = arith.mulf %bitcast_convert_type3A_1420, %bitcast_convert_type3A_1425 : vector<16xf32>
          %add3A_1428 = arith.addf %mul3A_1426, %mul3A_1427 : vector<16xf32>
          %add3A_1429 = arith.addf %add3A_1407, %add3A_1428 : vector<16xf32>
          %get3A_1430 = arith.index_cast %add3A_1364 : i32 to index
          %get3A_1431 = arith.constant 48 : index
          %get3A_1432 = tpu.vector_load %arg10[%get3A_1430, %get3A_1431] {strides = array<i32>} : memref<128x64xi32, #tpu.memory_space<vmem>>, vector<1x16xi32>,
          %get3A_1433 = vector.shape_cast %get3A_1432 : vector<1x16xi32> to vector<16xi32>
          %get3A_1434 = arith.index_cast %add3A_1364 : i32 to index
          %get3A_1435 = arith.constant 48 : index
          %get3A_1436 = tpu.vector_load %arg11[%get3A_1434, %get3A_1435] {strides = array<i32>} : memref<128x64xi32, #tpu.memory_space<vmem>>, vector<1x16xi32>,
          %get3A_1437 = vector.shape_cast %get3A_1436 : vector<1x16xi32> to vector<16xi32>
          %shift_left3A_1438 = arith.constant 16 : i32
          %shift_left3A_1439 = vector.broadcast %shift_left3A_1438 : i32 to vector<16xi32>
          %shift_left3A_1440 = arith.shli %get3A_1433, %shift_left3A_1439 : vector<16xi32>
          %bitcast_convert_type3A_1441 = tpu.bitcast %shift_left3A_1440 : vector<16xi32> -> vector<16xf32>
          %bitcast_convert_type3A_1442 = tpu.bitcast %get3A_1433 : vector<16xi32> -> vector<16xf32>
          %shift_left3A_1443 = arith.constant 16 : i32
          %shift_left3A_1444 = vector.broadcast %shift_left3A_1443 : i32 to vector<16xi32>
          %shift_left3A_1445 = arith.shli %get3A_1437, %shift_left3A_1444 : vector<16xi32>
          %bitcast_convert_type3A_1446 = tpu.bitcast %shift_left3A_1445 : vector<16xi32> -> vector<16xf32>
          %bitcast_convert_type3A_1447 = tpu.bitcast %get3A_1437 : vector<16xi32> -> vector<16xf32>
          %mul3A_1448 = arith.mulf %bitcast_convert_type3A_1441, %bitcast_convert_type3A_1446 : vector<16xf32>
          %mul3A_1449 = arith.mulf %bitcast_convert_type3A_1442, %bitcast_convert_type3A_1447 : vector<16xf32>
          %add3A_1450 = arith.addf %mul3A_1448, %mul3A_1449 : vector<16xf32>
          %add3A_1451 = arith.addf %add3A_1429, %add3A_1450 : vector<16xf32>
          %swap3A_1452 = arith.index_cast %scan3A_880 : i32 to index
          %swap3A_1453 = arith.constant 80 : index
          %swap3A_1454 = tpu.vector_load %arg14[%swap3A_1452, %swap3A_1453] {strides = array<i32>} : memref<16x128xf32, #tpu.memory_space<vmem>>, vector<1x16xf32>,
          %swap3A_1455 = vector.shape_cast %swap3A_1454 : vector<1x16xf32> to vector<16xf32>
          %swap3A_1456 = vector.shape_cast %add3A_1451 : vector<16xf32> to vector<1x16xf32>
          tpu.vector_store %arg14[%swap3A_1452, %swap3A_1453], %swap3A_1456 {strides = array<i32>} : memref<16x128xf32, #tpu.memory_space<vmem>>, vector<1x16xf32>,
          %mul3A_1457 = arith.constant 8 : i32
          %mul3A_1458 = arith.muli %scan3A_880, %mul3A_1457 : i32
          %add3A_1459 = arith.constant 6 : i32
          %add3A_1460 = arith.addi %mul3A_1458, %add3A_1459 : i32
          %get3A_1461 = arith.index_cast %add3A_1460 : i32 to index
          %get3A_1462 = arith.constant 0 : index
          %get3A_1463 = tpu.vector_load %arg10[%get3A_1461, %get3A_1462] {strides = array<i32>} : memref<128x64xi32, #tpu.memory_space<vmem>>, vector<1x16xi32>,
          %get3A_1464 = vector.shape_cast %get3A_1463 : vector<1x16xi32> to vector<16xi32>
          %get3A_1465 = arith.index_cast %add3A_1460 : i32 to index
          %get3A_1466 = arith.constant 0 : index
          %get3A_1467 = tpu.vector_load %arg11[%get3A_1465, %get3A_1466] {strides = array<i32>} : memref<128x64xi32, #tpu.memory_space<vmem>>, vector<1x16xi32>,
          %get3A_1468 = vector.shape_cast %get3A_1467 : vector<1x16xi32> to vector<16xi32>
          %shift_left3A_1469 = arith.constant 16 : i32
          %shift_left3A_1470 = vector.broadcast %shift_left3A_1469 : i32 to vector<16xi32>
          %shift_left3A_1471 = arith.shli %get3A_1464, %shift_left3A_1470 : vector<16xi32>
          %bitcast_convert_type3A_1472 = tpu.bitcast %shift_left3A_1471 : vector<16xi32> -> vector<16xf32>
          %bitcast_convert_type3A_1473 = tpu.bitcast %get3A_1464 : vector<16xi32> -> vector<16xf32>
          %shift_left3A_1474 = arith.constant 16 : i32
          %shift_left3A_1475 = vector.broadcast %shift_left3A_1474 : i32 to vector<16xi32>
          %shift_left3A_1476 = arith.shli %get3A_1468, %shift_left3A_1475 : vector<16xi32>
          %bitcast_convert_type3A_1477 = tpu.bitcast %shift_left3A_1476 : vector<16xi32> -> vector<16xf32>
          %bitcast_convert_type3A_1478 = tpu.bitcast %get3A_1468 : vector<16xi32> -> vector<16xf32>
          %mul3A_1479 = arith.mulf %bitcast_convert_type3A_1472, %bitcast_convert_type3A_1477 : vector<16xf32>
          %mul3A_1480 = arith.mulf %bitcast_convert_type3A_1473, %bitcast_convert_type3A_1478 : vector<16xf32>
          %add3A_1481 = arith.addf %mul3A_1479, %mul3A_1480 : vector<16xf32>
          %get3A_1482 = arith.index_cast %add3A_1460 : i32 to index
          %get3A_1483 = arith.constant 16 : index
          %get3A_1484 = tpu.vector_load %arg10[%get3A_1482, %get3A_1483] {strides = array<i32>} : memref<128x64xi32, #tpu.memory_space<vmem>>, vector<1x16xi32>,
          %get3A_1485 = vector.shape_cast %get3A_1484 : vector<1x16xi32> to vector<16xi32>
          %get3A_1486 = arith.index_cast %add3A_1460 : i32 to index
          %get3A_1487 = arith.constant 16 : index
          %get3A_1488 = tpu.vector_load %arg11[%get3A_1486, %get3A_1487] {strides = array<i32>} : memref<128x64xi32, #tpu.memory_space<vmem>>, vector<1x16xi32>,
          %get3A_1489 = vector.shape_cast %get3A_1488 : vector<1x16xi32> to vector<16xi32>
          %shift_left3A_1490 = arith.constant 16 : i32
          %shift_left3A_1491 = vector.broadcast %shift_left3A_1490 : i32 to vector<16xi32>
          %shift_left3A_1492 = arith.shli %get3A_1485, %shift_left3A_1491 : vector<16xi32>
          %bitcast_convert_type3A_1493 = tpu.bitcast %shift_left3A_1492 : vector<16xi32> -> vector<16xf32>
          %bitcast_convert_type3A_1494 = tpu.bitcast %get3A_1485 : vector<16xi32> -> vector<16xf32>
          %shift_left3A_1495 = arith.constant 16 : i32
          %shift_left3A_1496 = vector.broadcast %shift_left3A_1495 : i32 to vector<16xi32>
          %shift_left3A_1497 = arith.shli %get3A_1489, %shift_left3A_1496 : vector<16xi32>
          %bitcast_convert_type3A_1498 = tpu.bitcast %shift_left3A_1497 : vector<16xi32> -> vector<16xf32>
          %bitcast_convert_type3A_1499 = tpu.bitcast %get3A_1489 : vector<16xi32> -> vector<16xf32>
          %mul3A_1500 = arith.mulf %bitcast_convert_type3A_1493, %bitcast_convert_type3A_1498 : vector<16xf32>
          %mul3A_1501 = arith.mulf %bitcast_convert_type3A_1494, %bitcast_convert_type3A_1499 : vector<16xf32>
          %add3A_1502 = arith.addf %mul3A_1500, %mul3A_1501 : vector<16xf32>
          %add3A_1503 = arith.addf %add3A_1481, %add3A_1502 : vector<16xf32>
          %get3A_1504 = arith.index_cast %add3A_1460 : i32 to index
          %get3A_1505 = arith.constant 32 : index
          %get3A_1506 = tpu.vector_load %arg10[%get3A_1504, %get3A_1505] {strides = array<i32>} : memref<128x64xi32, #tpu.memory_space<vmem>>, vector<1x16xi32>,
          %get3A_1507 = vector.shape_cast %get3A_1506 : vector<1x16xi32> to vector<16xi32>
          %get3A_1508 = arith.index_cast %add3A_1460 : i32 to index
          %get3A_1509 = arith.constant 32 : index
          %get3A_1510 = tpu.vector_load %arg11[%get3A_1508, %get3A_1509] {strides = array<i32>} : memref<128x64xi32, #tpu.memory_space<vmem>>, vector<1x16xi32>,
          %get3A_1511 = vector.shape_cast %get3A_1510 : vector<1x16xi32> to vector<16xi32>
          %shift_left3A_1512 = arith.constant 16 : i32
          %shift_left3A_1513 = vector.broadcast %shift_left3A_1512 : i32 to vector<16xi32>
          %shift_left3A_1514 = arith.shli %get3A_1507, %shift_left3A_1513 : vector<16xi32>
          %bitcast_convert_type3A_1515 = tpu.bitcast %shift_left3A_1514 : vector<16xi32> -> vector<16xf32>
          %bitcast_convert_type3A_1516 = tpu.bitcast %get3A_1507 : vector<16xi32> -> vector<16xf32>
          %shift_left3A_1517 = arith.constant 16 : i32
          %shift_left3A_1518 = vector.broadcast %shift_left3A_1517 : i32 to vector<16xi32>
          %shift_left3A_1519 = arith.shli %get3A_1511, %shift_left3A_1518 : vector<16xi32>
          %bitcast_convert_type3A_1520 = tpu.bitcast %shift_left3A_1519 : vector<16xi32> -> vector<16xf32>
          %bitcast_convert_type3A_1521 = tpu.bitcast %get3A_1511 : vector<16xi32> -> vector<16xf32>
          %mul3A_1522 = arith.mulf %bitcast_convert_type3A_1515, %bitcast_convert_type3A_1520 : vector<16xf32>
          %mul3A_1523 = arith.mulf %bitcast_convert_type3A_1516, %bitcast_convert_type3A_1521 : vector<16xf32>
          %add3A_1524 = arith.addf %mul3A_1522, %mul3A_1523 : vector<16xf32>
          %add3A_1525 = arith.addf %add3A_1503, %add3A_1524 : vector<16xf32>
          %get3A_1526 = arith.index_cast %add3A_1460 : i32 to index
          %get3A_1527 = arith.constant 48 : index
          %get3A_1528 = tpu.vector_load %arg10[%get3A_1526, %get3A_1527] {strides = array<i32>} : memref<128x64xi32, #tpu.memory_space<vmem>>, vector<1x16xi32>,
          %get3A_1529 = vector.shape_cast %get3A_1528 : vector<1x16xi32> to vector<16xi32>
          %get3A_1530 = arith.index_cast %add3A_1460 : i32 to index
          %get3A_1531 = arith.constant 48 : index
          %get3A_1532 = tpu.vector_load %arg11[%get3A_1530, %get3A_1531] {strides = array<i32>} : memref<128x64xi32, #tpu.memory_space<vmem>>, vector<1x16xi32>,
          %get3A_1533 = vector.shape_cast %get3A_1532 : vector<1x16xi32> to vector<16xi32>
          %shift_left3A_1534 = arith.constant 16 : i32
          %shift_left3A_1535 = vector.broadcast %shift_left3A_1534 : i32 to vector<16xi32>
          %shift_left3A_1536 = arith.shli %get3A_1529, %shift_left3A_1535 : vector<16xi32>
          %bitcast_convert_type3A_1537 = tpu.bitcast %shift_left3A_1536 : vector<16xi32> -> vector<16xf32>
          %bitcast_convert_type3A_1538 = tpu.bitcast %get3A_1529 : vector<16xi32> -> vector<16xf32>
          %shift_left3A_1539 = arith.constant 16 : i32
          %shift_left3A_1540 = vector.broadcast %shift_left3A_1539 : i32 to vector<16xi32>
          %shift_left3A_1541 = arith.shli %get3A_1533, %shift_left3A_1540 : vector<16xi32>
          %bitcast_convert_type3A_1542 = tpu.bitcast %shift_left3A_1541 : vector<16xi32> -> vector<16xf32>
          %bitcast_convert_type3A_1543 = tpu.bitcast %get3A_1533 : vector<16xi32> -> vector<16xf32>
          %mul3A_1544 = arith.mulf %bitcast_convert_type3A_1537, %bitcast_convert_type3A_1542 : vector<16xf32>
          %mul3A_1545 = arith.mulf %bitcast_convert_type3A_1538, %bitcast_convert_type3A_1543 : vector<16xf32>
          %add3A_1546 = arith.addf %mul3A_1544, %mul3A_1545 : vector<16xf32>
          %add3A_1547 = arith.addf %add3A_1525, %add3A_1546 : vector<16xf32>
          %swap3A_1548 = arith.index_cast %scan3A_880 : i32 to index
          %swap3A_1549 = arith.constant 96 : index
          %swap3A_1550 = tpu.vector_load %arg14[%swap3A_1548, %swap3A_1549] {strides = array<i32>} : memref<16x128xf32, #tpu.memory_space<vmem>>, vector<1x16xf32>,
          %swap3A_1551 = vector.shape_cast %swap3A_1550 : vector<1x16xf32> to vector<16xf32>
          %swap3A_1552 = vector.shape_cast %add3A_1547 : vector<16xf32> to vector<1x16xf32>
          tpu.vector_store %arg14[%swap3A_1548, %swap3A_1549], %swap3A_1552 {strides = array<i32>} : memref<16x128xf32, #tpu.memory_space<vmem>>, vector<1x16xf32>,
          %mul3A_1553 = arith.constant 8 : i32
          %mul3A_1554 = arith.muli %scan3A_880, %mul3A_1553 : i32
          %add3A_1555 = arith.constant 7 : i32
          %add3A_1556 = arith.addi %mul3A_1554, %add3A_1555 : i32
          %get3A_1557 = arith.index_cast %add3A_1556 : i32 to index
          %get3A_1558 = arith.constant 0 : index
          %get3A_1559 = tpu.vector_load %arg10[%get3A_1557, %get3A_1558] {strides = array<i32>} : memref<128x64xi32, #tpu.memory_space<vmem>>, vector<1x16xi32>,
          %get3A_1560 = vector.shape_cast %get3A_1559 : vector<1x16xi32> to vector<16xi32>
          %get3A_1561 = arith.index_cast %add3A_1556 : i32 to index
          %get3A_1562 = arith.constant 0 : index
          %get3A_1563 = tpu.vector_load %arg11[%get3A_1561, %get3A_1562] {strides = array<i32>} : memref<128x64xi32, #tpu.memory_space<vmem>>, vector<1x16xi32>,
          %get3A_1564 = vector.shape_cast %get3A_1563 : vector<1x16xi32> to vector<16xi32>
          %shift_left3A_1565 = arith.constant 16 : i32
          %shift_left3A_1566 = vector.broadcast %shift_left3A_1565 : i32 to vector<16xi32>
          %shift_left3A_1567 = arith.shli %get3A_1560, %shift_left3A_1566 : vector<16xi32>
          %bitcast_convert_type3A_1568 = tpu.bitcast %shift_left3A_1567 : vector<16xi32> -> vector<16xf32>
          %bitcast_convert_type3A_1569 = tpu.bitcast %get3A_1560 : vector<16xi32> -> vector<16xf32>
          %shift_left3A_1570 = arith.constant 16 : i32
          %shift_left3A_1571 = vector.broadcast %shift_left3A_1570 : i32 to vector<16xi32>
          %shift_left3A_1572 = arith.shli %get3A_1564, %shift_left3A_1571 : vector<16xi32>
          %bitcast_convert_type3A_1573 = tpu.bitcast %shift_left3A_1572 : vector<16xi32> -> vector<16xf32>
          %bitcast_convert_type3A_1574 = tpu.bitcast %get3A_1564 : vector<16xi32> -> vector<16xf32>
          %mul3A_1575 = arith.mulf %bitcast_convert_type3A_1568, %bitcast_convert_type3A_1573 : vector<16xf32>
          %mul3A_1576 = arith.mulf %bitcast_convert_type3A_1569, %bitcast_convert_type3A_1574 : vector<16xf32>
          %add3A_1577 = arith.addf %mul3A_1575, %mul3A_1576 : vector<16xf32>
          %get3A_1578 = arith.index_cast %add3A_1556 : i32 to index
          %get3A_1579 = arith.constant 16 : index
          %get3A_1580 = tpu.vector_load %arg10[%get3A_1578, %get3A_1579] {strides = array<i32>} : memref<128x64xi32, #tpu.memory_space<vmem>>, vector<1x16xi32>,
          %get3A_1581 = vector.shape_cast %get3A_1580 : vector<1x16xi32> to vector<16xi32>
          %get3A_1582 = arith.index_cast %add3A_1556 : i32 to index
          %get3A_1583 = arith.constant 16 : index
          %get3A_1584 = tpu.vector_load %arg11[%get3A_1582, %get3A_1583] {strides = array<i32>} : memref<128x64xi32, #tpu.memory_space<vmem>>, vector<1x16xi32>,
          %get3A_1585 = vector.shape_cast %get3A_1584 : vector<1x16xi32> to vector<16xi32>
          %shift_left3A_1586 = arith.constant 16 : i32
          %shift_left3A_1587 = vector.broadcast %shift_left3A_1586 : i32 to vector<16xi32>
          %shift_left3A_1588 = arith.shli %get3A_1581, %shift_left3A_1587 : vector<16xi32>
          %bitcast_convert_type3A_1589 = tpu.bitcast %shift_left3A_1588 : vector<16xi32> -> vector<16xf32>
          %bitcast_convert_type3A_1590 = tpu.bitcast %get3A_1581 : vector<16xi32> -> vector<16xf32>
          %shift_left3A_1591 = arith.constant 16 : i32
          %shift_left3A_1592 = vector.broadcast %shift_left3A_1591 : i32 to vector<16xi32>
          %shift_left3A_1593 = arith.shli %get3A_1585, %shift_left3A_1592 : vector<16xi32>
          %bitcast_convert_type3A_1594 = tpu.bitcast %shift_left3A_1593 : vector<16xi32> -> vector<16xf32>
          %bitcast_convert_type3A_1595 = tpu.bitcast %get3A_1585 : vector<16xi32> -> vector<16xf32>
          %mul3A_1596 = arith.mulf %bitcast_convert_type3A_1589, %bitcast_convert_type3A_1594 : vector<16xf32>
          %mul3A_1597 = arith.mulf %bitcast_convert_type3A_1590, %bitcast_convert_type3A_1595 : vector<16xf32>
          %add3A_1598 = arith.addf %mul3A_1596, %mul3A_1597 : vector<16xf32>
          %add3A_1599 = arith.addf %add3A_1577, %add3A_1598 : vector<16xf32>
          %get3A_1600 = arith.index_cast %add3A_1556 : i32 to index
          %get3A_1601 = arith.constant 32 : index
          %get3A_1602 = tpu.vector_load %arg10[%get3A_1600, %get3A_1601] {strides = array<i32>} : memref<128x64xi32, #tpu.memory_space<vmem>>, vector<1x16xi32>,
          %get3A_1603 = vector.shape_cast %get3A_1602 : vector<1x16xi32> to vector<16xi32>
          %get3A_1604 = arith.index_cast %add3A_1556 : i32 to index
          %get3A_1605 = arith.constant 32 : index
          %get3A_1606 = tpu.vector_load %arg11[%get3A_1604, %get3A_1605] {strides = array<i32>} : memref<128x64xi32, #tpu.memory_space<vmem>>, vector<1x16xi32>,
          %get3A_1607 = vector.shape_cast %get3A_1606 : vector<1x16xi32> to vector<16xi32>
          %shift_left3A_1608 = arith.constant 16 : i32
          %shift_left3A_1609 = vector.broadcast %shift_left3A_1608 : i32 to vector<16xi32>
          %shift_left3A_1610 = arith.shli %get3A_1603, %shift_left3A_1609 : vector<16xi32>
          %bitcast_convert_type3A_1611 = tpu.bitcast %shift_left3A_1610 : vector<16xi32> -> vector<16xf32>
          %bitcast_convert_type3A_1612 = tpu.bitcast %get3A_1603 : vector<16xi32> -> vector<16xf32>
          %shift_left3A_1613 = arith.constant 16 : i32
          %shift_left3A_1614 = vector.broadcast %shift_left3A_1613 : i32 to vector<16xi32>
          %shift_left3A_1615 = arith.shli %get3A_1607, %shift_left3A_1614 : vector<16xi32>
          %bitcast_convert_type3A_1616 = tpu.bitcast %shift_left3A_1615 : vector<16xi32> -> vector<16xf32>
          %bitcast_convert_type3A_1617 = tpu.bitcast %get3A_1607 : vector<16xi32> -> vector<16xf32>
          %mul3A_1618 = arith.mulf %bitcast_convert_type3A_1611, %bitcast_convert_type3A_1616 : vector<16xf32>
          %mul3A_1619 = arith.mulf %bitcast_convert_type3A_1612, %bitcast_convert_type3A_1617 : vector<16xf32>
          %add3A_1620 = arith.addf %mul3A_1618, %mul3A_1619 : vector<16xf32>
          %add3A_1621 = arith.addf %add3A_1599, %add3A_1620 : vector<16xf32>
          %get3A_1622 = arith.index_cast %add3A_1556 : i32 to index
          %get3A_1623 = arith.constant 48 : index
          %get3A_1624 = tpu.vector_load %arg10[%get3A_1622, %get3A_1623] {strides = array<i32>} : memref<128x64xi32, #tpu.memory_space<vmem>>, vector<1x16xi32>,
          %get3A_1625 = vector.shape_cast %get3A_1624 : vector<1x16xi32> to vector<16xi32>
          %get3A_1626 = arith.index_cast %add3A_1556 : i32 to index
          %get3A_1627 = arith.constant 48 : index
          %get3A_1628 = tpu.vector_load %arg11[%get3A_1626, %get3A_1627] {strides = array<i32>} : memref<128x64xi32, #tpu.memory_space<vmem>>, vector<1x16xi32>,
          %get3A_1629 = vector.shape_cast %get3A_1628 : vector<1x16xi32> to vector<16xi32>
          %shift_left3A_1630 = arith.constant 16 : i32
          %shift_left3A_1631 = vector.broadcast %shift_left3A_1630 : i32 to vector<16xi32>
          %shift_left3A_1632 = arith.shli %get3A_1625, %shift_left3A_1631 : vector<16xi32>
          %bitcast_convert_type3A_1633 = tpu.bitcast %shift_left3A_1632 : vector<16xi32> -> vector<16xf32>
          %bitcast_convert_type3A_1634 = tpu.bitcast %get3A_1625 : vector<16xi32> -> vector<16xf32>
          %shift_left3A_1635 = arith.constant 16 : i32
          %shift_left3A_1636 = vector.broadcast %shift_left3A_1635 : i32 to vector<16xi32>
          %shift_left3A_1637 = arith.shli %get3A_1629, %shift_left3A_1636 : vector<16xi32>
          %bitcast_convert_type3A_1638 = tpu.bitcast %shift_left3A_1637 : vector<16xi32> -> vector<16xf32>
          %bitcast_convert_type3A_1639 = tpu.bitcast %get3A_1629 : vector<16xi32> -> vector<16xf32>
          %mul3A_1640 = arith.mulf %bitcast_convert_type3A_1633, %bitcast_convert_type3A_1638 : vector<16xf32>
          %mul3A_1641 = arith.mulf %bitcast_convert_type3A_1634, %bitcast_convert_type3A_1639 : vector<16xf32>
          %add3A_1642 = arith.addf %mul3A_1640, %mul3A_1641 : vector<16xf32>
          %add3A_1643 = arith.addf %add3A_1621, %add3A_1642 : vector<16xf32>
          %swap3A_1644 = arith.index_cast %scan3A_880 : i32 to index
          %swap3A_1645 = arith.constant 112 : index
          %swap3A_1646 = tpu.vector_load %arg14[%swap3A_1644, %swap3A_1645] {strides = array<i32>} : memref<16x128xf32, #tpu.memory_space<vmem>>, vector<1x16xf32>,
          %swap3A_1647 = vector.shape_cast %swap3A_1646 : vector<1x16xf32> to vector<16xf32>
          %swap3A_1648 = vector.shape_cast %add3A_1643 : vector<16xf32> to vector<1x16xf32>
          tpu.vector_store %arg14[%swap3A_1644, %swap3A_1645], %swap3A_1648 {strides = array<i32>} : memref<16x128xf32, #tpu.memory_space<vmem>>, vector<1x16xf32>,
        }
        %scan3A_104 = arith.constant 16 : i32
        %mul3A_105 = arith.constant 32 : i32
        %mul3A_106 = arith.muli %mul3A_63, %mul3A_105 : i32
        %add3A_107 = arith.addi %add3A, %mul3A_106 : i32
        %mul3A_108 = arith.constant 16 : i32
        %mul3A_109 = arith.muli %add3A_107, %mul3A_108 : i32
        %multiple_of3A = tpu.assume_multiple %mul3A_109, 16 : i32
        %dma_start3A_110 = arith.constant 0 : i32
        %dma_start3A_111 = tpu.memref_slice %arg5[%multiple_of3A, %dma_start3A_110] : memref<80000x128xf32, #tpu.memory_space<hbm>> -> memref<16x128xf32, #tpu.memory_space<hbm>>
        %dma_start3A_112 = arith.constant 0 : i32
        %dma_start3A_113 = tpu.memref_slice %arg5[%multiple_of3A, %dma_start3A_112] : memref<80000x128xf32, #tpu.memory_space<hbm>> -> memref<16x128xf32, #tpu.memory_space<hbm>>
        tpu.enqueue_dma source(%arg14 : memref<16x128xf32, #tpu.memory_space<vmem>>) target(%dma_start3A_113 : memref<16x128xf32, #tpu.memory_space<hbm>>) target_semaphore(%arg20 : memref<!tpu.dma_semaphore, #tpu.memory_space<semaphore_mem>>)
      } else {
      }
      %mul3A_68 = arith.constant 2 : i32
      %mul3A_69 = arith.muli %mul3A_68, %scan3A_61 : i32
      %add3A_70 = arith.constant 1 : i32
      %add3A_71 = arith.addi %mul3A_69, %add3A_70 : i32
      %lt3A_72 = arith.cmpi slt, %add3A_71, %add3A_4 : i32
      %convert_element_type3A_73 = arith.extui %lt3A_72 : i1 to i32
      %cond3A_74 = arith.constant 0 : i32
      %cond3A_75 = arith.cmpi ne, %convert_element_type3A_73, %cond3A_74 : i32
      scf.if %cond3A_75 {
        %dma_wait3A_76 = arith.constant 0 : i32
        %dma_wait3A_77 = arith.constant 0 : i32
        %dma_wait3A_78 = tpu.memref_slice %arg2[%dma_wait3A_76, %dma_wait3A_77] : memref<10000x64xi32, #tpu.memory_space<hbm>> -> memref<10000x64xi32, #tpu.memory_space<hbm>>
        tpu.wait_indirect_dma semaphore(%arg19 : memref<!tpu.dma_semaphore, #tpu.memory_space<semaphore_mem>>) src(%dma_wait3A_78 : memref<10000x64xi32, #tpu.memory_space<hbm>>) dst(%arg12 : memref<128x64xi32, #tpu.memory_space<vmem>>)
        %dma_wait3A_79 = arith.constant 0 : i32
        %dma_wait3A_80 = arith.constant 0 : i32
        %dma_wait3A_81 = tpu.memref_slice %arg2[%dma_wait3A_79, %dma_wait3A_80] : memref<10000x64xi32, #tpu.memory_space<hbm>> -> memref<10000x64xi32, #tpu.memory_space<hbm>>
        tpu.wait_indirect_dma semaphore(%arg19 : memref<!tpu.dma_semaphore, #tpu.memory_space<semaphore_mem>>) src(%dma_wait3A_81 : memref<10000x64xi32, #tpu.memory_space<hbm>>) dst(%arg13 : memref<128x64xi32, #tpu.memory_space<vmem>>)
        %add3A_82 = arith.constant 1 : i32
        %add3A_83 = arith.addi %add3A_71, %add3A_82 : i32
        %lt3A_84 = arith.cmpi slt, %add3A_83, %add3A_4 : i32
        %convert_element_type3A_85 = arith.extui %lt3A_84 : i1 to i32
        %cond3A_86 = arith.constant 0 : i32
        %cond3A_87 = arith.cmpi ne, %convert_element_type3A_85, %cond3A_86 : i32
        scf.if %cond3A_87 {
          %dma_wait3A_114 = arith.constant 0 : i32
          %dma_wait3A_115 = arith.constant 0 : i32
          %dma_wait3A_116 = tpu.memref_slice %arg3[%dma_wait3A_114, %dma_wait3A_115] : memref<2x320000xi32, #tpu.memory_space<hbm>> -> memref<1x128xi32, #tpu.memory_space<hbm>>
          %dma_wait3A_117 = tpu.memref_squeeze %dma_wait3A_116 : memref<1x128xi32, #tpu.memory_space<hbm>> -> memref<128xi32, #tpu.memory_space<hbm>>
          %dma_wait3A_118 = arith.constant 0 : i32
          %dma_wait3A_119 = tpu.memref_slice %arg3[%dma_wait3A_114, %dma_wait3A_118] : memref<2x320000xi32, #tpu.memory_space<hbm>> -> memref<1x128xi32, #tpu.memory_space<hbm>>
          %dma_wait3A_120 = tpu.memref_squeeze %dma_wait3A_119 : memref<1x128xi32, #tpu.memory_space<hbm>> -> memref<128xi32, #tpu.memory_space<hbm>>
          tpu.wait_dma2 semaphore(%arg16 : memref<!tpu.dma_semaphore, #tpu.memory_space<semaphore_mem>>) src(%dma_wait3A_120 : memref<128xi32, #tpu.memory_space<hbm>>) dst(%arg6 : memref<128xi32, #tpu.memory_space<vmem>>)
          %dma_wait3A_121 = arith.constant 1 : i32
          %dma_wait3A_122 = arith.constant 0 : i32
          %dma_wait3A_123 = tpu.memref_slice %arg3[%dma_wait3A_121, %dma_wait3A_122] : memref<2x320000xi32, #tpu.memory_space<hbm>> -> memref<1x128xi32, #tpu.memory_space<hbm>>
          %dma_wait3A_124 = tpu.memref_squeeze %dma_wait3A_123 : memref<1x128xi32, #tpu.memory_space<hbm>> -> memref<128xi32, #tpu.memory_space<hbm>>
          %dma_wait3A_125 = arith.constant 0 : i32
          %dma_wait3A_126 = tpu.memref_slice %arg3[%dma_wait3A_121, %dma_wait3A_125] : memref<2x320000xi32, #tpu.memory_space<hbm>> -> memref<1x128xi32, #tpu.memory_space<hbm>>
          %dma_wait3A_127 = tpu.memref_squeeze %dma_wait3A_126 : memref<1x128xi32, #tpu.memory_space<hbm>> -> memref<128xi32, #tpu.memory_space<hbm>>
          tpu.wait_dma2 semaphore(%arg16 : memref<!tpu.dma_semaphore, #tpu.memory_space<semaphore_mem>>) src(%dma_wait3A_127 : memref<128xi32, #tpu.memory_space<hbm>>) dst(%arg7 : memref<128xi32, #tpu.memory_space<vmem>>)
          %dma_start3A_128 = arith.constant 0 : i32
          %dma_start3A_129 = arith.constant 0 : i32
          %dma_start3A_130 = tpu.memref_slice %arg2[%dma_start3A_128, %dma_start3A_129] : memref<10000x64xi32, #tpu.memory_space<hbm>> -> memref<10000x64xi32, #tpu.memory_space<hbm>>
          tpu.enqueue_indirect_dma source(%dma_start3A_130 : memref<10000x64xi32, #tpu.memory_space<hbm>>) target(%arg10 : memref<128x64xi32, #tpu.memory_space<vmem>>) offsets(%arg6 : memref<128xi32, #tpu.memory_space<vmem>>) semaphore(%arg18 : memref<!tpu.dma_semaphore, #tpu.memory_space<semaphore_mem>>)
          %dma_start3A_131 = arith.constant 0 : i32
          %dma_start3A_132 = arith.constant 0 : i32
          %dma_start3A_133 = tpu.memref_slice %arg2[%dma_start3A_131, %dma_start3A_132] : memref<10000x64xi32, #tpu.memory_space<hbm>> -> memref<10000x64xi32, #tpu.memory_space<hbm>>
          tpu.enqueue_indirect_dma source(%dma_start3A_133 : memref<10000x64xi32, #tpu.memory_space<hbm>>) target(%arg11 : memref<128x64xi32, #tpu.memory_space<vmem>>) offsets(%arg7 : memref<128xi32, #tpu.memory_space<vmem>>) semaphore(%arg18 : memref<!tpu.dma_semaphore, #tpu.memory_space<semaphore_mem>>)
        } else {
        }
        %add3A_88 = arith.constant 2 : i32
        %add3A_89 = arith.addi %add3A_71, %add3A_88 : i32
        %lt3A_90 = arith.cmpi slt, %add3A_89, %add3A_4 : i32
        %convert_element_type3A_91 = arith.extui %lt3A_90 : i1 to i32
        %cond3A_92 = arith.constant 0 : i32
        %cond3A_93 = arith.cmpi ne, %convert_element_type3A_91, %cond3A_92 : i32
        scf.if %cond3A_93 {
          %add3A_114 = arith.constant 2 : i32
          %add3A_115 = arith.addi %add3A_71, %add3A_114 : i32
          %mul3A_116 = arith.constant 32 : i32
          %mul3A_117 = arith.muli %add3A_115, %mul3A_116 : i32
          %add3A_118 = arith.addi %add3A, %mul3A_117 : i32
          %lt3A_119 = arith.constant 2500 : i32
          %lt3A_120 = arith.cmpi slt, %add3A_118, %lt3A_119 : i32
          %convert_element_type3A_121 = arith.extui %lt3A_120 : i1 to i32
          %cond3A_122 = arith.constant 0 : i32
          %cond3A_123 = arith.cmpi ne, %convert_element_type3A_121, %cond3A_122 : i32
          scf.if %cond3A_123 {
            %mul3A_129 = arith.constant 128 : i32
            %mul3A_130 = arith.muli %add3A_118, %mul3A_129 : i32
            %multiple_of3A_131 = tpu.assume_multiple %mul3A_130, 128 : i32
            %dma_start3A_132 = arith.constant 0 : i32
            %dma_start3A_133 = tpu.memref_slice %arg3[%dma_start3A_132, %multiple_of3A_131] : memref<2x320000xi32, #tpu.memory_space<hbm>> -> memref<1x128xi32, #tpu.memory_space<hbm>>
            %dma_start3A_134 = tpu.memref_squeeze %dma_start3A_133 : memref<1x128xi32, #tpu.memory_space<hbm>> -> memref<128xi32, #tpu.memory_space<hbm>>
            %dma_start3A_135 = tpu.memref_slice %arg3[%dma_start3A_132, %multiple_of3A_131] : memref<2x320000xi32, #tpu.memory_space<hbm>> -> memref<1x128xi32, #tpu.memory_space<hbm>>
            %dma_start3A_136 = tpu.memref_squeeze %dma_start3A_135 : memref<1x128xi32, #tpu.memory_space<hbm>> -> memref<128xi32, #tpu.memory_space<hbm>>
            tpu.enqueue_dma source(%dma_start3A_136 : memref<128xi32, #tpu.memory_space<hbm>>) target(%arg8 : memref<128xi32, #tpu.memory_space<vmem>>) target_semaphore(%arg17 : memref<!tpu.dma_semaphore, #tpu.memory_space<semaphore_mem>>)
            %dma_start3A_137 = arith.constant 1 : i32
            %dma_start3A_138 = tpu.memref_slice %arg3[%dma_start3A_137, %multiple_of3A_131] : memref<2x320000xi32, #tpu.memory_space<hbm>> -> memref<1x128xi32, #tpu.memory_space<hbm>>
            %dma_start3A_139 = tpu.memref_squeeze %dma_start3A_138 : memref<1x128xi32, #tpu.memory_space<hbm>> -> memref<128xi32, #tpu.memory_space<hbm>>
            %dma_start3A_140 = tpu.memref_slice %arg3[%dma_start3A_137, %multiple_of3A_131] : memref<2x320000xi32, #tpu.memory_space<hbm>> -> memref<1x128xi32, #tpu.memory_space<hbm>>
            %dma_start3A_141 = tpu.memref_squeeze %dma_start3A_140 : memref<1x128xi32, #tpu.memory_space<hbm>> -> memref<128xi32, #tpu.memory_space<hbm>>
            tpu.enqueue_dma source(%dma_start3A_141 : memref<128xi32, #tpu.memory_space<hbm>>) target(%arg9 : memref<128xi32, #tpu.memory_space<vmem>>) target_semaphore(%arg17 : memref<!tpu.dma_semaphore, #tpu.memory_space<semaphore_mem>>)
          } else {
          }
          %ge3A_124 = arith.constant 2500 : i32
          %ge3A_125 = arith.cmpi sge, %add3A_118, %ge3A_124 : i32
          %convert_element_type3A_126 = arith.extui %ge3A_125 : i1 to i32
          %cond3A_127 = arith.constant 0 : i32
          %cond3A_128 = arith.cmpi ne, %convert_element_type3A_126, %cond3A_127 : i32
          scf.if %cond3A_128 {
            %sub3A = arith.constant 2500 : i32
            %sub3A_129 = arith.subi %add3A_118, %sub3A : i32
            %mul3A_130 = arith.constant 128 : i32
            %mul3A_131 = arith.muli %sub3A_129, %mul3A_130 : i32
            %multiple_of3A_132 = tpu.assume_multiple %mul3A_131, 128 : i32
            %dma_start3A_133 = arith.constant 0 : i32
            %dma_start3A_134 = tpu.memref_slice %arg4[%dma_start3A_133, %multiple_of3A_132] : memref<2x320000xi32, #tpu.memory_space<hbm>> -> memref<1x128xi32, #tpu.memory_space<hbm>>
            %dma_start3A_135 = tpu.memref_squeeze %dma_start3A_134 : memref<1x128xi32, #tpu.memory_space<hbm>> -> memref<128xi32, #tpu.memory_space<hbm>>
            %dma_start3A_136 = tpu.memref_slice %arg4[%dma_start3A_133, %multiple_of3A_132] : memref<2x320000xi32, #tpu.memory_space<hbm>> -> memref<1x128xi32, #tpu.memory_space<hbm>>
            %dma_start3A_137 = tpu.memref_squeeze %dma_start3A_136 : memref<1x128xi32, #tpu.memory_space<hbm>> -> memref<128xi32, #tpu.memory_space<hbm>>
            tpu.enqueue_dma source(%dma_start3A_137 : memref<128xi32, #tpu.memory_space<hbm>>) target(%arg8 : memref<128xi32, #tpu.memory_space<vmem>>) target_semaphore(%arg17 : memref<!tpu.dma_semaphore, #tpu.memory_space<semaphore_mem>>)
            %dma_start3A_138 = arith.constant 1 : i32
            %dma_start3A_139 = tpu.memref_slice %arg4[%dma_start3A_138, %multiple_of3A_132] : memref<2x320000xi32, #tpu.memory_space<hbm>> -> memref<1x128xi32, #tpu.memory_space<hbm>>
            %dma_start3A_140 = tpu.memref_squeeze %dma_start3A_139 : memref<1x128xi32, #tpu.memory_space<hbm>> -> memref<128xi32, #tpu.memory_space<hbm>>
            %dma_start3A_141 = tpu.memref_slice %arg4[%dma_start3A_138, %multiple_of3A_132] : memref<2x320000xi32, #tpu.memory_space<hbm>> -> memref<1x128xi32, #tpu.memory_space<hbm>>
            %dma_start3A_142 = tpu.memref_squeeze %dma_start3A_141 : memref<1x128xi32, #tpu.memory_space<hbm>> -> memref<128xi32, #tpu.memory_space<hbm>>
            tpu.enqueue_dma source(%dma_start3A_142 : memref<128xi32, #tpu.memory_space<hbm>>) target(%arg9 : memref<128xi32, #tpu.memory_space<vmem>>) target_semaphore(%arg17 : memref<!tpu.dma_semaphore, #tpu.memory_space<semaphore_mem>>)
          } else {
          }
        } else {
        }
        %ge3A_94 = arith.constant 2 : i32
        %ge3A_95 = arith.cmpi sge, %add3A_71, %ge3A_94 : i32
        %convert_element_type3A_96 = arith.extui %ge3A_95 : i1 to i32
        %cond3A_97 = arith.constant 0 : i32
        %cond3A_98 = arith.cmpi ne, %convert_element_type3A_96, %cond3A_97 : i32
        scf.if %cond3A_98 {
          %dma_wait3A_114 = arith.constant 0 : i32
          %dma_wait3A_115 = arith.constant 0 : i32
          %dma_wait3A_116 = tpu.memref_slice %arg5[%dma_wait3A_114, %dma_wait3A_115] : memref<80000x128xf32, #tpu.memory_space<hbm>> -> memref<16x128xf32, #tpu.memory_space<hbm>>
          %dma_wait3A_117 = arith.constant 0 : i32
          %dma_wait3A_118 = arith.constant 0 : i32
          %dma_wait3A_119 = tpu.memref_slice %arg5[%dma_wait3A_117, %dma_wait3A_118] : memref<80000x128xf32, #tpu.memory_space<hbm>> -> memref<16x128xf32, #tpu.memory_space<hbm>>
          tpu.wait_dma2 semaphore(%arg21 : memref<!tpu.dma_semaphore, #tpu.memory_space<semaphore_mem>>) src(%arg15 : memref<16x128xf32, #tpu.memory_space<vmem>>) dst(%dma_wait3A_119 : memref<16x128xf32, #tpu.memory_space<hbm>>)
        } else {
        }
        %scan3A_99 = arith.constant 0 : i32
        %scan3A_100 = arith.constant 0 : i32
        %scan3A_101 = arith.constant 16 : i32
        %scan3A_102 = arith.addi %scan3A_100, %scan3A_101 : i32
        %scan3A_103 = arith.constant 2 : i32
        scf.for %scan3A_114 = %scan3A_100 to %scan3A_102 step %scan3A_103  : i32 {
          %mul3A_115 = arith.constant 8 : i32
          %mul3A_116 = arith.muli %scan3A_114, %mul3A_115 : i32
          %add3A_117 = arith.constant 0 : i32
          %add3A_118 = arith.addi %mul3A_116, %add3A_117 : i32
          %get3A = arith.index_cast %add3A_118 : i32 to index
          %get3A_119 = arith.constant 0 : index
          %get3A_120 = tpu.vector_load %arg12[%get3A, %get3A_119] {strides = array<i32>} : memref<128x64xi32, #tpu.memory_space<vmem>>, vector<1x16xi32>,
          %get3A_121 = vector.shape_cast %get3A_120 : vector<1x16xi32> to vector<16xi32>
          %get3A_122 = arith.index_cast %add3A_118 : i32 to index
          %get3A_123 = arith.constant 0 : index
          %get3A_124 = tpu.vector_load %arg13[%get3A_122, %get3A_123] {strides = array<i32>} : memref<128x64xi32, #tpu.memory_space<vmem>>, vector<1x16xi32>,
          %get3A_125 = vector.shape_cast %get3A_124 : vector<1x16xi32> to vector<16xi32>
          %shift_left3A = arith.constant 16 : i32
          %shift_left3A_126 = vector.broadcast %shift_left3A : i32 to vector<16xi32>
          %shift_left3A_127 = arith.shli %get3A_121, %shift_left3A_126 : vector<16xi32>
          %bitcast_convert_type3A = tpu.bitcast %shift_left3A_127 : vector<16xi32> -> vector<16xf32>
          %bitcast_convert_type3A_128 = tpu.bitcast %get3A_121 : vector<16xi32> -> vector<16xf32>
          %shift_left3A_129 = arith.constant 16 : i32
          %shift_left3A_130 = vector.broadcast %shift_left3A_129 : i32 to vector<16xi32>
          %shift_left3A_131 = arith.shli %get3A_125, %shift_left3A_130 : vector<16xi32>
          %bitcast_convert_type3A_132 = tpu.bitcast %shift_left3A_131 : vector<16xi32> -> vector<16xf32>
          %bitcast_convert_type3A_133 = tpu.bitcast %get3A_125 : vector<16xi32> -> vector<16xf32>
          %mul3A_134 = arith.mulf %bitcast_convert_type3A, %bitcast_convert_type3A_132 : vector<16xf32>
          %mul3A_135 = arith.mulf %bitcast_convert_type3A_128, %bitcast_convert_type3A_133 : vector<16xf32>
          %add3A_136 = arith.addf %mul3A_134, %mul3A_135 : vector<16xf32>
          %get3A_137 = arith.index_cast %add3A_118 : i32 to index
          %get3A_138 = arith.constant 16 : index
          %get3A_139 = tpu.vector_load %arg12[%get3A_137, %get3A_138] {strides = array<i32>} : memref<128x64xi32, #tpu.memory_space<vmem>>, vector<1x16xi32>,
          %get3A_140 = vector.shape_cast %get3A_139 : vector<1x16xi32> to vector<16xi32>
          %get3A_141 = arith.index_cast %add3A_118 : i32 to index
          %get3A_142 = arith.constant 16 : index
          %get3A_143 = tpu.vector_load %arg13[%get3A_141, %get3A_142] {strides = array<i32>} : memref<128x64xi32, #tpu.memory_space<vmem>>, vector<1x16xi32>,
          %get3A_144 = vector.shape_cast %get3A_143 : vector<1x16xi32> to vector<16xi32>
          %shift_left3A_145 = arith.constant 16 : i32
          %shift_left3A_146 = vector.broadcast %shift_left3A_145 : i32 to vector<16xi32>
          %shift_left3A_147 = arith.shli %get3A_140, %shift_left3A_146 : vector<16xi32>
          %bitcast_convert_type3A_148 = tpu.bitcast %shift_left3A_147 : vector<16xi32> -> vector<16xf32>
          %bitcast_convert_type3A_149 = tpu.bitcast %get3A_140 : vector<16xi32> -> vector<16xf32>
          %shift_left3A_150 = arith.constant 16 : i32
          %shift_left3A_151 = vector.broadcast %shift_left3A_150 : i32 to vector<16xi32>
          %shift_left3A_152 = arith.shli %get3A_144, %shift_left3A_151 : vector<16xi32>
          %bitcast_convert_type3A_153 = tpu.bitcast %shift_left3A_152 : vector<16xi32> -> vector<16xf32>
          %bitcast_convert_type3A_154 = tpu.bitcast %get3A_144 : vector<16xi32> -> vector<16xf32>
          %mul3A_155 = arith.mulf %bitcast_convert_type3A_148, %bitcast_convert_type3A_153 : vector<16xf32>
          %mul3A_156 = arith.mulf %bitcast_convert_type3A_149, %bitcast_convert_type3A_154 : vector<16xf32>
          %add3A_157 = arith.addf %mul3A_155, %mul3A_156 : vector<16xf32>
          %add3A_158 = arith.addf %add3A_136, %add3A_157 : vector<16xf32>
          %get3A_159 = arith.index_cast %add3A_118 : i32 to index
          %get3A_160 = arith.constant 32 : index
          %get3A_161 = tpu.vector_load %arg12[%get3A_159, %get3A_160] {strides = array<i32>} : memref<128x64xi32, #tpu.memory_space<vmem>>, vector<1x16xi32>,
          %get3A_162 = vector.shape_cast %get3A_161 : vector<1x16xi32> to vector<16xi32>
          %get3A_163 = arith.index_cast %add3A_118 : i32 to index
          %get3A_164 = arith.constant 32 : index
          %get3A_165 = tpu.vector_load %arg13[%get3A_163, %get3A_164] {strides = array<i32>} : memref<128x64xi32, #tpu.memory_space<vmem>>, vector<1x16xi32>,
          %get3A_166 = vector.shape_cast %get3A_165 : vector<1x16xi32> to vector<16xi32>
          %shift_left3A_167 = arith.constant 16 : i32
          %shift_left3A_168 = vector.broadcast %shift_left3A_167 : i32 to vector<16xi32>
          %shift_left3A_169 = arith.shli %get3A_162, %shift_left3A_168 : vector<16xi32>
          %bitcast_convert_type3A_170 = tpu.bitcast %shift_left3A_169 : vector<16xi32> -> vector<16xf32>
          %bitcast_convert_type3A_171 = tpu.bitcast %get3A_162 : vector<16xi32> -> vector<16xf32>
          %shift_left3A_172 = arith.constant 16 : i32
          %shift_left3A_173 = vector.broadcast %shift_left3A_172 : i32 to vector<16xi32>
          %shift_left3A_174 = arith.shli %get3A_166, %shift_left3A_173 : vector<16xi32>
          %bitcast_convert_type3A_175 = tpu.bitcast %shift_left3A_174 : vector<16xi32> -> vector<16xf32>
          %bitcast_convert_type3A_176 = tpu.bitcast %get3A_166 : vector<16xi32> -> vector<16xf32>
          %mul3A_177 = arith.mulf %bitcast_convert_type3A_170, %bitcast_convert_type3A_175 : vector<16xf32>
          %mul3A_178 = arith.mulf %bitcast_convert_type3A_171, %bitcast_convert_type3A_176 : vector<16xf32>
          %add3A_179 = arith.addf %mul3A_177, %mul3A_178 : vector<16xf32>
          %add3A_180 = arith.addf %add3A_158, %add3A_179 : vector<16xf32>
          %get3A_181 = arith.index_cast %add3A_118 : i32 to index
          %get3A_182 = arith.constant 48 : index
          %get3A_183 = tpu.vector_load %arg12[%get3A_181, %get3A_182] {strides = array<i32>} : memref<128x64xi32, #tpu.memory_space<vmem>>, vector<1x16xi32>,
          %get3A_184 = vector.shape_cast %get3A_183 : vector<1x16xi32> to vector<16xi32>
          %get3A_185 = arith.index_cast %add3A_118 : i32 to index
          %get3A_186 = arith.constant 48 : index
          %get3A_187 = tpu.vector_load %arg13[%get3A_185, %get3A_186] {strides = array<i32>} : memref<128x64xi32, #tpu.memory_space<vmem>>, vector<1x16xi32>,
          %get3A_188 = vector.shape_cast %get3A_187 : vector<1x16xi32> to vector<16xi32>
          %shift_left3A_189 = arith.constant 16 : i32
          %shift_left3A_190 = vector.broadcast %shift_left3A_189 : i32 to vector<16xi32>
          %shift_left3A_191 = arith.shli %get3A_184, %shift_left3A_190 : vector<16xi32>
          %bitcast_convert_type3A_192 = tpu.bitcast %shift_left3A_191 : vector<16xi32> -> vector<16xf32>
          %bitcast_convert_type3A_193 = tpu.bitcast %get3A_184 : vector<16xi32> -> vector<16xf32>
          %shift_left3A_194 = arith.constant 16 : i32
          %shift_left3A_195 = vector.broadcast %shift_left3A_194 : i32 to vector<16xi32>
          %shift_left3A_196 = arith.shli %get3A_188, %shift_left3A_195 : vector<16xi32>
          %bitcast_convert_type3A_197 = tpu.bitcast %shift_left3A_196 : vector<16xi32> -> vector<16xf32>
          %bitcast_convert_type3A_198 = tpu.bitcast %get3A_188 : vector<16xi32> -> vector<16xf32>
          %mul3A_199 = arith.mulf %bitcast_convert_type3A_192, %bitcast_convert_type3A_197 : vector<16xf32>
          %mul3A_200 = arith.mulf %bitcast_convert_type3A_193, %bitcast_convert_type3A_198 : vector<16xf32>
          %add3A_201 = arith.addf %mul3A_199, %mul3A_200 : vector<16xf32>
          %add3A_202 = arith.addf %add3A_180, %add3A_201 : vector<16xf32>
          %swap3A = arith.index_cast %scan3A_114 : i32 to index
          %swap3A_203 = arith.constant 0 : index
          %swap3A_204 = tpu.vector_load %arg15[%swap3A, %swap3A_203] {strides = array<i32>} : memref<16x128xf32, #tpu.memory_space<vmem>>, vector<1x16xf32>,
          %swap3A_205 = vector.shape_cast %swap3A_204 : vector<1x16xf32> to vector<16xf32>
          %swap3A_206 = vector.shape_cast %add3A_202 : vector<16xf32> to vector<1x16xf32>
          tpu.vector_store %arg15[%swap3A, %swap3A_203], %swap3A_206 {strides = array<i32>} : memref<16x128xf32, #tpu.memory_space<vmem>>, vector<1x16xf32>,
          %mul3A_207 = arith.constant 8 : i32
          %mul3A_208 = arith.muli %scan3A_114, %mul3A_207 : i32
          %add3A_209 = arith.constant 1 : i32
          %add3A_210 = arith.addi %mul3A_208, %add3A_209 : i32
          %get3A_211 = arith.index_cast %add3A_210 : i32 to index
          %get3A_212 = arith.constant 0 : index
          %get3A_213 = tpu.vector_load %arg12[%get3A_211, %get3A_212] {strides = array<i32>} : memref<128x64xi32, #tpu.memory_space<vmem>>, vector<1x16xi32>,
          %get3A_214 = vector.shape_cast %get3A_213 : vector<1x16xi32> to vector<16xi32>
          %get3A_215 = arith.index_cast %add3A_210 : i32 to index
          %get3A_216 = arith.constant 0 : index
          %get3A_217 = tpu.vector_load %arg13[%get3A_215, %get3A_216] {strides = array<i32>} : memref<128x64xi32, #tpu.memory_space<vmem>>, vector<1x16xi32>,
          %get3A_218 = vector.shape_cast %get3A_217 : vector<1x16xi32> to vector<16xi32>
          %shift_left3A_219 = arith.constant 16 : i32
          %shift_left3A_220 = vector.broadcast %shift_left3A_219 : i32 to vector<16xi32>
          %shift_left3A_221 = arith.shli %get3A_214, %shift_left3A_220 : vector<16xi32>
          %bitcast_convert_type3A_222 = tpu.bitcast %shift_left3A_221 : vector<16xi32> -> vector<16xf32>
          %bitcast_convert_type3A_223 = tpu.bitcast %get3A_214 : vector<16xi32> -> vector<16xf32>
          %shift_left3A_224 = arith.constant 16 : i32
          %shift_left3A_225 = vector.broadcast %shift_left3A_224 : i32 to vector<16xi32>
          %shift_left3A_226 = arith.shli %get3A_218, %shift_left3A_225 : vector<16xi32>
          %bitcast_convert_type3A_227 = tpu.bitcast %shift_left3A_226 : vector<16xi32> -> vector<16xf32>
          %bitcast_convert_type3A_228 = tpu.bitcast %get3A_218 : vector<16xi32> -> vector<16xf32>
          %mul3A_229 = arith.mulf %bitcast_convert_type3A_222, %bitcast_convert_type3A_227 : vector<16xf32>
          %mul3A_230 = arith.mulf %bitcast_convert_type3A_223, %bitcast_convert_type3A_228 : vector<16xf32>
          %add3A_231 = arith.addf %mul3A_229, %mul3A_230 : vector<16xf32>
          %get3A_232 = arith.index_cast %add3A_210 : i32 to index
          %get3A_233 = arith.constant 16 : index
          %get3A_234 = tpu.vector_load %arg12[%get3A_232, %get3A_233] {strides = array<i32>} : memref<128x64xi32, #tpu.memory_space<vmem>>, vector<1x16xi32>,
          %get3A_235 = vector.shape_cast %get3A_234 : vector<1x16xi32> to vector<16xi32>
          %get3A_236 = arith.index_cast %add3A_210 : i32 to index
          %get3A_237 = arith.constant 16 : index
          %get3A_238 = tpu.vector_load %arg13[%get3A_236, %get3A_237] {strides = array<i32>} : memref<128x64xi32, #tpu.memory_space<vmem>>, vector<1x16xi32>,
          %get3A_239 = vector.shape_cast %get3A_238 : vector<1x16xi32> to vector<16xi32>
          %shift_left3A_240 = arith.constant 16 : i32
          %shift_left3A_241 = vector.broadcast %shift_left3A_240 : i32 to vector<16xi32>
          %shift_left3A_242 = arith.shli %get3A_235, %shift_left3A_241 : vector<16xi32>
          %bitcast_convert_type3A_243 = tpu.bitcast %shift_left3A_242 : vector<16xi32> -> vector<16xf32>
          %bitcast_convert_type3A_244 = tpu.bitcast %get3A_235 : vector<16xi32> -> vector<16xf32>
          %shift_left3A_245 = arith.constant 16 : i32
          %shift_left3A_246 = vector.broadcast %shift_left3A_245 : i32 to vector<16xi32>
          %shift_left3A_247 = arith.shli %get3A_239, %shift_left3A_246 : vector<16xi32>
          %bitcast_convert_type3A_248 = tpu.bitcast %shift_left3A_247 : vector<16xi32> -> vector<16xf32>
          %bitcast_convert_type3A_249 = tpu.bitcast %get3A_239 : vector<16xi32> -> vector<16xf32>
          %mul3A_250 = arith.mulf %bitcast_convert_type3A_243, %bitcast_convert_type3A_248 : vector<16xf32>
          %mul3A_251 = arith.mulf %bitcast_convert_type3A_244, %bitcast_convert_type3A_249 : vector<16xf32>
          %add3A_252 = arith.addf %mul3A_250, %mul3A_251 : vector<16xf32>
          %add3A_253 = arith.addf %add3A_231, %add3A_252 : vector<16xf32>
          %get3A_254 = arith.index_cast %add3A_210 : i32 to index
          %get3A_255 = arith.constant 32 : index
          %get3A_256 = tpu.vector_load %arg12[%get3A_254, %get3A_255] {strides = array<i32>} : memref<128x64xi32, #tpu.memory_space<vmem>>, vector<1x16xi32>,
          %get3A_257 = vector.shape_cast %get3A_256 : vector<1x16xi32> to vector<16xi32>
          %get3A_258 = arith.index_cast %add3A_210 : i32 to index
          %get3A_259 = arith.constant 32 : index
          %get3A_260 = tpu.vector_load %arg13[%get3A_258, %get3A_259] {strides = array<i32>} : memref<128x64xi32, #tpu.memory_space<vmem>>, vector<1x16xi32>,
          %get3A_261 = vector.shape_cast %get3A_260 : vector<1x16xi32> to vector<16xi32>
          %shift_left3A_262 = arith.constant 16 : i32
          %shift_left3A_263 = vector.broadcast %shift_left3A_262 : i32 to vector<16xi32>
          %shift_left3A_264 = arith.shli %get3A_257, %shift_left3A_263 : vector<16xi32>
          %bitcast_convert_type3A_265 = tpu.bitcast %shift_left3A_264 : vector<16xi32> -> vector<16xf32>
          %bitcast_convert_type3A_266 = tpu.bitcast %get3A_257 : vector<16xi32> -> vector<16xf32>
          %shift_left3A_267 = arith.constant 16 : i32
          %shift_left3A_268 = vector.broadcast %shift_left3A_267 : i32 to vector<16xi32>
          %shift_left3A_269 = arith.shli %get3A_261, %shift_left3A_268 : vector<16xi32>
          %bitcast_convert_type3A_270 = tpu.bitcast %shift_left3A_269 : vector<16xi32> -> vector<16xf32>
          %bitcast_convert_type3A_271 = tpu.bitcast %get3A_261 : vector<16xi32> -> vector<16xf32>
          %mul3A_272 = arith.mulf %bitcast_convert_type3A_265, %bitcast_convert_type3A_270 : vector<16xf32>
          %mul3A_273 = arith.mulf %bitcast_convert_type3A_266, %bitcast_convert_type3A_271 : vector<16xf32>
          %add3A_274 = arith.addf %mul3A_272, %mul3A_273 : vector<16xf32>
          %add3A_275 = arith.addf %add3A_253, %add3A_274 : vector<16xf32>
          %get3A_276 = arith.index_cast %add3A_210 : i32 to index
          %get3A_277 = arith.constant 48 : index
          %get3A_278 = tpu.vector_load %arg12[%get3A_276, %get3A_277] {strides = array<i32>} : memref<128x64xi32, #tpu.memory_space<vmem>>, vector<1x16xi32>,
          %get3A_279 = vector.shape_cast %get3A_278 : vector<1x16xi32> to vector<16xi32>
          %get3A_280 = arith.index_cast %add3A_210 : i32 to index
          %get3A_281 = arith.constant 48 : index
          %get3A_282 = tpu.vector_load %arg13[%get3A_280, %get3A_281] {strides = array<i32>} : memref<128x64xi32, #tpu.memory_space<vmem>>, vector<1x16xi32>,
          %get3A_283 = vector.shape_cast %get3A_282 : vector<1x16xi32> to vector<16xi32>
          %shift_left3A_284 = arith.constant 16 : i32
          %shift_left3A_285 = vector.broadcast %shift_left3A_284 : i32 to vector<16xi32>
          %shift_left3A_286 = arith.shli %get3A_279, %shift_left3A_285 : vector<16xi32>
          %bitcast_convert_type3A_287 = tpu.bitcast %shift_left3A_286 : vector<16xi32> -> vector<16xf32>
          %bitcast_convert_type3A_288 = tpu.bitcast %get3A_279 : vector<16xi32> -> vector<16xf32>
          %shift_left3A_289 = arith.constant 16 : i32
          %shift_left3A_290 = vector.broadcast %shift_left3A_289 : i32 to vector<16xi32>
          %shift_left3A_291 = arith.shli %get3A_283, %shift_left3A_290 : vector<16xi32>
          %bitcast_convert_type3A_292 = tpu.bitcast %shift_left3A_291 : vector<16xi32> -> vector<16xf32>
          %bitcast_convert_type3A_293 = tpu.bitcast %get3A_283 : vector<16xi32> -> vector<16xf32>
          %mul3A_294 = arith.mulf %bitcast_convert_type3A_287, %bitcast_convert_type3A_292 : vector<16xf32>
          %mul3A_295 = arith.mulf %bitcast_convert_type3A_288, %bitcast_convert_type3A_293 : vector<16xf32>
          %add3A_296 = arith.addf %mul3A_294, %mul3A_295 : vector<16xf32>
          %add3A_297 = arith.addf %add3A_275, %add3A_296 : vector<16xf32>
          %swap3A_298 = arith.index_cast %scan3A_114 : i32 to index
          %swap3A_299 = arith.constant 16 : index
          %swap3A_300 = tpu.vector_load %arg15[%swap3A_298, %swap3A_299] {strides = array<i32>} : memref<16x128xf32, #tpu.memory_space<vmem>>, vector<1x16xf32>,
          %swap3A_301 = vector.shape_cast %swap3A_300 : vector<1x16xf32> to vector<16xf32>
          %swap3A_302 = vector.shape_cast %add3A_297 : vector<16xf32> to vector<1x16xf32>
          tpu.vector_store %arg15[%swap3A_298, %swap3A_299], %swap3A_302 {strides = array<i32>} : memref<16x128xf32, #tpu.memory_space<vmem>>, vector<1x16xf32>,
          %mul3A_303 = arith.constant 8 : i32
          %mul3A_304 = arith.muli %scan3A_114, %mul3A_303 : i32
          %add3A_305 = arith.constant 2 : i32
          %add3A_306 = arith.addi %mul3A_304, %add3A_305 : i32
          %get3A_307 = arith.index_cast %add3A_306 : i32 to index
          %get3A_308 = arith.constant 0 : index
          %get3A_309 = tpu.vector_load %arg12[%get3A_307, %get3A_308] {strides = array<i32>} : memref<128x64xi32, #tpu.memory_space<vmem>>, vector<1x16xi32>,
          %get3A_310 = vector.shape_cast %get3A_309 : vector<1x16xi32> to vector<16xi32>
          %get3A_311 = arith.index_cast %add3A_306 : i32 to index
          %get3A_312 = arith.constant 0 : index
          %get3A_313 = tpu.vector_load %arg13[%get3A_311, %get3A_312] {strides = array<i32>} : memref<128x64xi32, #tpu.memory_space<vmem>>, vector<1x16xi32>,
          %get3A_314 = vector.shape_cast %get3A_313 : vector<1x16xi32> to vector<16xi32>
          %shift_left3A_315 = arith.constant 16 : i32
          %shift_left3A_316 = vector.broadcast %shift_left3A_315 : i32 to vector<16xi32>
          %shift_left3A_317 = arith.shli %get3A_310, %shift_left3A_316 : vector<16xi32>
          %bitcast_convert_type3A_318 = tpu.bitcast %shift_left3A_317 : vector<16xi32> -> vector<16xf32>
          %bitcast_convert_type3A_319 = tpu.bitcast %get3A_310 : vector<16xi32> -> vector<16xf32>
          %shift_left3A_320 = arith.constant 16 : i32
          %shift_left3A_321 = vector.broadcast %shift_left3A_320 : i32 to vector<16xi32>
          %shift_left3A_322 = arith.shli %get3A_314, %shift_left3A_321 : vector<16xi32>
          %bitcast_convert_type3A_323 = tpu.bitcast %shift_left3A_322 : vector<16xi32> -> vector<16xf32>
          %bitcast_convert_type3A_324 = tpu.bitcast %get3A_314 : vector<16xi32> -> vector<16xf32>
          %mul3A_325 = arith.mulf %bitcast_convert_type3A_318, %bitcast_convert_type3A_323 : vector<16xf32>
          %mul3A_326 = arith.mulf %bitcast_convert_type3A_319, %bitcast_convert_type3A_324 : vector<16xf32>
          %add3A_327 = arith.addf %mul3A_325, %mul3A_326 : vector<16xf32>
          %get3A_328 = arith.index_cast %add3A_306 : i32 to index
          %get3A_329 = arith.constant 16 : index
          %get3A_330 = tpu.vector_load %arg12[%get3A_328, %get3A_329] {strides = array<i32>} : memref<128x64xi32, #tpu.memory_space<vmem>>, vector<1x16xi32>,
          %get3A_331 = vector.shape_cast %get3A_330 : vector<1x16xi32> to vector<16xi32>
          %get3A_332 = arith.index_cast %add3A_306 : i32 to index
          %get3A_333 = arith.constant 16 : index
          %get3A_334 = tpu.vector_load %arg13[%get3A_332, %get3A_333] {strides = array<i32>} : memref<128x64xi32, #tpu.memory_space<vmem>>, vector<1x16xi32>,
          %get3A_335 = vector.shape_cast %get3A_334 : vector<1x16xi32> to vector<16xi32>
          %shift_left3A_336 = arith.constant 16 : i32
          %shift_left3A_337 = vector.broadcast %shift_left3A_336 : i32 to vector<16xi32>
          %shift_left3A_338 = arith.shli %get3A_331, %shift_left3A_337 : vector<16xi32>
          %bitcast_convert_type3A_339 = tpu.bitcast %shift_left3A_338 : vector<16xi32> -> vector<16xf32>
          %bitcast_convert_type3A_340 = tpu.bitcast %get3A_331 : vector<16xi32> -> vector<16xf32>
          %shift_left3A_341 = arith.constant 16 : i32
          %shift_left3A_342 = vector.broadcast %shift_left3A_341 : i32 to vector<16xi32>
          %shift_left3A_343 = arith.shli %get3A_335, %shift_left3A_342 : vector<16xi32>
          %bitcast_convert_type3A_344 = tpu.bitcast %shift_left3A_343 : vector<16xi32> -> vector<16xf32>
          %bitcast_convert_type3A_345 = tpu.bitcast %get3A_335 : vector<16xi32> -> vector<16xf32>
          %mul3A_346 = arith.mulf %bitcast_convert_type3A_339, %bitcast_convert_type3A_344 : vector<16xf32>
          %mul3A_347 = arith.mulf %bitcast_convert_type3A_340, %bitcast_convert_type3A_345 : vector<16xf32>
          %add3A_348 = arith.addf %mul3A_346, %mul3A_347 : vector<16xf32>
          %add3A_349 = arith.addf %add3A_327, %add3A_348 : vector<16xf32>
          %get3A_350 = arith.index_cast %add3A_306 : i32 to index
          %get3A_351 = arith.constant 32 : index
          %get3A_352 = tpu.vector_load %arg12[%get3A_350, %get3A_351] {strides = array<i32>} : memref<128x64xi32, #tpu.memory_space<vmem>>, vector<1x16xi32>,
          %get3A_353 = vector.shape_cast %get3A_352 : vector<1x16xi32> to vector<16xi32>
          %get3A_354 = arith.index_cast %add3A_306 : i32 to index
          %get3A_355 = arith.constant 32 : index
          %get3A_356 = tpu.vector_load %arg13[%get3A_354, %get3A_355] {strides = array<i32>} : memref<128x64xi32, #tpu.memory_space<vmem>>, vector<1x16xi32>,
          %get3A_357 = vector.shape_cast %get3A_356 : vector<1x16xi32> to vector<16xi32>
          %shift_left3A_358 = arith.constant 16 : i32
          %shift_left3A_359 = vector.broadcast %shift_left3A_358 : i32 to vector<16xi32>
          %shift_left3A_360 = arith.shli %get3A_353, %shift_left3A_359 : vector<16xi32>
          %bitcast_convert_type3A_361 = tpu.bitcast %shift_left3A_360 : vector<16xi32> -> vector<16xf32>
          %bitcast_convert_type3A_362 = tpu.bitcast %get3A_353 : vector<16xi32> -> vector<16xf32>
          %shift_left3A_363 = arith.constant 16 : i32
          %shift_left3A_364 = vector.broadcast %shift_left3A_363 : i32 to vector<16xi32>
          %shift_left3A_365 = arith.shli %get3A_357, %shift_left3A_364 : vector<16xi32>
          %bitcast_convert_type3A_366 = tpu.bitcast %shift_left3A_365 : vector<16xi32> -> vector<16xf32>
          %bitcast_convert_type3A_367 = tpu.bitcast %get3A_357 : vector<16xi32> -> vector<16xf32>
          %mul3A_368 = arith.mulf %bitcast_convert_type3A_361, %bitcast_convert_type3A_366 : vector<16xf32>
          %mul3A_369 = arith.mulf %bitcast_convert_type3A_362, %bitcast_convert_type3A_367 : vector<16xf32>
          %add3A_370 = arith.addf %mul3A_368, %mul3A_369 : vector<16xf32>
          %add3A_371 = arith.addf %add3A_349, %add3A_370 : vector<16xf32>
          %get3A_372 = arith.index_cast %add3A_306 : i32 to index
          %get3A_373 = arith.constant 48 : index
          %get3A_374 = tpu.vector_load %arg12[%get3A_372, %get3A_373] {strides = array<i32>} : memref<128x64xi32, #tpu.memory_space<vmem>>, vector<1x16xi32>,
          %get3A_375 = vector.shape_cast %get3A_374 : vector<1x16xi32> to vector<16xi32>
          %get3A_376 = arith.index_cast %add3A_306 : i32 to index
          %get3A_377 = arith.constant 48 : index
          %get3A_378 = tpu.vector_load %arg13[%get3A_376, %get3A_377] {strides = array<i32>} : memref<128x64xi32, #tpu.memory_space<vmem>>, vector<1x16xi32>,
          %get3A_379 = vector.shape_cast %get3A_378 : vector<1x16xi32> to vector<16xi32>
          %shift_left3A_380 = arith.constant 16 : i32
          %shift_left3A_381 = vector.broadcast %shift_left3A_380 : i32 to vector<16xi32>
          %shift_left3A_382 = arith.shli %get3A_375, %shift_left3A_381 : vector<16xi32>
          %bitcast_convert_type3A_383 = tpu.bitcast %shift_left3A_382 : vector<16xi32> -> vector<16xf32>
          %bitcast_convert_type3A_384 = tpu.bitcast %get3A_375 : vector<16xi32> -> vector<16xf32>
          %shift_left3A_385 = arith.constant 16 : i32
          %shift_left3A_386 = vector.broadcast %shift_left3A_385 : i32 to vector<16xi32>
          %shift_left3A_387 = arith.shli %get3A_379, %shift_left3A_386 : vector<16xi32>
          %bitcast_convert_type3A_388 = tpu.bitcast %shift_left3A_387 : vector<16xi32> -> vector<16xf32>
          %bitcast_convert_type3A_389 = tpu.bitcast %get3A_379 : vector<16xi32> -> vector<16xf32>
          %mul3A_390 = arith.mulf %bitcast_convert_type3A_383, %bitcast_convert_type3A_388 : vector<16xf32>
          %mul3A_391 = arith.mulf %bitcast_convert_type3A_384, %bitcast_convert_type3A_389 : vector<16xf32>
          %add3A_392 = arith.addf %mul3A_390, %mul3A_391 : vector<16xf32>
          %add3A_393 = arith.addf %add3A_371, %add3A_392 : vector<16xf32>
          %swap3A_394 = arith.index_cast %scan3A_114 : i32 to index
          %swap3A_395 = arith.constant 32 : index
          %swap3A_396 = tpu.vector_load %arg15[%swap3A_394, %swap3A_395] {strides = array<i32>} : memref<16x128xf32, #tpu.memory_space<vmem>>, vector<1x16xf32>,
          %swap3A_397 = vector.shape_cast %swap3A_396 : vector<1x16xf32> to vector<16xf32>
          %swap3A_398 = vector.shape_cast %add3A_393 : vector<16xf32> to vector<1x16xf32>
          tpu.vector_store %arg15[%swap3A_394, %swap3A_395], %swap3A_398 {strides = array<i32>} : memref<16x128xf32, #tpu.memory_space<vmem>>, vector<1x16xf32>,
          %mul3A_399 = arith.constant 8 : i32
          %mul3A_400 = arith.muli %scan3A_114, %mul3A_399 : i32
          %add3A_401 = arith.constant 3 : i32
          %add3A_402 = arith.addi %mul3A_400, %add3A_401 : i32
          %get3A_403 = arith.index_cast %add3A_402 : i32 to index
          %get3A_404 = arith.constant 0 : index
          %get3A_405 = tpu.vector_load %arg12[%get3A_403, %get3A_404] {strides = array<i32>} : memref<128x64xi32, #tpu.memory_space<vmem>>, vector<1x16xi32>,
          %get3A_406 = vector.shape_cast %get3A_405 : vector<1x16xi32> to vector<16xi32>
          %get3A_407 = arith.index_cast %add3A_402 : i32 to index
          %get3A_408 = arith.constant 0 : index
          %get3A_409 = tpu.vector_load %arg13[%get3A_407, %get3A_408] {strides = array<i32>} : memref<128x64xi32, #tpu.memory_space<vmem>>, vector<1x16xi32>,
          %get3A_410 = vector.shape_cast %get3A_409 : vector<1x16xi32> to vector<16xi32>
          %shift_left3A_411 = arith.constant 16 : i32
          %shift_left3A_412 = vector.broadcast %shift_left3A_411 : i32 to vector<16xi32>
          %shift_left3A_413 = arith.shli %get3A_406, %shift_left3A_412 : vector<16xi32>
          %bitcast_convert_type3A_414 = tpu.bitcast %shift_left3A_413 : vector<16xi32> -> vector<16xf32>
          %bitcast_convert_type3A_415 = tpu.bitcast %get3A_406 : vector<16xi32> -> vector<16xf32>
          %shift_left3A_416 = arith.constant 16 : i32
          %shift_left3A_417 = vector.broadcast %shift_left3A_416 : i32 to vector<16xi32>
          %shift_left3A_418 = arith.shli %get3A_410, %shift_left3A_417 : vector<16xi32>
          %bitcast_convert_type3A_419 = tpu.bitcast %shift_left3A_418 : vector<16xi32> -> vector<16xf32>
          %bitcast_convert_type3A_420 = tpu.bitcast %get3A_410 : vector<16xi32> -> vector<16xf32>
          %mul3A_421 = arith.mulf %bitcast_convert_type3A_414, %bitcast_convert_type3A_419 : vector<16xf32>
          %mul3A_422 = arith.mulf %bitcast_convert_type3A_415, %bitcast_convert_type3A_420 : vector<16xf32>
          %add3A_423 = arith.addf %mul3A_421, %mul3A_422 : vector<16xf32>
          %get3A_424 = arith.index_cast %add3A_402 : i32 to index
          %get3A_425 = arith.constant 16 : index
          %get3A_426 = tpu.vector_load %arg12[%get3A_424, %get3A_425] {strides = array<i32>} : memref<128x64xi32, #tpu.memory_space<vmem>>, vector<1x16xi32>,
          %get3A_427 = vector.shape_cast %get3A_426 : vector<1x16xi32> to vector<16xi32>
          %get3A_428 = arith.index_cast %add3A_402 : i32 to index
          %get3A_429 = arith.constant 16 : index
          %get3A_430 = tpu.vector_load %arg13[%get3A_428, %get3A_429] {strides = array<i32>} : memref<128x64xi32, #tpu.memory_space<vmem>>, vector<1x16xi32>,
          %get3A_431 = vector.shape_cast %get3A_430 : vector<1x16xi32> to vector<16xi32>
          %shift_left3A_432 = arith.constant 16 : i32
          %shift_left3A_433 = vector.broadcast %shift_left3A_432 : i32 to vector<16xi32>
          %shift_left3A_434 = arith.shli %get3A_427, %shift_left3A_433 : vector<16xi32>
          %bitcast_convert_type3A_435 = tpu.bitcast %shift_left3A_434 : vector<16xi32> -> vector<16xf32>
          %bitcast_convert_type3A_436 = tpu.bitcast %get3A_427 : vector<16xi32> -> vector<16xf32>
          %shift_left3A_437 = arith.constant 16 : i32
          %shift_left3A_438 = vector.broadcast %shift_left3A_437 : i32 to vector<16xi32>
          %shift_left3A_439 = arith.shli %get3A_431, %shift_left3A_438 : vector<16xi32>
          %bitcast_convert_type3A_440 = tpu.bitcast %shift_left3A_439 : vector<16xi32> -> vector<16xf32>
          %bitcast_convert_type3A_441 = tpu.bitcast %get3A_431 : vector<16xi32> -> vector<16xf32>
          %mul3A_442 = arith.mulf %bitcast_convert_type3A_435, %bitcast_convert_type3A_440 : vector<16xf32>
          %mul3A_443 = arith.mulf %bitcast_convert_type3A_436, %bitcast_convert_type3A_441 : vector<16xf32>
          %add3A_444 = arith.addf %mul3A_442, %mul3A_443 : vector<16xf32>
          %add3A_445 = arith.addf %add3A_423, %add3A_444 : vector<16xf32>
          %get3A_446 = arith.index_cast %add3A_402 : i32 to index
          %get3A_447 = arith.constant 32 : index
          %get3A_448 = tpu.vector_load %arg12[%get3A_446, %get3A_447] {strides = array<i32>} : memref<128x64xi32, #tpu.memory_space<vmem>>, vector<1x16xi32>,
          %get3A_449 = vector.shape_cast %get3A_448 : vector<1x16xi32> to vector<16xi32>
          %get3A_450 = arith.index_cast %add3A_402 : i32 to index
          %get3A_451 = arith.constant 32 : index
          %get3A_452 = tpu.vector_load %arg13[%get3A_450, %get3A_451] {strides = array<i32>} : memref<128x64xi32, #tpu.memory_space<vmem>>, vector<1x16xi32>,
          %get3A_453 = vector.shape_cast %get3A_452 : vector<1x16xi32> to vector<16xi32>
          %shift_left3A_454 = arith.constant 16 : i32
          %shift_left3A_455 = vector.broadcast %shift_left3A_454 : i32 to vector<16xi32>
          %shift_left3A_456 = arith.shli %get3A_449, %shift_left3A_455 : vector<16xi32>
          %bitcast_convert_type3A_457 = tpu.bitcast %shift_left3A_456 : vector<16xi32> -> vector<16xf32>
          %bitcast_convert_type3A_458 = tpu.bitcast %get3A_449 : vector<16xi32> -> vector<16xf32>
          %shift_left3A_459 = arith.constant 16 : i32
          %shift_left3A_460 = vector.broadcast %shift_left3A_459 : i32 to vector<16xi32>
          %shift_left3A_461 = arith.shli %get3A_453, %shift_left3A_460 : vector<16xi32>
          %bitcast_convert_type3A_462 = tpu.bitcast %shift_left3A_461 : vector<16xi32> -> vector<16xf32>
          %bitcast_convert_type3A_463 = tpu.bitcast %get3A_453 : vector<16xi32> -> vector<16xf32>
          %mul3A_464 = arith.mulf %bitcast_convert_type3A_457, %bitcast_convert_type3A_462 : vector<16xf32>
          %mul3A_465 = arith.mulf %bitcast_convert_type3A_458, %bitcast_convert_type3A_463 : vector<16xf32>
          %add3A_466 = arith.addf %mul3A_464, %mul3A_465 : vector<16xf32>
          %add3A_467 = arith.addf %add3A_445, %add3A_466 : vector<16xf32>
          %get3A_468 = arith.index_cast %add3A_402 : i32 to index
          %get3A_469 = arith.constant 48 : index
          %get3A_470 = tpu.vector_load %arg12[%get3A_468, %get3A_469] {strides = array<i32>} : memref<128x64xi32, #tpu.memory_space<vmem>>, vector<1x16xi32>,
          %get3A_471 = vector.shape_cast %get3A_470 : vector<1x16xi32> to vector<16xi32>
          %get3A_472 = arith.index_cast %add3A_402 : i32 to index
          %get3A_473 = arith.constant 48 : index
          %get3A_474 = tpu.vector_load %arg13[%get3A_472, %get3A_473] {strides = array<i32>} : memref<128x64xi32, #tpu.memory_space<vmem>>, vector<1x16xi32>,
          %get3A_475 = vector.shape_cast %get3A_474 : vector<1x16xi32> to vector<16xi32>
          %shift_left3A_476 = arith.constant 16 : i32
          %shift_left3A_477 = vector.broadcast %shift_left3A_476 : i32 to vector<16xi32>
          %shift_left3A_478 = arith.shli %get3A_471, %shift_left3A_477 : vector<16xi32>
          %bitcast_convert_type3A_479 = tpu.bitcast %shift_left3A_478 : vector<16xi32> -> vector<16xf32>
          %bitcast_convert_type3A_480 = tpu.bitcast %get3A_471 : vector<16xi32> -> vector<16xf32>
          %shift_left3A_481 = arith.constant 16 : i32
          %shift_left3A_482 = vector.broadcast %shift_left3A_481 : i32 to vector<16xi32>
          %shift_left3A_483 = arith.shli %get3A_475, %shift_left3A_482 : vector<16xi32>
          %bitcast_convert_type3A_484 = tpu.bitcast %shift_left3A_483 : vector<16xi32> -> vector<16xf32>
          %bitcast_convert_type3A_485 = tpu.bitcast %get3A_475 : vector<16xi32> -> vector<16xf32>
          %mul3A_486 = arith.mulf %bitcast_convert_type3A_479, %bitcast_convert_type3A_484 : vector<16xf32>
          %mul3A_487 = arith.mulf %bitcast_convert_type3A_480, %bitcast_convert_type3A_485 : vector<16xf32>
          %add3A_488 = arith.addf %mul3A_486, %mul3A_487 : vector<16xf32>
          %add3A_489 = arith.addf %add3A_467, %add3A_488 : vector<16xf32>
          %swap3A_490 = arith.index_cast %scan3A_114 : i32 to index
          %swap3A_491 = arith.constant 48 : index
          %swap3A_492 = tpu.vector_load %arg15[%swap3A_490, %swap3A_491] {strides = array<i32>} : memref<16x128xf32, #tpu.memory_space<vmem>>, vector<1x16xf32>,
          %swap3A_493 = vector.shape_cast %swap3A_492 : vector<1x16xf32> to vector<16xf32>
          %swap3A_494 = vector.shape_cast %add3A_489 : vector<16xf32> to vector<1x16xf32>
          tpu.vector_store %arg15[%swap3A_490, %swap3A_491], %swap3A_494 {strides = array<i32>} : memref<16x128xf32, #tpu.memory_space<vmem>>, vector<1x16xf32>,
          %mul3A_495 = arith.constant 8 : i32
          %mul3A_496 = arith.muli %scan3A_114, %mul3A_495 : i32
          %add3A_497 = arith.constant 4 : i32
          %add3A_498 = arith.addi %mul3A_496, %add3A_497 : i32
          %get3A_499 = arith.index_cast %add3A_498 : i32 to index
          %get3A_500 = arith.constant 0 : index
          %get3A_501 = tpu.vector_load %arg12[%get3A_499, %get3A_500] {strides = array<i32>} : memref<128x64xi32, #tpu.memory_space<vmem>>, vector<1x16xi32>,
          %get3A_502 = vector.shape_cast %get3A_501 : vector<1x16xi32> to vector<16xi32>
          %get3A_503 = arith.index_cast %add3A_498 : i32 to index
          %get3A_504 = arith.constant 0 : index
          %get3A_505 = tpu.vector_load %arg13[%get3A_503, %get3A_504] {strides = array<i32>} : memref<128x64xi32, #tpu.memory_space<vmem>>, vector<1x16xi32>,
          %get3A_506 = vector.shape_cast %get3A_505 : vector<1x16xi32> to vector<16xi32>
          %shift_left3A_507 = arith.constant 16 : i32
          %shift_left3A_508 = vector.broadcast %shift_left3A_507 : i32 to vector<16xi32>
          %shift_left3A_509 = arith.shli %get3A_502, %shift_left3A_508 : vector<16xi32>
          %bitcast_convert_type3A_510 = tpu.bitcast %shift_left3A_509 : vector<16xi32> -> vector<16xf32>
          %bitcast_convert_type3A_511 = tpu.bitcast %get3A_502 : vector<16xi32> -> vector<16xf32>
          %shift_left3A_512 = arith.constant 16 : i32
          %shift_left3A_513 = vector.broadcast %shift_left3A_512 : i32 to vector<16xi32>
          %shift_left3A_514 = arith.shli %get3A_506, %shift_left3A_513 : vector<16xi32>
          %bitcast_convert_type3A_515 = tpu.bitcast %shift_left3A_514 : vector<16xi32> -> vector<16xf32>
          %bitcast_convert_type3A_516 = tpu.bitcast %get3A_506 : vector<16xi32> -> vector<16xf32>
          %mul3A_517 = arith.mulf %bitcast_convert_type3A_510, %bitcast_convert_type3A_515 : vector<16xf32>
          %mul3A_518 = arith.mulf %bitcast_convert_type3A_511, %bitcast_convert_type3A_516 : vector<16xf32>
          %add3A_519 = arith.addf %mul3A_517, %mul3A_518 : vector<16xf32>
          %get3A_520 = arith.index_cast %add3A_498 : i32 to index
          %get3A_521 = arith.constant 16 : index
          %get3A_522 = tpu.vector_load %arg12[%get3A_520, %get3A_521] {strides = array<i32>} : memref<128x64xi32, #tpu.memory_space<vmem>>, vector<1x16xi32>,
          %get3A_523 = vector.shape_cast %get3A_522 : vector<1x16xi32> to vector<16xi32>
          %get3A_524 = arith.index_cast %add3A_498 : i32 to index
          %get3A_525 = arith.constant 16 : index
          %get3A_526 = tpu.vector_load %arg13[%get3A_524, %get3A_525] {strides = array<i32>} : memref<128x64xi32, #tpu.memory_space<vmem>>, vector<1x16xi32>,
          %get3A_527 = vector.shape_cast %get3A_526 : vector<1x16xi32> to vector<16xi32>
          %shift_left3A_528 = arith.constant 16 : i32
          %shift_left3A_529 = vector.broadcast %shift_left3A_528 : i32 to vector<16xi32>
          %shift_left3A_530 = arith.shli %get3A_523, %shift_left3A_529 : vector<16xi32>
          %bitcast_convert_type3A_531 = tpu.bitcast %shift_left3A_530 : vector<16xi32> -> vector<16xf32>
          %bitcast_convert_type3A_532 = tpu.bitcast %get3A_523 : vector<16xi32> -> vector<16xf32>
          %shift_left3A_533 = arith.constant 16 : i32
          %shift_left3A_534 = vector.broadcast %shift_left3A_533 : i32 to vector<16xi32>
          %shift_left3A_535 = arith.shli %get3A_527, %shift_left3A_534 : vector<16xi32>
          %bitcast_convert_type3A_536 = tpu.bitcast %shift_left3A_535 : vector<16xi32> -> vector<16xf32>
          %bitcast_convert_type3A_537 = tpu.bitcast %get3A_527 : vector<16xi32> -> vector<16xf32>
          %mul3A_538 = arith.mulf %bitcast_convert_type3A_531, %bitcast_convert_type3A_536 : vector<16xf32>
          %mul3A_539 = arith.mulf %bitcast_convert_type3A_532, %bitcast_convert_type3A_537 : vector<16xf32>
          %add3A_540 = arith.addf %mul3A_538, %mul3A_539 : vector<16xf32>
          %add3A_541 = arith.addf %add3A_519, %add3A_540 : vector<16xf32>
          %get3A_542 = arith.index_cast %add3A_498 : i32 to index
          %get3A_543 = arith.constant 32 : index
          %get3A_544 = tpu.vector_load %arg12[%get3A_542, %get3A_543] {strides = array<i32>} : memref<128x64xi32, #tpu.memory_space<vmem>>, vector<1x16xi32>,
          %get3A_545 = vector.shape_cast %get3A_544 : vector<1x16xi32> to vector<16xi32>
          %get3A_546 = arith.index_cast %add3A_498 : i32 to index
          %get3A_547 = arith.constant 32 : index
          %get3A_548 = tpu.vector_load %arg13[%get3A_546, %get3A_547] {strides = array<i32>} : memref<128x64xi32, #tpu.memory_space<vmem>>, vector<1x16xi32>,
          %get3A_549 = vector.shape_cast %get3A_548 : vector<1x16xi32> to vector<16xi32>
          %shift_left3A_550 = arith.constant 16 : i32
          %shift_left3A_551 = vector.broadcast %shift_left3A_550 : i32 to vector<16xi32>
          %shift_left3A_552 = arith.shli %get3A_545, %shift_left3A_551 : vector<16xi32>
          %bitcast_convert_type3A_553 = tpu.bitcast %shift_left3A_552 : vector<16xi32> -> vector<16xf32>
          %bitcast_convert_type3A_554 = tpu.bitcast %get3A_545 : vector<16xi32> -> vector<16xf32>
          %shift_left3A_555 = arith.constant 16 : i32
          %shift_left3A_556 = vector.broadcast %shift_left3A_555 : i32 to vector<16xi32>
          %shift_left3A_557 = arith.shli %get3A_549, %shift_left3A_556 : vector<16xi32>
          %bitcast_convert_type3A_558 = tpu.bitcast %shift_left3A_557 : vector<16xi32> -> vector<16xf32>
          %bitcast_convert_type3A_559 = tpu.bitcast %get3A_549 : vector<16xi32> -> vector<16xf32>
          %mul3A_560 = arith.mulf %bitcast_convert_type3A_553, %bitcast_convert_type3A_558 : vector<16xf32>
          %mul3A_561 = arith.mulf %bitcast_convert_type3A_554, %bitcast_convert_type3A_559 : vector<16xf32>
          %add3A_562 = arith.addf %mul3A_560, %mul3A_561 : vector<16xf32>
          %add3A_563 = arith.addf %add3A_541, %add3A_562 : vector<16xf32>
          %get3A_564 = arith.index_cast %add3A_498 : i32 to index
          %get3A_565 = arith.constant 48 : index
          %get3A_566 = tpu.vector_load %arg12[%get3A_564, %get3A_565] {strides = array<i32>} : memref<128x64xi32, #tpu.memory_space<vmem>>, vector<1x16xi32>,
          %get3A_567 = vector.shape_cast %get3A_566 : vector<1x16xi32> to vector<16xi32>
          %get3A_568 = arith.index_cast %add3A_498 : i32 to index
          %get3A_569 = arith.constant 48 : index
          %get3A_570 = tpu.vector_load %arg13[%get3A_568, %get3A_569] {strides = array<i32>} : memref<128x64xi32, #tpu.memory_space<vmem>>, vector<1x16xi32>,
          %get3A_571 = vector.shape_cast %get3A_570 : vector<1x16xi32> to vector<16xi32>
          %shift_left3A_572 = arith.constant 16 : i32
          %shift_left3A_573 = vector.broadcast %shift_left3A_572 : i32 to vector<16xi32>
          %shift_left3A_574 = arith.shli %get3A_567, %shift_left3A_573 : vector<16xi32>
          %bitcast_convert_type3A_575 = tpu.bitcast %shift_left3A_574 : vector<16xi32> -> vector<16xf32>
          %bitcast_convert_type3A_576 = tpu.bitcast %get3A_567 : vector<16xi32> -> vector<16xf32>
          %shift_left3A_577 = arith.constant 16 : i32
          %shift_left3A_578 = vector.broadcast %shift_left3A_577 : i32 to vector<16xi32>
          %shift_left3A_579 = arith.shli %get3A_571, %shift_left3A_578 : vector<16xi32>
          %bitcast_convert_type3A_580 = tpu.bitcast %shift_left3A_579 : vector<16xi32> -> vector<16xf32>
          %bitcast_convert_type3A_581 = tpu.bitcast %get3A_571 : vector<16xi32> -> vector<16xf32>
          %mul3A_582 = arith.mulf %bitcast_convert_type3A_575, %bitcast_convert_type3A_580 : vector<16xf32>
          %mul3A_583 = arith.mulf %bitcast_convert_type3A_576, %bitcast_convert_type3A_581 : vector<16xf32>
          %add3A_584 = arith.addf %mul3A_582, %mul3A_583 : vector<16xf32>
          %add3A_585 = arith.addf %add3A_563, %add3A_584 : vector<16xf32>
          %swap3A_586 = arith.index_cast %scan3A_114 : i32 to index
          %swap3A_587 = arith.constant 64 : index
          %swap3A_588 = tpu.vector_load %arg15[%swap3A_586, %swap3A_587] {strides = array<i32>} : memref<16x128xf32, #tpu.memory_space<vmem>>, vector<1x16xf32>,
          %swap3A_589 = vector.shape_cast %swap3A_588 : vector<1x16xf32> to vector<16xf32>
          %swap3A_590 = vector.shape_cast %add3A_585 : vector<16xf32> to vector<1x16xf32>
          tpu.vector_store %arg15[%swap3A_586, %swap3A_587], %swap3A_590 {strides = array<i32>} : memref<16x128xf32, #tpu.memory_space<vmem>>, vector<1x16xf32>,
          %mul3A_591 = arith.constant 8 : i32
          %mul3A_592 = arith.muli %scan3A_114, %mul3A_591 : i32
          %add3A_593 = arith.constant 5 : i32
          %add3A_594 = arith.addi %mul3A_592, %add3A_593 : i32
          %get3A_595 = arith.index_cast %add3A_594 : i32 to index
          %get3A_596 = arith.constant 0 : index
          %get3A_597 = tpu.vector_load %arg12[%get3A_595, %get3A_596] {strides = array<i32>} : memref<128x64xi32, #tpu.memory_space<vmem>>, vector<1x16xi32>,
          %get3A_598 = vector.shape_cast %get3A_597 : vector<1x16xi32> to vector<16xi32>
          %get3A_599 = arith.index_cast %add3A_594 : i32 to index
          %get3A_600 = arith.constant 0 : index
          %get3A_601 = tpu.vector_load %arg13[%get3A_599, %get3A_600] {strides = array<i32>} : memref<128x64xi32, #tpu.memory_space<vmem>>, vector<1x16xi32>,
          %get3A_602 = vector.shape_cast %get3A_601 : vector<1x16xi32> to vector<16xi32>
          %shift_left3A_603 = arith.constant 16 : i32
          %shift_left3A_604 = vector.broadcast %shift_left3A_603 : i32 to vector<16xi32>
          %shift_left3A_605 = arith.shli %get3A_598, %shift_left3A_604 : vector<16xi32>
          %bitcast_convert_type3A_606 = tpu.bitcast %shift_left3A_605 : vector<16xi32> -> vector<16xf32>
          %bitcast_convert_type3A_607 = tpu.bitcast %get3A_598 : vector<16xi32> -> vector<16xf32>
          %shift_left3A_608 = arith.constant 16 : i32
          %shift_left3A_609 = vector.broadcast %shift_left3A_608 : i32 to vector<16xi32>
          %shift_left3A_610 = arith.shli %get3A_602, %shift_left3A_609 : vector<16xi32>
          %bitcast_convert_type3A_611 = tpu.bitcast %shift_left3A_610 : vector<16xi32> -> vector<16xf32>
          %bitcast_convert_type3A_612 = tpu.bitcast %get3A_602 : vector<16xi32> -> vector<16xf32>
          %mul3A_613 = arith.mulf %bitcast_convert_type3A_606, %bitcast_convert_type3A_611 : vector<16xf32>
          %mul3A_614 = arith.mulf %bitcast_convert_type3A_607, %bitcast_convert_type3A_612 : vector<16xf32>
          %add3A_615 = arith.addf %mul3A_613, %mul3A_614 : vector<16xf32>
          %get3A_616 = arith.index_cast %add3A_594 : i32 to index
          %get3A_617 = arith.constant 16 : index
          %get3A_618 = tpu.vector_load %arg12[%get3A_616, %get3A_617] {strides = array<i32>} : memref<128x64xi32, #tpu.memory_space<vmem>>, vector<1x16xi32>,
          %get3A_619 = vector.shape_cast %get3A_618 : vector<1x16xi32> to vector<16xi32>
          %get3A_620 = arith.index_cast %add3A_594 : i32 to index
          %get3A_621 = arith.constant 16 : index
          %get3A_622 = tpu.vector_load %arg13[%get3A_620, %get3A_621] {strides = array<i32>} : memref<128x64xi32, #tpu.memory_space<vmem>>, vector<1x16xi32>,
          %get3A_623 = vector.shape_cast %get3A_622 : vector<1x16xi32> to vector<16xi32>
          %shift_left3A_624 = arith.constant 16 : i32
          %shift_left3A_625 = vector.broadcast %shift_left3A_624 : i32 to vector<16xi32>
          %shift_left3A_626 = arith.shli %get3A_619, %shift_left3A_625 : vector<16xi32>
          %bitcast_convert_type3A_627 = tpu.bitcast %shift_left3A_626 : vector<16xi32> -> vector<16xf32>
          %bitcast_convert_type3A_628 = tpu.bitcast %get3A_619 : vector<16xi32> -> vector<16xf32>
          %shift_left3A_629 = arith.constant 16 : i32
          %shift_left3A_630 = vector.broadcast %shift_left3A_629 : i32 to vector<16xi32>
          %shift_left3A_631 = arith.shli %get3A_623, %shift_left3A_630 : vector<16xi32>
          %bitcast_convert_type3A_632 = tpu.bitcast %shift_left3A_631 : vector<16xi32> -> vector<16xf32>
          %bitcast_convert_type3A_633 = tpu.bitcast %get3A_623 : vector<16xi32> -> vector<16xf32>
          %mul3A_634 = arith.mulf %bitcast_convert_type3A_627, %bitcast_convert_type3A_632 : vector<16xf32>
          %mul3A_635 = arith.mulf %bitcast_convert_type3A_628, %bitcast_convert_type3A_633 : vector<16xf32>
          %add3A_636 = arith.addf %mul3A_634, %mul3A_635 : vector<16xf32>
          %add3A_637 = arith.addf %add3A_615, %add3A_636 : vector<16xf32>
          %get3A_638 = arith.index_cast %add3A_594 : i32 to index
          %get3A_639 = arith.constant 32 : index
          %get3A_640 = tpu.vector_load %arg12[%get3A_638, %get3A_639] {strides = array<i32>} : memref<128x64xi32, #tpu.memory_space<vmem>>, vector<1x16xi32>,
          %get3A_641 = vector.shape_cast %get3A_640 : vector<1x16xi32> to vector<16xi32>
          %get3A_642 = arith.index_cast %add3A_594 : i32 to index
          %get3A_643 = arith.constant 32 : index
          %get3A_644 = tpu.vector_load %arg13[%get3A_642, %get3A_643] {strides = array<i32>} : memref<128x64xi32, #tpu.memory_space<vmem>>, vector<1x16xi32>,
          %get3A_645 = vector.shape_cast %get3A_644 : vector<1x16xi32> to vector<16xi32>
          %shift_left3A_646 = arith.constant 16 : i32
          %shift_left3A_647 = vector.broadcast %shift_left3A_646 : i32 to vector<16xi32>
          %shift_left3A_648 = arith.shli %get3A_641, %shift_left3A_647 : vector<16xi32>
          %bitcast_convert_type3A_649 = tpu.bitcast %shift_left3A_648 : vector<16xi32> -> vector<16xf32>
          %bitcast_convert_type3A_650 = tpu.bitcast %get3A_641 : vector<16xi32> -> vector<16xf32>
          %shift_left3A_651 = arith.constant 16 : i32
          %shift_left3A_652 = vector.broadcast %shift_left3A_651 : i32 to vector<16xi32>
          %shift_left3A_653 = arith.shli %get3A_645, %shift_left3A_652 : vector<16xi32>
          %bitcast_convert_type3A_654 = tpu.bitcast %shift_left3A_653 : vector<16xi32> -> vector<16xf32>
          %bitcast_convert_type3A_655 = tpu.bitcast %get3A_645 : vector<16xi32> -> vector<16xf32>
          %mul3A_656 = arith.mulf %bitcast_convert_type3A_649, %bitcast_convert_type3A_654 : vector<16xf32>
          %mul3A_657 = arith.mulf %bitcast_convert_type3A_650, %bitcast_convert_type3A_655 : vector<16xf32>
          %add3A_658 = arith.addf %mul3A_656, %mul3A_657 : vector<16xf32>
          %add3A_659 = arith.addf %add3A_637, %add3A_658 : vector<16xf32>
          %get3A_660 = arith.index_cast %add3A_594 : i32 to index
          %get3A_661 = arith.constant 48 : index
          %get3A_662 = tpu.vector_load %arg12[%get3A_660, %get3A_661] {strides = array<i32>} : memref<128x64xi32, #tpu.memory_space<vmem>>, vector<1x16xi32>,
          %get3A_663 = vector.shape_cast %get3A_662 : vector<1x16xi32> to vector<16xi32>
          %get3A_664 = arith.index_cast %add3A_594 : i32 to index
          %get3A_665 = arith.constant 48 : index
          %get3A_666 = tpu.vector_load %arg13[%get3A_664, %get3A_665] {strides = array<i32>} : memref<128x64xi32, #tpu.memory_space<vmem>>, vector<1x16xi32>,
          %get3A_667 = vector.shape_cast %get3A_666 : vector<1x16xi32> to vector<16xi32>
          %shift_left3A_668 = arith.constant 16 : i32
          %shift_left3A_669 = vector.broadcast %shift_left3A_668 : i32 to vector<16xi32>
          %shift_left3A_670 = arith.shli %get3A_663, %shift_left3A_669 : vector<16xi32>
          %bitcast_convert_type3A_671 = tpu.bitcast %shift_left3A_670 : vector<16xi32> -> vector<16xf32>
          %bitcast_convert_type3A_672 = tpu.bitcast %get3A_663 : vector<16xi32> -> vector<16xf32>
          %shift_left3A_673 = arith.constant 16 : i32
          %shift_left3A_674 = vector.broadcast %shift_left3A_673 : i32 to vector<16xi32>
          %shift_left3A_675 = arith.shli %get3A_667, %shift_left3A_674 : vector<16xi32>
          %bitcast_convert_type3A_676 = tpu.bitcast %shift_left3A_675 : vector<16xi32> -> vector<16xf32>
          %bitcast_convert_type3A_677 = tpu.bitcast %get3A_667 : vector<16xi32> -> vector<16xf32>
          %mul3A_678 = arith.mulf %bitcast_convert_type3A_671, %bitcast_convert_type3A_676 : vector<16xf32>
          %mul3A_679 = arith.mulf %bitcast_convert_type3A_672, %bitcast_convert_type3A_677 : vector<16xf32>
          %add3A_680 = arith.addf %mul3A_678, %mul3A_679 : vector<16xf32>
          %add3A_681 = arith.addf %add3A_659, %add3A_680 : vector<16xf32>
          %swap3A_682 = arith.index_cast %scan3A_114 : i32 to index
          %swap3A_683 = arith.constant 80 : index
          %swap3A_684 = tpu.vector_load %arg15[%swap3A_682, %swap3A_683] {strides = array<i32>} : memref<16x128xf32, #tpu.memory_space<vmem>>, vector<1x16xf32>,
          %swap3A_685 = vector.shape_cast %swap3A_684 : vector<1x16xf32> to vector<16xf32>
          %swap3A_686 = vector.shape_cast %add3A_681 : vector<16xf32> to vector<1x16xf32>
          tpu.vector_store %arg15[%swap3A_682, %swap3A_683], %swap3A_686 {strides = array<i32>} : memref<16x128xf32, #tpu.memory_space<vmem>>, vector<1x16xf32>,
          %mul3A_687 = arith.constant 8 : i32
          %mul3A_688 = arith.muli %scan3A_114, %mul3A_687 : i32
          %add3A_689 = arith.constant 6 : i32
          %add3A_690 = arith.addi %mul3A_688, %add3A_689 : i32
          %get3A_691 = arith.index_cast %add3A_690 : i32 to index
          %get3A_692 = arith.constant 0 : index
          %get3A_693 = tpu.vector_load %arg12[%get3A_691, %get3A_692] {strides = array<i32>} : memref<128x64xi32, #tpu.memory_space<vmem>>, vector<1x16xi32>,
          %get3A_694 = vector.shape_cast %get3A_693 : vector<1x16xi32> to vector<16xi32>
          %get3A_695 = arith.index_cast %add3A_690 : i32 to index
          %get3A_696 = arith.constant 0 : index
          %get3A_697 = tpu.vector_load %arg13[%get3A_695, %get3A_696] {strides = array<i32>} : memref<128x64xi32, #tpu.memory_space<vmem>>, vector<1x16xi32>,
          %get3A_698 = vector.shape_cast %get3A_697 : vector<1x16xi32> to vector<16xi32>
          %shift_left3A_699 = arith.constant 16 : i32
          %shift_left3A_700 = vector.broadcast %shift_left3A_699 : i32 to vector<16xi32>
          %shift_left3A_701 = arith.shli %get3A_694, %shift_left3A_700 : vector<16xi32>
          %bitcast_convert_type3A_702 = tpu.bitcast %shift_left3A_701 : vector<16xi32> -> vector<16xf32>
          %bitcast_convert_type3A_703 = tpu.bitcast %get3A_694 : vector<16xi32> -> vector<16xf32>
          %shift_left3A_704 = arith.constant 16 : i32
          %shift_left3A_705 = vector.broadcast %shift_left3A_704 : i32 to vector<16xi32>
          %shift_left3A_706 = arith.shli %get3A_698, %shift_left3A_705 : vector<16xi32>
          %bitcast_convert_type3A_707 = tpu.bitcast %shift_left3A_706 : vector<16xi32> -> vector<16xf32>
          %bitcast_convert_type3A_708 = tpu.bitcast %get3A_698 : vector<16xi32> -> vector<16xf32>
          %mul3A_709 = arith.mulf %bitcast_convert_type3A_702, %bitcast_convert_type3A_707 : vector<16xf32>
          %mul3A_710 = arith.mulf %bitcast_convert_type3A_703, %bitcast_convert_type3A_708 : vector<16xf32>
          %add3A_711 = arith.addf %mul3A_709, %mul3A_710 : vector<16xf32>
          %get3A_712 = arith.index_cast %add3A_690 : i32 to index
          %get3A_713 = arith.constant 16 : index
          %get3A_714 = tpu.vector_load %arg12[%get3A_712, %get3A_713] {strides = array<i32>} : memref<128x64xi32, #tpu.memory_space<vmem>>, vector<1x16xi32>,
          %get3A_715 = vector.shape_cast %get3A_714 : vector<1x16xi32> to vector<16xi32>
          %get3A_716 = arith.index_cast %add3A_690 : i32 to index
          %get3A_717 = arith.constant 16 : index
          %get3A_718 = tpu.vector_load %arg13[%get3A_716, %get3A_717] {strides = array<i32>} : memref<128x64xi32, #tpu.memory_space<vmem>>, vector<1x16xi32>,
          %get3A_719 = vector.shape_cast %get3A_718 : vector<1x16xi32> to vector<16xi32>
          %shift_left3A_720 = arith.constant 16 : i32
          %shift_left3A_721 = vector.broadcast %shift_left3A_720 : i32 to vector<16xi32>
          %shift_left3A_722 = arith.shli %get3A_715, %shift_left3A_721 : vector<16xi32>
          %bitcast_convert_type3A_723 = tpu.bitcast %shift_left3A_722 : vector<16xi32> -> vector<16xf32>
          %bitcast_convert_type3A_724 = tpu.bitcast %get3A_715 : vector<16xi32> -> vector<16xf32>
          %shift_left3A_725 = arith.constant 16 : i32
          %shift_left3A_726 = vector.broadcast %shift_left3A_725 : i32 to vector<16xi32>
          %shift_left3A_727 = arith.shli %get3A_719, %shift_left3A_726 : vector<16xi32>
          %bitcast_convert_type3A_728 = tpu.bitcast %shift_left3A_727 : vector<16xi32> -> vector<16xf32>
          %bitcast_convert_type3A_729 = tpu.bitcast %get3A_719 : vector<16xi32> -> vector<16xf32>
          %mul3A_730 = arith.mulf %bitcast_convert_type3A_723, %bitcast_convert_type3A_728 : vector<16xf32>
          %mul3A_731 = arith.mulf %bitcast_convert_type3A_724, %bitcast_convert_type3A_729 : vector<16xf32>
          %add3A_732 = arith.addf %mul3A_730, %mul3A_731 : vector<16xf32>
          %add3A_733 = arith.addf %add3A_711, %add3A_732 : vector<16xf32>
          %get3A_734 = arith.index_cast %add3A_690 : i32 to index
          %get3A_735 = arith.constant 32 : index
          %get3A_736 = tpu.vector_load %arg12[%get3A_734, %get3A_735] {strides = array<i32>} : memref<128x64xi32, #tpu.memory_space<vmem>>, vector<1x16xi32>,
          %get3A_737 = vector.shape_cast %get3A_736 : vector<1x16xi32> to vector<16xi32>
          %get3A_738 = arith.index_cast %add3A_690 : i32 to index
          %get3A_739 = arith.constant 32 : index
          %get3A_740 = tpu.vector_load %arg13[%get3A_738, %get3A_739] {strides = array<i32>} : memref<128x64xi32, #tpu.memory_space<vmem>>, vector<1x16xi32>,
          %get3A_741 = vector.shape_cast %get3A_740 : vector<1x16xi32> to vector<16xi32>
          %shift_left3A_742 = arith.constant 16 : i32
          %shift_left3A_743 = vector.broadcast %shift_left3A_742 : i32 to vector<16xi32>
          %shift_left3A_744 = arith.shli %get3A_737, %shift_left3A_743 : vector<16xi32>
          %bitcast_convert_type3A_745 = tpu.bitcast %shift_left3A_744 : vector<16xi32> -> vector<16xf32>
          %bitcast_convert_type3A_746 = tpu.bitcast %get3A_737 : vector<16xi32> -> vector<16xf32>
          %shift_left3A_747 = arith.constant 16 : i32
          %shift_left3A_748 = vector.broadcast %shift_left3A_747 : i32 to vector<16xi32>
          %shift_left3A_749 = arith.shli %get3A_741, %shift_left3A_748 : vector<16xi32>
          %bitcast_convert_type3A_750 = tpu.bitcast %shift_left3A_749 : vector<16xi32> -> vector<16xf32>
          %bitcast_convert_type3A_751 = tpu.bitcast %get3A_741 : vector<16xi32> -> vector<16xf32>
          %mul3A_752 = arith.mulf %bitcast_convert_type3A_745, %bitcast_convert_type3A_750 : vector<16xf32>
          %mul3A_753 = arith.mulf %bitcast_convert_type3A_746, %bitcast_convert_type3A_751 : vector<16xf32>
          %add3A_754 = arith.addf %mul3A_752, %mul3A_753 : vector<16xf32>
          %add3A_755 = arith.addf %add3A_733, %add3A_754 : vector<16xf32>
          %get3A_756 = arith.index_cast %add3A_690 : i32 to index
          %get3A_757 = arith.constant 48 : index
          %get3A_758 = tpu.vector_load %arg12[%get3A_756, %get3A_757] {strides = array<i32>} : memref<128x64xi32, #tpu.memory_space<vmem>>, vector<1x16xi32>,
          %get3A_759 = vector.shape_cast %get3A_758 : vector<1x16xi32> to vector<16xi32>
          %get3A_760 = arith.index_cast %add3A_690 : i32 to index
          %get3A_761 = arith.constant 48 : index
          %get3A_762 = tpu.vector_load %arg13[%get3A_760, %get3A_761] {strides = array<i32>} : memref<128x64xi32, #tpu.memory_space<vmem>>, vector<1x16xi32>,
          %get3A_763 = vector.shape_cast %get3A_762 : vector<1x16xi32> to vector<16xi32>
          %shift_left3A_764 = arith.constant 16 : i32
          %shift_left3A_765 = vector.broadcast %shift_left3A_764 : i32 to vector<16xi32>
          %shift_left3A_766 = arith.shli %get3A_759, %shift_left3A_765 : vector<16xi32>
          %bitcast_convert_type3A_767 = tpu.bitcast %shift_left3A_766 : vector<16xi32> -> vector<16xf32>
          %bitcast_convert_type3A_768 = tpu.bitcast %get3A_759 : vector<16xi32> -> vector<16xf32>
          %shift_left3A_769 = arith.constant 16 : i32
          %shift_left3A_770 = vector.broadcast %shift_left3A_769 : i32 to vector<16xi32>
          %shift_left3A_771 = arith.shli %get3A_763, %shift_left3A_770 : vector<16xi32>
          %bitcast_convert_type3A_772 = tpu.bitcast %shift_left3A_771 : vector<16xi32> -> vector<16xf32>
          %bitcast_convert_type3A_773 = tpu.bitcast %get3A_763 : vector<16xi32> -> vector<16xf32>
          %mul3A_774 = arith.mulf %bitcast_convert_type3A_767, %bitcast_convert_type3A_772 : vector<16xf32>
          %mul3A_775 = arith.mulf %bitcast_convert_type3A_768, %bitcast_convert_type3A_773 : vector<16xf32>
          %add3A_776 = arith.addf %mul3A_774, %mul3A_775 : vector<16xf32>
          %add3A_777 = arith.addf %add3A_755, %add3A_776 : vector<16xf32>
          %swap3A_778 = arith.index_cast %scan3A_114 : i32 to index
          %swap3A_779 = arith.constant 96 : index
          %swap3A_780 = tpu.vector_load %arg15[%swap3A_778, %swap3A_779] {strides = array<i32>} : memref<16x128xf32, #tpu.memory_space<vmem>>, vector<1x16xf32>,
          %swap3A_781 = vector.shape_cast %swap3A_780 : vector<1x16xf32> to vector<16xf32>
          %swap3A_782 = vector.shape_cast %add3A_777 : vector<16xf32> to vector<1x16xf32>
          tpu.vector_store %arg15[%swap3A_778, %swap3A_779], %swap3A_782 {strides = array<i32>} : memref<16x128xf32, #tpu.memory_space<vmem>>, vector<1x16xf32>,
          %mul3A_783 = arith.constant 8 : i32
          %mul3A_784 = arith.muli %scan3A_114, %mul3A_783 : i32
          %add3A_785 = arith.constant 7 : i32
          %add3A_786 = arith.addi %mul3A_784, %add3A_785 : i32
          %get3A_787 = arith.index_cast %add3A_786 : i32 to index
          %get3A_788 = arith.constant 0 : index
          %get3A_789 = tpu.vector_load %arg12[%get3A_787, %get3A_788] {strides = array<i32>} : memref<128x64xi32, #tpu.memory_space<vmem>>, vector<1x16xi32>,
          %get3A_790 = vector.shape_cast %get3A_789 : vector<1x16xi32> to vector<16xi32>
          %get3A_791 = arith.index_cast %add3A_786 : i32 to index
          %get3A_792 = arith.constant 0 : index
          %get3A_793 = tpu.vector_load %arg13[%get3A_791, %get3A_792] {strides = array<i32>} : memref<128x64xi32, #tpu.memory_space<vmem>>, vector<1x16xi32>,
          %get3A_794 = vector.shape_cast %get3A_793 : vector<1x16xi32> to vector<16xi32>
          %shift_left3A_795 = arith.constant 16 : i32
          %shift_left3A_796 = vector.broadcast %shift_left3A_795 : i32 to vector<16xi32>
          %shift_left3A_797 = arith.shli %get3A_790, %shift_left3A_796 : vector<16xi32>
          %bitcast_convert_type3A_798 = tpu.bitcast %shift_left3A_797 : vector<16xi32> -> vector<16xf32>
          %bitcast_convert_type3A_799 = tpu.bitcast %get3A_790 : vector<16xi32> -> vector<16xf32>
          %shift_left3A_800 = arith.constant 16 : i32
          %shift_left3A_801 = vector.broadcast %shift_left3A_800 : i32 to vector<16xi32>
          %shift_left3A_802 = arith.shli %get3A_794, %shift_left3A_801 : vector<16xi32>
          %bitcast_convert_type3A_803 = tpu.bitcast %shift_left3A_802 : vector<16xi32> -> vector<16xf32>
          %bitcast_convert_type3A_804 = tpu.bitcast %get3A_794 : vector<16xi32> -> vector<16xf32>
          %mul3A_805 = arith.mulf %bitcast_convert_type3A_798, %bitcast_convert_type3A_803 : vector<16xf32>
          %mul3A_806 = arith.mulf %bitcast_convert_type3A_799, %bitcast_convert_type3A_804 : vector<16xf32>
          %add3A_807 = arith.addf %mul3A_805, %mul3A_806 : vector<16xf32>
          %get3A_808 = arith.index_cast %add3A_786 : i32 to index
          %get3A_809 = arith.constant 16 : index
          %get3A_810 = tpu.vector_load %arg12[%get3A_808, %get3A_809] {strides = array<i32>} : memref<128x64xi32, #tpu.memory_space<vmem>>, vector<1x16xi32>,
          %get3A_811 = vector.shape_cast %get3A_810 : vector<1x16xi32> to vector<16xi32>
          %get3A_812 = arith.index_cast %add3A_786 : i32 to index
          %get3A_813 = arith.constant 16 : index
          %get3A_814 = tpu.vector_load %arg13[%get3A_812, %get3A_813] {strides = array<i32>} : memref<128x64xi32, #tpu.memory_space<vmem>>, vector<1x16xi32>,
          %get3A_815 = vector.shape_cast %get3A_814 : vector<1x16xi32> to vector<16xi32>
          %shift_left3A_816 = arith.constant 16 : i32
          %shift_left3A_817 = vector.broadcast %shift_left3A_816 : i32 to vector<16xi32>
          %shift_left3A_818 = arith.shli %get3A_811, %shift_left3A_817 : vector<16xi32>
          %bitcast_convert_type3A_819 = tpu.bitcast %shift_left3A_818 : vector<16xi32> -> vector<16xf32>
          %bitcast_convert_type3A_820 = tpu.bitcast %get3A_811 : vector<16xi32> -> vector<16xf32>
          %shift_left3A_821 = arith.constant 16 : i32
          %shift_left3A_822 = vector.broadcast %shift_left3A_821 : i32 to vector<16xi32>
          %shift_left3A_823 = arith.shli %get3A_815, %shift_left3A_822 : vector<16xi32>
          %bitcast_convert_type3A_824 = tpu.bitcast %shift_left3A_823 : vector<16xi32> -> vector<16xf32>
          %bitcast_convert_type3A_825 = tpu.bitcast %get3A_815 : vector<16xi32> -> vector<16xf32>
          %mul3A_826 = arith.mulf %bitcast_convert_type3A_819, %bitcast_convert_type3A_824 : vector<16xf32>
          %mul3A_827 = arith.mulf %bitcast_convert_type3A_820, %bitcast_convert_type3A_825 : vector<16xf32>
          %add3A_828 = arith.addf %mul3A_826, %mul3A_827 : vector<16xf32>
          %add3A_829 = arith.addf %add3A_807, %add3A_828 : vector<16xf32>
          %get3A_830 = arith.index_cast %add3A_786 : i32 to index
          %get3A_831 = arith.constant 32 : index
          %get3A_832 = tpu.vector_load %arg12[%get3A_830, %get3A_831] {strides = array<i32>} : memref<128x64xi32, #tpu.memory_space<vmem>>, vector<1x16xi32>,
          %get3A_833 = vector.shape_cast %get3A_832 : vector<1x16xi32> to vector<16xi32>
          %get3A_834 = arith.index_cast %add3A_786 : i32 to index
          %get3A_835 = arith.constant 32 : index
          %get3A_836 = tpu.vector_load %arg13[%get3A_834, %get3A_835] {strides = array<i32>} : memref<128x64xi32, #tpu.memory_space<vmem>>, vector<1x16xi32>,
          %get3A_837 = vector.shape_cast %get3A_836 : vector<1x16xi32> to vector<16xi32>
          %shift_left3A_838 = arith.constant 16 : i32
          %shift_left3A_839 = vector.broadcast %shift_left3A_838 : i32 to vector<16xi32>
          %shift_left3A_840 = arith.shli %get3A_833, %shift_left3A_839 : vector<16xi32>
          %bitcast_convert_type3A_841 = tpu.bitcast %shift_left3A_840 : vector<16xi32> -> vector<16xf32>
          %bitcast_convert_type3A_842 = tpu.bitcast %get3A_833 : vector<16xi32> -> vector<16xf32>
          %shift_left3A_843 = arith.constant 16 : i32
          %shift_left3A_844 = vector.broadcast %shift_left3A_843 : i32 to vector<16xi32>
          %shift_left3A_845 = arith.shli %get3A_837, %shift_left3A_844 : vector<16xi32>
          %bitcast_convert_type3A_846 = tpu.bitcast %shift_left3A_845 : vector<16xi32> -> vector<16xf32>
          %bitcast_convert_type3A_847 = tpu.bitcast %get3A_837 : vector<16xi32> -> vector<16xf32>
          %mul3A_848 = arith.mulf %bitcast_convert_type3A_841, %bitcast_convert_type3A_846 : vector<16xf32>
          %mul3A_849 = arith.mulf %bitcast_convert_type3A_842, %bitcast_convert_type3A_847 : vector<16xf32>
          %add3A_850 = arith.addf %mul3A_848, %mul3A_849 : vector<16xf32>
          %add3A_851 = arith.addf %add3A_829, %add3A_850 : vector<16xf32>
          %get3A_852 = arith.index_cast %add3A_786 : i32 to index
          %get3A_853 = arith.constant 48 : index
          %get3A_854 = tpu.vector_load %arg12[%get3A_852, %get3A_853] {strides = array<i32>} : memref<128x64xi32, #tpu.memory_space<vmem>>, vector<1x16xi32>,
          %get3A_855 = vector.shape_cast %get3A_854 : vector<1x16xi32> to vector<16xi32>
          %get3A_856 = arith.index_cast %add3A_786 : i32 to index
          %get3A_857 = arith.constant 48 : index
          %get3A_858 = tpu.vector_load %arg13[%get3A_856, %get3A_857] {strides = array<i32>} : memref<128x64xi32, #tpu.memory_space<vmem>>, vector<1x16xi32>,
          %get3A_859 = vector.shape_cast %get3A_858 : vector<1x16xi32> to vector<16xi32>
          %shift_left3A_860 = arith.constant 16 : i32
          %shift_left3A_861 = vector.broadcast %shift_left3A_860 : i32 to vector<16xi32>
          %shift_left3A_862 = arith.shli %get3A_855, %shift_left3A_861 : vector<16xi32>
          %bitcast_convert_type3A_863 = tpu.bitcast %shift_left3A_862 : vector<16xi32> -> vector<16xf32>
          %bitcast_convert_type3A_864 = tpu.bitcast %get3A_855 : vector<16xi32> -> vector<16xf32>
          %shift_left3A_865 = arith.constant 16 : i32
          %shift_left3A_866 = vector.broadcast %shift_left3A_865 : i32 to vector<16xi32>
          %shift_left3A_867 = arith.shli %get3A_859, %shift_left3A_866 : vector<16xi32>
          %bitcast_convert_type3A_868 = tpu.bitcast %shift_left3A_867 : vector<16xi32> -> vector<16xf32>
          %bitcast_convert_type3A_869 = tpu.bitcast %get3A_859 : vector<16xi32> -> vector<16xf32>
          %mul3A_870 = arith.mulf %bitcast_convert_type3A_863, %bitcast_convert_type3A_868 : vector<16xf32>
          %mul3A_871 = arith.mulf %bitcast_convert_type3A_864, %bitcast_convert_type3A_869 : vector<16xf32>
          %add3A_872 = arith.addf %mul3A_870, %mul3A_871 : vector<16xf32>
          %add3A_873 = arith.addf %add3A_851, %add3A_872 : vector<16xf32>
          %swap3A_874 = arith.index_cast %scan3A_114 : i32 to index
          %swap3A_875 = arith.constant 112 : index
          %swap3A_876 = tpu.vector_load %arg15[%swap3A_874, %swap3A_875] {strides = array<i32>} : memref<16x128xf32, #tpu.memory_space<vmem>>, vector<1x16xf32>,
          %swap3A_877 = vector.shape_cast %swap3A_876 : vector<1x16xf32> to vector<16xf32>
          %swap3A_878 = vector.shape_cast %add3A_873 : vector<16xf32> to vector<1x16xf32>
          tpu.vector_store %arg15[%swap3A_874, %swap3A_875], %swap3A_878 {strides = array<i32>} : memref<16x128xf32, #tpu.memory_space<vmem>>, vector<1x16xf32>,
          %scan3A_879 = arith.constant 1 : i32
          %scan3A_880 = arith.addi %scan3A_114, %scan3A_879 : i32
          %mul3A_881 = arith.constant 8 : i32
          %mul3A_882 = arith.muli %scan3A_880, %mul3A_881 : i32
          %add3A_883 = arith.constant 0 : i32
          %add3A_884 = arith.addi %mul3A_882, %add3A_883 : i32
          %get3A_885 = arith.index_cast %add3A_884 : i32 to index
          %get3A_886 = arith.constant 0 : index
          %get3A_887 = tpu.vector_load %arg12[%get3A_885, %get3A_886] {strides = array<i32>} : memref<128x64xi32, #tpu.memory_space<vmem>>, vector<1x16xi32>,
          %get3A_888 = vector.shape_cast %get3A_887 : vector<1x16xi32> to vector<16xi32>
          %get3A_889 = arith.index_cast %add3A_884 : i32 to index
          %get3A_890 = arith.constant 0 : index
          %get3A_891 = tpu.vector_load %arg13[%get3A_889, %get3A_890] {strides = array<i32>} : memref<128x64xi32, #tpu.memory_space<vmem>>, vector<1x16xi32>,
          %get3A_892 = vector.shape_cast %get3A_891 : vector<1x16xi32> to vector<16xi32>
          %shift_left3A_893 = arith.constant 16 : i32
          %shift_left3A_894 = vector.broadcast %shift_left3A_893 : i32 to vector<16xi32>
          %shift_left3A_895 = arith.shli %get3A_888, %shift_left3A_894 : vector<16xi32>
          %bitcast_convert_type3A_896 = tpu.bitcast %shift_left3A_895 : vector<16xi32> -> vector<16xf32>
          %bitcast_convert_type3A_897 = tpu.bitcast %get3A_888 : vector<16xi32> -> vector<16xf32>
          %shift_left3A_898 = arith.constant 16 : i32
          %shift_left3A_899 = vector.broadcast %shift_left3A_898 : i32 to vector<16xi32>
          %shift_left3A_900 = arith.shli %get3A_892, %shift_left3A_899 : vector<16xi32>
          %bitcast_convert_type3A_901 = tpu.bitcast %shift_left3A_900 : vector<16xi32> -> vector<16xf32>
          %bitcast_convert_type3A_902 = tpu.bitcast %get3A_892 : vector<16xi32> -> vector<16xf32>
          %mul3A_903 = arith.mulf %bitcast_convert_type3A_896, %bitcast_convert_type3A_901 : vector<16xf32>
          %mul3A_904 = arith.mulf %bitcast_convert_type3A_897, %bitcast_convert_type3A_902 : vector<16xf32>
          %add3A_905 = arith.addf %mul3A_903, %mul3A_904 : vector<16xf32>
          %get3A_906 = arith.index_cast %add3A_884 : i32 to index
          %get3A_907 = arith.constant 16 : index
          %get3A_908 = tpu.vector_load %arg12[%get3A_906, %get3A_907] {strides = array<i32>} : memref<128x64xi32, #tpu.memory_space<vmem>>, vector<1x16xi32>,
          %get3A_909 = vector.shape_cast %get3A_908 : vector<1x16xi32> to vector<16xi32>
          %get3A_910 = arith.index_cast %add3A_884 : i32 to index
          %get3A_911 = arith.constant 16 : index
          %get3A_912 = tpu.vector_load %arg13[%get3A_910, %get3A_911] {strides = array<i32>} : memref<128x64xi32, #tpu.memory_space<vmem>>, vector<1x16xi32>,
          %get3A_913 = vector.shape_cast %get3A_912 : vector<1x16xi32> to vector<16xi32>
          %shift_left3A_914 = arith.constant 16 : i32
          %shift_left3A_915 = vector.broadcast %shift_left3A_914 : i32 to vector<16xi32>
          %shift_left3A_916 = arith.shli %get3A_909, %shift_left3A_915 : vector<16xi32>
          %bitcast_convert_type3A_917 = tpu.bitcast %shift_left3A_916 : vector<16xi32> -> vector<16xf32>
          %bitcast_convert_type3A_918 = tpu.bitcast %get3A_909 : vector<16xi32> -> vector<16xf32>
          %shift_left3A_919 = arith.constant 16 : i32
          %shift_left3A_920 = vector.broadcast %shift_left3A_919 : i32 to vector<16xi32>
          %shift_left3A_921 = arith.shli %get3A_913, %shift_left3A_920 : vector<16xi32>
          %bitcast_convert_type3A_922 = tpu.bitcast %shift_left3A_921 : vector<16xi32> -> vector<16xf32>
          %bitcast_convert_type3A_923 = tpu.bitcast %get3A_913 : vector<16xi32> -> vector<16xf32>
          %mul3A_924 = arith.mulf %bitcast_convert_type3A_917, %bitcast_convert_type3A_922 : vector<16xf32>
          %mul3A_925 = arith.mulf %bitcast_convert_type3A_918, %bitcast_convert_type3A_923 : vector<16xf32>
          %add3A_926 = arith.addf %mul3A_924, %mul3A_925 : vector<16xf32>
          %add3A_927 = arith.addf %add3A_905, %add3A_926 : vector<16xf32>
          %get3A_928 = arith.index_cast %add3A_884 : i32 to index
          %get3A_929 = arith.constant 32 : index
          %get3A_930 = tpu.vector_load %arg12[%get3A_928, %get3A_929] {strides = array<i32>} : memref<128x64xi32, #tpu.memory_space<vmem>>, vector<1x16xi32>,
          %get3A_931 = vector.shape_cast %get3A_930 : vector<1x16xi32> to vector<16xi32>
          %get3A_932 = arith.index_cast %add3A_884 : i32 to index
          %get3A_933 = arith.constant 32 : index
          %get3A_934 = tpu.vector_load %arg13[%get3A_932, %get3A_933] {strides = array<i32>} : memref<128x64xi32, #tpu.memory_space<vmem>>, vector<1x16xi32>,
          %get3A_935 = vector.shape_cast %get3A_934 : vector<1x16xi32> to vector<16xi32>
          %shift_left3A_936 = arith.constant 16 : i32
          %shift_left3A_937 = vector.broadcast %shift_left3A_936 : i32 to vector<16xi32>
          %shift_left3A_938 = arith.shli %get3A_931, %shift_left3A_937 : vector<16xi32>
          %bitcast_convert_type3A_939 = tpu.bitcast %shift_left3A_938 : vector<16xi32> -> vector<16xf32>
          %bitcast_convert_type3A_940 = tpu.bitcast %get3A_931 : vector<16xi32> -> vector<16xf32>
          %shift_left3A_941 = arith.constant 16 : i32
          %shift_left3A_942 = vector.broadcast %shift_left3A_941 : i32 to vector<16xi32>
          %shift_left3A_943 = arith.shli %get3A_935, %shift_left3A_942 : vector<16xi32>
          %bitcast_convert_type3A_944 = tpu.bitcast %shift_left3A_943 : vector<16xi32> -> vector<16xf32>
          %bitcast_convert_type3A_945 = tpu.bitcast %get3A_935 : vector<16xi32> -> vector<16xf32>
          %mul3A_946 = arith.mulf %bitcast_convert_type3A_939, %bitcast_convert_type3A_944 : vector<16xf32>
          %mul3A_947 = arith.mulf %bitcast_convert_type3A_940, %bitcast_convert_type3A_945 : vector<16xf32>
          %add3A_948 = arith.addf %mul3A_946, %mul3A_947 : vector<16xf32>
          %add3A_949 = arith.addf %add3A_927, %add3A_948 : vector<16xf32>
          %get3A_950 = arith.index_cast %add3A_884 : i32 to index
          %get3A_951 = arith.constant 48 : index
          %get3A_952 = tpu.vector_load %arg12[%get3A_950, %get3A_951] {strides = array<i32>} : memref<128x64xi32, #tpu.memory_space<vmem>>, vector<1x16xi32>,
          %get3A_953 = vector.shape_cast %get3A_952 : vector<1x16xi32> to vector<16xi32>
          %get3A_954 = arith.index_cast %add3A_884 : i32 to index
          %get3A_955 = arith.constant 48 : index
          %get3A_956 = tpu.vector_load %arg13[%get3A_954, %get3A_955] {strides = array<i32>} : memref<128x64xi32, #tpu.memory_space<vmem>>, vector<1x16xi32>,
          %get3A_957 = vector.shape_cast %get3A_956 : vector<1x16xi32> to vector<16xi32>
          %shift_left3A_958 = arith.constant 16 : i32
          %shift_left3A_959 = vector.broadcast %shift_left3A_958 : i32 to vector<16xi32>
          %shift_left3A_960 = arith.shli %get3A_953, %shift_left3A_959 : vector<16xi32>
          %bitcast_convert_type3A_961 = tpu.bitcast %shift_left3A_960 : vector<16xi32> -> vector<16xf32>
          %bitcast_convert_type3A_962 = tpu.bitcast %get3A_953 : vector<16xi32> -> vector<16xf32>
          %shift_left3A_963 = arith.constant 16 : i32
          %shift_left3A_964 = vector.broadcast %shift_left3A_963 : i32 to vector<16xi32>
          %shift_left3A_965 = arith.shli %get3A_957, %shift_left3A_964 : vector<16xi32>
          %bitcast_convert_type3A_966 = tpu.bitcast %shift_left3A_965 : vector<16xi32> -> vector<16xf32>
          %bitcast_convert_type3A_967 = tpu.bitcast %get3A_957 : vector<16xi32> -> vector<16xf32>
          %mul3A_968 = arith.mulf %bitcast_convert_type3A_961, %bitcast_convert_type3A_966 : vector<16xf32>
          %mul3A_969 = arith.mulf %bitcast_convert_type3A_962, %bitcast_convert_type3A_967 : vector<16xf32>
          %add3A_970 = arith.addf %mul3A_968, %mul3A_969 : vector<16xf32>
          %add3A_971 = arith.addf %add3A_949, %add3A_970 : vector<16xf32>
          %swap3A_972 = arith.index_cast %scan3A_880 : i32 to index
          %swap3A_973 = arith.constant 0 : index
          %swap3A_974 = tpu.vector_load %arg15[%swap3A_972, %swap3A_973] {strides = array<i32>} : memref<16x128xf32, #tpu.memory_space<vmem>>, vector<1x16xf32>,
          %swap3A_975 = vector.shape_cast %swap3A_974 : vector<1x16xf32> to vector<16xf32>
          %swap3A_976 = vector.shape_cast %add3A_971 : vector<16xf32> to vector<1x16xf32>
          tpu.vector_store %arg15[%swap3A_972, %swap3A_973], %swap3A_976 {strides = array<i32>} : memref<16x128xf32, #tpu.memory_space<vmem>>, vector<1x16xf32>,
          %mul3A_977 = arith.constant 8 : i32
          %mul3A_978 = arith.muli %scan3A_880, %mul3A_977 : i32
          %add3A_979 = arith.constant 1 : i32
          %add3A_980 = arith.addi %mul3A_978, %add3A_979 : i32
          %get3A_981 = arith.index_cast %add3A_980 : i32 to index
          %get3A_982 = arith.constant 0 : index
          %get3A_983 = tpu.vector_load %arg12[%get3A_981, %get3A_982] {strides = array<i32>} : memref<128x64xi32, #tpu.memory_space<vmem>>, vector<1x16xi32>,
          %get3A_984 = vector.shape_cast %get3A_983 : vector<1x16xi32> to vector<16xi32>
          %get3A_985 = arith.index_cast %add3A_980 : i32 to index
          %get3A_986 = arith.constant 0 : index
          %get3A_987 = tpu.vector_load %arg13[%get3A_985, %get3A_986] {strides = array<i32>} : memref<128x64xi32, #tpu.memory_space<vmem>>, vector<1x16xi32>,
          %get3A_988 = vector.shape_cast %get3A_987 : vector<1x16xi32> to vector<16xi32>
          %shift_left3A_989 = arith.constant 16 : i32
          %shift_left3A_990 = vector.broadcast %shift_left3A_989 : i32 to vector<16xi32>
          %shift_left3A_991 = arith.shli %get3A_984, %shift_left3A_990 : vector<16xi32>
          %bitcast_convert_type3A_992 = tpu.bitcast %shift_left3A_991 : vector<16xi32> -> vector<16xf32>
          %bitcast_convert_type3A_993 = tpu.bitcast %get3A_984 : vector<16xi32> -> vector<16xf32>
          %shift_left3A_994 = arith.constant 16 : i32
          %shift_left3A_995 = vector.broadcast %shift_left3A_994 : i32 to vector<16xi32>
          %shift_left3A_996 = arith.shli %get3A_988, %shift_left3A_995 : vector<16xi32>
          %bitcast_convert_type3A_997 = tpu.bitcast %shift_left3A_996 : vector<16xi32> -> vector<16xf32>
          %bitcast_convert_type3A_998 = tpu.bitcast %get3A_988 : vector<16xi32> -> vector<16xf32>
          %mul3A_999 = arith.mulf %bitcast_convert_type3A_992, %bitcast_convert_type3A_997 : vector<16xf32>
          %mul3A_1000 = arith.mulf %bitcast_convert_type3A_993, %bitcast_convert_type3A_998 : vector<16xf32>
          %add3A_1001 = arith.addf %mul3A_999, %mul3A_1000 : vector<16xf32>
          %get3A_1002 = arith.index_cast %add3A_980 : i32 to index
          %get3A_1003 = arith.constant 16 : index
          %get3A_1004 = tpu.vector_load %arg12[%get3A_1002, %get3A_1003] {strides = array<i32>} : memref<128x64xi32, #tpu.memory_space<vmem>>, vector<1x16xi32>,
          %get3A_1005 = vector.shape_cast %get3A_1004 : vector<1x16xi32> to vector<16xi32>
          %get3A_1006 = arith.index_cast %add3A_980 : i32 to index
          %get3A_1007 = arith.constant 16 : index
          %get3A_1008 = tpu.vector_load %arg13[%get3A_1006, %get3A_1007] {strides = array<i32>} : memref<128x64xi32, #tpu.memory_space<vmem>>, vector<1x16xi32>,
          %get3A_1009 = vector.shape_cast %get3A_1008 : vector<1x16xi32> to vector<16xi32>
          %shift_left3A_1010 = arith.constant 16 : i32
          %shift_left3A_1011 = vector.broadcast %shift_left3A_1010 : i32 to vector<16xi32>
          %shift_left3A_1012 = arith.shli %get3A_1005, %shift_left3A_1011 : vector<16xi32>
          %bitcast_convert_type3A_1013 = tpu.bitcast %shift_left3A_1012 : vector<16xi32> -> vector<16xf32>
          %bitcast_convert_type3A_1014 = tpu.bitcast %get3A_1005 : vector<16xi32> -> vector<16xf32>
          %shift_left3A_1015 = arith.constant 16 : i32
          %shift_left3A_1016 = vector.broadcast %shift_left3A_1015 : i32 to vector<16xi32>
          %shift_left3A_1017 = arith.shli %get3A_1009, %shift_left3A_1016 : vector<16xi32>
          %bitcast_convert_type3A_1018 = tpu.bitcast %shift_left3A_1017 : vector<16xi32> -> vector<16xf32>
          %bitcast_convert_type3A_1019 = tpu.bitcast %get3A_1009 : vector<16xi32> -> vector<16xf32>
          %mul3A_1020 = arith.mulf %bitcast_convert_type3A_1013, %bitcast_convert_type3A_1018 : vector<16xf32>
          %mul3A_1021 = arith.mulf %bitcast_convert_type3A_1014, %bitcast_convert_type3A_1019 : vector<16xf32>
          %add3A_1022 = arith.addf %mul3A_1020, %mul3A_1021 : vector<16xf32>
          %add3A_1023 = arith.addf %add3A_1001, %add3A_1022 : vector<16xf32>
          %get3A_1024 = arith.index_cast %add3A_980 : i32 to index
          %get3A_1025 = arith.constant 32 : index
          %get3A_1026 = tpu.vector_load %arg12[%get3A_1024, %get3A_1025] {strides = array<i32>} : memref<128x64xi32, #tpu.memory_space<vmem>>, vector<1x16xi32>,
          %get3A_1027 = vector.shape_cast %get3A_1026 : vector<1x16xi32> to vector<16xi32>
          %get3A_1028 = arith.index_cast %add3A_980 : i32 to index
          %get3A_1029 = arith.constant 32 : index
          %get3A_1030 = tpu.vector_load %arg13[%get3A_1028, %get3A_1029] {strides = array<i32>} : memref<128x64xi32, #tpu.memory_space<vmem>>, vector<1x16xi32>,
          %get3A_1031 = vector.shape_cast %get3A_1030 : vector<1x16xi32> to vector<16xi32>
          %shift_left3A_1032 = arith.constant 16 : i32
          %shift_left3A_1033 = vector.broadcast %shift_left3A_1032 : i32 to vector<16xi32>
          %shift_left3A_1034 = arith.shli %get3A_1027, %shift_left3A_1033 : vector<16xi32>
          %bitcast_convert_type3A_1035 = tpu.bitcast %shift_left3A_1034 : vector<16xi32> -> vector<16xf32>
          %bitcast_convert_type3A_1036 = tpu.bitcast %get3A_1027 : vector<16xi32> -> vector<16xf32>
          %shift_left3A_1037 = arith.constant 16 : i32
          %shift_left3A_1038 = vector.broadcast %shift_left3A_1037 : i32 to vector<16xi32>
          %shift_left3A_1039 = arith.shli %get3A_1031, %shift_left3A_1038 : vector<16xi32>
          %bitcast_convert_type3A_1040 = tpu.bitcast %shift_left3A_1039 : vector<16xi32> -> vector<16xf32>
          %bitcast_convert_type3A_1041 = tpu.bitcast %get3A_1031 : vector<16xi32> -> vector<16xf32>
          %mul3A_1042 = arith.mulf %bitcast_convert_type3A_1035, %bitcast_convert_type3A_1040 : vector<16xf32>
          %mul3A_1043 = arith.mulf %bitcast_convert_type3A_1036, %bitcast_convert_type3A_1041 : vector<16xf32>
          %add3A_1044 = arith.addf %mul3A_1042, %mul3A_1043 : vector<16xf32>
          %add3A_1045 = arith.addf %add3A_1023, %add3A_1044 : vector<16xf32>
          %get3A_1046 = arith.index_cast %add3A_980 : i32 to index
          %get3A_1047 = arith.constant 48 : index
          %get3A_1048 = tpu.vector_load %arg12[%get3A_1046, %get3A_1047] {strides = array<i32>} : memref<128x64xi32, #tpu.memory_space<vmem>>, vector<1x16xi32>,
          %get3A_1049 = vector.shape_cast %get3A_1048 : vector<1x16xi32> to vector<16xi32>
          %get3A_1050 = arith.index_cast %add3A_980 : i32 to index
          %get3A_1051 = arith.constant 48 : index
          %get3A_1052 = tpu.vector_load %arg13[%get3A_1050, %get3A_1051] {strides = array<i32>} : memref<128x64xi32, #tpu.memory_space<vmem>>, vector<1x16xi32>,
          %get3A_1053 = vector.shape_cast %get3A_1052 : vector<1x16xi32> to vector<16xi32>
          %shift_left3A_1054 = arith.constant 16 : i32
          %shift_left3A_1055 = vector.broadcast %shift_left3A_1054 : i32 to vector<16xi32>
          %shift_left3A_1056 = arith.shli %get3A_1049, %shift_left3A_1055 : vector<16xi32>
          %bitcast_convert_type3A_1057 = tpu.bitcast %shift_left3A_1056 : vector<16xi32> -> vector<16xf32>
          %bitcast_convert_type3A_1058 = tpu.bitcast %get3A_1049 : vector<16xi32> -> vector<16xf32>
          %shift_left3A_1059 = arith.constant 16 : i32
          %shift_left3A_1060 = vector.broadcast %shift_left3A_1059 : i32 to vector<16xi32>
          %shift_left3A_1061 = arith.shli %get3A_1053, %shift_left3A_1060 : vector<16xi32>
          %bitcast_convert_type3A_1062 = tpu.bitcast %shift_left3A_1061 : vector<16xi32> -> vector<16xf32>
          %bitcast_convert_type3A_1063 = tpu.bitcast %get3A_1053 : vector<16xi32> -> vector<16xf32>
          %mul3A_1064 = arith.mulf %bitcast_convert_type3A_1057, %bitcast_convert_type3A_1062 : vector<16xf32>
          %mul3A_1065 = arith.mulf %bitcast_convert_type3A_1058, %bitcast_convert_type3A_1063 : vector<16xf32>
          %add3A_1066 = arith.addf %mul3A_1064, %mul3A_1065 : vector<16xf32>
          %add3A_1067 = arith.addf %add3A_1045, %add3A_1066 : vector<16xf32>
          %swap3A_1068 = arith.index_cast %scan3A_880 : i32 to index
          %swap3A_1069 = arith.constant 16 : index
          %swap3A_1070 = tpu.vector_load %arg15[%swap3A_1068, %swap3A_1069] {strides = array<i32>} : memref<16x128xf32, #tpu.memory_space<vmem>>, vector<1x16xf32>,
          %swap3A_1071 = vector.shape_cast %swap3A_1070 : vector<1x16xf32> to vector<16xf32>
          %swap3A_1072 = vector.shape_cast %add3A_1067 : vector<16xf32> to vector<1x16xf32>
          tpu.vector_store %arg15[%swap3A_1068, %swap3A_1069], %swap3A_1072 {strides = array<i32>} : memref<16x128xf32, #tpu.memory_space<vmem>>, vector<1x16xf32>,
          %mul3A_1073 = arith.constant 8 : i32
          %mul3A_1074 = arith.muli %scan3A_880, %mul3A_1073 : i32
          %add3A_1075 = arith.constant 2 : i32
          %add3A_1076 = arith.addi %mul3A_1074, %add3A_1075 : i32
          %get3A_1077 = arith.index_cast %add3A_1076 : i32 to index
          %get3A_1078 = arith.constant 0 : index
          %get3A_1079 = tpu.vector_load %arg12[%get3A_1077, %get3A_1078] {strides = array<i32>} : memref<128x64xi32, #tpu.memory_space<vmem>>, vector<1x16xi32>,
          %get3A_1080 = vector.shape_cast %get3A_1079 : vector<1x16xi32> to vector<16xi32>
          %get3A_1081 = arith.index_cast %add3A_1076 : i32 to index
          %get3A_1082 = arith.constant 0 : index
          %get3A_1083 = tpu.vector_load %arg13[%get3A_1081, %get3A_1082] {strides = array<i32>} : memref<128x64xi32, #tpu.memory_space<vmem>>, vector<1x16xi32>,
          %get3A_1084 = vector.shape_cast %get3A_1083 : vector<1x16xi32> to vector<16xi32>
          %shift_left3A_1085 = arith.constant 16 : i32
          %shift_left3A_1086 = vector.broadcast %shift_left3A_1085 : i32 to vector<16xi32>
          %shift_left3A_1087 = arith.shli %get3A_1080, %shift_left3A_1086 : vector<16xi32>
          %bitcast_convert_type3A_1088 = tpu.bitcast %shift_left3A_1087 : vector<16xi32> -> vector<16xf32>
          %bitcast_convert_type3A_1089 = tpu.bitcast %get3A_1080 : vector<16xi32> -> vector<16xf32>
          %shift_left3A_1090 = arith.constant 16 : i32
          %shift_left3A_1091 = vector.broadcast %shift_left3A_1090 : i32 to vector<16xi32>
          %shift_left3A_1092 = arith.shli %get3A_1084, %shift_left3A_1091 : vector<16xi32>
          %bitcast_convert_type3A_1093 = tpu.bitcast %shift_left3A_1092 : vector<16xi32> -> vector<16xf32>
          %bitcast_convert_type3A_1094 = tpu.bitcast %get3A_1084 : vector<16xi32> -> vector<16xf32>
          %mul3A_1095 = arith.mulf %bitcast_convert_type3A_1088, %bitcast_convert_type3A_1093 : vector<16xf32>
          %mul3A_1096 = arith.mulf %bitcast_convert_type3A_1089, %bitcast_convert_type3A_1094 : vector<16xf32>
          %add3A_1097 = arith.addf %mul3A_1095, %mul3A_1096 : vector<16xf32>
          %get3A_1098 = arith.index_cast %add3A_1076 : i32 to index
          %get3A_1099 = arith.constant 16 : index
          %get3A_1100 = tpu.vector_load %arg12[%get3A_1098, %get3A_1099] {strides = array<i32>} : memref<128x64xi32, #tpu.memory_space<vmem>>, vector<1x16xi32>,
          %get3A_1101 = vector.shape_cast %get3A_1100 : vector<1x16xi32> to vector<16xi32>
          %get3A_1102 = arith.index_cast %add3A_1076 : i32 to index
          %get3A_1103 = arith.constant 16 : index
          %get3A_1104 = tpu.vector_load %arg13[%get3A_1102, %get3A_1103] {strides = array<i32>} : memref<128x64xi32, #tpu.memory_space<vmem>>, vector<1x16xi32>,
          %get3A_1105 = vector.shape_cast %get3A_1104 : vector<1x16xi32> to vector<16xi32>
          %shift_left3A_1106 = arith.constant 16 : i32
          %shift_left3A_1107 = vector.broadcast %shift_left3A_1106 : i32 to vector<16xi32>
          %shift_left3A_1108 = arith.shli %get3A_1101, %shift_left3A_1107 : vector<16xi32>
          %bitcast_convert_type3A_1109 = tpu.bitcast %shift_left3A_1108 : vector<16xi32> -> vector<16xf32>
          %bitcast_convert_type3A_1110 = tpu.bitcast %get3A_1101 : vector<16xi32> -> vector<16xf32>
          %shift_left3A_1111 = arith.constant 16 : i32
          %shift_left3A_1112 = vector.broadcast %shift_left3A_1111 : i32 to vector<16xi32>
          %shift_left3A_1113 = arith.shli %get3A_1105, %shift_left3A_1112 : vector<16xi32>
          %bitcast_convert_type3A_1114 = tpu.bitcast %shift_left3A_1113 : vector<16xi32> -> vector<16xf32>
          %bitcast_convert_type3A_1115 = tpu.bitcast %get3A_1105 : vector<16xi32> -> vector<16xf32>
          %mul3A_1116 = arith.mulf %bitcast_convert_type3A_1109, %bitcast_convert_type3A_1114 : vector<16xf32>
          %mul3A_1117 = arith.mulf %bitcast_convert_type3A_1110, %bitcast_convert_type3A_1115 : vector<16xf32>
          %add3A_1118 = arith.addf %mul3A_1116, %mul3A_1117 : vector<16xf32>
          %add3A_1119 = arith.addf %add3A_1097, %add3A_1118 : vector<16xf32>
          %get3A_1120 = arith.index_cast %add3A_1076 : i32 to index
          %get3A_1121 = arith.constant 32 : index
          %get3A_1122 = tpu.vector_load %arg12[%get3A_1120, %get3A_1121] {strides = array<i32>} : memref<128x64xi32, #tpu.memory_space<vmem>>, vector<1x16xi32>,
          %get3A_1123 = vector.shape_cast %get3A_1122 : vector<1x16xi32> to vector<16xi32>
          %get3A_1124 = arith.index_cast %add3A_1076 : i32 to index
          %get3A_1125 = arith.constant 32 : index
          %get3A_1126 = tpu.vector_load %arg13[%get3A_1124, %get3A_1125] {strides = array<i32>} : memref<128x64xi32, #tpu.memory_space<vmem>>, vector<1x16xi32>,
          %get3A_1127 = vector.shape_cast %get3A_1126 : vector<1x16xi32> to vector<16xi32>
          %shift_left3A_1128 = arith.constant 16 : i32
          %shift_left3A_1129 = vector.broadcast %shift_left3A_1128 : i32 to vector<16xi32>
          %shift_left3A_1130 = arith.shli %get3A_1123, %shift_left3A_1129 : vector<16xi32>
          %bitcast_convert_type3A_1131 = tpu.bitcast %shift_left3A_1130 : vector<16xi32> -> vector<16xf32>
          %bitcast_convert_type3A_1132 = tpu.bitcast %get3A_1123 : vector<16xi32> -> vector<16xf32>
          %shift_left3A_1133 = arith.constant 16 : i32
          %shift_left3A_1134 = vector.broadcast %shift_left3A_1133 : i32 to vector<16xi32>
          %shift_left3A_1135 = arith.shli %get3A_1127, %shift_left3A_1134 : vector<16xi32>
          %bitcast_convert_type3A_1136 = tpu.bitcast %shift_left3A_1135 : vector<16xi32> -> vector<16xf32>
          %bitcast_convert_type3A_1137 = tpu.bitcast %get3A_1127 : vector<16xi32> -> vector<16xf32>
          %mul3A_1138 = arith.mulf %bitcast_convert_type3A_1131, %bitcast_convert_type3A_1136 : vector<16xf32>
          %mul3A_1139 = arith.mulf %bitcast_convert_type3A_1132, %bitcast_convert_type3A_1137 : vector<16xf32>
          %add3A_1140 = arith.addf %mul3A_1138, %mul3A_1139 : vector<16xf32>
          %add3A_1141 = arith.addf %add3A_1119, %add3A_1140 : vector<16xf32>
          %get3A_1142 = arith.index_cast %add3A_1076 : i32 to index
          %get3A_1143 = arith.constant 48 : index
          %get3A_1144 = tpu.vector_load %arg12[%get3A_1142, %get3A_1143] {strides = array<i32>} : memref<128x64xi32, #tpu.memory_space<vmem>>, vector<1x16xi32>,
          %get3A_1145 = vector.shape_cast %get3A_1144 : vector<1x16xi32> to vector<16xi32>
          %get3A_1146 = arith.index_cast %add3A_1076 : i32 to index
          %get3A_1147 = arith.constant 48 : index
          %get3A_1148 = tpu.vector_load %arg13[%get3A_1146, %get3A_1147] {strides = array<i32>} : memref<128x64xi32, #tpu.memory_space<vmem>>, vector<1x16xi32>,
          %get3A_1149 = vector.shape_cast %get3A_1148 : vector<1x16xi32> to vector<16xi32>
          %shift_left3A_1150 = arith.constant 16 : i32
          %shift_left3A_1151 = vector.broadcast %shift_left3A_1150 : i32 to vector<16xi32>
          %shift_left3A_1152 = arith.shli %get3A_1145, %shift_left3A_1151 : vector<16xi32>
          %bitcast_convert_type3A_1153 = tpu.bitcast %shift_left3A_1152 : vector<16xi32> -> vector<16xf32>
          %bitcast_convert_type3A_1154 = tpu.bitcast %get3A_1145 : vector<16xi32> -> vector<16xf32>
          %shift_left3A_1155 = arith.constant 16 : i32
          %shift_left3A_1156 = vector.broadcast %shift_left3A_1155 : i32 to vector<16xi32>
          %shift_left3A_1157 = arith.shli %get3A_1149, %shift_left3A_1156 : vector<16xi32>
          %bitcast_convert_type3A_1158 = tpu.bitcast %shift_left3A_1157 : vector<16xi32> -> vector<16xf32>
          %bitcast_convert_type3A_1159 = tpu.bitcast %get3A_1149 : vector<16xi32> -> vector<16xf32>
          %mul3A_1160 = arith.mulf %bitcast_convert_type3A_1153, %bitcast_convert_type3A_1158 : vector<16xf32>
          %mul3A_1161 = arith.mulf %bitcast_convert_type3A_1154, %bitcast_convert_type3A_1159 : vector<16xf32>
          %add3A_1162 = arith.addf %mul3A_1160, %mul3A_1161 : vector<16xf32>
          %add3A_1163 = arith.addf %add3A_1141, %add3A_1162 : vector<16xf32>
          %swap3A_1164 = arith.index_cast %scan3A_880 : i32 to index
          %swap3A_1165 = arith.constant 32 : index
          %swap3A_1166 = tpu.vector_load %arg15[%swap3A_1164, %swap3A_1165] {strides = array<i32>} : memref<16x128xf32, #tpu.memory_space<vmem>>, vector<1x16xf32>,
          %swap3A_1167 = vector.shape_cast %swap3A_1166 : vector<1x16xf32> to vector<16xf32>
          %swap3A_1168 = vector.shape_cast %add3A_1163 : vector<16xf32> to vector<1x16xf32>
          tpu.vector_store %arg15[%swap3A_1164, %swap3A_1165], %swap3A_1168 {strides = array<i32>} : memref<16x128xf32, #tpu.memory_space<vmem>>, vector<1x16xf32>,
          %mul3A_1169 = arith.constant 8 : i32
          %mul3A_1170 = arith.muli %scan3A_880, %mul3A_1169 : i32
          %add3A_1171 = arith.constant 3 : i32
          %add3A_1172 = arith.addi %mul3A_1170, %add3A_1171 : i32
          %get3A_1173 = arith.index_cast %add3A_1172 : i32 to index
          %get3A_1174 = arith.constant 0 : index
          %get3A_1175 = tpu.vector_load %arg12[%get3A_1173, %get3A_1174] {strides = array<i32>} : memref<128x64xi32, #tpu.memory_space<vmem>>, vector<1x16xi32>,
          %get3A_1176 = vector.shape_cast %get3A_1175 : vector<1x16xi32> to vector<16xi32>
          %get3A_1177 = arith.index_cast %add3A_1172 : i32 to index
          %get3A_1178 = arith.constant 0 : index
          %get3A_1179 = tpu.vector_load %arg13[%get3A_1177, %get3A_1178] {strides = array<i32>} : memref<128x64xi32, #tpu.memory_space<vmem>>, vector<1x16xi32>,
          %get3A_1180 = vector.shape_cast %get3A_1179 : vector<1x16xi32> to vector<16xi32>
          %shift_left3A_1181 = arith.constant 16 : i32
          %shift_left3A_1182 = vector.broadcast %shift_left3A_1181 : i32 to vector<16xi32>
          %shift_left3A_1183 = arith.shli %get3A_1176, %shift_left3A_1182 : vector<16xi32>
          %bitcast_convert_type3A_1184 = tpu.bitcast %shift_left3A_1183 : vector<16xi32> -> vector<16xf32>
          %bitcast_convert_type3A_1185 = tpu.bitcast %get3A_1176 : vector<16xi32> -> vector<16xf32>
          %shift_left3A_1186 = arith.constant 16 : i32
          %shift_left3A_1187 = vector.broadcast %shift_left3A_1186 : i32 to vector<16xi32>
          %shift_left3A_1188 = arith.shli %get3A_1180, %shift_left3A_1187 : vector<16xi32>
          %bitcast_convert_type3A_1189 = tpu.bitcast %shift_left3A_1188 : vector<16xi32> -> vector<16xf32>
          %bitcast_convert_type3A_1190 = tpu.bitcast %get3A_1180 : vector<16xi32> -> vector<16xf32>
          %mul3A_1191 = arith.mulf %bitcast_convert_type3A_1184, %bitcast_convert_type3A_1189 : vector<16xf32>
          %mul3A_1192 = arith.mulf %bitcast_convert_type3A_1185, %bitcast_convert_type3A_1190 : vector<16xf32>
          %add3A_1193 = arith.addf %mul3A_1191, %mul3A_1192 : vector<16xf32>
          %get3A_1194 = arith.index_cast %add3A_1172 : i32 to index
          %get3A_1195 = arith.constant 16 : index
          %get3A_1196 = tpu.vector_load %arg12[%get3A_1194, %get3A_1195] {strides = array<i32>} : memref<128x64xi32, #tpu.memory_space<vmem>>, vector<1x16xi32>,
          %get3A_1197 = vector.shape_cast %get3A_1196 : vector<1x16xi32> to vector<16xi32>
          %get3A_1198 = arith.index_cast %add3A_1172 : i32 to index
          %get3A_1199 = arith.constant 16 : index
          %get3A_1200 = tpu.vector_load %arg13[%get3A_1198, %get3A_1199] {strides = array<i32>} : memref<128x64xi32, #tpu.memory_space<vmem>>, vector<1x16xi32>,
          %get3A_1201 = vector.shape_cast %get3A_1200 : vector<1x16xi32> to vector<16xi32>
          %shift_left3A_1202 = arith.constant 16 : i32
          %shift_left3A_1203 = vector.broadcast %shift_left3A_1202 : i32 to vector<16xi32>
          %shift_left3A_1204 = arith.shli %get3A_1197, %shift_left3A_1203 : vector<16xi32>
          %bitcast_convert_type3A_1205 = tpu.bitcast %shift_left3A_1204 : vector<16xi32> -> vector<16xf32>
          %bitcast_convert_type3A_1206 = tpu.bitcast %get3A_1197 : vector<16xi32> -> vector<16xf32>
          %shift_left3A_1207 = arith.constant 16 : i32
          %shift_left3A_1208 = vector.broadcast %shift_left3A_1207 : i32 to vector<16xi32>
          %shift_left3A_1209 = arith.shli %get3A_1201, %shift_left3A_1208 : vector<16xi32>
          %bitcast_convert_type3A_1210 = tpu.bitcast %shift_left3A_1209 : vector<16xi32> -> vector<16xf32>
          %bitcast_convert_type3A_1211 = tpu.bitcast %get3A_1201 : vector<16xi32> -> vector<16xf32>
          %mul3A_1212 = arith.mulf %bitcast_convert_type3A_1205, %bitcast_convert_type3A_1210 : vector<16xf32>
          %mul3A_1213 = arith.mulf %bitcast_convert_type3A_1206, %bitcast_convert_type3A_1211 : vector<16xf32>
          %add3A_1214 = arith.addf %mul3A_1212, %mul3A_1213 : vector<16xf32>
          %add3A_1215 = arith.addf %add3A_1193, %add3A_1214 : vector<16xf32>
          %get3A_1216 = arith.index_cast %add3A_1172 : i32 to index
          %get3A_1217 = arith.constant 32 : index
          %get3A_1218 = tpu.vector_load %arg12[%get3A_1216, %get3A_1217] {strides = array<i32>} : memref<128x64xi32, #tpu.memory_space<vmem>>, vector<1x16xi32>,
          %get3A_1219 = vector.shape_cast %get3A_1218 : vector<1x16xi32> to vector<16xi32>
          %get3A_1220 = arith.index_cast %add3A_1172 : i32 to index
          %get3A_1221 = arith.constant 32 : index
          %get3A_1222 = tpu.vector_load %arg13[%get3A_1220, %get3A_1221] {strides = array<i32>} : memref<128x64xi32, #tpu.memory_space<vmem>>, vector<1x16xi32>,
          %get3A_1223 = vector.shape_cast %get3A_1222 : vector<1x16xi32> to vector<16xi32>
          %shift_left3A_1224 = arith.constant 16 : i32
          %shift_left3A_1225 = vector.broadcast %shift_left3A_1224 : i32 to vector<16xi32>
          %shift_left3A_1226 = arith.shli %get3A_1219, %shift_left3A_1225 : vector<16xi32>
          %bitcast_convert_type3A_1227 = tpu.bitcast %shift_left3A_1226 : vector<16xi32> -> vector<16xf32>
          %bitcast_convert_type3A_1228 = tpu.bitcast %get3A_1219 : vector<16xi32> -> vector<16xf32>
          %shift_left3A_1229 = arith.constant 16 : i32
          %shift_left3A_1230 = vector.broadcast %shift_left3A_1229 : i32 to vector<16xi32>
          %shift_left3A_1231 = arith.shli %get3A_1223, %shift_left3A_1230 : vector<16xi32>
          %bitcast_convert_type3A_1232 = tpu.bitcast %shift_left3A_1231 : vector<16xi32> -> vector<16xf32>
          %bitcast_convert_type3A_1233 = tpu.bitcast %get3A_1223 : vector<16xi32> -> vector<16xf32>
          %mul3A_1234 = arith.mulf %bitcast_convert_type3A_1227, %bitcast_convert_type3A_1232 : vector<16xf32>
          %mul3A_1235 = arith.mulf %bitcast_convert_type3A_1228, %bitcast_convert_type3A_1233 : vector<16xf32>
          %add3A_1236 = arith.addf %mul3A_1234, %mul3A_1235 : vector<16xf32>
          %add3A_1237 = arith.addf %add3A_1215, %add3A_1236 : vector<16xf32>
          %get3A_1238 = arith.index_cast %add3A_1172 : i32 to index
          %get3A_1239 = arith.constant 48 : index
          %get3A_1240 = tpu.vector_load %arg12[%get3A_1238, %get3A_1239] {strides = array<i32>} : memref<128x64xi32, #tpu.memory_space<vmem>>, vector<1x16xi32>,
          %get3A_1241 = vector.shape_cast %get3A_1240 : vector<1x16xi32> to vector<16xi32>
          %get3A_1242 = arith.index_cast %add3A_1172 : i32 to index
          %get3A_1243 = arith.constant 48 : index
          %get3A_1244 = tpu.vector_load %arg13[%get3A_1242, %get3A_1243] {strides = array<i32>} : memref<128x64xi32, #tpu.memory_space<vmem>>, vector<1x16xi32>,
          %get3A_1245 = vector.shape_cast %get3A_1244 : vector<1x16xi32> to vector<16xi32>
          %shift_left3A_1246 = arith.constant 16 : i32
          %shift_left3A_1247 = vector.broadcast %shift_left3A_1246 : i32 to vector<16xi32>
          %shift_left3A_1248 = arith.shli %get3A_1241, %shift_left3A_1247 : vector<16xi32>
          %bitcast_convert_type3A_1249 = tpu.bitcast %shift_left3A_1248 : vector<16xi32> -> vector<16xf32>
          %bitcast_convert_type3A_1250 = tpu.bitcast %get3A_1241 : vector<16xi32> -> vector<16xf32>
          %shift_left3A_1251 = arith.constant 16 : i32
          %shift_left3A_1252 = vector.broadcast %shift_left3A_1251 : i32 to vector<16xi32>
          %shift_left3A_1253 = arith.shli %get3A_1245, %shift_left3A_1252 : vector<16xi32>
          %bitcast_convert_type3A_1254 = tpu.bitcast %shift_left3A_1253 : vector<16xi32> -> vector<16xf32>
          %bitcast_convert_type3A_1255 = tpu.bitcast %get3A_1245 : vector<16xi32> -> vector<16xf32>
          %mul3A_1256 = arith.mulf %bitcast_convert_type3A_1249, %bitcast_convert_type3A_1254 : vector<16xf32>
          %mul3A_1257 = arith.mulf %bitcast_convert_type3A_1250, %bitcast_convert_type3A_1255 : vector<16xf32>
          %add3A_1258 = arith.addf %mul3A_1256, %mul3A_1257 : vector<16xf32>
          %add3A_1259 = arith.addf %add3A_1237, %add3A_1258 : vector<16xf32>
          %swap3A_1260 = arith.index_cast %scan3A_880 : i32 to index
          %swap3A_1261 = arith.constant 48 : index
          %swap3A_1262 = tpu.vector_load %arg15[%swap3A_1260, %swap3A_1261] {strides = array<i32>} : memref<16x128xf32, #tpu.memory_space<vmem>>, vector<1x16xf32>,
          %swap3A_1263 = vector.shape_cast %swap3A_1262 : vector<1x16xf32> to vector<16xf32>
          %swap3A_1264 = vector.shape_cast %add3A_1259 : vector<16xf32> to vector<1x16xf32>
          tpu.vector_store %arg15[%swap3A_1260, %swap3A_1261], %swap3A_1264 {strides = array<i32>} : memref<16x128xf32, #tpu.memory_space<vmem>>, vector<1x16xf32>,
          %mul3A_1265 = arith.constant 8 : i32
          %mul3A_1266 = arith.muli %scan3A_880, %mul3A_1265 : i32
          %add3A_1267 = arith.constant 4 : i32
          %add3A_1268 = arith.addi %mul3A_1266, %add3A_1267 : i32
          %get3A_1269 = arith.index_cast %add3A_1268 : i32 to index
          %get3A_1270 = arith.constant 0 : index
          %get3A_1271 = tpu.vector_load %arg12[%get3A_1269, %get3A_1270] {strides = array<i32>} : memref<128x64xi32, #tpu.memory_space<vmem>>, vector<1x16xi32>,
          %get3A_1272 = vector.shape_cast %get3A_1271 : vector<1x16xi32> to vector<16xi32>
          %get3A_1273 = arith.index_cast %add3A_1268 : i32 to index
          %get3A_1274 = arith.constant 0 : index
          %get3A_1275 = tpu.vector_load %arg13[%get3A_1273, %get3A_1274] {strides = array<i32>} : memref<128x64xi32, #tpu.memory_space<vmem>>, vector<1x16xi32>,
          %get3A_1276 = vector.shape_cast %get3A_1275 : vector<1x16xi32> to vector<16xi32>
          %shift_left3A_1277 = arith.constant 16 : i32
          %shift_left3A_1278 = vector.broadcast %shift_left3A_1277 : i32 to vector<16xi32>
          %shift_left3A_1279 = arith.shli %get3A_1272, %shift_left3A_1278 : vector<16xi32>
          %bitcast_convert_type3A_1280 = tpu.bitcast %shift_left3A_1279 : vector<16xi32> -> vector<16xf32>
          %bitcast_convert_type3A_1281 = tpu.bitcast %get3A_1272 : vector<16xi32> -> vector<16xf32>
          %shift_left3A_1282 = arith.constant 16 : i32
          %shift_left3A_1283 = vector.broadcast %shift_left3A_1282 : i32 to vector<16xi32>
          %shift_left3A_1284 = arith.shli %get3A_1276, %shift_left3A_1283 : vector<16xi32>
          %bitcast_convert_type3A_1285 = tpu.bitcast %shift_left3A_1284 : vector<16xi32> -> vector<16xf32>
          %bitcast_convert_type3A_1286 = tpu.bitcast %get3A_1276 : vector<16xi32> -> vector<16xf32>
          %mul3A_1287 = arith.mulf %bitcast_convert_type3A_1280, %bitcast_convert_type3A_1285 : vector<16xf32>
          %mul3A_1288 = arith.mulf %bitcast_convert_type3A_1281, %bitcast_convert_type3A_1286 : vector<16xf32>
          %add3A_1289 = arith.addf %mul3A_1287, %mul3A_1288 : vector<16xf32>
          %get3A_1290 = arith.index_cast %add3A_1268 : i32 to index
          %get3A_1291 = arith.constant 16 : index
          %get3A_1292 = tpu.vector_load %arg12[%get3A_1290, %get3A_1291] {strides = array<i32>} : memref<128x64xi32, #tpu.memory_space<vmem>>, vector<1x16xi32>,
          %get3A_1293 = vector.shape_cast %get3A_1292 : vector<1x16xi32> to vector<16xi32>
          %get3A_1294 = arith.index_cast %add3A_1268 : i32 to index
          %get3A_1295 = arith.constant 16 : index
          %get3A_1296 = tpu.vector_load %arg13[%get3A_1294, %get3A_1295] {strides = array<i32>} : memref<128x64xi32, #tpu.memory_space<vmem>>, vector<1x16xi32>,
          %get3A_1297 = vector.shape_cast %get3A_1296 : vector<1x16xi32> to vector<16xi32>
          %shift_left3A_1298 = arith.constant 16 : i32
          %shift_left3A_1299 = vector.broadcast %shift_left3A_1298 : i32 to vector<16xi32>
          %shift_left3A_1300 = arith.shli %get3A_1293, %shift_left3A_1299 : vector<16xi32>
          %bitcast_convert_type3A_1301 = tpu.bitcast %shift_left3A_1300 : vector<16xi32> -> vector<16xf32>
          %bitcast_convert_type3A_1302 = tpu.bitcast %get3A_1293 : vector<16xi32> -> vector<16xf32>
          %shift_left3A_1303 = arith.constant 16 : i32
          %shift_left3A_1304 = vector.broadcast %shift_left3A_1303 : i32 to vector<16xi32>
          %shift_left3A_1305 = arith.shli %get3A_1297, %shift_left3A_1304 : vector<16xi32>
          %bitcast_convert_type3A_1306 = tpu.bitcast %shift_left3A_1305 : vector<16xi32> -> vector<16xf32>
          %bitcast_convert_type3A_1307 = tpu.bitcast %get3A_1297 : vector<16xi32> -> vector<16xf32>
          %mul3A_1308 = arith.mulf %bitcast_convert_type3A_1301, %bitcast_convert_type3A_1306 : vector<16xf32>
          %mul3A_1309 = arith.mulf %bitcast_convert_type3A_1302, %bitcast_convert_type3A_1307 : vector<16xf32>
          %add3A_1310 = arith.addf %mul3A_1308, %mul3A_1309 : vector<16xf32>
          %add3A_1311 = arith.addf %add3A_1289, %add3A_1310 : vector<16xf32>
          %get3A_1312 = arith.index_cast %add3A_1268 : i32 to index
          %get3A_1313 = arith.constant 32 : index
          %get3A_1314 = tpu.vector_load %arg12[%get3A_1312, %get3A_1313] {strides = array<i32>} : memref<128x64xi32, #tpu.memory_space<vmem>>, vector<1x16xi32>,
          %get3A_1315 = vector.shape_cast %get3A_1314 : vector<1x16xi32> to vector<16xi32>
          %get3A_1316 = arith.index_cast %add3A_1268 : i32 to index
          %get3A_1317 = arith.constant 32 : index
          %get3A_1318 = tpu.vector_load %arg13[%get3A_1316, %get3A_1317] {strides = array<i32>} : memref<128x64xi32, #tpu.memory_space<vmem>>, vector<1x16xi32>,
          %get3A_1319 = vector.shape_cast %get3A_1318 : vector<1x16xi32> to vector<16xi32>
          %shift_left3A_1320 = arith.constant 16 : i32
          %shift_left3A_1321 = vector.broadcast %shift_left3A_1320 : i32 to vector<16xi32>
          %shift_left3A_1322 = arith.shli %get3A_1315, %shift_left3A_1321 : vector<16xi32>
          %bitcast_convert_type3A_1323 = tpu.bitcast %shift_left3A_1322 : vector<16xi32> -> vector<16xf32>
          %bitcast_convert_type3A_1324 = tpu.bitcast %get3A_1315 : vector<16xi32> -> vector<16xf32>
          %shift_left3A_1325 = arith.constant 16 : i32
          %shift_left3A_1326 = vector.broadcast %shift_left3A_1325 : i32 to vector<16xi32>
          %shift_left3A_1327 = arith.shli %get3A_1319, %shift_left3A_1326 : vector<16xi32>
          %bitcast_convert_type3A_1328 = tpu.bitcast %shift_left3A_1327 : vector<16xi32> -> vector<16xf32>
          %bitcast_convert_type3A_1329 = tpu.bitcast %get3A_1319 : vector<16xi32> -> vector<16xf32>
          %mul3A_1330 = arith.mulf %bitcast_convert_type3A_1323, %bitcast_convert_type3A_1328 : vector<16xf32>
          %mul3A_1331 = arith.mulf %bitcast_convert_type3A_1324, %bitcast_convert_type3A_1329 : vector<16xf32>
          %add3A_1332 = arith.addf %mul3A_1330, %mul3A_1331 : vector<16xf32>
          %add3A_1333 = arith.addf %add3A_1311, %add3A_1332 : vector<16xf32>
          %get3A_1334 = arith.index_cast %add3A_1268 : i32 to index
          %get3A_1335 = arith.constant 48 : index
          %get3A_1336 = tpu.vector_load %arg12[%get3A_1334, %get3A_1335] {strides = array<i32>} : memref<128x64xi32, #tpu.memory_space<vmem>>, vector<1x16xi32>,
          %get3A_1337 = vector.shape_cast %get3A_1336 : vector<1x16xi32> to vector<16xi32>
          %get3A_1338 = arith.index_cast %add3A_1268 : i32 to index
          %get3A_1339 = arith.constant 48 : index
          %get3A_1340 = tpu.vector_load %arg13[%get3A_1338, %get3A_1339] {strides = array<i32>} : memref<128x64xi32, #tpu.memory_space<vmem>>, vector<1x16xi32>,
          %get3A_1341 = vector.shape_cast %get3A_1340 : vector<1x16xi32> to vector<16xi32>
          %shift_left3A_1342 = arith.constant 16 : i32
          %shift_left3A_1343 = vector.broadcast %shift_left3A_1342 : i32 to vector<16xi32>
          %shift_left3A_1344 = arith.shli %get3A_1337, %shift_left3A_1343 : vector<16xi32>
          %bitcast_convert_type3A_1345 = tpu.bitcast %shift_left3A_1344 : vector<16xi32> -> vector<16xf32>
          %bitcast_convert_type3A_1346 = tpu.bitcast %get3A_1337 : vector<16xi32> -> vector<16xf32>
          %shift_left3A_1347 = arith.constant 16 : i32
          %shift_left3A_1348 = vector.broadcast %shift_left3A_1347 : i32 to vector<16xi32>
          %shift_left3A_1349 = arith.shli %get3A_1341, %shift_left3A_1348 : vector<16xi32>
          %bitcast_convert_type3A_1350 = tpu.bitcast %shift_left3A_1349 : vector<16xi32> -> vector<16xf32>
          %bitcast_convert_type3A_1351 = tpu.bitcast %get3A_1341 : vector<16xi32> -> vector<16xf32>
          %mul3A_1352 = arith.mulf %bitcast_convert_type3A_1345, %bitcast_convert_type3A_1350 : vector<16xf32>
          %mul3A_1353 = arith.mulf %bitcast_convert_type3A_1346, %bitcast_convert_type3A_1351 : vector<16xf32>
          %add3A_1354 = arith.addf %mul3A_1352, %mul3A_1353 : vector<16xf32>
          %add3A_1355 = arith.addf %add3A_1333, %add3A_1354 : vector<16xf32>
          %swap3A_1356 = arith.index_cast %scan3A_880 : i32 to index
          %swap3A_1357 = arith.constant 64 : index
          %swap3A_1358 = tpu.vector_load %arg15[%swap3A_1356, %swap3A_1357] {strides = array<i32>} : memref<16x128xf32, #tpu.memory_space<vmem>>, vector<1x16xf32>,
          %swap3A_1359 = vector.shape_cast %swap3A_1358 : vector<1x16xf32> to vector<16xf32>
          %swap3A_1360 = vector.shape_cast %add3A_1355 : vector<16xf32> to vector<1x16xf32>
          tpu.vector_store %arg15[%swap3A_1356, %swap3A_1357], %swap3A_1360 {strides = array<i32>} : memref<16x128xf32, #tpu.memory_space<vmem>>, vector<1x16xf32>,
          %mul3A_1361 = arith.constant 8 : i32
          %mul3A_1362 = arith.muli %scan3A_880, %mul3A_1361 : i32
          %add3A_1363 = arith.constant 5 : i32
          %add3A_1364 = arith.addi %mul3A_1362, %add3A_1363 : i32
          %get3A_1365 = arith.index_cast %add3A_1364 : i32 to index
          %get3A_1366 = arith.constant 0 : index
          %get3A_1367 = tpu.vector_load %arg12[%get3A_1365, %get3A_1366] {strides = array<i32>} : memref<128x64xi32, #tpu.memory_space<vmem>>, vector<1x16xi32>,
          %get3A_1368 = vector.shape_cast %get3A_1367 : vector<1x16xi32> to vector<16xi32>
          %get3A_1369 = arith.index_cast %add3A_1364 : i32 to index
          %get3A_1370 = arith.constant 0 : index
          %get3A_1371 = tpu.vector_load %arg13[%get3A_1369, %get3A_1370] {strides = array<i32>} : memref<128x64xi32, #tpu.memory_space<vmem>>, vector<1x16xi32>,
          %get3A_1372 = vector.shape_cast %get3A_1371 : vector<1x16xi32> to vector<16xi32>
          %shift_left3A_1373 = arith.constant 16 : i32
          %shift_left3A_1374 = vector.broadcast %shift_left3A_1373 : i32 to vector<16xi32>
          %shift_left3A_1375 = arith.shli %get3A_1368, %shift_left3A_1374 : vector<16xi32>
          %bitcast_convert_type3A_1376 = tpu.bitcast %shift_left3A_1375 : vector<16xi32> -> vector<16xf32>
          %bitcast_convert_type3A_1377 = tpu.bitcast %get3A_1368 : vector<16xi32> -> vector<16xf32>
          %shift_left3A_1378 = arith.constant 16 : i32
          %shift_left3A_1379 = vector.broadcast %shift_left3A_1378 : i32 to vector<16xi32>
          %shift_left3A_1380 = arith.shli %get3A_1372, %shift_left3A_1379 : vector<16xi32>
          %bitcast_convert_type3A_1381 = tpu.bitcast %shift_left3A_1380 : vector<16xi32> -> vector<16xf32>
          %bitcast_convert_type3A_1382 = tpu.bitcast %get3A_1372 : vector<16xi32> -> vector<16xf32>
          %mul3A_1383 = arith.mulf %bitcast_convert_type3A_1376, %bitcast_convert_type3A_1381 : vector<16xf32>
          %mul3A_1384 = arith.mulf %bitcast_convert_type3A_1377, %bitcast_convert_type3A_1382 : vector<16xf32>
          %add3A_1385 = arith.addf %mul3A_1383, %mul3A_1384 : vector<16xf32>
          %get3A_1386 = arith.index_cast %add3A_1364 : i32 to index
          %get3A_1387 = arith.constant 16 : index
          %get3A_1388 = tpu.vector_load %arg12[%get3A_1386, %get3A_1387] {strides = array<i32>} : memref<128x64xi32, #tpu.memory_space<vmem>>, vector<1x16xi32>,
          %get3A_1389 = vector.shape_cast %get3A_1388 : vector<1x16xi32> to vector<16xi32>
          %get3A_1390 = arith.index_cast %add3A_1364 : i32 to index
          %get3A_1391 = arith.constant 16 : index
          %get3A_1392 = tpu.vector_load %arg13[%get3A_1390, %get3A_1391] {strides = array<i32>} : memref<128x64xi32, #tpu.memory_space<vmem>>, vector<1x16xi32>,
          %get3A_1393 = vector.shape_cast %get3A_1392 : vector<1x16xi32> to vector<16xi32>
          %shift_left3A_1394 = arith.constant 16 : i32
          %shift_left3A_1395 = vector.broadcast %shift_left3A_1394 : i32 to vector<16xi32>
          %shift_left3A_1396 = arith.shli %get3A_1389, %shift_left3A_1395 : vector<16xi32>
          %bitcast_convert_type3A_1397 = tpu.bitcast %shift_left3A_1396 : vector<16xi32> -> vector<16xf32>
          %bitcast_convert_type3A_1398 = tpu.bitcast %get3A_1389 : vector<16xi32> -> vector<16xf32>
          %shift_left3A_1399 = arith.constant 16 : i32
          %shift_left3A_1400 = vector.broadcast %shift_left3A_1399 : i32 to vector<16xi32>
          %shift_left3A_1401 = arith.shli %get3A_1393, %shift_left3A_1400 : vector<16xi32>
          %bitcast_convert_type3A_1402 = tpu.bitcast %shift_left3A_1401 : vector<16xi32> -> vector<16xf32>
          %bitcast_convert_type3A_1403 = tpu.bitcast %get3A_1393 : vector<16xi32> -> vector<16xf32>
          %mul3A_1404 = arith.mulf %bitcast_convert_type3A_1397, %bitcast_convert_type3A_1402 : vector<16xf32>
          %mul3A_1405 = arith.mulf %bitcast_convert_type3A_1398, %bitcast_convert_type3A_1403 : vector<16xf32>
          %add3A_1406 = arith.addf %mul3A_1404, %mul3A_1405 : vector<16xf32>
          %add3A_1407 = arith.addf %add3A_1385, %add3A_1406 : vector<16xf32>
          %get3A_1408 = arith.index_cast %add3A_1364 : i32 to index
          %get3A_1409 = arith.constant 32 : index
          %get3A_1410 = tpu.vector_load %arg12[%get3A_1408, %get3A_1409] {strides = array<i32>} : memref<128x64xi32, #tpu.memory_space<vmem>>, vector<1x16xi32>,
          %get3A_1411 = vector.shape_cast %get3A_1410 : vector<1x16xi32> to vector<16xi32>
          %get3A_1412 = arith.index_cast %add3A_1364 : i32 to index
          %get3A_1413 = arith.constant 32 : index
          %get3A_1414 = tpu.vector_load %arg13[%get3A_1412, %get3A_1413] {strides = array<i32>} : memref<128x64xi32, #tpu.memory_space<vmem>>, vector<1x16xi32>,
          %get3A_1415 = vector.shape_cast %get3A_1414 : vector<1x16xi32> to vector<16xi32>
          %shift_left3A_1416 = arith.constant 16 : i32
          %shift_left3A_1417 = vector.broadcast %shift_left3A_1416 : i32 to vector<16xi32>
          %shift_left3A_1418 = arith.shli %get3A_1411, %shift_left3A_1417 : vector<16xi32>
          %bitcast_convert_type3A_1419 = tpu.bitcast %shift_left3A_1418 : vector<16xi32> -> vector<16xf32>
          %bitcast_convert_type3A_1420 = tpu.bitcast %get3A_1411 : vector<16xi32> -> vector<16xf32>
          %shift_left3A_1421 = arith.constant 16 : i32
          %shift_left3A_1422 = vector.broadcast %shift_left3A_1421 : i32 to vector<16xi32>
          %shift_left3A_1423 = arith.shli %get3A_1415, %shift_left3A_1422 : vector<16xi32>
          %bitcast_convert_type3A_1424 = tpu.bitcast %shift_left3A_1423 : vector<16xi32> -> vector<16xf32>
          %bitcast_convert_type3A_1425 = tpu.bitcast %get3A_1415 : vector<16xi32> -> vector<16xf32>
          %mul3A_1426 = arith.mulf %bitcast_convert_type3A_1419, %bitcast_convert_type3A_1424 : vector<16xf32>
          %mul3A_1427 = arith.mulf %bitcast_convert_type3A_1420, %bitcast_convert_type3A_1425 : vector<16xf32>
          %add3A_1428 = arith.addf %mul3A_1426, %mul3A_1427 : vector<16xf32>
          %add3A_1429 = arith.addf %add3A_1407, %add3A_1428 : vector<16xf32>
          %get3A_1430 = arith.index_cast %add3A_1364 : i32 to index
          %get3A_1431 = arith.constant 48 : index
          %get3A_1432 = tpu.vector_load %arg12[%get3A_1430, %get3A_1431] {strides = array<i32>} : memref<128x64xi32, #tpu.memory_space<vmem>>, vector<1x16xi32>,
          %get3A_1433 = vector.shape_cast %get3A_1432 : vector<1x16xi32> to vector<16xi32>
          %get3A_1434 = arith.index_cast %add3A_1364 : i32 to index
          %get3A_1435 = arith.constant 48 : index
          %get3A_1436 = tpu.vector_load %arg13[%get3A_1434, %get3A_1435] {strides = array<i32>} : memref<128x64xi32, #tpu.memory_space<vmem>>, vector<1x16xi32>,
          %get3A_1437 = vector.shape_cast %get3A_1436 : vector<1x16xi32> to vector<16xi32>
          %shift_left3A_1438 = arith.constant 16 : i32
          %shift_left3A_1439 = vector.broadcast %shift_left3A_1438 : i32 to vector<16xi32>
          %shift_left3A_1440 = arith.shli %get3A_1433, %shift_left3A_1439 : vector<16xi32>
          %bitcast_convert_type3A_1441 = tpu.bitcast %shift_left3A_1440 : vector<16xi32> -> vector<16xf32>
          %bitcast_convert_type3A_1442 = tpu.bitcast %get3A_1433 : vector<16xi32> -> vector<16xf32>
          %shift_left3A_1443 = arith.constant 16 : i32
          %shift_left3A_1444 = vector.broadcast %shift_left3A_1443 : i32 to vector<16xi32>
          %shift_left3A_1445 = arith.shli %get3A_1437, %shift_left3A_1444 : vector<16xi32>
          %bitcast_convert_type3A_1446 = tpu.bitcast %shift_left3A_1445 : vector<16xi32> -> vector<16xf32>
          %bitcast_convert_type3A_1447 = tpu.bitcast %get3A_1437 : vector<16xi32> -> vector<16xf32>
          %mul3A_1448 = arith.mulf %bitcast_convert_type3A_1441, %bitcast_convert_type3A_1446 : vector<16xf32>
          %mul3A_1449 = arith.mulf %bitcast_convert_type3A_1442, %bitcast_convert_type3A_1447 : vector<16xf32>
          %add3A_1450 = arith.addf %mul3A_1448, %mul3A_1449 : vector<16xf32>
          %add3A_1451 = arith.addf %add3A_1429, %add3A_1450 : vector<16xf32>
          %swap3A_1452 = arith.index_cast %scan3A_880 : i32 to index
          %swap3A_1453 = arith.constant 80 : index
          %swap3A_1454 = tpu.vector_load %arg15[%swap3A_1452, %swap3A_1453] {strides = array<i32>} : memref<16x128xf32, #tpu.memory_space<vmem>>, vector<1x16xf32>,
          %swap3A_1455 = vector.shape_cast %swap3A_1454 : vector<1x16xf32> to vector<16xf32>
          %swap3A_1456 = vector.shape_cast %add3A_1451 : vector<16xf32> to vector<1x16xf32>
          tpu.vector_store %arg15[%swap3A_1452, %swap3A_1453], %swap3A_1456 {strides = array<i32>} : memref<16x128xf32, #tpu.memory_space<vmem>>, vector<1x16xf32>,
          %mul3A_1457 = arith.constant 8 : i32
          %mul3A_1458 = arith.muli %scan3A_880, %mul3A_1457 : i32
          %add3A_1459 = arith.constant 6 : i32
          %add3A_1460 = arith.addi %mul3A_1458, %add3A_1459 : i32
          %get3A_1461 = arith.index_cast %add3A_1460 : i32 to index
          %get3A_1462 = arith.constant 0 : index
          %get3A_1463 = tpu.vector_load %arg12[%get3A_1461, %get3A_1462] {strides = array<i32>} : memref<128x64xi32, #tpu.memory_space<vmem>>, vector<1x16xi32>,
          %get3A_1464 = vector.shape_cast %get3A_1463 : vector<1x16xi32> to vector<16xi32>
          %get3A_1465 = arith.index_cast %add3A_1460 : i32 to index
          %get3A_1466 = arith.constant 0 : index
          %get3A_1467 = tpu.vector_load %arg13[%get3A_1465, %get3A_1466] {strides = array<i32>} : memref<128x64xi32, #tpu.memory_space<vmem>>, vector<1x16xi32>,
          %get3A_1468 = vector.shape_cast %get3A_1467 : vector<1x16xi32> to vector<16xi32>
          %shift_left3A_1469 = arith.constant 16 : i32
          %shift_left3A_1470 = vector.broadcast %shift_left3A_1469 : i32 to vector<16xi32>
          %shift_left3A_1471 = arith.shli %get3A_1464, %shift_left3A_1470 : vector<16xi32>
          %bitcast_convert_type3A_1472 = tpu.bitcast %shift_left3A_1471 : vector<16xi32> -> vector<16xf32>
          %bitcast_convert_type3A_1473 = tpu.bitcast %get3A_1464 : vector<16xi32> -> vector<16xf32>
          %shift_left3A_1474 = arith.constant 16 : i32
          %shift_left3A_1475 = vector.broadcast %shift_left3A_1474 : i32 to vector<16xi32>
          %shift_left3A_1476 = arith.shli %get3A_1468, %shift_left3A_1475 : vector<16xi32>
          %bitcast_convert_type3A_1477 = tpu.bitcast %shift_left3A_1476 : vector<16xi32> -> vector<16xf32>
          %bitcast_convert_type3A_1478 = tpu.bitcast %get3A_1468 : vector<16xi32> -> vector<16xf32>
          %mul3A_1479 = arith.mulf %bitcast_convert_type3A_1472, %bitcast_convert_type3A_1477 : vector<16xf32>
          %mul3A_1480 = arith.mulf %bitcast_convert_type3A_1473, %bitcast_convert_type3A_1478 : vector<16xf32>
          %add3A_1481 = arith.addf %mul3A_1479, %mul3A_1480 : vector<16xf32>
          %get3A_1482 = arith.index_cast %add3A_1460 : i32 to index
          %get3A_1483 = arith.constant 16 : index
          %get3A_1484 = tpu.vector_load %arg12[%get3A_1482, %get3A_1483] {strides = array<i32>} : memref<128x64xi32, #tpu.memory_space<vmem>>, vector<1x16xi32>,
          %get3A_1485 = vector.shape_cast %get3A_1484 : vector<1x16xi32> to vector<16xi32>
          %get3A_1486 = arith.index_cast %add3A_1460 : i32 to index
          %get3A_1487 = arith.constant 16 : index
          %get3A_1488 = tpu.vector_load %arg13[%get3A_1486, %get3A_1487] {strides = array<i32>} : memref<128x64xi32, #tpu.memory_space<vmem>>, vector<1x16xi32>,
          %get3A_1489 = vector.shape_cast %get3A_1488 : vector<1x16xi32> to vector<16xi32>
          %shift_left3A_1490 = arith.constant 16 : i32
          %shift_left3A_1491 = vector.broadcast %shift_left3A_1490 : i32 to vector<16xi32>
          %shift_left3A_1492 = arith.shli %get3A_1485, %shift_left3A_1491 : vector<16xi32>
          %bitcast_convert_type3A_1493 = tpu.bitcast %shift_left3A_1492 : vector<16xi32> -> vector<16xf32>
          %bitcast_convert_type3A_1494 = tpu.bitcast %get3A_1485 : vector<16xi32> -> vector<16xf32>
          %shift_left3A_1495 = arith.constant 16 : i32
          %shift_left3A_1496 = vector.broadcast %shift_left3A_1495 : i32 to vector<16xi32>
          %shift_left3A_1497 = arith.shli %get3A_1489, %shift_left3A_1496 : vector<16xi32>
          %bitcast_convert_type3A_1498 = tpu.bitcast %shift_left3A_1497 : vector<16xi32> -> vector<16xf32>
          %bitcast_convert_type3A_1499 = tpu.bitcast %get3A_1489 : vector<16xi32> -> vector<16xf32>
          %mul3A_1500 = arith.mulf %bitcast_convert_type3A_1493, %bitcast_convert_type3A_1498 : vector<16xf32>
          %mul3A_1501 = arith.mulf %bitcast_convert_type3A_1494, %bitcast_convert_type3A_1499 : vector<16xf32>
          %add3A_1502 = arith.addf %mul3A_1500, %mul3A_1501 : vector<16xf32>
          %add3A_1503 = arith.addf %add3A_1481, %add3A_1502 : vector<16xf32>
          %get3A_1504 = arith.index_cast %add3A_1460 : i32 to index
          %get3A_1505 = arith.constant 32 : index
          %get3A_1506 = tpu.vector_load %arg12[%get3A_1504, %get3A_1505] {strides = array<i32>} : memref<128x64xi32, #tpu.memory_space<vmem>>, vector<1x16xi32>,
          %get3A_1507 = vector.shape_cast %get3A_1506 : vector<1x16xi32> to vector<16xi32>
          %get3A_1508 = arith.index_cast %add3A_1460 : i32 to index
          %get3A_1509 = arith.constant 32 : index
          %get3A_1510 = tpu.vector_load %arg13[%get3A_1508, %get3A_1509] {strides = array<i32>} : memref<128x64xi32, #tpu.memory_space<vmem>>, vector<1x16xi32>,
          %get3A_1511 = vector.shape_cast %get3A_1510 : vector<1x16xi32> to vector<16xi32>
          %shift_left3A_1512 = arith.constant 16 : i32
          %shift_left3A_1513 = vector.broadcast %shift_left3A_1512 : i32 to vector<16xi32>
          %shift_left3A_1514 = arith.shli %get3A_1507, %shift_left3A_1513 : vector<16xi32>
          %bitcast_convert_type3A_1515 = tpu.bitcast %shift_left3A_1514 : vector<16xi32> -> vector<16xf32>
          %bitcast_convert_type3A_1516 = tpu.bitcast %get3A_1507 : vector<16xi32> -> vector<16xf32>
          %shift_left3A_1517 = arith.constant 16 : i32
          %shift_left3A_1518 = vector.broadcast %shift_left3A_1517 : i32 to vector<16xi32>
          %shift_left3A_1519 = arith.shli %get3A_1511, %shift_left3A_1518 : vector<16xi32>
          %bitcast_convert_type3A_1520 = tpu.bitcast %shift_left3A_1519 : vector<16xi32> -> vector<16xf32>
          %bitcast_convert_type3A_1521 = tpu.bitcast %get3A_1511 : vector<16xi32> -> vector<16xf32>
          %mul3A_1522 = arith.mulf %bitcast_convert_type3A_1515, %bitcast_convert_type3A_1520 : vector<16xf32>
          %mul3A_1523 = arith.mulf %bitcast_convert_type3A_1516, %bitcast_convert_type3A_1521 : vector<16xf32>
          %add3A_1524 = arith.addf %mul3A_1522, %mul3A_1523 : vector<16xf32>
          %add3A_1525 = arith.addf %add3A_1503, %add3A_1524 : vector<16xf32>
          %get3A_1526 = arith.index_cast %add3A_1460 : i32 to index
          %get3A_1527 = arith.constant 48 : index
          %get3A_1528 = tpu.vector_load %arg12[%get3A_1526, %get3A_1527] {strides = array<i32>} : memref<128x64xi32, #tpu.memory_space<vmem>>, vector<1x16xi32>,
          %get3A_1529 = vector.shape_cast %get3A_1528 : vector<1x16xi32> to vector<16xi32>
          %get3A_1530 = arith.index_cast %add3A_1460 : i32 to index
          %get3A_1531 = arith.constant 48 : index
          %get3A_1532 = tpu.vector_load %arg13[%get3A_1530, %get3A_1531] {strides = array<i32>} : memref<128x64xi32, #tpu.memory_space<vmem>>, vector<1x16xi32>,
          %get3A_1533 = vector.shape_cast %get3A_1532 : vector<1x16xi32> to vector<16xi32>
          %shift_left3A_1534 = arith.constant 16 : i32
          %shift_left3A_1535 = vector.broadcast %shift_left3A_1534 : i32 to vector<16xi32>
          %shift_left3A_1536 = arith.shli %get3A_1529, %shift_left3A_1535 : vector<16xi32>
          %bitcast_convert_type3A_1537 = tpu.bitcast %shift_left3A_1536 : vector<16xi32> -> vector<16xf32>
          %bitcast_convert_type3A_1538 = tpu.bitcast %get3A_1529 : vector<16xi32> -> vector<16xf32>
          %shift_left3A_1539 = arith.constant 16 : i32
          %shift_left3A_1540 = vector.broadcast %shift_left3A_1539 : i32 to vector<16xi32>
          %shift_left3A_1541 = arith.shli %get3A_1533, %shift_left3A_1540 : vector<16xi32>
          %bitcast_convert_type3A_1542 = tpu.bitcast %shift_left3A_1541 : vector<16xi32> -> vector<16xf32>
          %bitcast_convert_type3A_1543 = tpu.bitcast %get3A_1533 : vector<16xi32> -> vector<16xf32>
          %mul3A_1544 = arith.mulf %bitcast_convert_type3A_1537, %bitcast_convert_type3A_1542 : vector<16xf32>
          %mul3A_1545 = arith.mulf %bitcast_convert_type3A_1538, %bitcast_convert_type3A_1543 : vector<16xf32>
          %add3A_1546 = arith.addf %mul3A_1544, %mul3A_1545 : vector<16xf32>
          %add3A_1547 = arith.addf %add3A_1525, %add3A_1546 : vector<16xf32>
          %swap3A_1548 = arith.index_cast %scan3A_880 : i32 to index
          %swap3A_1549 = arith.constant 96 : index
          %swap3A_1550 = tpu.vector_load %arg15[%swap3A_1548, %swap3A_1549] {strides = array<i32>} : memref<16x128xf32, #tpu.memory_space<vmem>>, vector<1x16xf32>,
          %swap3A_1551 = vector.shape_cast %swap3A_1550 : vector<1x16xf32> to vector<16xf32>
          %swap3A_1552 = vector.shape_cast %add3A_1547 : vector<16xf32> to vector<1x16xf32>
          tpu.vector_store %arg15[%swap3A_1548, %swap3A_1549], %swap3A_1552 {strides = array<i32>} : memref<16x128xf32, #tpu.memory_space<vmem>>, vector<1x16xf32>,
          %mul3A_1553 = arith.constant 8 : i32
          %mul3A_1554 = arith.muli %scan3A_880, %mul3A_1553 : i32
          %add3A_1555 = arith.constant 7 : i32
          %add3A_1556 = arith.addi %mul3A_1554, %add3A_1555 : i32
          %get3A_1557 = arith.index_cast %add3A_1556 : i32 to index
          %get3A_1558 = arith.constant 0 : index
          %get3A_1559 = tpu.vector_load %arg12[%get3A_1557, %get3A_1558] {strides = array<i32>} : memref<128x64xi32, #tpu.memory_space<vmem>>, vector<1x16xi32>,
          %get3A_1560 = vector.shape_cast %get3A_1559 : vector<1x16xi32> to vector<16xi32>
          %get3A_1561 = arith.index_cast %add3A_1556 : i32 to index
          %get3A_1562 = arith.constant 0 : index
          %get3A_1563 = tpu.vector_load %arg13[%get3A_1561, %get3A_1562] {strides = array<i32>} : memref<128x64xi32, #tpu.memory_space<vmem>>, vector<1x16xi32>,
          %get3A_1564 = vector.shape_cast %get3A_1563 : vector<1x16xi32> to vector<16xi32>
          %shift_left3A_1565 = arith.constant 16 : i32
          %shift_left3A_1566 = vector.broadcast %shift_left3A_1565 : i32 to vector<16xi32>
          %shift_left3A_1567 = arith.shli %get3A_1560, %shift_left3A_1566 : vector<16xi32>
          %bitcast_convert_type3A_1568 = tpu.bitcast %shift_left3A_1567 : vector<16xi32> -> vector<16xf32>
          %bitcast_convert_type3A_1569 = tpu.bitcast %get3A_1560 : vector<16xi32> -> vector<16xf32>
          %shift_left3A_1570 = arith.constant 16 : i32
          %shift_left3A_1571 = vector.broadcast %shift_left3A_1570 : i32 to vector<16xi32>
          %shift_left3A_1572 = arith.shli %get3A_1564, %shift_left3A_1571 : vector<16xi32>
          %bitcast_convert_type3A_1573 = tpu.bitcast %shift_left3A_1572 : vector<16xi32> -> vector<16xf32>
          %bitcast_convert_type3A_1574 = tpu.bitcast %get3A_1564 : vector<16xi32> -> vector<16xf32>
          %mul3A_1575 = arith.mulf %bitcast_convert_type3A_1568, %bitcast_convert_type3A_1573 : vector<16xf32>
          %mul3A_1576 = arith.mulf %bitcast_convert_type3A_1569, %bitcast_convert_type3A_1574 : vector<16xf32>
          %add3A_1577 = arith.addf %mul3A_1575, %mul3A_1576 : vector<16xf32>
          %get3A_1578 = arith.index_cast %add3A_1556 : i32 to index
          %get3A_1579 = arith.constant 16 : index
          %get3A_1580 = tpu.vector_load %arg12[%get3A_1578, %get3A_1579] {strides = array<i32>} : memref<128x64xi32, #tpu.memory_space<vmem>>, vector<1x16xi32>,
          %get3A_1581 = vector.shape_cast %get3A_1580 : vector<1x16xi32> to vector<16xi32>
          %get3A_1582 = arith.index_cast %add3A_1556 : i32 to index
          %get3A_1583 = arith.constant 16 : index
          %get3A_1584 = tpu.vector_load %arg13[%get3A_1582, %get3A_1583] {strides = array<i32>} : memref<128x64xi32, #tpu.memory_space<vmem>>, vector<1x16xi32>,
          %get3A_1585 = vector.shape_cast %get3A_1584 : vector<1x16xi32> to vector<16xi32>
          %shift_left3A_1586 = arith.constant 16 : i32
          %shift_left3A_1587 = vector.broadcast %shift_left3A_1586 : i32 to vector<16xi32>
          %shift_left3A_1588 = arith.shli %get3A_1581, %shift_left3A_1587 : vector<16xi32>
          %bitcast_convert_type3A_1589 = tpu.bitcast %shift_left3A_1588 : vector<16xi32> -> vector<16xf32>
          %bitcast_convert_type3A_1590 = tpu.bitcast %get3A_1581 : vector<16xi32> -> vector<16xf32>
          %shift_left3A_1591 = arith.constant 16 : i32
          %shift_left3A_1592 = vector.broadcast %shift_left3A_1591 : i32 to vector<16xi32>
          %shift_left3A_1593 = arith.shli %get3A_1585, %shift_left3A_1592 : vector<16xi32>
          %bitcast_convert_type3A_1594 = tpu.bitcast %shift_left3A_1593 : vector<16xi32> -> vector<16xf32>
          %bitcast_convert_type3A_1595 = tpu.bitcast %get3A_1585 : vector<16xi32> -> vector<16xf32>
          %mul3A_1596 = arith.mulf %bitcast_convert_type3A_1589, %bitcast_convert_type3A_1594 : vector<16xf32>
          %mul3A_1597 = arith.mulf %bitcast_convert_type3A_1590, %bitcast_convert_type3A_1595 : vector<16xf32>
          %add3A_1598 = arith.addf %mul3A_1596, %mul3A_1597 : vector<16xf32>
          %add3A_1599 = arith.addf %add3A_1577, %add3A_1598 : vector<16xf32>
          %get3A_1600 = arith.index_cast %add3A_1556 : i32 to index
          %get3A_1601 = arith.constant 32 : index
          %get3A_1602 = tpu.vector_load %arg12[%get3A_1600, %get3A_1601] {strides = array<i32>} : memref<128x64xi32, #tpu.memory_space<vmem>>, vector<1x16xi32>,
          %get3A_1603 = vector.shape_cast %get3A_1602 : vector<1x16xi32> to vector<16xi32>
          %get3A_1604 = arith.index_cast %add3A_1556 : i32 to index
          %get3A_1605 = arith.constant 32 : index
          %get3A_1606 = tpu.vector_load %arg13[%get3A_1604, %get3A_1605] {strides = array<i32>} : memref<128x64xi32, #tpu.memory_space<vmem>>, vector<1x16xi32>,
          %get3A_1607 = vector.shape_cast %get3A_1606 : vector<1x16xi32> to vector<16xi32>
          %shift_left3A_1608 = arith.constant 16 : i32
          %shift_left3A_1609 = vector.broadcast %shift_left3A_1608 : i32 to vector<16xi32>
          %shift_left3A_1610 = arith.shli %get3A_1603, %shift_left3A_1609 : vector<16xi32>
          %bitcast_convert_type3A_1611 = tpu.bitcast %shift_left3A_1610 : vector<16xi32> -> vector<16xf32>
          %bitcast_convert_type3A_1612 = tpu.bitcast %get3A_1603 : vector<16xi32> -> vector<16xf32>
          %shift_left3A_1613 = arith.constant 16 : i32
          %shift_left3A_1614 = vector.broadcast %shift_left3A_1613 : i32 to vector<16xi32>
          %shift_left3A_1615 = arith.shli %get3A_1607, %shift_left3A_1614 : vector<16xi32>
          %bitcast_convert_type3A_1616 = tpu.bitcast %shift_left3A_1615 : vector<16xi32> -> vector<16xf32>
          %bitcast_convert_type3A_1617 = tpu.bitcast %get3A_1607 : vector<16xi32> -> vector<16xf32>
          %mul3A_1618 = arith.mulf %bitcast_convert_type3A_1611, %bitcast_convert_type3A_1616 : vector<16xf32>
          %mul3A_1619 = arith.mulf %bitcast_convert_type3A_1612, %bitcast_convert_type3A_1617 : vector<16xf32>
          %add3A_1620 = arith.addf %mul3A_1618, %mul3A_1619 : vector<16xf32>
          %add3A_1621 = arith.addf %add3A_1599, %add3A_1620 : vector<16xf32>
          %get3A_1622 = arith.index_cast %add3A_1556 : i32 to index
          %get3A_1623 = arith.constant 48 : index
          %get3A_1624 = tpu.vector_load %arg12[%get3A_1622, %get3A_1623] {strides = array<i32>} : memref<128x64xi32, #tpu.memory_space<vmem>>, vector<1x16xi32>,
          %get3A_1625 = vector.shape_cast %get3A_1624 : vector<1x16xi32> to vector<16xi32>
          %get3A_1626 = arith.index_cast %add3A_1556 : i32 to index
          %get3A_1627 = arith.constant 48 : index
          %get3A_1628 = tpu.vector_load %arg13[%get3A_1626, %get3A_1627] {strides = array<i32>} : memref<128x64xi32, #tpu.memory_space<vmem>>, vector<1x16xi32>,
          %get3A_1629 = vector.shape_cast %get3A_1628 : vector<1x16xi32> to vector<16xi32>
          %shift_left3A_1630 = arith.constant 16 : i32
          %shift_left3A_1631 = vector.broadcast %shift_left3A_1630 : i32 to vector<16xi32>
          %shift_left3A_1632 = arith.shli %get3A_1625, %shift_left3A_1631 : vector<16xi32>
          %bitcast_convert_type3A_1633 = tpu.bitcast %shift_left3A_1632 : vector<16xi32> -> vector<16xf32>
          %bitcast_convert_type3A_1634 = tpu.bitcast %get3A_1625 : vector<16xi32> -> vector<16xf32>
          %shift_left3A_1635 = arith.constant 16 : i32
          %shift_left3A_1636 = vector.broadcast %shift_left3A_1635 : i32 to vector<16xi32>
          %shift_left3A_1637 = arith.shli %get3A_1629, %shift_left3A_1636 : vector<16xi32>
          %bitcast_convert_type3A_1638 = tpu.bitcast %shift_left3A_1637 : vector<16xi32> -> vector<16xf32>
          %bitcast_convert_type3A_1639 = tpu.bitcast %get3A_1629 : vector<16xi32> -> vector<16xf32>
          %mul3A_1640 = arith.mulf %bitcast_convert_type3A_1633, %bitcast_convert_type3A_1638 : vector<16xf32>
          %mul3A_1641 = arith.mulf %bitcast_convert_type3A_1634, %bitcast_convert_type3A_1639 : vector<16xf32>
          %add3A_1642 = arith.addf %mul3A_1640, %mul3A_1641 : vector<16xf32>
          %add3A_1643 = arith.addf %add3A_1621, %add3A_1642 : vector<16xf32>
          %swap3A_1644 = arith.index_cast %scan3A_880 : i32 to index
          %swap3A_1645 = arith.constant 112 : index
          %swap3A_1646 = tpu.vector_load %arg15[%swap3A_1644, %swap3A_1645] {strides = array<i32>} : memref<16x128xf32, #tpu.memory_space<vmem>>, vector<1x16xf32>,
          %swap3A_1647 = vector.shape_cast %swap3A_1646 : vector<1x16xf32> to vector<16xf32>
          %swap3A_1648 = vector.shape_cast %add3A_1643 : vector<16xf32> to vector<1x16xf32>
          tpu.vector_store %arg15[%swap3A_1644, %swap3A_1645], %swap3A_1648 {strides = array<i32>} : memref<16x128xf32, #tpu.memory_space<vmem>>, vector<1x16xf32>,
        }
        %scan3A_104 = arith.constant 16 : i32
        %mul3A_105 = arith.constant 32 : i32
        %mul3A_106 = arith.muli %add3A_71, %mul3A_105 : i32
        %add3A_107 = arith.addi %add3A, %mul3A_106 : i32
        %mul3A_108 = arith.constant 16 : i32
        %mul3A_109 = arith.muli %add3A_107, %mul3A_108 : i32
        %multiple_of3A = tpu.assume_multiple %mul3A_109, 16 : i32
        %dma_start3A_110 = arith.constant 0 : i32
        %dma_start3A_111 = tpu.memref_slice %arg5[%multiple_of3A, %dma_start3A_110] : memref<80000x128xf32, #tpu.memory_space<hbm>> -> memref<16x128xf32, #tpu.memory_space<hbm>>
        %dma_start3A_112 = arith.constant 0 : i32
        %dma_start3A_113 = tpu.memref_slice %arg5[%multiple_of3A, %dma_start3A_112] : memref<80000x128xf32, #tpu.memory_space<hbm>> -> memref<16x128xf32, #tpu.memory_space<hbm>>
        tpu.enqueue_dma source(%arg15 : memref<16x128xf32, #tpu.memory_space<vmem>>) target(%dma_start3A_113 : memref<16x128xf32, #tpu.memory_space<hbm>>) target_semaphore(%arg21 : memref<!tpu.dma_semaphore, #tpu.memory_space<semaphore_mem>>)
      } else {
      }
    }
    %scan3A_48 = arith.constant 79 : i32
    %dma_wait3A_49 = arith.constant 0 : i32
    %dma_wait3A_50 = arith.constant 0 : i32
    %dma_wait3A_51 = tpu.memref_slice %arg5[%dma_wait3A_49, %dma_wait3A_50] : memref<80000x128xf32, #tpu.memory_space<hbm>> -> memref<16x128xf32, #tpu.memory_space<hbm>>
    %dma_wait3A_52 = arith.constant 0 : i32
    %dma_wait3A_53 = arith.constant 0 : i32
    %dma_wait3A_54 = tpu.memref_slice %arg5[%dma_wait3A_52, %dma_wait3A_53] : memref<80000x128xf32, #tpu.memory_space<hbm>> -> memref<16x128xf32, #tpu.memory_space<hbm>>
    tpu.wait_dma2 semaphore(%arg20 : memref<!tpu.dma_semaphore, #tpu.memory_space<semaphore_mem>>) src(%arg14 : memref<16x128xf32, #tpu.memory_space<vmem>>) dst(%dma_wait3A_54 : memref<16x128xf32, #tpu.memory_space<hbm>>)
    %dma_wait3A_55 = arith.constant 0 : i32
    %dma_wait3A_56 = arith.constant 0 : i32
    %dma_wait3A_57 = tpu.memref_slice %arg5[%dma_wait3A_55, %dma_wait3A_56] : memref<80000x128xf32, #tpu.memory_space<hbm>> -> memref<16x128xf32, #tpu.memory_space<hbm>>
    %dma_wait3A_58 = arith.constant 0 : i32
    %dma_wait3A_59 = arith.constant 0 : i32
    %dma_wait3A_60 = tpu.memref_slice %arg5[%dma_wait3A_58, %dma_wait3A_59] : memref<80000x128xf32, #tpu.memory_space<hbm>> -> memref<16x128xf32, #tpu.memory_space<hbm>>
    tpu.wait_dma2 semaphore(%arg21 : memref<!tpu.dma_semaphore, #tpu.memory_space<semaphore_mem>>) src(%arg15 : memref<16x128xf32, #tpu.memory_space<vmem>>) dst(%dma_wait3A_60 : memref<16x128xf32, #tpu.memory_space<hbm>>)
    return
  }
}

module attributes {stable_mosaic.version = 14 : i64} {
  func.func @_pack_body(%arg0: memref<10000x128xf32, #tpu.memory_space<vmem>>, %arg1: memref<10000x64xi32, #tpu.memory_space<vmem>>) attributes {dimension_semantics = [], scalar_prefetch = 0 : i64, scratch_operands = 0 : i64, tpu.core_type = #tpu.core_type<tc>} {
    %get3A = arith.constant 0 : index
    %get3A_0 = arith.constant 0 : index
    %get3A_1 = vector.load %arg0[%get3A, %get3A_0] : memref<10000x128xf32, #tpu.memory_space<vmem>>, vector<10000x128xf32>
    %bitcast_convert_type3A = tpu.bitcast %get3A_1 : vector<10000x128xf32> -> vector<10000x128xi32>
    %add3A = arith.constant 32767 : i32
    %add3A_2 = vector.broadcast %add3A : i32 to vector<10000x128xi32>
    %add3A_3 = arith.addi %bitcast_convert_type3A, %add3A_2 : vector<10000x128xi32>
    %shift_right_logical3A = arith.constant 16 : i32
    %shift_right_logical3A_4 = vector.broadcast %shift_right_logical3A : i32 to vector<10000x128xi32>
    %shift_right_logical3A_5 = arith.shrui %bitcast_convert_type3A, %shift_right_logical3A_4 : vector<10000x128xi32>
    %and3A = arith.constant 1 : i32
    %and3A_6 = vector.broadcast %and3A : i32 to vector<10000x128xi32>
    %and3A_7 = arith.andi %shift_right_logical3A_5, %and3A_6 : vector<10000x128xi32>
    %add3A_8 = arith.addi %add3A_3, %and3A_7 : vector<10000x128xi32>
    %shift_right_logical3A_9 = arith.constant 16 : i32
    %shift_right_logical3A_10 = vector.broadcast %shift_right_logical3A_9 : i32 to vector<10000x128xi32>
    %shift_right_logical3A_11 = arith.shrui %add3A_8, %shift_right_logical3A_10 : vector<10000x128xi32>
    %convert_element_type3A = arith.uitofp %shift_right_logical3A_11 : vector<10000x128xi32> to vector<10000x128xf32>
    %iota3A = tpu.iota {dimensions = array<i32: 0>} : vector<128x64xi32>
    %iota3A_12 = tpu.iota {dimensions = array<i32: 1>} : vector<128x64xi32>
    %mul3A = arith.constant 2 : i32
    %mul3A_13 = vector.broadcast %mul3A : i32 to vector<128x64xi32>
    %mul3A_14 = arith.muli %mul3A_13, %iota3A_12 : vector<128x64xi32>
    %eq3A = arith.cmpi eq, %iota3A, %mul3A_14 : vector<128x64xi32>
    %convert_element_type3A_15 = arith.extui %eq3A : vector<128x64xi1> to vector<128x64xi32>
    %convert_element_type3A_16 = arith.sitofp %convert_element_type3A_15 : vector<128x64xi32> to vector<128x64xf32>
    %mul3A_17 = arith.constant 2 : i32
    %mul3A_18 = vector.broadcast %mul3A_17 : i32 to vector<128x64xi32>
    %mul3A_19 = arith.muli %mul3A_18, %iota3A_12 : vector<128x64xi32>
    %add3A_20 = arith.constant 1 : i32
    %add3A_21 = vector.broadcast %add3A_20 : i32 to vector<128x64xi32>
    %add3A_22 = arith.addi %mul3A_19, %add3A_21 : vector<128x64xi32>
    %eq3A_23 = arith.cmpi eq, %iota3A, %add3A_22 : vector<128x64xi32>
    %convert_element_type3A_24 = arith.extui %eq3A_23 : vector<128x64xi1> to vector<128x64xi32>
    %convert_element_type3A_25 = arith.sitofp %convert_element_type3A_24 : vector<128x64xi32> to vector<128x64xf32>
    %dot_general3A = arith.constant dense<0.000000e+00> : vector<10000x64xf32>
    %dot_general3A_26 = tpu.matmul %convert_element_type3A, %convert_element_type3A_16, %dot_general3A {dimension_numbers = #tpu.dot_dimension_numbers<[1], [0], [0], [1], [0, 0, 1, 1], [], []>, precision = #tpu.contract_precision<fp32>, transpose_lhs_hint = false} : vector<10000x128xf32>, vector<128x64xf32>, vector<10000x64xf32> -> vector<10000x64xf32>
    %convert_element_type3A_27 = arith.fptoui %dot_general3A_26 : vector<10000x64xf32> to vector<10000x64xi32>
    %dot_general3A_28 = arith.constant dense<0.000000e+00> : vector<10000x64xf32>
    %dot_general3A_29 = tpu.matmul %convert_element_type3A, %convert_element_type3A_25, %dot_general3A_28 {dimension_numbers = #tpu.dot_dimension_numbers<[1], [0], [0], [1], [0, 0, 1, 1], [], []>, precision = #tpu.contract_precision<fp32>, transpose_lhs_hint = false} : vector<10000x128xf32>, vector<128x64xf32>, vector<10000x64xf32> -> vector<10000x64xf32>
    %convert_element_type3A_30 = arith.fptoui %dot_general3A_29 : vector<10000x64xf32> to vector<10000x64xi32>
    %shift_left3A = arith.constant 16 : i32
    %shift_left3A_31 = vector.broadcast %shift_left3A : i32 to vector<10000x64xi32>
    %shift_left3A_32 = arith.shli %convert_element_type3A_30, %shift_left3A_31 : vector<10000x64xi32>
    %or3A = arith.ori %convert_element_type3A_27, %shift_left3A_32 : vector<10000x64xi32>
    %swap3A = arith.constant 0 : index
    %swap3A_33 = arith.constant 0 : index
    %swap3A_34 = vector.load %arg1[%swap3A, %swap3A_33] : memref<10000x64xi32, #tpu.memory_space<vmem>>, vector<10000x64xi32>
    tpu.vector_store %arg1[%swap3A, %swap3A_33], %or3A {strides = array<i32>} : memref<10000x64xi32, #tpu.memory_space<vmem>>, vector<10000x64xi32>,
    return
  }
}

module attributes {stable_mosaic.version = 14 : i64} {
  func.func @_loss_body(%arg0: i32, %arg1: memref<4000x128xf32, #tpu.memory_space<vmem>>, %arg2: memref<1x1xf32, #tpu.memory_space<vmem>>) attributes {dimension_semantics = [#tpu.dimension_semantics<arbitrary>], iteration_bounds = array<i64: 20>, scalar_prefetch = 0 : i64, scratch_operands = 0 : i64, tpu.core_type = #tpu.core_type<tc>, window_params = [{transform_indices = @transform_0, window_bounds = array<i64: 4000, 128>}, {pipeline_mode = #tpu.pipeline_mode<synchronous>, transform_indices = @transform_1, window_bounds = array<i64: 1, 1>}]} {
    %get3A = arith.constant 0 : index
    %get3A_0 = arith.constant 0 : index
    %get3A_1 = vector.load %arg1[%get3A, %get3A_0] : memref<4000x128xf32, #tpu.memory_space<vmem>>, vector<4000x128xf32>
    %iota3A = tpu.iota {dimensions = array<i32: 0>} : vector<128x8xi32>
    %iota3A_2 = tpu.iota {dimensions = array<i32: 1>} : vector<128x8xi32>
    %jit3A = arith.constant 16 : i32
    %div3A = vector.broadcast %jit3A : i32 to vector<128x8xi32>
    %div3A_3 = arith.divsi %iota3A, %div3A : vector<128x8xi32>
    %sign3A = arith.constant 0 : i32
    %sign3A_4 = vector.broadcast %sign3A : i32 to vector<128x8xi32>
    %sign3A_5 = arith.cmpi sgt, %iota3A, %sign3A_4 : vector<128x8xi32>
    %sign3A_6 = arith.extui %sign3A_5 : vector<128x8xi1> to vector<128x8xi32>
    %sign3A_7 = arith.constant 0 : i32
    %sign3A_8 = vector.broadcast %sign3A_7 : i32 to vector<128x8xi32>
    %sign3A_9 = arith.cmpi slt, %iota3A, %sign3A_8 : vector<128x8xi32>
    %sign3A_10 = arith.extui %sign3A_9 : vector<128x8xi1> to vector<128x8xi32>
    %sign3A_11 = arith.subi %sign3A_6, %sign3A_10 : vector<128x8xi32>
    %sign3A_12 = arith.constant 0 : i32
    %sign3A_13 = arith.cmpi sgt, %jit3A, %sign3A_12 : i32
    %sign3A_14 = arith.extui %sign3A_13 : i1 to i32
    %sign3A_15 = arith.constant 0 : i32
    %sign3A_16 = arith.cmpi slt, %jit3A, %sign3A_15 : i32
    %sign3A_17 = arith.extui %sign3A_16 : i1 to i32
    %sign3A_18 = arith.subi %sign3A_14, %sign3A_17 : i32
    %ne3A = vector.broadcast %sign3A_18 : i32 to vector<128x8xi32>
    %ne3A_19 = arith.cmpi ne, %sign3A_11, %ne3A : vector<128x8xi32>
    %rem3A = vector.broadcast %jit3A : i32 to vector<128x8xi32>
    %rem3A_20 = arith.remsi %iota3A, %rem3A : vector<128x8xi32>
    %ne3A_21 = arith.constant 0 : i32
    %ne3A_22 = vector.broadcast %ne3A_21 : i32 to vector<128x8xi32>
    %ne3A_23 = arith.cmpi ne, %rem3A_20, %ne3A_22 : vector<128x8xi32>
    %and3A = arith.andi %ne3A_19, %ne3A_23 : vector<128x8xi1>
    %sub3A = arith.constant 1 : i32
    %sub3A_24 = vector.broadcast %sub3A : i32 to vector<128x8xi32>
    %sub3A_25 = arith.subi %div3A_3, %sub3A_24 : vector<128x8xi32>
    %select_n3A = arith.select %and3A, %sub3A_25, %div3A_3 : vector<128x8xi1>, vector<128x8xi32>
    %eq3A = arith.cmpi eq, %select_n3A, %iota3A_2 : vector<128x8xi32>
    %jit3A_26 = arith.constant 1.000000e+00 : f32
    %jit3A_27 = arith.constant 0.000000e+00 : f32
    %broadcast_in_dim3A = vector.broadcast %jit3A_26 : f32 to vector<128x8xf32>
    %broadcast_in_dim3A_28 = vector.broadcast %jit3A_27 : f32 to vector<128x8xf32>
    %select_n3A_29 = arith.select %eq3A, %broadcast_in_dim3A, %broadcast_in_dim3A_28 : vector<128x8xi1>, vector<128x8xf32>
    %dot_general3A = arith.constant dense<0.000000e+00> : vector<4000x8xf32>
    %dot_general3A_30 = tpu.matmul %get3A_1, %select_n3A_29, %dot_general3A {dimension_numbers = #tpu.dot_dimension_numbers<[1], [0], [0], [1], [0, 0, 1, 1], [], []>, transpose_lhs_hint = false} : vector<4000x128xf32>, vector<128x8xf32>, vector<4000x8xf32> -> vector<4000x8xf32>
    %logistic3A = arith.negf %dot_general3A_30 : vector<4000x8xf32>
    %logistic3A_31 = math.exp %logistic3A : vector<4000x8xf32>
    %logistic3A_32 = arith.constant 1.000000e+00 : f32
    %logistic3A_33 = vector.broadcast %logistic3A_32 : f32 to vector<4000x8xf32>
    %logistic3A_34 = arith.addf %logistic3A_33, %logistic3A_31 : vector<4000x8xf32>
    %logistic3A_35 = arith.divf %logistic3A_33, %logistic3A_34 : vector<4000x8xf32>
    %lt3A = arith.constant 10 : i32
    %lt3A_36 = arith.cmpi slt, %arg0, %lt3A : i32
    %sub3A_37 = arith.constant 1.000000e+00 : f32
    %sub3A_38 = vector.broadcast %sub3A_37 : f32 to vector<4000x8xf32>
    %sub3A_39 = arith.subf %sub3A_38, %logistic3A_35 : vector<4000x8xf32>
    %select_n3A_40 = arith.select %lt3A_36, %logistic3A_35, %sub3A_39 : vector<4000x8xf32>
    %add3A = arith.constant 9.99999993E-9 : f32
    %add3A_41 = vector.broadcast %add3A : f32 to vector<4000x8xf32>
    %add3A_42 = arith.addf %select_n3A_40, %add3A_41 : vector<4000x8xf32>
    %log3A = math.log %add3A_42 : vector<4000x8xf32>
    %neg3A = arith.constant 0.000000e+00 : f32
    %neg3A_43 = vector.broadcast %neg3A : f32 to vector<4000x8xf32>
    %neg3A_44 = arith.subf %neg3A_43, %log3A : vector<4000x8xf32>
    %eq3A_45 = arith.constant 0 : i32
    %eq3A_46 = arith.cmpi eq, %arg0, %eq3A_45 : i32
    %convert_element_type3A = arith.extui %eq3A_46 : i1 to i32
    %cond3A = arith.constant 0 : i32
    %cond3A_47 = arith.cmpi ne, %convert_element_type3A, %cond3A : i32
    scf.if %cond3A_47 {
      %broadcast_in_dim3A_60 = arith.constant 0.000000e+00 : f32
      %broadcast_in_dim3A_61 = vector.broadcast %broadcast_in_dim3A_60 : f32 to vector<1x1xf32>
      %swap3A_62 = arith.constant 0 : index
      %swap3A_63 = arith.constant 0 : index
      %swap3A_64 = vector.load %arg2[%swap3A_62, %swap3A_63] : memref<1x1xf32, #tpu.memory_space<vmem>>, vector<1x1xf32>
      tpu.vector_store %arg2[%swap3A_62, %swap3A_63], %broadcast_in_dim3A_61 {strides = array<i32>} : memref<1x1xf32, #tpu.memory_space<vmem>>, vector<1x1xf32>,
    } else {
    }
    %get3A_48 = arith.constant 0 : index
    %get3A_49 = arith.constant 0 : index
    %get3A_50 = vector.load %arg2[%get3A_48, %get3A_49] : memref<1x1xf32, #tpu.memory_space<vmem>>, vector<1x1xf32>
    %reduce_sum3A = vector.shape_cast %neg3A_44 : vector<4000x8xf32> to vector<1x4000x8xf32>
    %reduce_sum3A_51 = arith.constant dense<0.000000e+00> : vector<1xf32>
    %reduce_sum3A_52 = vector.multi_reduction <add>, %reduce_sum3A, %reduce_sum3A_51 [1, 2] : vector<1x4000x8xf32> to vector<1xf32>
    %reduce_sum3A_53 = vector.shape_cast %reduce_sum3A_52 : vector<1xf32> to vector<1x1x1xf32>
    %reduce_sum3A_54 = vector.extract %reduce_sum3A_53[0, 0, 0] : f32 from vector<1x1x1xf32>
    %mul3A = arith.constant 3.125000e-06 : f32
    %mul3A_55 = arith.mulf %reduce_sum3A_54, %mul3A : f32
    %broadcast_in_dim3A_56 = vector.broadcast %mul3A_55 : f32 to vector<1x1xf32>
    %add3A_57 = arith.addf %get3A_50, %broadcast_in_dim3A_56 : vector<1x1xf32>
    %swap3A = arith.constant 0 : index
    %swap3A_58 = arith.constant 0 : index
    %swap3A_59 = vector.load %arg2[%swap3A, %swap3A_58] : memref<1x1xf32, #tpu.memory_space<vmem>>, vector<1x1xf32>
    tpu.vector_store %arg2[%swap3A, %swap3A_58], %add3A_57 {strides = array<i32>} : memref<1x1xf32, #tpu.memory_space<vmem>>, vector<1x1xf32>,
    return
  }
  func.func @transform_0(%arg0: i32) -> (i32, i32) {
    %c0_i32 = arith.constant 0 : i32
    %c0_i32_0 = arith.constant 0 : i32
    return %arg0, %c0_i32 : i32, i32
  }
  func.func @transform_1(%arg0: i32) -> (i32, i32) {
    %c0_i32 = arith.constant 0 : i32
    %c0_i32_0 = arith.constant 0 : i32
    %c0_i32_1 = arith.constant 0 : i32
    return %c0_i32, %c0_i32_0 : i32, i32
  }
}

</mosaic_0001>

<sc_bundles>
// kernel: kernel.5.cloned.1.call-start
scs
__scs_entry_jumppad:
0x0: {  	(pc) =	sbr.rel $0x88, $3  }
0x1: {  	(tag) =	ssettag $0x0;
	lr =	simm.s32 $0x1  }
0x2: {  	[smem:$0x3F9E] =	sst lr;
	_ =	strace $0xD0000000  }
0x3: {  	_ = 	snop  }
0x4: {  	_ = 	snop  }
0x5: {  	_ = 	snop  }
0x6: {  	_ = 	snop  }
0x7: {  	_ = 	snop  }
__scs_overlays_trampoline_lowered:
0x8: {  	[smem:$0x3FAD] =	sst s0  }
0x9: {  	[smem:$0x3FAE] =	sst s1  }
0xa: {  	[smem:$0x3FAF] =	sst s2  }
0xb: {  	[smem:$0x3FB0] =	sst s3  }
0xc: {  	[smem:$0x3FB1] =	sst s4  }
0xd: {  	[smem:$0x3FB2] =	sst s5  }
0xe: {  	[smem:$0x3FB3] =	sst s6  }
0xf: {  	[smem:$0x3FB4] =	sst s7  }
0x10: {  	[smem:$0x3FB5] =	sst s8  }
0x11: {  	[smem:$0x3FB6] =	sst s9;
	s0 =	simm.s32 @!p0 $0x0  }
0x12: {  	s1 =	sld [smem:$0x3F9C];
	s0 =	simm.s32 @p0 $0x1  }
0x13: {  	[smem:$0x3FB7] =	sst s0;
	s0 =	simm.s32 @!p1 $0x0  }
0x14: {  	s2 =	sld [smem:$0x3F9B];
	s0 =	simm.s32 @p1 $0x1  }
0x15: {  	[smem:$0x3FB8] =	sst s0;
	s0 =	simm.s32 @!p2 $0x0  }
0x16: {  	s3 =	sld [smem:$0x3FDB];
	s0 =	simm.s32 @p2 $0x1  }
0x17: {  	s4 =	simm.s32 $0x1BF5;
	[smem:$0x3FBA] =	sst s0  }
0x18: {  	s0 =	sld [smem:$0x3F9D];
	_ =	swait.ge [sflag:s4], $0x0  }
0x19: {  	s7 =	sld [smem:$0x3F9E]  }
0x1a: {  	s8 =	sadd.s32 $0xFFFFE003, lr  }
0x1b: {  	s9 =	sadd.s32 $0xFFFFFEF7, lr;
	s5 =	simm.s32 $0xFFFFFFFF;
	p2 =	slt.u32 s8, $0xFFFFF086  }
0x1c: {  	p1 =	slt.u32 s9, $0xF7A;
	s5 =	simm.s32 @!p2 $0x0  }
0x1d: {  	s5 =	simm.s32 @p1 $0x1;
	p0 =	seq.s32 s7, s2  }
0x1e: {  	s7 =	smul.u32 @!p0 $0xF7A, s2;
	p2 =	seq.s32 @!p0 s5, $0x0  }
0x1f: {  	s9 =	smul.u32 $0xF7A, s1;
	s8 =	simm.s32 @!p0 $0x1BF5;
	p2 =	por !p2, p0  }
0x20: {  	[sflag:s8] =	ssyncset.s32 @!p0 $0xFFFFF086;
	s6 =	sadd.s32 @!p0 s3, s7;
	s7 =	simm.s32 @!p0 $0x108  }
0x21: {  	s3 =	sadd.s32 s3, s9;
	s6 =	sadd.s32 @!p0 $0x88, s6;
	s7 =	simm.s32 @p2 $0x1082  }
0x22: {  	[simem:s7], [sflag:s8] =	dma.local @!p0 [hbm:s6], $0xF7A  }
0x23: {  	s9 =	sor.u32 $0xD0000000, s2;
	s6 =	simm.s32 $0x108;
	_ =	swait.ge @!p0 [sflag:s8], $0x0  }
0x24: {  	s3 =	sadd.s32 $0x88, s3;
	s6 =	simm.s32 @!p1 $0x1082;
	[sflag:s4] =	ssyncset.s32 $0xFFFFF086  }
0x25: {  	[simem:s6], [sflag:s4] =	dma.local [hbm:s3], $0xF7A  }
0x26: {  	[smem:$0x3F9E] =	sst s1;
	(tag) =	ssettag s2;
	_ =	strace s9  }
0x27: {  	s1 =	sld [smem:$0x3FAE]  }
0x28: {  	s2 =	sld [smem:$0x3FAF]  }
0x29: {  	s4 =	sld [smem:$0x3FB1]  }
0x2a: {  	p0 =	seq.s32 s5, $0x0;
	s5 =	sld [smem:$0x3FB2]  }
0x2b: {  	s6 =	sld [smem:$0x3FB3]  }
0x2c: {  	s7 =	sld [smem:$0x3FB4]  }
0x2d: {  	s3 =	simm.s32 $0x108;
	s8 =	sld [smem:$0x3FB5]  }
0x2e: {  	s3 =	simm.s32 @!p0 $0x1082;
	s9 =	sld [smem:$0x3FB6]  }
0x2f: {  	lr =	sadd.s32 s0, s3;
	s0 =	sld [smem:$0x3FAD]  }
0x30: {  	s3 =	sld [smem:$0x3FB0]  }
0x31: {  	[smem:$0x3FB9] =	sst s10  }
0x32: {  	s10 =	sld [smem:$0x3FB7];
	_ =	sdelay $0x3  }
0x33: {  	p0 =	seq.s32 s10, $0x1;
	s10 =	sld [smem:$0x3FB9];
	_ =	sdelay $0x3  }
0x34: {  	[smem:$0x3FB9] =	sst s10  }
0x35: {  	s10 =	sld [smem:$0x3FB8];
	_ =	sdelay $0x3  }
0x36: {  	p1 =	seq.s32 s10, $0x1;
	s10 =	sld [smem:$0x3FB9];
	_ =	sdelay $0x3  }
0x37: {  	[smem:$0x3FB9] =	sst s10  }
0x38: {  	s10 =	sld [smem:$0x3FBA]  }
0x39: {  	_ = 	snop;
	(pc) =	sbr.ind lr, $3  }
0x3a: {  	_ = 	snop  }
0x3b: {  	_ = 	snop  }
0x3c: {  	p2 =	seq.s32 s10, $0x1;
	s10 =	sld [smem:$0x3FB9]  }
0x3d: {  	_ =	shalt  }
0x3e: {  	_ =	shalt  }
0x3f: {  	_ =	shalt  }
0x40: {  	_ =	shalt  }
0x41: {  	_ =	shalt  }
0x42: {  	_ =	shalt  }
0x43: {  	_ =	shalt  }
0x44: {  	_ =	shalt  }
0x45: {  	_ =	shalt  }
0x46: {  	_ =	shalt  }
0x47: {  	_ =	shalt  }
0x48: {  	_ =	shalt  }
0x49: {  	_ =	shalt  }
0x4a: {  	_ =	shalt  }
0x4b: {  	_ =	shalt  }
0x4c: {  	_ =	shalt  }
0x4d: {  	_ =	shalt  }
0x4e: {  	_ =	shalt  }
0x4f: {  	_ =	shalt  }
0x50: {  	_ =	shalt  }
0x51: {  	_ =	shalt  }
0x52: {  	_ =	shalt  }
0x53: {  	_ =	shalt  }
0x54: {  	_ =	shalt  }
0x55: {  	_ =	shalt  }
0x56: {  	_ =	shalt  }
0x57: {  	_ =	shalt  }
0x58: {  	_ =	shalt  }
0x59: {  	_ =	shalt  }
0x5a: {  	_ =	shalt  }
0x5b: {  	_ =	shalt  }
0x5c: {  	_ =	shalt  }
0x5d: {  	_ =	shalt  }
0x5e: {  	_ =	shalt  }
0x5f: {  	_ =	shalt  }
0x60: {  	_ =	shalt  }
0x61: {  	_ =	shalt  }
0x62: {  	_ =	shalt  }
0x63: {  	_ =	shalt  }
0x64: {  	_ =	shalt  }
0x65: {  	_ =	shalt  }
0x66: {  	_ =	shalt  }
0x67: {  	_ =	shalt  }
0x68: {  	_ =	shalt  }
0x69: {  	_ =	shalt  }
0x6a: {  	_ =	shalt  }
0x6b: {  	_ =	shalt  }
0x6c: {  	_ =	shalt  }
0x6d: {  	_ =	shalt  }
0x6e: {  	_ =	shalt  }
0x6f: {  	_ =	shalt  }
0x70: {  	_ =	shalt  }
0x71: {  	_ =	shalt  }
0x72: {  	_ =	shalt  }
0x73: {  	_ =	shalt  }
0x74: {  	_ =	shalt  }
0x75: {  	_ =	shalt  }
0x76: {  	_ =	shalt  }
0x77: {  	_ =	shalt  }
0x78: {  	_ =	shalt  }
0x79: {  	_ =	shalt  }
0x7a: {  	_ =	shalt  }
0x7b: {  	_ =	shalt  }
0x7c: {  	_ =	shalt  }
0x7d: {  	_ =	shalt  }
0x7e: {  	_ =	shalt  }
0x7f: {  	_ =	shalt  }
0x80: {  	_ =	shalt  }
0x81: {  	_ =	shalt  }
0x82: {  	_ =	shalt  }
0x83: {  	_ =	shalt  }
0x84: {  	_ =	shalt  }
0x85: {  	_ =	shalt  }
0x86: {  	_ =	shalt  }
0x87: {  	_ =	shalt  }
.Lfunc_end0:
.L_simem_size_0:
called_computation_lowered:
.L_overlay_start_0:
0x88: {  	s2 =	sld [smem:$0x3FD9]  }
0x89: {  	s3 =	sld [smem:$0x3FFE];
	_ =	sdelay $0x1  }
0x8a: {  	s1 =	srdreg.scid  }
0x8b: {  	s0 =	sand.u32 $0x1, s1  }
0x8c: {  	s16 =	sshll.u32 s0, $0xA;
	s2 =	sadd.s32 s3, s2  }
0x8d: {  	s2 =	sadd.s32 s2, s16  }
0x8e: {  	[smem:$0x3FC5] =	sst s2  }
0x8f: {  	_ = 	snop  }
0x90: {  	(tm) =	ssettm $0x1  }
0x91: {  	s17 =	sld [smem:$0x3FFB];
	_ =	sdelay $0x3  }
0x92: {  	_ =	strace s17  }
0x93: {  	s2 =	sld [smem:$0x3FFC];
	_ =	sdelay $0x3  }
0x94: {  	_ =	strace s2  }
0x95: {  	s2 =	sld [smem:$0x3FFD];
	_ =	sdelay $0x3  }
0x96: {  	_ =	strace s2  }
0x97: {  	_ =	strace $0x8FFFFFFF  }
0x98: {  	s18 =	sld [smem:$0x3FDB];
	_ =	sdelay $0x1  }
0x99: {  	s19 =	simm.s32 $_scs_section_size  }
0x9a: {  	s4 =	simm.s32 $_size__tile_overlayer_lowered;
	s5 =	simm.s32 $_tile_overlayer_lowered  }
0x9b: {  	s22 =	simm.s32 $0x1BFF;
	s21 =	sshll.u32 s5, $0x1;
	s2 =	sadd.s32 s19, s18  }
0x9c: {  	s6 =	simm.s32 $0x0;
	s20 =	sshll.u32 s4, $0x1;
	s4 =	sadd.s32 s21, s2  }
0x9d: {  	[timem:s6], [sflag:s22] =	dma.local [hbm:s4], s20  }
0x9e: {  	_ =	swait.ge [sflag:s22], s20  }
0x9f: {  	s3 =	ssub.s32 $0x0, s20;
	[sflag:s22] =	ssyncset.done $0x0  }
0xa0: {  	[sflag:s22] =	ssyncadd.s32 s3;
	_ =	sdelay $0x1  }
0xa1: {  	s23 =	simm.s32 $0x1B8B  }
0xa2: {  	_ =	swait.ge [sflag:s23], $0x1  }
0xa3: {  	[sflag:s23] =	ssyncset.done $0x0  }
0xa4: {  	s25 =	simm.s32 $0x1B8E;
	s24 =	sld [smem:$0x3FFE];
	[sflag:s23] =	ssyncadd.s32 $0xFFFFFFFF  }
0xa5: {  	s26 =	simm.s32 $execute0_lowered;
	[smem:$0x3FD2] =	sst s25  }
0xa6: {  	s4 =	sshll.u32 s26, $0x1;
	_ =	strace $0x80000046;
	[dreg:$0x1] =	wrdreg $0xFFFFFFFF  }
0xa7: {  	s28 =	simm.s32 $_size_execute0_lowered;
	s2 =	sadd.s32 s2, s4;
	[dreg:$0x0] =	wrdreg $0x0  }
0xa8: {  	s4 =	sshll.u32 s28, $0x1;
	[dreg:$0x2] =	wrdreg s2  }
0xa9: {  	[dreg:$0x3] =	wrdreg s4  }
0xaa: {  	[dreg:$0x4] =	wrdreg $0xC0  }
0xab: {  	_ =	task [dreg:s6], $0x5FFFF  }
0xac: {  	[dreg:$0x1] =	wrdreg $0xFFFFFFFF  }
0xad: {  	[dreg:$0x0] =	wrdreg $0x60  }
0xae: {  	[dreg:$0x2] =	wrdreg s24  }
0xaf: {  	[dreg:$0x3] =	wrdreg $0x9  }
0xb0: {  	_ =	task.clear_ibuf [dreg:s6], $0x4FFFF;
	_ =	strace $0x90000046  }
0xb1: {  	s29 =	simm.s32 $0x9;
	_ =	strace $0x80000048  }
0xb2: {  	_ =	swait.ge [sflag:s29], $0x1  }
0xb3: {  	[sflag:s29] =	ssyncadd.s32 $0xFFFFFFFF  }
0xb4: {  	_ =	strace $0x90000048  }
0xb5: {  	_ =	sfence  }
0xb6: {  	s30 =	sld [smem:$0x0];
	_ =	sdelay $0x2  }
0xb7: {  	s31 =	sshll.u32 s1, $0xD;
	s1 =	sshrl.u32 s1, $0x2  }
0xb8: {  	s3 =	sand.u32 $0x4000, s31;
	s1 =	sadd.s32 s1, s30  }
0xb9: {  	s0 =	sor.u32 s3, s0;
	s1 =	sshll.u32 s1, $0x11  }
0xba: {  	s0 =	sor.u32 s1, s0  }
0xbb: {  	s0 =	sadd.s32 $0x8F2B, s0  }
0xbc: {  	[sflag:s0] =	ssyncadd.remote.s32 $0x1  }
0xbd: {  	_ =	sfence.sel $0xFFFF  }
0xbe: {  	[dreg:$0x0] =	wrdreg $0xFFFFFFFF;
	(pc) =	sbr.abs _section_cstart, $3  }
0xbf: {  	[dreg:$0x1] =	wrdreg $0xFFFFFFFF  }
0xc0: {  	_ =	task.clear_ibuf [dreg:s6], $0x2FFFF;
	_ =	strace $0x9FFFFFFF  }
0xc1: {  	(tm) =	ssettm $0x7FFFFFFF  }
tec
execute0_lowered:
.L_overlay_start_1:
0x0: {  	(tag) =	ssettag $0x1  }
0x1: {  	s0 =	rddreg [dreg:$0x0]  }
0x2: {  	s2 =	simm.s32 $0x0;
	s1 =	srdreg.scid;
	s8 =	stileid.u32  }
0x3: {  	s17 =	simm.s32 $0x80;
	s20 =	simm.s32 $0x1;
	s23 =	simm.s32 $0x3  }
0x4: {  	s24 =	simm.s32 $0x8200;
	s25 =	simm.s32 $0x4;
	s26 =	simm.s32 $0x8A00  }
0x5: {  	s28 =	simm.s32 $0x5;
	s29 =	simm.s32 $0x6;
	s30 =	simm.s32 $0x0  }
0x6: {  	[smem:$0x7FF] =	sst s2;
	s1 =	sand.u32 $0x1, s1;
	s4 =	sshll.u32 s8, $0x1  }
0x7: {  	s3 =	sadd.s32 $0x27C00, s0;
	s5 =	sadd.s32 $0x800, s0;
	s6 =	sadd.s32 $0x14200, s0  }
0x8: {  	p0 =	slt.u32 s8, $0x4;
	s9 =	sadd.s32 $0xA440, s0;
	s4 =	sor.u32 s1, s4  }
0x9: {  	_ =	strace $0x80000047;
	s1 =	ssub.s32 $0x2, s1;
	s7 =	sshll.u32 s4, $0x8  }
.Ltmp0:
0xa: {  	s31 =	sshrl.u32 s1, $0x1;
	s10 =	sshll.u32 s4, $0x4;
	(pc) =	sbr.rel .LBB2_1-.Ltmp0, $4  }
0xb: {  	s15 =	sadd.s32 s7, s0;
	s1 =	ssub.s32 s1, s31;
	s7 =	simm.s32 $0x9D  }
0xc: {  	s8 =	sadd.s32 s5, s10;
	s10 =	sadd.s32 s10, s9;
	s7 =	simm.s32 @!p0 $0x9C  }
0xd: {  	s11 =	sadd.s32 $0x200, s8;
	s12 =	sadd.s32 $0x9E40, s8;
	s15 =	sadd.s32 $0x3B600, s15  }
0xe: {  	s16 =	smax.u32 s1, $0x1;
	s13 =	sadd.s32 $0xFFFFFFFF, s7;
	s14 =	sadd.s32 $0xFFFFFFFE, s7  }
.LBB2_11:
0xf: {  	s30 =	sadd.s32 $0x1, s30  }
0x10: {  	_ =	swait.ge [sflag:s28], $0x800;
	p0 =	sne.s32 s30, s16  }
.Ltmp1:
0x11: {  	[sflag:s28] =	ssyncset.done $0x0;
	(pc) =	sbr.rel @!p0 .LBB2_12-.Ltmp1, $4  }
0x12: {  	[sflag:s28] =	ssyncadd.s32 $0xFFFFF800  }
0x13: {  	_ =	swait.ge [sflag:s29], $0x800  }
0x14: {  	[sflag:s29] =	ssyncset.done $0x0  }
0x15: {  	[sflag:s29] =	ssyncadd.s32 $0xFFFFF800  }
.LBB2_1:
0x16: {  	[tilespmem:s2], [sflag:$0x1] =	stream.linear.gather [hbm4b:s8+s2], $0x80, $0x38;
	[tilespmem:$0x9200] =	vst v63  }
0x17: {  	_ = 	snop  }
0x18: {  	[tilespmem:s17], [sflag:$0x1] =	stream.linear.gather [hbm4b:s10+s2], $0x80, $0x38;
	[tilespmem:$0x9200] =	vst v63  }
0x19: {  	s0 =	simm.s32 $0x100  }
0x1a: {  	[tilespmem:s0], [sflag:$0x2] =	stream.linear.gather [hbm4b:s11+s2], $0x80, $0x38;
	[tilespmem:$0x9200] =	vst v63  }
0x1b: {  	s19 =	simm.s32 $0x180  }
0x1c: {  	[tilespmem:s19], [sflag:$0x2] =	stream.linear.gather [hbm4b:s12+s2], $0x80, $0x38;
	[tilespmem:$0x9200] =	vst v63  }
0x1d: {  	_ =	swait.ge [sflag:s20], $0x80  }
0x1e: {  	[sflag:s20] =	ssyncset.done $0x0  }
0x1f: {  	[sflag:s20] =	ssyncadd.s32 $0xFFFFFF80  }
0x20: {  	_ =	swait.ge [sflag:s20], $0x80  }
.Ltmp2:
0x21: {  	[sflag:s20] =	ssyncset.done $0x0;
	(pc) =	sbr.rel .LBB2_2-.Ltmp2, $4  }
0x22: {  	s21 =	simm.s32 $0x200;
	[sflag:s20] =	ssyncadd.s32 $0xFFFFFF80  }
0x23: {  	[tilespmem:s21], [sflag:$0x3] =	stream.indirect.gather [hbm4b:s3+s17], $0x40, s2, s17, $0xb8;
	[tilespmem:$0x9200] =	vst v63  }
0x24: {  	s22 =	simm.s32 $0x2200;
	s31 =	simm.s32 $0x0  }
0x25: {  	[tilespmem:s22], [sflag:$0x3] =	stream.indirect.gather [hbm4b:s3+s17], $0x40, s17, s17, $0xb8;
	[tilespmem:$0x9200] =	vst v63  }
.LBB2_10:
0x26: {  	s31 =	sadd.s32 $0x1, s31  }
0x27: {  	p0 =	sne.s32 s31, $0x4F  }
.Ltmp3:
0x28: {  	_ = 	snop;
	(pc) =	sbr.rel @!p0 .LBB2_11-.Ltmp3, $1  }
0x29: {  	_ =	sdelay $0x3  }
.LBB2_2:
0x2a: {  	s0 =	sshll.u32 s31, $0x1  }
0x2b: {  	p0 =	sge.u32 s0, s7  }
.Ltmp4:
0x2c: {  	_ = 	snop;
	(pc) =	sbr.rel @p0 .LBB2_6-.Ltmp4, $1  }
0x2d: {  	_ =	sdelay $0x3  }
0x2e: {  	_ =	swait.ge [sflag:s23], $0x2000  }
0x2f: {  	[sflag:s23] =	ssyncset.done $0x0  }
0x30: {  	[sflag:s23] =	ssyncadd.s32 $0xFFFFE000  }
0x31: {  	_ =	swait.ge [sflag:s23], $0x2000  }
0x32: {  	p0 =	sge.u32 s0, s13;
	[sflag:s23] =	ssyncset.done $0x0  }
0x33: {  	s1 =	simm.s32 @!p0 $0x2;
	[sflag:s23] =	ssyncadd.s32 $0xFFFFE000  }
0x34: {  	_ =	swait.ge @!p0 [sflag:s1], $0x80  }
0x35: {  	[sflag:s1] =	ssyncset.done @!p0 $0x0  }
0x36: {  	[sflag:s1] =	ssyncadd.s32 @!p0 $0xFFFFFF80  }
0x37: {  	_ =	swait.ge @!p0 [sflag:s1], $0x80  }
0x38: {  	s18 =	simm.s32 @!p0 $0x100;
	[sflag:s1] =	ssyncset.done @!p0 $0x0  }
0x39: {  	s19 =	simm.s32 @!p0 $0x4200;
	[sflag:s1] =	ssyncadd.s32 @!p0 $0xFFFFFF80;
	s1 =	simm.s32 @!p0 $0x80  }
0x3a: {  	[tilespmem:s19], [sflag:$0x4] =	stream.indirect.gather @!p0 [hbm4b:s3+s1], $0x40, s18, s1, $0xb8;
	[tilespmem:$0x9200] =	vst v63  }
0x3b: {  	s18 =	simm.s32 @!p0 $0x180;
	s19 =	simm.s32 @!p0 $0x6200  }
0x3c: {  	[tilespmem:s19], [sflag:$0x4] =	stream.indirect.gather @!p0 [hbm4b:s3+s1], $0x40, s18, s1, $0xb8;
	[tilespmem:$0x9200] =	vst v63  }
0x3d: {  	s1 =	sadd.s32 $0x2, s0  }
0x3e: {  	p0 =	sge.u32 s1, s7  }
0x3f: {  	s1 =	sshll.u32 @!p0 s1, $0x5  }
0x40: {  	s1 =	sor.u32 @!p0 s4, s1  }
0x41: {  	p2 =	sgt.u32 @!p0 s1, $0x9C3  }
0x42: {  	p1 =	por !p2, p0  }
0x43: {  	s18 =	sshll.u32 @!p1 s1, $0x7  }
0x44: {  	s18 =	sadd.s32 @!p1 $0xFFFB1E00, s18  }
0x45: {  	s18 =	sshrl.u32 @!p1 s18, $0x3  }
0x46: {  	p2 =	por p2, p0;
	s19 =	simm.s32 @!p1 $0x0;
	s18 =	sadd.s32 @!p1 s6, s18  }
0x47: {  	[tilespmem:s19], [sflag:$0x1] =	stream.linear.gather @!p1 [hbm4b:s18+s19], $0x80, $0x38;
	[tilespmem:$0x9200] =	vst v63  }
0x48: {  	s21 =	simm.s32 @!p2 $0x0;
	s18 =	sshll.u32 @!p2 s1, $0x4;
	s1 =	sshll.u32 @!p1 s1, $0x4  }
0x49: {  	s19 =	sadd.s32 @!p2 s5, s18;
	s1 =	sadd.s32 @!p1 s6, s1;
	s18 =	sadd.s32 @!p2 s18, s9  }
0x4a: {  	[tilespmem:s21], [sflag:$0x1] =	stream.linear.gather @!p2 [hbm4b:s19+s21], $0x80, $0x38;
	[tilespmem:$0x9200] =	vst v63  }
0x4b: {  	s1 =	smov.u32 @p1 s18;
	s18 =	simm.s32 @!p0 $0x0;
	s19 =	simm.s32 @!p0 $0x80  }
0x4c: {  	[tilespmem:s19], [sflag:$0x1] =	stream.linear.gather @!p0 [hbm4b:s1+s18], $0x80, $0x38;
	[tilespmem:$0x9200] =	vst v63  }
0x4d: {  	p0 =	seq.s32 s31, $0x0  }
0x4e: {  	s1 =	simm.s32 @!p0 $0x5  }
0x4f: {  	_ =	swait.ge @!p0 [sflag:s1], $0x800  }
0x50: {  	s21 =	simm.s32 $0x8280;
	s18 =	simm.s32 $0x2400;
	[sflag:s1] =	ssyncset.done @!p0 $0x0  }
0x51: {  	s19 =	simm.s32 $0x400;
	[sflag:s1] =	ssyncadd.s32 @!p0 $0xFFFFF800;
	s1 =	simm.s32 $0xFFFFFFFE  }
.LBB2_4:
0x52: {  	v0 =	vld [tilespmem:s19+$0xFFFFFE00]  }
0x53: {  	v1 =	vld [tilespmem:s18+$0xFFFFFE00]  }
0x54: {  	v2 =	vld [tilespmem:s19+$0xFFFFFE10]  }
0x55: {  	v3 =	vld [tilespmem:s18+$0xFFFFFE10]  }
0x56: {  	v4 =	vld [tilespmem:s19+$0xFFFFFE20]  }
0x57: {  	v7 =	vld [tilespmem:s18+$0xFFFFFE20]  }
0x58: {  	v13 =	vld [tilespmem:s19+$0xFFFFFE30]  }
0x59: {  	v9 =	vld [tilespmem:s18+$0xFFFFFE30];
	v5 =	vshll.u32 v0, $0x10;
	v6 =	vshll.u32 v1, $0x10;
	v0 =	vmul.f32 v1, v0  }
0x5a: {  	v14 =	vshll.u32 v2, $0x10;
	v8 =	vshll.u32 v3, $0x10;
	v2 =	vmul.f32 v3, v2  }
0x5b: {  	v5 =	vmul.f32 v6, v5;
	v1 =	vmul.f32 v8, v14  }
0x5c: {  	v15 =	vshll.u32 v4, $0x10;
	v16 =	vshll.u32 v7, $0x10;
	v17 =	vmul.f32 v7, v4  }
0x5d: {  	v0 =	vadd.f32 v5, v0;
	v1 =	vadd.f32 v1, v2;
	v2 =	vmul.f32 v16, v15  }
0x5e: {  	v18 =	vshll.u32 v13, $0x10;
	v19 =	vshll.u32 v9, $0x10;
	v20 =	vmul.f32 v9, v13  }
0x5f: {  	v0 =	vadd.f32 v1, v0;
	v2 =	vadd.f32 v2, v17;
	v1 =	vmul.f32 v19, v18;
	_ =	sdelay $0x1  }
0x60: {  	v0 =	vadd.f32 v2, v0;
	v1 =	vadd.f32 v1, v20;
	_ =	sdelay $0x1  }
0x61: {  	v0 =	vadd.f32 v1, v0;
	_ =	sdelay $0x1  }
0x62: {  	[tilespmem:s21+$0xFFFFFF80] =	vst v0  }
0x63: {  	v0 =	vld [tilespmem:s19+$0xFFFFFE40]  }
0x64: {  	v21 =	vld [tilespmem:s18+$0xFFFFFE40]  }
0x65: {  	v22 =	vld [tilespmem:s19+$0xFFFFFE50]  }
0x66: {  	v23 =	vld [tilespmem:s18+$0xFFFFFE50]  }
0x67: {  	v24 =	vld [tilespmem:s19+$0xFFFFFE60]  }
0x68: {  	v27 =	vld [tilespmem:s18+$0xFFFFFE60]  }
0x69: {  	v28 =	vld [tilespmem:s19+$0xFFFFFE70]  }
0x6a: {  	v31 =	vld [tilespmem:s18+$0xFFFFFE70];
	v25 =	vshll.u32 v0, $0x10;
	v26 =	vshll.u32 v21, $0x10;
	v0 =	vmul.f32 v21, v0  }
0x6b: {  	v29 =	vshll.u32 v22, $0x10;
	v30 =	vshll.u32 v23, $0x10;
	v2 =	vmul.f32 v23, v22  }
0x6c: {  	v5 =	vmul.f32 v26, v25;
	v1 =	vmul.f32 v30, v29  }
0x6d: {  	v32 =	vshll.u32 v24, $0x10;
	v33 =	vshll.u32 v27, $0x10;
	v34 =	vmul.f32 v27, v24  }
0x6e: {  	v0 =	vadd.f32 v5, v0;
	v1 =	vadd.f32 v1, v2;
	v2 =	vmul.f32 v33, v32  }
0x6f: {  	v35 =	vshll.u32 v28, $0x10;
	v36 =	vshll.u32 v31, $0x10;
	v37 =	vmul.f32 v31, v28  }
0x70: {  	v0 =	vadd.f32 v1, v0;
	v2 =	vadd.f32 v2, v34;
	v1 =	vmul.f32 v36, v35;
	_ =	sdelay $0x1  }
0x71: {  	v0 =	vadd.f32 v2, v0;
	v1 =	vadd.f32 v1, v37;
	_ =	sdelay $0x1  }
0x72: {  	v0 =	vadd.f32 v1, v0;
	_ =	sdelay $0x1  }
0x73: {  	[tilespmem:s21+$0xFFFFFF90] =	vst v0  }
0x74: {  	v0 =	vld [tilespmem:s19+$0xFFFFFE80]  }
0x75: {  	v38 =	vld [tilespmem:s18+$0xFFFFFE80]  }
0x76: {  	v39 =	vld [tilespmem:s19+$0xFFFFFE90]  }
0x77: {  	v40 =	vld [tilespmem:s18+$0xFFFFFE90]  }
0x78: {  	v41 =	vld [tilespmem:s19+$0xFFFFFEA0]  }
0x79: {  	v44 =	vld [tilespmem:s18+$0xFFFFFEA0]  }
0x7a: {  	v45 =	vld [tilespmem:s19+$0xFFFFFEB0]  }
0x7b: {  	v48 =	vld [tilespmem:s18+$0xFFFFFEB0];
	v42 =	vshll.u32 v0, $0x10;
	v43 =	vshll.u32 v38, $0x10;
	v0 =	vmul.f32 v38, v0  }
0x7c: {  	v46 =	vshll.u32 v39, $0x10;
	v47 =	vshll.u32 v40, $0x10;
	v2 =	vmul.f32 v40, v39  }
0x7d: {  	v5 =	vmul.f32 v43, v42;
	v1 =	vmul.f32 v47, v46  }
0x7e: {  	v49 =	vshll.u32 v41, $0x10;
	v50 =	vshll.u32 v44, $0x10;
	v51 =	vmul.f32 v44, v41  }
0x7f: {  	v0 =	vadd.f32 v5, v0;
	v1 =	vadd.f32 v1, v2;
	v2 =	vmul.f32 v50, v49  }
0x80: {  	v52 =	vshll.u32 v45, $0x10;
	v53 =	vshll.u32 v48, $0x10;
	v54 =	vmul.f32 v48, v45  }
0x81: {  	v0 =	vadd.f32 v1, v0;
	v2 =	vadd.f32 v2, v51;
	v1 =	vmul.f32 v53, v52;
	_ =	sdelay $0x1  }
0x82: {  	v0 =	vadd.f32 v2, v0;
	v1 =	vadd.f32 v1, v54;
	_ =	sdelay $0x1  }
0x83: {  	v0 =	vadd.f32 v1, v0;
	_ =	sdelay $0x1  }
0x84: {  	[tilespmem:s21+$0xFFFFFFA0] =	vst v0  }
0x85: {  	v0 =	vld [tilespmem:s19+$0xFFFFFEC0]  }
0x86: {  	v55 =	vld [tilespmem:s18+$0xFFFFFEC0]  }
0x87: {  	v56 =	vld [tilespmem:s19+$0xFFFFFED0]  }
0x88: {  	v57 =	vld [tilespmem:s18+$0xFFFFFED0]  }
0x89: {  	v58 =	vld [tilespmem:s19+$0xFFFFFEE0]  }
0x8a: {  	v61 =	vld [tilespmem:s18+$0xFFFFFEE0]  }
0x8b: {  	v62 =	vld [tilespmem:s19+$0xFFFFFEF0]  }
0x8c: {  	v13 =	vld [tilespmem:s18+$0xFFFFFEF0];
	v59 =	vshll.u32 v0, $0x10;
	v60 =	vshll.u32 v55, $0x10;
	v0 =	vmul.f32 v55, v0  }
0x8d: {  	v63 =	vshll.u32 v56, $0x10;
	v12 =	vshll.u32 v57, $0x10;
	v2 =	vmul.f32 v57, v56  }
0x8e: {  	v5 =	vmul.f32 v60, v59;
	v1 =	vmul.f32 v12, v63  }
0x8f: {  	v14 =	vshll.u32 v58, $0x10;
	v15 =	vshll.u32 v61, $0x10;
	v16 =	vmul.f32 v61, v58  }
0x90: {  	v0 =	vadd.f32 v5, v0;
	v1 =	vadd.f32 v1, v2;
	v2 =	vmul.f32 v15, v14  }
0x91: {  	v17 =	vshll.u32 v62, $0x10;
	v18 =	vshll.u32 v13, $0x10;
	v19 =	vmul.f32 v13, v62  }
0x92: {  	v0 =	vadd.f32 v1, v0;
	v2 =	vadd.f32 v2, v16;
	v1 =	vmul.f32 v18, v17;
	_ =	sdelay $0x1  }
0x93: {  	v0 =	vadd.f32 v2, v0;
	v1 =	vadd.f32 v1, v19;
	_ =	sdelay $0x1  }
0x94: {  	v0 =	vadd.f32 v1, v0;
	_ =	sdelay $0x1  }
0x95: {  	[tilespmem:s21+$0xFFFFFFB0] =	vst v0  }
0x96: {  	v0 =	vld [tilespmem:s19+$0xFFFFFF00]  }
0x97: {  	v20 =	vld [tilespmem:s18+$0xFFFFFF00]  }
0x98: {  	v21 =	vld [tilespmem:s19+$0xFFFFFF10]  }
0x99: {  	v22 =	vld [tilespmem:s18+$0xFFFFFF10]  }
0x9a: {  	v23 =	vld [tilespmem:s19+$0xFFFFFF20]  }
0x9b: {  	v26 =	vld [tilespmem:s18+$0xFFFFFF20]  }
0x9c: {  	v27 =	vld [tilespmem:s19+$0xFFFFFF30]  }
0x9d: {  	v30 =	vld [tilespmem:s18+$0xFFFFFF30];
	v24 =	vshll.u32 v0, $0x10;
	v25 =	vshll.u32 v20, $0x10;
	v0 =	vmul.f32 v20, v0  }
0x9e: {  	v28 =	vshll.u32 v21, $0x10;
	v29 =	vshll.u32 v22, $0x10;
	v2 =	vmul.f32 v22, v21  }
0x9f: {  	v5 =	vmul.f32 v25, v24;
	v1 =	vmul.f32 v29, v28  }
0xa0: {  	v31 =	vshll.u32 v23, $0x10;
	v32 =	vshll.u32 v26, $0x10;
	v33 =	vmul.f32 v26, v23  }
0xa1: {  	v0 =	vadd.f32 v5, v0;
	v1 =	vadd.f32 v1, v2;
	v2 =	vmul.f32 v32, v31  }
0xa2: {  	v34 =	vshll.u32 v27, $0x10;
	v35 =	vshll.u32 v30, $0x10;
	v36 =	vmul.f32 v30, v27  }
0xa3: {  	v0 =	vadd.f32 v1, v0;
	v2 =	vadd.f32 v2, v33;
	v1 =	vmul.f32 v35, v34;
	_ =	sdelay $0x1  }
0xa4: {  	v0 =	vadd.f32 v2, v0;
	v1 =	vadd.f32 v1, v36;
	_ =	sdelay $0x1  }
0xa5: {  	v0 =	vadd.f32 v1, v0;
	_ =	sdelay $0x1  }
0xa6: {  	[tilespmem:s21+$0xFFFFFFC0] =	vst v0  }
0xa7: {  	v0 =	vld [tilespmem:s19+$0xFFFFFF40]  }
0xa8: {  	v37 =	vld [tilespmem:s18+$0xFFFFFF40]  }
0xa9: {  	v38 =	vld [tilespmem:s19+$0xFFFFFF50]  }
0xaa: {  	v39 =	vld [tilespmem:s18+$0xFFFFFF50]  }
0xab: {  	v40 =	vld [tilespmem:s19+$0xFFFFFF60]  }
0xac: {  	v43 =	vld [tilespmem:s18+$0xFFFFFF60]  }
0xad: {  	v44 =	vld [tilespmem:s19+$0xFFFFFF70]  }
0xae: {  	v47 =	vld [tilespmem:s18+$0xFFFFFF70];
	v41 =	vshll.u32 v0, $0x10;
	v42 =	vshll.u32 v37, $0x10;
	v0 =	vmul.f32 v37, v0  }
0xaf: {  	v45 =	vshll.u32 v38, $0x10;
	v46 =	vshll.u32 v39, $0x10;
	v2 =	vmul.f32 v39, v38  }
0xb0: {  	v5 =	vmul.f32 v42, v41;
	v1 =	vmul.f32 v46, v45  }
0xb1: {  	v48 =	vshll.u32 v40, $0x10;
	v49 =	vshll.u32 v43, $0x10;
	v50 =	vmul.f32 v43, v40  }
0xb2: {  	v0 =	vadd.f32 v5, v0;
	v1 =	vadd.f32 v1, v2;
	v2 =	vmul.f32 v49, v48  }
0xb3: {  	v51 =	vshll.u32 v44, $0x10;
	v52 =	vshll.u32 v47, $0x10;
	v53 =	vmul.f32 v47, v44  }
0xb4: {  	v0 =	vadd.f32 v1, v0;
	v2 =	vadd.f32 v2, v50;
	v1 =	vmul.f32 v52, v51;
	_ =	sdelay $0x1  }
0xb5: {  	v0 =	vadd.f32 v2, v0;
	v1 =	vadd.f32 v1, v53;
	_ =	sdelay $0x1  }
0xb6: {  	v0 =	vadd.f32 v1, v0;
	_ =	sdelay $0x1  }
0xb7: {  	[tilespmem:s21+$0xFFFFFFD0] =	vst v0  }
0xb8: {  	v0 =	vld [tilespmem:s19+$0xFFFFFF80]  }
0xb9: {  	v54 =	vld [tilespmem:s18+$0xFFFFFF80]  }
0xba: {  	v55 =	vld [tilespmem:s19+$0xFFFFFF90]  }
0xbb: {  	v56 =	vld [tilespmem:s18+$0xFFFFFF90]  }
0xbc: {  	v57 =	vld [tilespmem:s19+$0xFFFFFFA0]  }
0xbd: {  	v60 =	vld [tilespmem:s18+$0xFFFFFFA0]  }
0xbe: {  	v61 =	vld [tilespmem:s19+$0xFFFFFFB0]  }
0xbf: {  	v12 =	vld [tilespmem:s18+$0xFFFFFFB0];
	v58 =	vshll.u32 v0, $0x10;
	v59 =	vshll.u32 v54, $0x10;
	v0 =	vmul.f32 v54, v0  }
0xc0: {  	v62 =	vshll.u32 v55, $0x10;
	v63 =	vshll.u32 v56, $0x10;
	v2 =	vmul.f32 v56, v55  }
0xc1: {  	v5 =	vmul.f32 v59, v58;
	v1 =	vmul.f32 v63, v62  }
0xc2: {  	v13 =	vshll.u32 v57, $0x10;
	v14 =	vshll.u32 v60, $0x10;
	v15 =	vmul.f32 v60, v57  }
0xc3: {  	v0 =	vadd.f32 v5, v0;
	v1 =	vadd.f32 v1, v2;
	v2 =	vmul.f32 v14, v13  }
0xc4: {  	v16 =	vshll.u32 v61, $0x10;
	v17 =	vshll.u32 v12, $0x10;
	v18 =	vmul.f32 v12, v61  }
0xc5: {  	v0 =	vadd.f32 v1, v0;
	v2 =	vadd.f32 v2, v15;
	v1 =	vmul.f32 v17, v16;
	_ =	sdelay $0x1  }
0xc6: {  	v0 =	vadd.f32 v2, v0;
	v1 =	vadd.f32 v1, v18;
	_ =	sdelay $0x1  }
0xc7: {  	v0 =	vadd.f32 v1, v0;
	_ =	sdelay $0x1  }
0xc8: {  	[tilespmem:s21+$0xFFFFFFE0] =	vst v0  }
0xc9: {  	v0 =	vld [tilespmem:s19+$0xFFFFFFC0]  }
0xca: {  	v19 =	vld [tilespmem:s18+$0xFFFFFFC0]  }
0xcb: {  	v20 =	vld [tilespmem:s19+$0xFFFFFFD0]  }
0xcc: {  	v21 =	vld [tilespmem:s18+$0xFFFFFFD0]  }
0xcd: {  	v22 =	vld [tilespmem:s19+$0xFFFFFFE0]  }
0xce: {  	v25 =	vld [tilespmem:s18+$0xFFFFFFE0]  }
0xcf: {  	v26 =	vld [tilespmem:s19+$0xFFFFFFF0]  }
0xd0: {  	v29 =	vld [tilespmem:s18+$0xFFFFFFF0];
	v23 =	vshll.u32 v0, $0x10;
	v24 =	vshll.u32 v19, $0x10;
	v0 =	vmul.f32 v19, v0  }
0xd1: {  	v27 =	vshll.u32 v20, $0x10;
	v28 =	vshll.u32 v21, $0x10;
	v2 =	vmul.f32 v21, v20  }
0xd2: {  	v5 =	vmul.f32 v24, v23;
	v1 =	vmul.f32 v28, v27  }
0xd3: {  	v30 =	vshll.u32 v22, $0x10;
	v31 =	vshll.u32 v25, $0x10;
	v32 =	vmul.f32 v25, v22  }
0xd4: {  	v0 =	vadd.f32 v5, v0;
	v1 =	vadd.f32 v1, v2;
	v2 =	vmul.f32 v31, v30  }
0xd5: {  	v33 =	vshll.u32 v26, $0x10;
	v34 =	vshll.u32 v29, $0x10;
	v35 =	vmul.f32 v29, v26  }
0xd6: {  	v0 =	vadd.f32 v1, v0;
	v2 =	vadd.f32 v2, v32;
	v1 =	vmul.f32 v34, v33;
	_ =	sdelay $0x1  }
0xd7: {  	v0 =	vadd.f32 v2, v0;
	v1 =	vadd.f32 v1, v35;
	_ =	sdelay $0x1  }
0xd8: {  	v0 =	vadd.f32 v1, v0;
	_ =	sdelay $0x1  }
0xd9: {  	[tilespmem:s21+$0xFFFFFFF0] =	vst v0  }
0xda: {  	v0 =	vld [tilespmem:s19+$0x0]  }
0xdb: {  	v36 =	vld [tilespmem:s18+$0x0]  }
0xdc: {  	v37 =	vld [tilespmem:s19+$0x10]  }
0xdd: {  	v38 =	vld [tilespmem:s18+$0x10]  }
0xde: {  	v39 =	vld [tilespmem:s19+$0x20]  }
0xdf: {  	v42 =	vld [tilespmem:s18+$0x20]  }
0xe0: {  	v43 =	vld [tilespmem:s19+$0x30]  }
0xe1: {  	v46 =	vld [tilespmem:s18+$0x30];
	v40 =	vshll.u32 v0, $0x10;
	v41 =	vshll.u32 v36, $0x10;
	v0 =	vmul.f32 v36, v0  }
0xe2: {  	v44 =	vshll.u32 v37, $0x10;
	v45 =	vshll.u32 v38, $0x10;
	v2 =	vmul.f32 v38, v37  }
0xe3: {  	v5 =	vmul.f32 v41, v40;
	v1 =	vmul.f32 v45, v44  }
0xe4: {  	v47 =	vshll.u32 v39, $0x10;
	v48 =	vshll.u32 v42, $0x10;
	v49 =	vmul.f32 v42, v39  }
0xe5: {  	v0 =	vadd.f32 v5, v0;
	v1 =	vadd.f32 v1, v2;
	v2 =	vmul.f32 v48, v47  }
0xe6: {  	v50 =	vshll.u32 v43, $0x10;
	v51 =	vshll.u32 v46, $0x10;
	v52 =	vmul.f32 v46, v43  }
0xe7: {  	v0 =	vadd.f32 v1, v0;
	v2 =	vadd.f32 v2, v49;
	v1 =	vmul.f32 v51, v50;
	_ =	sdelay $0x1  }
0xe8: {  	v0 =	vadd.f32 v2, v0;
	v1 =	vadd.f32 v1, v52;
	_ =	sdelay $0x1  }
0xe9: {  	v0 =	vadd.f32 v1, v0;
	_ =	sdelay $0x1  }
0xea: {  	[tilespmem:s21+$0x0] =	vst v0  }
0xeb: {  	v0 =	vld [tilespmem:s19+$0x40]  }
0xec: {  	v53 =	vld [tilespmem:s18+$0x40]  }
0xed: {  	v54 =	vld [tilespmem:s19+$0x50]  }
0xee: {  	v55 =	vld [tilespmem:s18+$0x50]  }
0xef: {  	v56 =	vld [tilespmem:s19+$0x60]  }
0xf0: {  	v59 =	vld [tilespmem:s18+$0x60]  }
0xf1: {  	v60 =	vld [tilespmem:s19+$0x70]  }
0xf2: {  	v63 =	vld [tilespmem:s18+$0x70];
	v57 =	vshll.u32 v0, $0x10;
	v58 =	vshll.u32 v53, $0x10;
	v0 =	vmul.f32 v53, v0  }
0xf3: {  	v61 =	vshll.u32 v54, $0x10;
	v62 =	vshll.u32 v55, $0x10;
	v2 =	vmul.f32 v55, v54  }
0xf4: {  	v5 =	vmul.f32 v58, v57;
	v1 =	vmul.f32 v62, v61  }
0xf5: {  	v11 =	vshll.u32 v56, $0x10;
	v12 =	vshll.u32 v59, $0x10;
	v13 =	vmul.f32 v59, v56  }
0xf6: {  	v0 =	vadd.f32 v5, v0;
	v1 =	vadd.f32 v1, v2;
	v2 =	vmul.f32 v12, v11  }
0xf7: {  	v14 =	vshll.u32 v60, $0x10;
	v15 =	vshll.u32 v63, $0x10;
	v16 =	vmul.f32 v63, v60  }
0xf8: {  	v0 =	vadd.f32 v1, v0;
	v2 =	vadd.f32 v2, v13;
	v1 =	vmul.f32 v15, v14;
	_ =	sdelay $0x1  }
0xf9: {  	v0 =	vadd.f32 v2, v0;
	v1 =	vadd.f32 v1, v16;
	_ =	sdelay $0x1  }
0xfa: {  	v0 =	vadd.f32 v1, v0;
	_ =	sdelay $0x1  }
0xfb: {  	[tilespmem:s21+$0x10] =	vst v0  }
0xfc: {  	v0 =	vld [tilespmem:s19+$0x80]  }
0xfd: {  	v17 =	vld [tilespmem:s18+$0x80]  }
0xfe: {  	v18 =	vld [tilespmem:s19+$0x90]  }
0xff: {  	v19 =	vld [tilespmem:s18+$0x90]  }
0x100: {  	v20 =	vld [tilespmem:s19+$0xA0]  }
0x101: {  	v23 =	vld [tilespmem:s18+$0xA0]  }
0x102: {  	v24 =	vld [tilespmem:s19+$0xB0]  }
0x103: {  	v27 =	vld [tilespmem:s18+$0xB0];
	v21 =	vshll.u32 v0, $0x10;
	v22 =	vshll.u32 v17, $0x10;
	v0 =	vmul.f32 v17, v0  }
0x104: {  	v25 =	vshll.u32 v18, $0x10;
	v26 =	vshll.u32 v19, $0x10;
	v2 =	vmul.f32 v19, v18  }
0x105: {  	v5 =	vmul.f32 v22, v21;
	v1 =	vmul.f32 v26, v25  }
0x106: {  	v28 =	vshll.u32 v20, $0x10;
	v29 =	vshll.u32 v23, $0x10;
	v30 =	vmul.f32 v23, v20  }
0x107: {  	v0 =	vadd.f32 v5, v0;
	v1 =	vadd.f32 v1, v2;
	v2 =	vmul.f32 v29, v28  }
0x108: {  	v31 =	vshll.u32 v24, $0x10;
	v32 =	vshll.u32 v27, $0x10;
	v33 =	vmul.f32 v27, v24  }
0x109: {  	v0 =	vadd.f32 v1, v0;
	v2 =	vadd.f32 v2, v30;
	v1 =	vmul.f32 v32, v31;
	_ =	sdelay $0x1  }
0x10a: {  	v0 =	vadd.f32 v2, v0;
	v1 =	vadd.f32 v1, v33;
	_ =	sdelay $0x1  }
0x10b: {  	v0 =	vadd.f32 v1, v0;
	_ =	sdelay $0x1  }
0x10c: {  	[tilespmem:s21+$0x20] =	vst v0  }
0x10d: {  	v0 =	vld [tilespmem:s19+$0xC0]  }
0x10e: {  	v34 =	vld [tilespmem:s18+$0xC0]  }
0x10f: {  	v35 =	vld [tilespmem:s19+$0xD0]  }
0x110: {  	v36 =	vld [tilespmem:s18+$0xD0]  }
0x111: {  	v37 =	vld [tilespmem:s19+$0xE0]  }
0x112: {  	v40 =	vld [tilespmem:s18+$0xE0]  }
0x113: {  	v41 =	vld [tilespmem:s19+$0xF0]  }
0x114: {  	v44 =	vld [tilespmem:s18+$0xF0];
	v38 =	vshll.u32 v0, $0x10;
	v39 =	vshll.u32 v34, $0x10;
	v0 =	vmul.f32 v34, v0  }
0x115: {  	v42 =	vshll.u32 v35, $0x10;
	v43 =	vshll.u32 v36, $0x10;
	v2 =	vmul.f32 v36, v35  }
0x116: {  	v5 =	vmul.f32 v39, v38;
	v1 =	vmul.f32 v43, v42  }
0x117: {  	v45 =	vshll.u32 v37, $0x10;
	v46 =	vshll.u32 v40, $0x10;
	v47 =	vmul.f32 v40, v37  }
0x118: {  	v0 =	vadd.f32 v5, v0;
	v1 =	vadd.f32 v1, v2;
	v2 =	vmul.f32 v46, v45  }
0x119: {  	v48 =	vshll.u32 v41, $0x10;
	v49 =	vshll.u32 v44, $0x10;
	v50 =	vmul.f32 v44, v41  }
0x11a: {  	v0 =	vadd.f32 v1, v0;
	v2 =	vadd.f32 v2, v47;
	v1 =	vmul.f32 v49, v48;
	_ =	sdelay $0x1  }
0x11b: {  	v0 =	vadd.f32 v2, v0;
	v1 =	vadd.f32 v1, v50;
	_ =	sdelay $0x1  }
0x11c: {  	v0 =	vadd.f32 v1, v0;
	_ =	sdelay $0x1  }
0x11d: {  	[tilespmem:s21+$0x30] =	vst v0  }
0x11e: {  	v0 =	vld [tilespmem:s19+$0x100]  }
0x11f: {  	v51 =	vld [tilespmem:s18+$0x100]  }
0x120: {  	v52 =	vld [tilespmem:s19+$0x110]  }
0x121: {  	v53 =	vld [tilespmem:s18+$0x110]  }
0x122: {  	v54 =	vld [tilespmem:s19+$0x120]  }
0x123: {  	v57 =	vld [tilespmem:s18+$0x120]  }
0x124: {  	v58 =	vld [tilespmem:s19+$0x130]  }
0x125: {  	v61 =	vld [tilespmem:s18+$0x130];
	v55 =	vshll.u32 v0, $0x10;
	v56 =	vshll.u32 v51, $0x10;
	v0 =	vmul.f32 v51, v0  }
0x126: {  	v59 =	vshll.u32 v52, $0x10;
	v60 =	vshll.u32 v53, $0x10;
	v2 =	vmul.f32 v53, v52  }
0x127: {  	v5 =	vmul.f32 v56, v55;
	v1 =	vmul.f32 v60, v59  }
0x128: {  	v62 =	vshll.u32 v54, $0x10;
	v63 =	vshll.u32 v57, $0x10;
	v8 =	vmul.f32 v57, v54  }
0x129: {  	v0 =	vadd.f32 v5, v0;
	v1 =	vadd.f32 v1, v2;
	v2 =	vmul.f32 v63, v62  }
0x12a: {  	v10 =	vshll.u32 v58, $0x10;
	v11 =	vshll.u32 v61, $0x10;
	v12 =	vmul.f32 v61, v58  }
0x12b: {  	v0 =	vadd.f32 v1, v0;
	v2 =	vadd.f32 v2, v8;
	v1 =	vmul.f32 v11, v10;
	_ =	sdelay $0x1  }
0x12c: {  	v0 =	vadd.f32 v2, v0;
	v1 =	vadd.f32 v1, v12;
	_ =	sdelay $0x1  }
0x12d: {  	v0 =	vadd.f32 v1, v0;
	_ =	sdelay $0x1  }
0x12e: {  	[tilespmem:s21+$0x40] =	vst v0  }
0x12f: {  	v0 =	vld [tilespmem:s19+$0x140]  }
0x130: {  	v13 =	vld [tilespmem:s18+$0x140]  }
0x131: {  	v14 =	vld [tilespmem:s19+$0x150]  }
0x132: {  	v15 =	vld [tilespmem:s18+$0x150]  }
0x133: {  	v16 =	vld [tilespmem:s19+$0x160]  }
0x134: {  	v19 =	vld [tilespmem:s18+$0x160]  }
0x135: {  	v20 =	vld [tilespmem:s19+$0x170]  }
0x136: {  	v23 =	vld [tilespmem:s18+$0x170];
	v17 =	vshll.u32 v0, $0x10;
	v18 =	vshll.u32 v13, $0x10;
	v0 =	vmul.f32 v13, v0  }
0x137: {  	v21 =	vshll.u32 v14, $0x10;
	v22 =	vshll.u32 v15, $0x10;
	v2 =	vmul.f32 v15, v14  }
0x138: {  	v5 =	vmul.f32 v18, v17;
	v1 =	vmul.f32 v22, v21  }
0x139: {  	v24 =	vshll.u32 v16, $0x10;
	v25 =	vshll.u32 v19, $0x10;
	v26 =	vmul.f32 v19, v16  }
0x13a: {  	v0 =	vadd.f32 v5, v0;
	v1 =	vadd.f32 v1, v2;
	v2 =	vmul.f32 v25, v24  }
0x13b: {  	v27 =	vshll.u32 v20, $0x10;
	v28 =	vshll.u32 v23, $0x10;
	v29 =	vmul.f32 v23, v20  }
0x13c: {  	v0 =	vadd.f32 v1, v0;
	v2 =	vadd.f32 v2, v26;
	v1 =	vmul.f32 v28, v27;
	_ =	sdelay $0x1  }
0x13d: {  	v0 =	vadd.f32 v2, v0;
	v1 =	vadd.f32 v1, v29;
	_ =	sdelay $0x1  }
0x13e: {  	v0 =	vadd.f32 v1, v0;
	_ =	sdelay $0x1  }
0x13f: {  	[tilespmem:s21+$0x50] =	vst v0  }
0x140: {  	v0 =	vld [tilespmem:s19+$0x180]  }
0x141: {  	v30 =	vld [tilespmem:s18+$0x180]  }
0x142: {  	v31 =	vld [tilespmem:s19+$0x190]  }
0x143: {  	v32 =	vld [tilespmem:s18+$0x190]  }
0x144: {  	v33 =	vld [tilespmem:s19+$0x1A0]  }
0x145: {  	v36 =	vld [tilespmem:s18+$0x1A0]  }
0x146: {  	v37 =	vld [tilespmem:s19+$0x1B0]  }
0x147: {  	v40 =	vld [tilespmem:s18+$0x1B0];
	v34 =	vshll.u32 v0, $0x10;
	v35 =	vshll.u32 v30, $0x10;
	v0 =	vmul.f32 v30, v0  }
0x148: {  	v38 =	vshll.u32 v31, $0x10;
	v39 =	vshll.u32 v32, $0x10;
	v2 =	vmul.f32 v32, v31  }
0x149: {  	v5 =	vmul.f32 v35, v34;
	v1 =	vmul.f32 v39, v38  }
0x14a: {  	v41 =	vshll.u32 v33, $0x10;
	v42 =	vshll.u32 v36, $0x10;
	v43 =	vmul.f32 v36, v33  }
0x14b: {  	v0 =	vadd.f32 v5, v0;
	v1 =	vadd.f32 v1, v2;
	v2 =	vmul.f32 v42, v41  }
0x14c: {  	v44 =	vshll.u32 v37, $0x10;
	v45 =	vshll.u32 v40, $0x10;
	v46 =	vmul.f32 v40, v37  }
0x14d: {  	v0 =	vadd.f32 v1, v0;
	v2 =	vadd.f32 v2, v43;
	v1 =	vmul.f32 v45, v44;
	_ =	sdelay $0x1  }
0x14e: {  	v0 =	vadd.f32 v2, v0;
	v1 =	vadd.f32 v1, v46;
	_ =	sdelay $0x1  }
0x14f: {  	v0 =	vadd.f32 v1, v0;
	_ =	sdelay $0x1  }
0x150: {  	[tilespmem:s21+$0x60] =	vst v0  }
0x151: {  	v0 =	vld [tilespmem:s19+$0x1C0]  }
0x152: {  	v47 =	vld [tilespmem:s18+$0x1C0]  }
0x153: {  	v48 =	vld [tilespmem:s19+$0x1D0]  }
0x154: {  	v49 =	vld [tilespmem:s18+$0x1D0]  }
0x155: {  	v50 =	vld [tilespmem:s19+$0x1E0]  }
0x156: {  	v53 =	vld [tilespmem:s18+$0x1E0]  }
0x157: {  	v54 =	vld [tilespmem:s19+$0x1F0]  }
0x158: {  	v57 =	vld [tilespmem:s18+$0x1F0];
	v51 =	vshll.u32 v0, $0x10;
	v52 =	vshll.u32 v47, $0x10;
	v0 =	vmul.f32 v47, v0  }
0x159: {  	v55 =	vshll.u32 v48, $0x10;
	v56 =	vshll.u32 v49, $0x10;
	v2 =	vmul.f32 v49, v48  }
0x15a: {  	v5 =	vmul.f32 v52, v51;
	v1 =	vmul.f32 v56, v55  }
0x15b: {  	v58 =	vshll.u32 v50, $0x10;
	v59 =	vshll.u32 v53, $0x10;
	v60 =	vmul.f32 v53, v50  }
0x15c: {  	v0 =	vadd.f32 v5, v0;
	v1 =	vadd.f32 v1, v2;
	v2 =	vmul.f32 v59, v58  }
0x15d: {  	v61 =	vshll.u32 v54, $0x10;
	v62 =	vshll.u32 v57, $0x10;
	v63 =	vmul.f32 v57, v54  }
0x15e: {  	s1 =	sadd.s32 $0x2, s1;
	v0 =	vadd.f32 v1, v0;
	v2 =	vadd.f32 v2, v60;
	v1 =	vmul.f32 v62, v61  }
0x15f: {  	p0 =	slt.u32 s1, $0xE  }
.Ltmp5:
0x160: {  	v0 =	vadd.f32 v2, v0;
	v1 =	vadd.f32 v1, v63;
	(pc) =	sbr.rel @p0 .LBB2_4-.Ltmp5, $3  }
0x161: {  	_ = 	snop  }
0x162: {  	v0 =	vadd.f32 v1, v0;
	_ =	sdelay $0x1  }
0x163: {  	s18 =	sadd.s32 $0x400, s18;
	s19 =	sadd.s32 $0x400, s19;
	[tilespmem:s21+$0x70] =	vst v0;
	s21 =	sadd.s32 $0x100, s21  }
0x164: {  	s1 =	sshll.u32 s31, $0xE  }
0x165: {  	s1 =	sadd.s32 s1, s15  }
0x166: {  	[hbm4b:s1+s2] =	stream.linear.scatter [tilespmem:s24], [sflag:$0x5], $0x800, $0x38;
	[tilespmem:$0x9200] =	vst v63  }
.LBB2_6:
0x167: {  	s1 =	sor.u32 $0x1, s0  }
0x168: {  	p0 =	sge.u32 s1, s7  }
.Ltmp6:
0x169: {  	_ = 	snop;
	(pc) =	sbr.rel @p0 .LBB2_10-.Ltmp6, $1  }
0x16a: {  	_ =	sdelay $0x3  }
0x16b: {  	_ =	swait.ge [sflag:s25], $0x2000  }
0x16c: {  	[sflag:s25] =	ssyncset.done $0x0  }
0x16d: {  	[sflag:s25] =	ssyncadd.s32 $0xFFFFE000  }
0x16e: {  	_ =	swait.ge [sflag:s25], $0x2000  }
0x16f: {  	p0 =	sge.u32 s0, s14;
	[sflag:s25] =	ssyncset.done $0x0  }
0x170: {  	s18 =	simm.s32 @!p0 $0x1;
	[sflag:s25] =	ssyncadd.s32 $0xFFFFE000  }
0x171: {  	_ =	swait.ge @!p0 [sflag:s18], $0x80  }
0x172: {  	[sflag:s18] =	ssyncset.done @!p0 $0x0  }
0x173: {  	[sflag:s18] =	ssyncadd.s32 @!p0 $0xFFFFFF80  }
0x174: {  	_ =	swait.ge @!p0 [sflag:s18], $0x80  }
0x175: {  	s19 =	simm.s32 @!p0 $0x0;
	[sflag:s18] =	ssyncset.done @!p0 $0x0  }
0x176: {  	s21 =	simm.s32 @!p0 $0x200;
	[sflag:s18] =	ssyncadd.s32 @!p0 $0xFFFFFF80;
	s18 =	simm.s32 @!p0 $0x80  }
0x177: {  	[tilespmem:s21], [sflag:$0x3] =	stream.indirect.gather @!p0 [hbm4b:s3+s18], $0x40, s19, s18, $0xb8;
	[tilespmem:$0x9200] =	vst v63  }
0x178: {  	s0 =	sadd.s32 $0x3, s0;
	s19 =	simm.s32 @!p0 $0x2200  }
0x179: {  	[tilespmem:s19], [sflag:$0x3] =	stream.indirect.gather @!p0 [hbm4b:s3+s18], $0x40, s18, s18, $0xb8;
	[tilespmem:$0x9200] =	vst v63  }
0x17a: {  	p0 =	sge.u32 s0, s7  }
0x17b: {  	s0 =	sshll.u32 @!p0 s0, $0x5  }
0x17c: {  	s0 =	sor.u32 @!p0 s4, s0  }
0x17d: {  	p2 =	sgt.u32 @!p0 s0, $0x9C3  }
0x17e: {  	p1 =	por !p2, p0  }
0x17f: {  	s18 =	sshll.u32 @!p1 s0, $0x7  }
0x180: {  	s18 =	sadd.s32 @!p1 $0xFFFB1E00, s18  }
0x181: {  	p2 =	por p2, p0;
	s19 =	simm.s32 @!p1 $0x0;
	s18 =	sshrl.u32 @!p1 s18, $0x3  }
0x182: {  	s21 =	simm.s32 @!p1 $0x100;
	s22 =	simm.s32 @!p2 $0x100;
	s18 =	sadd.s32 @!p1 s6, s18  }
0x183: {  	[tilespmem:s21], [sflag:$0x2] =	stream.linear.gather @!p1 [hbm4b:s18+s19], $0x80, $0x38;
	[tilespmem:$0x9200] =	vst v63  }
0x184: {  	s18 =	sshll.u32 @!p1 s0, $0x4;
	s0 =	sshll.u32 @!p2 s0, $0x4;
	s21 =	simm.s32 @!p2 $0x0  }
0x185: {  	s19 =	sadd.s32 @!p2 s5, s0;
	s18 =	sadd.s32 @!p1 s6, s18;
	s0 =	sadd.s32 @!p2 s0, s9  }
0x186: {  	[tilespmem:s22], [sflag:$0x2] =	stream.linear.gather @!p2 [hbm4b:s19+s21], $0x80, $0x38;
	[tilespmem:$0x9200] =	vst v63  }
0x187: {  	s18 =	smov.u32 @p1 s0;
	s0 =	simm.s32 @!p0 $0x0;
	s19 =	simm.s32 @!p0 $0x180  }
0x188: {  	[tilespmem:s19], [sflag:$0x2] =	stream.linear.gather @!p0 [hbm4b:s18+s0], $0x80, $0x38;
	[tilespmem:$0x9200] =	vst v63  }
0x189: {  	p0 =	seq.s32 s31, $0x0  }
0x18a: {  	s0 =	simm.s32 @!p0 $0x6  }
0x18b: {  	_ =	swait.ge @!p0 [sflag:s0], $0x800  }
0x18c: {  	s21 =	simm.s32 $0x8A80;
	s18 =	simm.s32 $0x6400;
	[sflag:s0] =	ssyncset.done @!p0 $0x0  }
0x18d: {  	s19 =	simm.s32 $0x4400;
	[sflag:s0] =	ssyncadd.s32 @!p0 $0xFFFFF800;
	s0 =	simm.s32 $0xFFFFFFFE  }
.LBB2_8:
0x18e: {  	v0 =	vld [tilespmem:s19+$0xFFFFFE00]  }
0x18f: {  	v1 =	vld [tilespmem:s18+$0xFFFFFE00]  }
0x190: {  	v2 =	vld [tilespmem:s19+$0xFFFFFE10]  }
0x191: {  	v3 =	vld [tilespmem:s18+$0xFFFFFE10]  }
0x192: {  	v4 =	vld [tilespmem:s19+$0xFFFFFE20]  }
0x193: {  	v7 =	vld [tilespmem:s18+$0xFFFFFE20]  }
0x194: {  	v13 =	vld [tilespmem:s19+$0xFFFFFE30]  }
0x195: {  	v9 =	vld [tilespmem:s18+$0xFFFFFE30];
	v5 =	vshll.u32 v0, $0x10;
	v6 =	vshll.u32 v1, $0x10;
	v0 =	vmul.f32 v1, v0  }
0x196: {  	v14 =	vshll.u32 v2, $0x10;
	v8 =	vshll.u32 v3, $0x10;
	v2 =	vmul.f32 v3, v2  }
0x197: {  	v5 =	vmul.f32 v6, v5;
	v1 =	vmul.f32 v8, v14  }
0x198: {  	v15 =	vshll.u32 v4, $0x10;
	v16 =	vshll.u32 v7, $0x10;
	v17 =	vmul.f32 v7, v4  }
0x199: {  	v0 =	vadd.f32 v5, v0;
	v1 =	vadd.f32 v1, v2;
	v2 =	vmul.f32 v16, v15  }
0x19a: {  	v18 =	vshll.u32 v13, $0x10;
	v19 =	vshll.u32 v9, $0x10;
	v20 =	vmul.f32 v9, v13  }
0x19b: {  	v0 =	vadd.f32 v1, v0;
	v2 =	vadd.f32 v2, v17;
	v1 =	vmul.f32 v19, v18;
	_ =	sdelay $0x1  }
0x19c: {  	v0 =	vadd.f32 v2, v0;
	v1 =	vadd.f32 v1, v20;
	_ =	sdelay $0x1  }
0x19d: {  	v0 =	vadd.f32 v1, v0;
	_ =	sdelay $0x1  }
0x19e: {  	[tilespmem:s21+$0xFFFFFF80] =	vst v0  }
0x19f: {  	v0 =	vld [tilespmem:s19+$0xFFFFFE40]  }
0x1a0: {  	v21 =	vld [tilespmem:s18+$0xFFFFFE40]  }
0x1a1: {  	v22 =	vld [tilespmem:s19+$0xFFFFFE50]  }
0x1a2: {  	v23 =	vld [tilespmem:s18+$0xFFFFFE50]  }
0x1a3: {  	v24 =	vld [tilespmem:s19+$0xFFFFFE60]  }
0x1a4: {  	v27 =	vld [tilespmem:s18+$0xFFFFFE60]  }
0x1a5: {  	v28 =	vld [tilespmem:s19+$0xFFFFFE70]  }
0x1a6: {  	v31 =	vld [tilespmem:s18+$0xFFFFFE70];
	v25 =	vshll.u32 v0, $0x10;
	v26 =	vshll.u32 v21, $0x10;
	v0 =	vmul.f32 v21, v0  }
0x1a7: {  	v29 =	vshll.u32 v22, $0x10;
	v30 =	vshll.u32 v23, $0x10;
	v2 =	vmul.f32 v23, v22  }
0x1a8: {  	v5 =	vmul.f32 v26, v25;
	v1 =	vmul.f32 v30, v29  }
0x1a9: {  	v32 =	vshll.u32 v24, $0x10;
	v33 =	vshll.u32 v27, $0x10;
	v34 =	vmul.f32 v27, v24  }
0x1aa: {  	v0 =	vadd.f32 v5, v0;
	v1 =	vadd.f32 v1, v2;
	v2 =	vmul.f32 v33, v32  }
0x1ab: {  	v35 =	vshll.u32 v28, $0x10;
	v36 =	vshll.u32 v31, $0x10;
	v37 =	vmul.f32 v31, v28  }
0x1ac: {  	v0 =	vadd.f32 v1, v0;
	v2 =	vadd.f32 v2, v34;
	v1 =	vmul.f32 v36, v35;
	_ =	sdelay $0x1  }
0x1ad: {  	v0 =	vadd.f32 v2, v0;
	v1 =	vadd.f32 v1, v37;
	_ =	sdelay $0x1  }
0x1ae: {  	v0 =	vadd.f32 v1, v0;
	_ =	sdelay $0x1  }
0x1af: {  	[tilespmem:s21+$0xFFFFFF90] =	vst v0  }
0x1b0: {  	v0 =	vld [tilespmem:s19+$0xFFFFFE80]  }
0x1b1: {  	v38 =	vld [tilespmem:s18+$0xFFFFFE80]  }
0x1b2: {  	v39 =	vld [tilespmem:s19+$0xFFFFFE90]  }
0x1b3: {  	v40 =	vld [tilespmem:s18+$0xFFFFFE90]  }
0x1b4: {  	v41 =	vld [tilespmem:s19+$0xFFFFFEA0]  }
0x1b5: {  	v44 =	vld [tilespmem:s18+$0xFFFFFEA0]  }
0x1b6: {  	v45 =	vld [tilespmem:s19+$0xFFFFFEB0]  }
0x1b7: {  	v48 =	vld [tilespmem:s18+$0xFFFFFEB0];
	v42 =	vshll.u32 v0, $0x10;
	v43 =	vshll.u32 v38, $0x10;
	v0 =	vmul.f32 v38, v0  }
0x1b8: {  	v46 =	vshll.u32 v39, $0x10;
	v47 =	vshll.u32 v40, $0x10;
	v2 =	vmul.f32 v40, v39  }
0x1b9: {  	v5 =	vmul.f32 v43, v42;
	v1 =	vmul.f32 v47, v46  }
0x1ba: {  	v49 =	vshll.u32 v41, $0x10;
	v50 =	vshll.u32 v44, $0x10;
	v51 =	vmul.f32 v44, v41  }
0x1bb: {  	v0 =	vadd.f32 v5, v0;
	v1 =	vadd.f32 v1, v2;
	v2 =	vmul.f32 v50, v49  }
0x1bc: {  	v52 =	vshll.u32 v45, $0x10;
	v53 =	vshll.u32 v48, $0x10;
	v54 =	vmul.f32 v48, v45  }
0x1bd: {  	v0 =	vadd.f32 v1, v0;
	v2 =	vadd.f32 v2, v51;
	v1 =	vmul.f32 v53, v52;
	_ =	sdelay $0x1  }
0x1be: {  	v0 =	vadd.f32 v2, v0;
	v1 =	vadd.f32 v1, v54;
	_ =	sdelay $0x1  }
0x1bf: {  	v0 =	vadd.f32 v1, v0;
	_ =	sdelay $0x1  }
0x1c0: {  	[tilespmem:s21+$0xFFFFFFA0] =	vst v0  }
0x1c1: {  	v0 =	vld [tilespmem:s19+$0xFFFFFEC0]  }
0x1c2: {  	v55 =	vld [tilespmem:s18+$0xFFFFFEC0]  }
0x1c3: {  	v56 =	vld [tilespmem:s19+$0xFFFFFED0]  }
0x1c4: {  	v57 =	vld [tilespmem:s18+$0xFFFFFED0]  }
0x1c5: {  	v58 =	vld [tilespmem:s19+$0xFFFFFEE0]  }
0x1c6: {  	v61 =	vld [tilespmem:s18+$0xFFFFFEE0]  }
0x1c7: {  	v62 =	vld [tilespmem:s19+$0xFFFFFEF0]  }
0x1c8: {  	v13 =	vld [tilespmem:s18+$0xFFFFFEF0];
	v59 =	vshll.u32 v0, $0x10;
	v60 =	vshll.u32 v55, $0x10;
	v0 =	vmul.f32 v55, v0  }
0x1c9: {  	v63 =	vshll.u32 v56, $0x10;
	v12 =	vshll.u32 v57, $0x10;
	v2 =	vmul.f32 v57, v56  }
0x1ca: {  	v5 =	vmul.f32 v60, v59;
	v1 =	vmul.f32 v12, v63  }
0x1cb: {  	v14 =	vshll.u32 v58, $0x10;
	v15 =	vshll.u32 v61, $0x10;
	v16 =	vmul.f32 v61, v58  }
0x1cc: {  	v0 =	vadd.f32 v5, v0;
	v1 =	vadd.f32 v1, v2;
	v2 =	vmul.f32 v15, v14  }
0x1cd: {  	v17 =	vshll.u32 v62, $0x10;
	v18 =	vshll.u32 v13, $0x10;
	v19 =	vmul.f32 v13, v62  }
0x1ce: {  	v0 =	vadd.f32 v1, v0;
	v2 =	vadd.f32 v2, v16;
	v1 =	vmul.f32 v18, v17;
	_ =	sdelay $0x1  }
0x1cf: {  	v0 =	vadd.f32 v2, v0;
	v1 =	vadd.f32 v1, v19;
	_ =	sdelay $0x1  }
0x1d0: {  	v0 =	vadd.f32 v1, v0;
	_ =	sdelay $0x1  }
0x1d1: {  	[tilespmem:s21+$0xFFFFFFB0] =	vst v0  }
0x1d2: {  	v0 =	vld [tilespmem:s19+$0xFFFFFF00]  }
0x1d3: {  	v20 =	vld [tilespmem:s18+$0xFFFFFF00]  }
0x1d4: {  	v21 =	vld [tilespmem:s19+$0xFFFFFF10]  }
0x1d5: {  	v22 =	vld [tilespmem:s18+$0xFFFFFF10]  }
0x1d6: {  	v23 =	vld [tilespmem:s19+$0xFFFFFF20]  }
0x1d7: {  	v26 =	vld [tilespmem:s18+$0xFFFFFF20]  }
0x1d8: {  	v27 =	vld [tilespmem:s19+$0xFFFFFF30]  }
0x1d9: {  	v30 =	vld [tilespmem:s18+$0xFFFFFF30];
	v24 =	vshll.u32 v0, $0x10;
	v25 =	vshll.u32 v20, $0x10;
	v0 =	vmul.f32 v20, v0  }
0x1da: {  	v28 =	vshll.u32 v21, $0x10;
	v29 =	vshll.u32 v22, $0x10;
	v2 =	vmul.f32 v22, v21  }
0x1db: {  	v5 =	vmul.f32 v25, v24;
	v1 =	vmul.f32 v29, v28  }
0x1dc: {  	v31 =	vshll.u32 v23, $0x10;
	v32 =	vshll.u32 v26, $0x10;
	v33 =	vmul.f32 v26, v23  }
0x1dd: {  	v0 =	vadd.f32 v5, v0;
	v1 =	vadd.f32 v1, v2;
	v2 =	vmul.f32 v32, v31  }
0x1de: {  	v34 =	vshll.u32 v27, $0x10;
	v35 =	vshll.u32 v30, $0x10;
	v36 =	vmul.f32 v30, v27  }
0x1df: {  	v0 =	vadd.f32 v1, v0;
	v2 =	vadd.f32 v2, v33;
	v1 =	vmul.f32 v35, v34;
	_ =	sdelay $0x1  }
0x1e0: {  	v0 =	vadd.f32 v2, v0;
	v1 =	vadd.f32 v1, v36;
	_ =	sdelay $0x1  }
0x1e1: {  	v0 =	vadd.f32 v1, v0;
	_ =	sdelay $0x1  }
0x1e2: {  	[tilespmem:s21+$0xFFFFFFC0] =	vst v0  }
0x1e3: {  	v0 =	vld [tilespmem:s19+$0xFFFFFF40]  }
0x1e4: {  	v37 =	vld [tilespmem:s18+$0xFFFFFF40]  }
0x1e5: {  	v38 =	vld [tilespmem:s19+$0xFFFFFF50]  }
0x1e6: {  	v39 =	vld [tilespmem:s18+$0xFFFFFF50]  }
0x1e7: {  	v40 =	vld [tilespmem:s19+$0xFFFFFF60]  }
0x1e8: {  	v43 =	vld [tilespmem:s18+$0xFFFFFF60]  }
0x1e9: {  	v44 =	vld [tilespmem:s19+$0xFFFFFF70]  }
0x1ea: {  	v47 =	vld [tilespmem:s18+$0xFFFFFF70];
	v41 =	vshll.u32 v0, $0x10;
	v42 =	vshll.u32 v37, $0x10;
	v0 =	vmul.f32 v37, v0  }
0x1eb: {  	v45 =	vshll.u32 v38, $0x10;
	v46 =	vshll.u32 v39, $0x10;
	v2 =	vmul.f32 v39, v38  }
0x1ec: {  	v5 =	vmul.f32 v42, v41;
	v1 =	vmul.f32 v46, v45  }
0x1ed: {  	v48 =	vshll.u32 v40, $0x10;
	v49 =	vshll.u32 v43, $0x10;
	v50 =	vmul.f32 v43, v40  }
0x1ee: {  	v0 =	vadd.f32 v5, v0;
	v1 =	vadd.f32 v1, v2;
	v2 =	vmul.f32 v49, v48  }
0x1ef: {  	v51 =	vshll.u32 v44, $0x10;
	v52 =	vshll.u32 v47, $0x10;
	v53 =	vmul.f32 v47, v44  }
0x1f0: {  	v0 =	vadd.f32 v1, v0;
	v2 =	vadd.f32 v2, v50;
	v1 =	vmul.f32 v52, v51;
	_ =	sdelay $0x1  }
0x1f1: {  	v0 =	vadd.f32 v2, v0;
	v1 =	vadd.f32 v1, v53;
	_ =	sdelay $0x1  }
0x1f2: {  	v0 =	vadd.f32 v1, v0;
	_ =	sdelay $0x1  }
0x1f3: {  	[tilespmem:s21+$0xFFFFFFD0] =	vst v0  }
0x1f4: {  	v0 =	vld [tilespmem:s19+$0xFFFFFF80]  }
0x1f5: {  	v54 =	vld [tilespmem:s18+$0xFFFFFF80]  }
0x1f6: {  	v55 =	vld [tilespmem:s19+$0xFFFFFF90]  }
0x1f7: {  	v56 =	vld [tilespmem:s18+$0xFFFFFF90]  }
0x1f8: {  	v57 =	vld [tilespmem:s19+$0xFFFFFFA0]  }
0x1f9: {  	v60 =	vld [tilespmem:s18+$0xFFFFFFA0]  }
0x1fa: {  	v61 =	vld [tilespmem:s19+$0xFFFFFFB0]  }
0x1fb: {  	v12 =	vld [tilespmem:s18+$0xFFFFFFB0];
	v58 =	vshll.u32 v0, $0x10;
	v59 =	vshll.u32 v54, $0x10;
	v0 =	vmul.f32 v54, v0  }
0x1fc: {  	v62 =	vshll.u32 v55, $0x10;
	v63 =	vshll.u32 v56, $0x10;
	v2 =	vmul.f32 v56, v55  }
0x1fd: {  	v5 =	vmul.f32 v59, v58;
	v1 =	vmul.f32 v63, v62  }
0x1fe: {  	v13 =	vshll.u32 v57, $0x10;
	v14 =	vshll.u32 v60, $0x10;
	v15 =	vmul.f32 v60, v57  }
0x1ff: {  	v0 =	vadd.f32 v5, v0;
	v1 =	vadd.f32 v1, v2;
	v2 =	vmul.f32 v14, v13  }
0x200: {  	v16 =	vshll.u32 v61, $0x10;
	v17 =	vshll.u32 v12, $0x10;
	v18 =	vmul.f32 v12, v61  }
0x201: {  	v0 =	vadd.f32 v1, v0;
	v2 =	vadd.f32 v2, v15;
	v1 =	vmul.f32 v17, v16;
	_ =	sdelay $0x1  }
0x202: {  	v0 =	vadd.f32 v2, v0;
	v1 =	vadd.f32 v1, v18;
	_ =	sdelay $0x1  }
0x203: {  	v0 =	vadd.f32 v1, v0;
	_ =	sdelay $0x1  }
0x204: {  	[tilespmem:s21+$0xFFFFFFE0] =	vst v0  }
0x205: {  	v0 =	vld [tilespmem:s19+$0xFFFFFFC0]  }
0x206: {  	v19 =	vld [tilespmem:s18+$0xFFFFFFC0]  }
0x207: {  	v20 =	vld [tilespmem:s19+$0xFFFFFFD0]  }
0x208: {  	v21 =	vld [tilespmem:s18+$0xFFFFFFD0]  }
0x209: {  	v22 =	vld [tilespmem:s19+$0xFFFFFFE0]  }
0x20a: {  	v25 =	vld [tilespmem:s18+$0xFFFFFFE0]  }
0x20b: {  	v26 =	vld [tilespmem:s19+$0xFFFFFFF0]  }
0x20c: {  	v29 =	vld [tilespmem:s18+$0xFFFFFFF0];
	v23 =	vshll.u32 v0, $0x10;
	v24 =	vshll.u32 v19, $0x10;
	v0 =	vmul.f32 v19, v0  }
0x20d: {  	v27 =	vshll.u32 v20, $0x10;
	v28 =	vshll.u32 v21, $0x10;
	v2 =	vmul.f32 v21, v20  }
0x20e: {  	v5 =	vmul.f32 v24, v23;
	v1 =	vmul.f32 v28, v27  }
0x20f: {  	v30 =	vshll.u32 v22, $0x10;
	v31 =	vshll.u32 v25, $0x10;
	v32 =	vmul.f32 v25, v22  }
0x210: {  	v0 =	vadd.f32 v5, v0;
	v1 =	vadd.f32 v1, v2;
	v2 =	vmul.f32 v31, v30  }
0x211: {  	v33 =	vshll.u32 v26, $0x10;
	v34 =	vshll.u32 v29, $0x10;
	v35 =	vmul.f32 v29, v26  }
0x212: {  	v0 =	vadd.f32 v1, v0;
	v2 =	vadd.f32 v2, v32;
	v1 =	vmul.f32 v34, v33;
	_ =	sdelay $0x1  }
0x213: {  	v0 =	vadd.f32 v2, v0;
	v1 =	vadd.f32 v1, v35;
	_ =	sdelay $0x1  }
0x214: {  	v0 =	vadd.f32 v1, v0;
	_ =	sdelay $0x1  }
0x215: {  	[tilespmem:s21+$0xFFFFFFF0] =	vst v0  }
0x216: {  	v0 =	vld [tilespmem:s19+$0x0]  }
0x217: {  	v36 =	vld [tilespmem:s18+$0x0]  }
0x218: {  	v37 =	vld [tilespmem:s19+$0x10]  }
0x219: {  	v38 =	vld [tilespmem:s18+$0x10]  }
0x21a: {  	v39 =	vld [tilespmem:s19+$0x20]  }
0x21b: {  	v42 =	vld [tilespmem:s18+$0x20]  }
0x21c: {  	v43 =	vld [tilespmem:s19+$0x30]  }
0x21d: {  	v46 =	vld [tilespmem:s18+$0x30];
	v40 =	vshll.u32 v0, $0x10;
	v41 =	vshll.u32 v36, $0x10;
	v0 =	vmul.f32 v36, v0  }
0x21e: {  	v44 =	vshll.u32 v37, $0x10;
	v45 =	vshll.u32 v38, $0x10;
	v2 =	vmul.f32 v38, v37  }
0x21f: {  	v5 =	vmul.f32 v41, v40;
	v1 =	vmul.f32 v45, v44  }
0x220: {  	v47 =	vshll.u32 v39, $0x10;
	v48 =	vshll.u32 v42, $0x10;
	v49 =	vmul.f32 v42, v39  }
0x221: {  	v0 =	vadd.f32 v5, v0;
	v1 =	vadd.f32 v1, v2;
	v2 =	vmul.f32 v48, v47  }
0x222: {  	v50 =	vshll.u32 v43, $0x10;
	v51 =	vshll.u32 v46, $0x10;
	v52 =	vmul.f32 v46, v43  }
0x223: {  	v0 =	vadd.f32 v1, v0;
	v2 =	vadd.f32 v2, v49;
	v1 =	vmul.f32 v51, v50;
	_ =	sdelay $0x1  }
0x224: {  	v0 =	vadd.f32 v2, v0;
	v1 =	vadd.f32 v1, v52;
	_ =	sdelay $0x1  }
0x225: {  	v0 =	vadd.f32 v1, v0;
	_ =	sdelay $0x1  }
0x226: {  	[tilespmem:s21+$0x0] =	vst v0  }
0x227: {  	v0 =	vld [tilespmem:s19+$0x40]  }
0x228: {  	v53 =	vld [tilespmem:s18+$0x40]  }
0x229: {  	v54 =	vld [tilespmem:s19+$0x50]  }
0x22a: {  	v55 =	vld [tilespmem:s18+$0x50]  }
0x22b: {  	v56 =	vld [tilespmem:s19+$0x60]  }
0x22c: {  	v59 =	vld [tilespmem:s18+$0x60]  }
0x22d: {  	v60 =	vld [tilespmem:s19+$0x70]  }
0x22e: {  	v63 =	vld [tilespmem:s18+$0x70];
	v57 =	vshll.u32 v0, $0x10;
	v58 =	vshll.u32 v53, $0x10;
	v0 =	vmul.f32 v53, v0  }
0x22f: {  	v61 =	vshll.u32 v54, $0x10;
	v62 =	vshll.u32 v55, $0x10;
	v2 =	vmul.f32 v55, v54  }
0x230: {  	v5 =	vmul.f32 v58, v57;
	v1 =	vmul.f32 v62, v61  }
0x231: {  	v11 =	vshll.u32 v56, $0x10;
	v12 =	vshll.u32 v59, $0x10;
	v13 =	vmul.f32 v59, v56  }
0x232: {  	v0 =	vadd.f32 v5, v0;
	v1 =	vadd.f32 v1, v2;
	v2 =	vmul.f32 v12, v11  }
0x233: {  	v14 =	vshll.u32 v60, $0x10;
	v15 =	vshll.u32 v63, $0x10;
	v16 =	vmul.f32 v63, v60  }
0x234: {  	v0 =	vadd.f32 v1, v0;
	v2 =	vadd.f32 v2, v13;
	v1 =	vmul.f32 v15, v14;
	_ =	sdelay $0x1  }
0x235: {  	v0 =	vadd.f32 v2, v0;
	v1 =	vadd.f32 v1, v16;
	_ =	sdelay $0x1  }
0x236: {  	v0 =	vadd.f32 v1, v0;
	_ =	sdelay $0x1  }
0x237: {  	[tilespmem:s21+$0x10] =	vst v0  }
0x238: {  	v0 =	vld [tilespmem:s19+$0x80]  }
0x239: {  	v17 =	vld [tilespmem:s18+$0x80]  }
0x23a: {  	v18 =	vld [tilespmem:s19+$0x90]  }
0x23b: {  	v19 =	vld [tilespmem:s18+$0x90]  }
0x23c: {  	v20 =	vld [tilespmem:s19+$0xA0]  }
0x23d: {  	v23 =	vld [tilespmem:s18+$0xA0]  }
0x23e: {  	v24 =	vld [tilespmem:s19+$0xB0]  }
0x23f: {  	v27 =	vld [tilespmem:s18+$0xB0];
	v21 =	vshll.u32 v0, $0x10;
	v22 =	vshll.u32 v17, $0x10;
	v0 =	vmul.f32 v17, v0  }
0x240: {  	v25 =	vshll.u32 v18, $0x10;
	v26 =	vshll.u32 v19, $0x10;
	v2 =	vmul.f32 v19, v18  }
0x241: {  	v5 =	vmul.f32 v22, v21;
	v1 =	vmul.f32 v26, v25  }
0x242: {  	v28 =	vshll.u32 v20, $0x10;
	v29 =	vshll.u32 v23, $0x10;
	v30 =	vmul.f32 v23, v20  }
0x243: {  	v0 =	vadd.f32 v5, v0;
	v1 =	vadd.f32 v1, v2;
	v2 =	vmul.f32 v29, v28  }
0x244: {  	v31 =	vshll.u32 v24, $0x10;
	v32 =	vshll.u32 v27, $0x10;
	v33 =	vmul.f32 v27, v24  }
0x245: {  	v0 =	vadd.f32 v1, v0;
	v2 =	vadd.f32 v2, v30;
	v1 =	vmul.f32 v32, v31;
	_ =	sdelay $0x1  }
0x246: {  	v0 =	vadd.f32 v2, v0;
	v1 =	vadd.f32 v1, v33;
	_ =	sdelay $0x1  }
0x247: {  	v0 =	vadd.f32 v1, v0;
	_ =	sdelay $0x1  }
0x248: {  	[tilespmem:s21+$0x20] =	vst v0  }
0x249: {  	v0 =	vld [tilespmem:s19+$0xC0]  }
0x24a: {  	v34 =	vld [tilespmem:s18+$0xC0]  }
0x24b: {  	v35 =	vld [tilespmem:s19+$0xD0]  }
0x24c: {  	v36 =	vld [tilespmem:s18+$0xD0]  }
0x24d: {  	v37 =	vld [tilespmem:s19+$0xE0]  }
0x24e: {  	v40 =	vld [tilespmem:s18+$0xE0]  }
0x24f: {  	v41 =	vld [tilespmem:s19+$0xF0]  }
0x250: {  	v44 =	vld [tilespmem:s18+$0xF0];
	v38 =	vshll.u32 v0, $0x10;
	v39 =	vshll.u32 v34, $0x10;
	v0 =	vmul.f32 v34, v0  }
0x251: {  	v42 =	vshll.u32 v35, $0x10;
	v43 =	vshll.u32 v36, $0x10;
	v2 =	vmul.f32 v36, v35  }
0x252: {  	v5 =	vmul.f32 v39, v38;
	v1 =	vmul.f32 v43, v42  }
0x253: {  	v45 =	vshll.u32 v37, $0x10;
	v46 =	vshll.u32 v40, $0x10;
	v47 =	vmul.f32 v40, v37  }
0x254: {  	v0 =	vadd.f32 v5, v0;
	v1 =	vadd.f32 v1, v2;
	v2 =	vmul.f32 v46, v45  }
0x255: {  	v48 =	vshll.u32 v41, $0x10;
	v49 =	vshll.u32 v44, $0x10;
	v50 =	vmul.f32 v44, v41  }
0x256: {  	v0 =	vadd.f32 v1, v0;
	v2 =	vadd.f32 v2, v47;
	v1 =	vmul.f32 v49, v48;
	_ =	sdelay $0x1  }
0x257: {  	v0 =	vadd.f32 v2, v0;
	v1 =	vadd.f32 v1, v50;
	_ =	sdelay $0x1  }
0x258: {  	v0 =	vadd.f32 v1, v0;
	_ =	sdelay $0x1  }
0x259: {  	[tilespmem:s21+$0x30] =	vst v0  }
0x25a: {  	v0 =	vld [tilespmem:s19+$0x100]  }
0x25b: {  	v51 =	vld [tilespmem:s18+$0x100]  }
0x25c: {  	v52 =	vld [tilespmem:s19+$0x110]  }
0x25d: {  	v53 =	vld [tilespmem:s18+$0x110]  }
0x25e: {  	v54 =	vld [tilespmem:s19+$0x120]  }
0x25f: {  	v57 =	vld [tilespmem:s18+$0x120]  }
0x260: {  	v58 =	vld [tilespmem:s19+$0x130]  }
0x261: {  	v61 =	vld [tilespmem:s18+$0x130];
	v55 =	vshll.u32 v0, $0x10;
	v56 =	vshll.u32 v51, $0x10;
	v0 =	vmul.f32 v51, v0  }
0x262: {  	v59 =	vshll.u32 v52, $0x10;
	v60 =	vshll.u32 v53, $0x10;
	v2 =	vmul.f32 v53, v52  }
0x263: {  	v5 =	vmul.f32 v56, v55;
	v1 =	vmul.f32 v60, v59  }
0x264: {  	v62 =	vshll.u32 v54, $0x10;
	v63 =	vshll.u32 v57, $0x10;
	v8 =	vmul.f32 v57, v54  }
0x265: {  	v0 =	vadd.f32 v5, v0;
	v1 =	vadd.f32 v1, v2;
	v2 =	vmul.f32 v63, v62  }
0x266: {  	v10 =	vshll.u32 v58, $0x10;
	v11 =	vshll.u32 v61, $0x10;
	v12 =	vmul.f32 v61, v58  }
0x267: {  	v0 =	vadd.f32 v1, v0;
	v2 =	vadd.f32 v2, v8;
	v1 =	vmul.f32 v11, v10;
	_ =	sdelay $0x1  }
0x268: {  	v0 =	vadd.f32 v2, v0;
	v1 =	vadd.f32 v1, v12;
	_ =	sdelay $0x1  }
0x269: {  	v0 =	vadd.f32 v1, v0;
	_ =	sdelay $0x1  }
0x26a: {  	[tilespmem:s21+$0x40] =	vst v0  }
0x26b: {  	v0 =	vld [tilespmem:s19+$0x140]  }
0x26c: {  	v13 =	vld [tilespmem:s18+$0x140]  }
0x26d: {  	v14 =	vld [tilespmem:s19+$0x150]  }
0x26e: {  	v15 =	vld [tilespmem:s18+$0x150]  }
0x26f: {  	v16 =	vld [tilespmem:s19+$0x160]  }
0x270: {  	v19 =	vld [tilespmem:s18+$0x160]  }
0x271: {  	v20 =	vld [tilespmem:s19+$0x170]  }
0x272: {  	v23 =	vld [tilespmem:s18+$0x170];
	v17 =	vshll.u32 v0, $0x10;
	v18 =	vshll.u32 v13, $0x10;
	v0 =	vmul.f32 v13, v0  }
0x273: {  	v21 =	vshll.u32 v14, $0x10;
	v22 =	vshll.u32 v15, $0x10;
	v2 =	vmul.f32 v15, v14  }
0x274: {  	v5 =	vmul.f32 v18, v17;
	v1 =	vmul.f32 v22, v21  }
0x275: {  	v24 =	vshll.u32 v16, $0x10;
	v25 =	vshll.u32 v19, $0x10;
	v26 =	vmul.f32 v19, v16  }
0x276: {  	v0 =	vadd.f32 v5, v0;
	v1 =	vadd.f32 v1, v2;
	v2 =	vmul.f32 v25, v24  }
0x277: {  	v27 =	vshll.u32 v20, $0x10;
	v28 =	vshll.u32 v23, $0x10;
	v29 =	vmul.f32 v23, v20  }
0x278: {  	v0 =	vadd.f32 v1, v0;
	v2 =	vadd.f32 v2, v26;
	v1 =	vmul.f32 v28, v27;
	_ =	sdelay $0x1  }
0x279: {  	v0 =	vadd.f32 v2, v0;
	v1 =	vadd.f32 v1, v29;
	_ =	sdelay $0x1  }
0x27a: {  	v0 =	vadd.f32 v1, v0;
	_ =	sdelay $0x1  }
0x27b: {  	[tilespmem:s21+$0x50] =	vst v0  }
0x27c: {  	v0 =	vld [tilespmem:s19+$0x180]  }
0x27d: {  	v30 =	vld [tilespmem:s18+$0x180]  }
0x27e: {  	v31 =	vld [tilespmem:s19+$0x190]  }
0x27f: {  	v32 =	vld [tilespmem:s18+$0x190]  }
0x280: {  	v33 =	vld [tilespmem:s19+$0x1A0]  }
0x281: {  	v36 =	vld [tilespmem:s18+$0x1A0]  }
0x282: {  	v37 =	vld [tilespmem:s19+$0x1B0]  }
0x283: {  	v40 =	vld [tilespmem:s18+$0x1B0];
	v34 =	vshll.u32 v0, $0x10;
	v35 =	vshll.u32 v30, $0x10;
	v0 =	vmul.f32 v30, v0  }
0x284: {  	v38 =	vshll.u32 v31, $0x10;
	v39 =	vshll.u32 v32, $0x10;
	v2 =	vmul.f32 v32, v31  }
0x285: {  	v5 =	vmul.f32 v35, v34;
	v1 =	vmul.f32 v39, v38  }
0x286: {  	v41 =	vshll.u32 v33, $0x10;
	v42 =	vshll.u32 v36, $0x10;
	v43 =	vmul.f32 v36, v33  }
0x287: {  	v0 =	vadd.f32 v5, v0;
	v1 =	vadd.f32 v1, v2;
	v2 =	vmul.f32 v42, v41  }
0x288: {  	v44 =	vshll.u32 v37, $0x10;
	v45 =	vshll.u32 v40, $0x10;
	v46 =	vmul.f32 v40, v37  }
0x289: {  	v0 =	vadd.f32 v1, v0;
	v2 =	vadd.f32 v2, v43;
	v1 =	vmul.f32 v45, v44;
	_ =	sdelay $0x1  }
0x28a: {  	v0 =	vadd.f32 v2, v0;
	v1 =	vadd.f32 v1, v46;
	_ =	sdelay $0x1  }
0x28b: {  	v0 =	vadd.f32 v1, v0;
	_ =	sdelay $0x1  }
0x28c: {  	[tilespmem:s21+$0x60] =	vst v0  }
0x28d: {  	v0 =	vld [tilespmem:s19+$0x1C0]  }
0x28e: {  	v47 =	vld [tilespmem:s18+$0x1C0]  }
0x28f: {  	v48 =	vld [tilespmem:s19+$0x1D0]  }
0x290: {  	v49 =	vld [tilespmem:s18+$0x1D0]  }
0x291: {  	v50 =	vld [tilespmem:s19+$0x1E0]  }
0x292: {  	v53 =	vld [tilespmem:s18+$0x1E0]  }
0x293: {  	v54 =	vld [tilespmem:s19+$0x1F0]  }
0x294: {  	v57 =	vld [tilespmem:s18+$0x1F0];
	v51 =	vshll.u32 v0, $0x10;
	v52 =	vshll.u32 v47, $0x10;
	v0 =	vmul.f32 v47, v0  }
0x295: {  	v55 =	vshll.u32 v48, $0x10;
	v56 =	vshll.u32 v49, $0x10;
	v2 =	vmul.f32 v49, v48  }
0x296: {  	v5 =	vmul.f32 v52, v51;
	v1 =	vmul.f32 v56, v55  }
0x297: {  	v58 =	vshll.u32 v50, $0x10;
	v59 =	vshll.u32 v53, $0x10;
	v60 =	vmul.f32 v53, v50  }
0x298: {  	v0 =	vadd.f32 v5, v0;
	v1 =	vadd.f32 v1, v2;
	v2 =	vmul.f32 v59, v58  }
0x299: {  	v61 =	vshll.u32 v54, $0x10;
	v62 =	vshll.u32 v57, $0x10;
	v63 =	vmul.f32 v57, v54  }
0x29a: {  	s0 =	sadd.s32 $0x2, s0;
	v0 =	vadd.f32 v1, v0;
	v2 =	vadd.f32 v2, v60;
	v1 =	vmul.f32 v62, v61  }
0x29b: {  	p0 =	slt.u32 s0, $0xE  }
.Ltmp7:
0x29c: {  	v0 =	vadd.f32 v2, v0;
	v1 =	vadd.f32 v1, v63;
	(pc) =	sbr.rel @p0 .LBB2_8-.Ltmp7, $3  }
0x29d: {  	_ = 	snop  }
0x29e: {  	v0 =	vadd.f32 v1, v0;
	_ =	sdelay $0x1  }
0x29f: {  	s18 =	sadd.s32 $0x400, s18;
	s19 =	sadd.s32 $0x400, s19;
	[tilespmem:s21+$0x70] =	vst v0;
	s21 =	sadd.s32 $0x100, s21  }
.Ltmp8:
0x2a0: {  	(pc) =	sbr.rel .LBB2_10-.Ltmp8, $4  }
0x2a1: {  	_ = 	snop  }
0x2a2: {  	s0 =	sshll.u32 s1, $0xD  }
0x2a3: {  	s0 =	sadd.s32 s0, s15  }
0x2a4: {  	[hbm4b:s0+s2] =	stream.linear.scatter [tilespmem:s26], [sflag:$0x6], $0x800, $0x38;
	[tilespmem:$0x9200] =	vst v63  }
.LBB2_12:
0x2a5: {  	_ =	sfence.sel $0x180000  }
0x2a6: {  	[bflag:$0x0] =	sbarrier.arrive $0xFFFF  }
0x2a7: {  	_ =	strace $0x90000047  }
0x2a8: {  	s0 =	stileid.u32;
	[bflag:$0x2] =	sbarrier.arrive $0xFFFF  }
0x2a9: {  	p0 =	sne.s32 s0, $0x0;
	s0 =	rddreg [dreg:$0x1]  }
0x2aa: {  	s0 =	sadd.s32 @!p0 $0x100000, s0  }
0x2ab: {  	[sflag:s0] =	ssyncadd.tile.s32 @!p0 $0x1;
	_ =	shalt  }
.Lfunc_end2:
_tile_overlayer_lowered:
.L_overlay_start_2:
0x2ac: {  	(tag) =	ssettag $0x2  }
0x2ad: {  	s0 =	rddreg [dreg:$0x0];
	s2 =	stileid.u32  }
0x2ae: {  	s1 =	rddreg [dreg:$0x1];
	p0 =	sne.s32 s2, $0x0  }
0x2af: {  	s3 =	rddreg [dreg:$0x2];
	[bflag:$0x3] =	sbarrier.arrive $0xFFFF;
	s2 =	simm.s32 @!p0 $0x1C07  }
0x2b0: {  	[timem:s3], [sflag:s2] =	dma.local @!p0 [hbm:s0], s1  }
0x2b1: {  	s0 =	simm.s32 @!p0 $0x7  }
0x2b2: {  	_ =	swait.ge @!p0 [sflag:s0], s1  }
0x2b3: {  	s1 =	ssub.s32 @!p0 $0x0, s1;
	[sflag:s0] =	ssyncset.done @!p0 $0x0  }
0x2b4: {  	[sflag:s0] =	ssyncadd.s32 @!p0 s1  }
0x2b5: {  	[bflag:$0x3] =	sbarrier.arrive $0xFFFF  }
0x2b6: {  	_ =	shalt  }

</sc_bundles>
